<compile_context>
chip_gen: v7x
topology: tpu7x:2x2x1
jax: 0.10.2.dev20260603
libtpu: 0.0.44.dev20260713+nightly
codegen_flags: <defaults>
</compile_context>

<pallas_src>
import functools

import jax
import jax.numpy as jnp
from jax import lax
from jax.experimental import pallas as pl
from jax.experimental.pallas import tpu as pltpu
from jax.experimental.pallas import tpu_sc as plsc

N = 10000
E = 320000
D_IN = 128
D_HID = 64
D_OUT = 40

NP = 10240
NC = 2
NS = 16
NW = NC * NS
CH = 128
NCHT = E // CH
MAXCH = NCHT // NW + 1
NB = 5
RPT = NP // NS
BLK1 = 2048
BLK = 2000

_SC_PARAMS = pltpu.CompilerParams(
    needs_layout_passes=False, use_tc_tiling_on_sc=False)


def _sc_mesh():
    return plsc.VectorSubcoreMesh(core_axis_name="c", subcore_axis_name="s")


@functools.partial(
    pl.kernel,
    out_type=jax.ShapeDtypeStruct((NW, NP), jnp.float32),
    mesh=_sc_mesh(),
    scratch_types=[
        pltpu.VMEM((MAXCH, CH), jnp.int32),
        pltpu.VMEM((NP,), jnp.float32),
    ],
    compiler_params=_SC_PARAMS,
)
def _deg_kernel(edge_hbm, out_hbm, dst_v, hist_v):
    c = lax.axis_index("c")
    s = lax.axis_index("s")
    w = c * NS + s
    lo = (NCHT * w) // NW
    n = (NCHT * (w + 1)) // NW - lo

    def zero_body(i, _):
        hist_v[pl.ds(i * 16, 16)] = jnp.zeros((16,), jnp.float32)
        return ()

    lax.fori_loop(0, NP // 16, zero_body, ())

    pltpu.sync_copy(edge_hbm.at[pl.ds(lo, MAXCH), 1], dst_v)

    ones = jnp.ones((16,), jnp.float32)

    def body(r, _):
        for k in range(CH // 16):
            idx = dst_v[r, pl.ds(k * 16, 16)]
            plsc.addupdate_scatter(hist_v, [idx], ones)
        return ()

    lax.fori_loop(0, n, body, ())
    pltpu.sync_copy(hist_v, out_hbm.at[w])


def _make_msg_kernel(D, double_idx=False, NB=NB):
    @functools.partial(
        pl.kernel,
        out_type=jax.ShapeDtypeStruct((NP, 128), jnp.float32),
        mesh=_sc_mesh(),
        scratch_types=[
            pltpu.VMEM((MAXCH, CH), jnp.int32),
            pltpu.VMEM((MAXCH, CH), jnp.int32),
            [pltpu.VMEM((CH, D), jnp.float32) for _ in range(NB)],
            pltpu.VMEM_SHARED((NP, D), jnp.float32),
            pltpu.SemaphoreType.DMA,
        ],
        compiler_params=_SC_PARAMS,
    )
    def msg(edge_hbm, g_hbm, out_hbm, src_v, dst_v, rows, acc_sh, gsem):
        c = lax.axis_index("c")
        s = lax.axis_index("s")
        w = c * NS + s
        lo = (NCHT * w) // NW
        n = (NCHT * (w + 1)) // NW - lo

        pltpu.sync_copy(edge_hbm.at[pl.ds(lo, MAXCH), 0], src_v)
        pltpu.sync_copy(edge_hbm.at[pl.ds(lo, MAXCH), 1], dst_v)

        def dbl(r, _):
            for k in range(CH // 16):
                sl = pl.ds(k * 16, 16)
                v = src_v[r, sl]
                src_v[r, sl] = v + v
            return ()

        if double_idx:
            lax.fori_loop(0, NB, dbl, ())

        zoffs = [k * 16 for k in range(D // 16)] + ([D - 16] if D % 16 else [])

        def zrow(r, _):
            for off in zoffs:
                rows[0][r, pl.ds(off, 16)] = jnp.zeros((16,), jnp.float32)
            return ()

        lax.fori_loop(0, CH, zrow, ())
        rbase = pl.multiple_of(s * RPT, 8)

        def zcopy(k, _):
            pltpu.sync_copy(rows[0], acc_sh.at[pl.ds(rbase + k * CH, CH)])
            return ()

        lax.fori_loop(0, RPT // CH, zcopy, ())
        plsc.subcore_barrier()

        for b in range(NB):
            pltpu.async_copy(g_hbm.at[src_v.at[b]], rows[b], gsem)

        if double_idx:
            def dbl_rest(r, _):
                return dbl(r, _)

            lax.fori_loop(NB, MAXCH, dbl_rest, ())

        full = n // NB

        def outer(j, _):
            for b in range(NB):
                i = j * NB + b
                pltpu.make_async_copy(g_hbm.at[src_v.at[0]], rows[b], gsem).wait()
                pltpu.sync_copy(rows[b], acc_sh.at[dst_v.at[i]], add=True)

                @pl.when(i + NB < n)
                def _():
                    pltpu.async_copy(g_hbm.at[src_v.at[i + NB]], rows[b], gsem)
            return ()

        lax.fori_loop(0, full, outer, ())

        for b in range(NB - 1):
            i = full * NB + b

            @pl.when(i < n)
            def _():
                pltpu.make_async_copy(g_hbm.at[src_v.at[0]], rows[b], gsem).wait()
                pltpu.sync_copy(rows[b], acc_sh.at[dst_v.at[i]], add=True)

        plsc.subcore_barrier()
        cbase_col = pl.multiple_of(c * D, 8)
        pltpu.sync_copy(acc_sh.at[pl.ds(rbase, RPT)],
                        out_hbm.at[pl.ds(rbase, RPT), pl.ds(cbase_col, D)])

    return msg


_msg_hid = _make_msg_kernel(D_HID, double_idx=True)
_msg_out = _make_msg_kernel(D_OUT, NB=8)


def _dinv_block(degp_blk):
    deg = jnp.sum(degp_blk, axis=0) + 1.0
    return lax.rsqrt(deg)[:, None]


_DEGP_SPEC = pl.BlockSpec((NW, BLK1), lambda i: (0, i))


def _tc1_body(degp, x, w1, g1):
    dinv = _dinv_block(degp[...])
    h = jnp.dot(x[...], w1[...], preferred_element_type=jnp.float32)
    g1[:, :D_HID] = h * dinv


_tc1 = pl.pallas_call(
    _tc1_body,
    grid=(NP // BLK1,),
    in_specs=[
        _DEGP_SPEC,
        pl.BlockSpec((BLK1, D_IN), lambda i: (i, 0)),
        pl.BlockSpec((D_IN, D_HID), lambda i: (0, 0)),
    ],
    out_specs=pl.BlockSpec((BLK1, 128), lambda i: (i, 0)),
    out_shape=jax.ShapeDtypeStruct((N, 128), jnp.float32),
)


def _tc2_body(degp, sp, g1, b1, w2, g2):
    dinv = _dinv_block(degp[...])
    sa = sp[...]
    g1a = g1[...]
    z = dinv * (sa[:, :D_HID] + sa[:, D_HID:2 * D_HID] + g1a[:, :D_HID]) + b1[...]
    h = jnp.maximum(z, 0.0)
    g2[...] = jnp.dot(h, w2[...], preferred_element_type=jnp.float32) * dinv


_tc2 = pl.pallas_call(
    _tc2_body,
    grid=(NP // BLK1,),
    in_specs=[
        _DEGP_SPEC,
        pl.BlockSpec((BLK1, 128), lambda i: (i, 0)),
        pl.BlockSpec((BLK1, 128), lambda i: (i, 0)),
        pl.BlockSpec((1, D_HID), lambda i: (0, 0)),
        pl.BlockSpec((D_HID, D_OUT), lambda i: (0, 0)),
    ],
    out_specs=pl.BlockSpec((BLK1, D_OUT), lambda i: (i, 0)),
    out_shape=jax.ShapeDtypeStruct((N, D_OUT), jnp.float32),
)


def _tc3_body(degp, sp, g2, b2, out):
    dinv = _dinv_block(degp[...])
    sa = sp[...]
    z = dinv * (sa[:, :D_OUT] + sa[:, D_OUT:2 * D_OUT] + g2[...]) + b2[...]
    m = jnp.max(z, axis=1, keepdims=True)
    lse = m + jnp.log(jnp.sum(jnp.exp(z - m), axis=1, keepdims=True))
    out[...] = z - lse


_tc3 = pl.pallas_call(
    _tc3_body,
    grid=(NP // BLK1,),
    in_specs=[
        _DEGP_SPEC,
        pl.BlockSpec((BLK1, 128), lambda i: (i, 0)),
        pl.BlockSpec((BLK1, D_OUT), lambda i: (i, 0)),
        pl.BlockSpec((1, D_OUT), lambda i: (0, 0)),
    ],
    out_specs=pl.BlockSpec((BLK1, D_OUT), lambda i: (i, 0)),
    out_shape=jax.ShapeDtypeStruct((N, D_OUT), jnp.float32),
)


def kernel(x, edge_index, W1, b1, W2, b2):
    et = edge_index.reshape(2, NCHT, CH).transpose(1, 0, 2)

    degp = _deg_kernel(et)
    g1 = _tc1(degp, x, W1)
    s1 = _msg_hid(et, g1.reshape(2 * N, D_HID))
    g2 = _tc2(degp, s1, g1, b1.reshape(1, D_HID), W2)
    s2 = _msg_out(et, g2)
    return _tc3(degp, s2, g2, b2.reshape(1, D_OUT))

# --- scband reference (transcript-rebuilt; emitter-appended) ---
"""Pipeline reference for scband-gnnclassifier-15831249453221 (READ-ONLY COPY).

The authoritative reference and input builder live on the scoring server;
editing this copy changes nothing except your own understanding.
"""

import jax, jax.numpy as jnp
import numpy as np

N = 10000
E = 320000
D_IN = 128
D_HID = 64
D_OUT = 40


def setup_inputs(seed: int = 0) -> dict:
    key = jax.random.key(seed)
    k1, k2, k3, k4 = jax.random.split(key, 4)
    x = jax.random.normal(k1, (N, D_IN), dtype=jnp.float32)
    edge_index = jax.random.randint(k2, (2, E), 0, N, dtype=jnp.int32)
    W1 = jax.random.normal(k3, (D_IN, D_HID), dtype=jnp.float32) * 0.05
    b1 = jnp.zeros((D_HID,), dtype=jnp.float32)
    W2 = jax.random.normal(k4, (D_HID, D_OUT), dtype=jnp.float32) * 0.05
    b2 = jnp.zeros((D_OUT,), dtype=jnp.float32)
    return {"x": x, "edge_index": edge_index, "W1": W1, "b1": b1, "W2": W2, "b2": b2}


def gcn_conv(x, src, dst, W, b):
    # GCNConv: out = D^{-1/2} (A + I) D^{-1/2} (x W) + b
    n = x.shape[0]
    loop = jnp.arange(n, dtype=src.dtype)
    src2 = jnp.concatenate([src, loop])
    dst2 = jnp.concatenate([dst, loop])
    deg = jnp.zeros((n,), dtype=x.dtype).at[dst2].add(1.0)
    dinv = jnp.where(deg > 0, jax.lax.rsqrt(deg), 0.0)
    norm = dinv[src2] * dinv[dst2]
    h = x @ W
    msg = h[src2] * norm[:, None]
    out = jnp.zeros((n, W.shape[1]), dtype=x.dtype).at[dst2].add(msg)
    return out + b


def reference(x, edge_index, W1, b1, W2, b2):
    src = edge_index[0]
    dst = edge_index[1]
    h = jax.nn.relu(gcn_conv(x, src, dst, W1, b1))
    # F.dropout with training=False (eval) is identity
    out = gcn_conv(h, src, dst, W2, b2)
    return jax.nn.log_softmax(out, axis=1)

if __name__ == "__main__":
    import jax
    _d = setup_inputs()
    print(jax.jit(kernel)(*tuple(_d.values())))

</pallas_src>

<mosaic_0001>
#map = affine_map<(d0, d1) -> (0, 0, 0)>
#map1 = affine_map<(d0, d1) -> (0, 0)>
module attributes {stable_mosaic.version = 14 : i64} {
  func.func @msg(%arg0: i32, %arg1: i32, %arg2: memref<2500x2x128xi32, #tpu.memory_space<hbm>>, %arg3: memref<10000x40xf32, #tpu.memory_space<hbm>>, %arg4: memref<10240x128xf32, #tpu.memory_space<hbm>>, %arg5: memref<79x128xi32, #tpu.memory_space<vmem>>, %arg6: memref<79x128xi32, #tpu.memory_space<vmem>>, %arg7: memref<128x40xf32, #tpu.memory_space<vmem>>, %arg8: memref<128x40xf32, #tpu.memory_space<vmem>>, %arg9: memref<128x40xf32, #tpu.memory_space<vmem>>, %arg10: memref<128x40xf32, #tpu.memory_space<vmem>>, %arg11: memref<128x40xf32, #tpu.memory_space<vmem>>, %arg12: memref<128x40xf32, #tpu.memory_space<vmem>>, %arg13: memref<128x40xf32, #tpu.memory_space<vmem>>, %arg14: memref<128x40xf32, #tpu.memory_space<vmem>>, %arg15: memref<10240x40xf32, #tpu.memory_space<vmem_shared>>, %arg16: memref<!tpu.dma_semaphore, #tpu.memory_space<semaphore_mem>>) attributes {dimension_semantics = [#tpu.dimension_semantics<core_parallel>, #tpu.dimension_semantics<subcore_parallel>], iteration_bounds = array<i64: 2, 16>, scalar_prefetch = 0 : i64, scratch_operands = 12 : i64, tpu.core_type = #tpu.core_type<sc_vector_subcore>, window_params = [{transform_indices = #map}, {transform_indices = #map1}, {transform_indices = #map1}]} {
    %mul3A = arith.constant 16 : i32
    %mul3A_0 = arith.muli %arg0, %mul3A : i32
    %add3A = arith.addi %mul3A_0, %arg1 : i32
    %mul3A_1 = arith.constant 2500 : i32
    %mul3A_2 = arith.muli %mul3A_1, %add3A : i32
    %jit3A = arith.constant 32 : i32
    %div3A = arith.divsi %mul3A_2, %jit3A : i32
    %sign3A = arith.constant 0 : i32
    %sign3A_3 = arith.cmpi sgt, %mul3A_2, %sign3A : i32
    %sign3A_4 = arith.extui %sign3A_3 : i1 to i32
    %sign3A_5 = arith.constant 0 : i32
    %sign3A_6 = arith.cmpi slt, %mul3A_2, %sign3A_5 : i32
    %sign3A_7 = arith.extui %sign3A_6 : i1 to i32
    %sign3A_8 = arith.subi %sign3A_4, %sign3A_7 : i32
    %sign3A_9 = arith.constant 0 : i32
    %sign3A_10 = arith.cmpi sgt, %jit3A, %sign3A_9 : i32
    %sign3A_11 = arith.extui %sign3A_10 : i1 to i32
    %sign3A_12 = arith.constant 0 : i32
    %sign3A_13 = arith.cmpi slt, %jit3A, %sign3A_12 : i32
    %sign3A_14 = arith.extui %sign3A_13 : i1 to i32
    %sign3A_15 = arith.subi %sign3A_11, %sign3A_14 : i32
    %ne3A = arith.cmpi ne, %sign3A_8, %sign3A_15 : i32
    %rem3A = arith.remsi %mul3A_2, %jit3A : i32
    %ne3A_16 = arith.constant 0 : i32
    %ne3A_17 = arith.cmpi ne, %rem3A, %ne3A_16 : i32
    %and3A = arith.andi %ne3A, %ne3A_17 : i1
    %sub3A = arith.constant 1 : i32
    %sub3A_18 = arith.subi %div3A, %sub3A : i32
    %select_n3A = arith.select %and3A, %sub3A_18, %div3A : i32
    %add3A_19 = arith.constant 1 : i32
    %add3A_20 = arith.addi %add3A, %add3A_19 : i32
    %mul3A_21 = arith.constant 2500 : i32
    %mul3A_22 = arith.muli %mul3A_21, %add3A_20 : i32
    %jit3A_23 = arith.constant 32 : i32
    %div3A_24 = arith.divsi %mul3A_22, %jit3A_23 : i32
    %sign3A_25 = arith.constant 0 : i32
    %sign3A_26 = arith.cmpi sgt, %mul3A_22, %sign3A_25 : i32
    %sign3A_27 = arith.extui %sign3A_26 : i1 to i32
    %sign3A_28 = arith.constant 0 : i32
    %sign3A_29 = arith.cmpi slt, %mul3A_22, %sign3A_28 : i32
    %sign3A_30 = arith.extui %sign3A_29 : i1 to i32
    %sign3A_31 = arith.subi %sign3A_27, %sign3A_30 : i32
    %sign3A_32 = arith.constant 0 : i32
    %sign3A_33 = arith.cmpi sgt, %jit3A_23, %sign3A_32 : i32
    %sign3A_34 = arith.extui %sign3A_33 : i1 to i32
    %sign3A_35 = arith.constant 0 : i32
    %sign3A_36 = arith.cmpi slt, %jit3A_23, %sign3A_35 : i32
    %sign3A_37 = arith.extui %sign3A_36 : i1 to i32
    %sign3A_38 = arith.subi %sign3A_34, %sign3A_37 : i32
    %ne3A_39 = arith.cmpi ne, %sign3A_31, %sign3A_38 : i32
    %rem3A_40 = arith.remsi %mul3A_22, %jit3A_23 : i32
    %ne3A_41 = arith.constant 0 : i32
    %ne3A_42 = arith.cmpi ne, %rem3A_40, %ne3A_41 : i32
    %and3A_43 = arith.andi %ne3A_39, %ne3A_42 : i1
    %sub3A_44 = arith.constant 1 : i32
    %sub3A_45 = arith.subi %div3A_24, %sub3A_44 : i32
    %select_n3A_46 = arith.select %and3A_43, %sub3A_45, %div3A_24 : i32
    %sub3A_47 = arith.subi %select_n3A_46, %select_n3A : i32
    %run_scoped3A = arith.constant 0 : i32
    "tpu.region"() ({
      %run_scoped3A_204 = tpu.sem_alloc : memref<!tpu.dma_semaphore, #tpu.memory_space<semaphore_mem>>
      %dma_start3A_205 = arith.constant 0 : i32
      %dma_start3A_206 = tpu.memref_slice %arg2[%select_n3A, %run_scoped3A, %dma_start3A_205] : memref<2500x2x128xi32, #tpu.memory_space<hbm>> -> memref<79x1x128xi32, #tpu.memory_space<hbm>>
      %dma_start3A_207 = tpu.memref_squeeze %dma_start3A_206 : memref<79x1x128xi32, #tpu.memory_space<hbm>> -> memref<79x128xi32, #tpu.memory_space<hbm>>
      %dma_start3A_208 = arith.constant 0 : i32
      %dma_start3A_209 = tpu.memref_slice %arg2[%select_n3A, %run_scoped3A, %dma_start3A_208] : memref<2500x2x128xi32, #tpu.memory_space<hbm>> -> memref<79x1x128xi32, #tpu.memory_space<hbm>>
      %dma_start3A_210 = tpu.memref_squeeze %dma_start3A_209 : memref<79x1x128xi32, #tpu.memory_space<hbm>> -> memref<79x128xi32, #tpu.memory_space<hbm>>
      tpu.enqueue_dma source(%dma_start3A_210 : memref<79x128xi32, #tpu.memory_space<hbm>>) target(%arg5 : memref<79x128xi32, #tpu.memory_space<vmem>>) target_semaphore(%run_scoped3A_204 : memref<!tpu.dma_semaphore, #tpu.memory_space<semaphore_mem>>)
      %dma_wait3A = arith.constant 0 : i32
      %dma_wait3A_211 = tpu.memref_slice %arg2[%select_n3A, %run_scoped3A, %dma_wait3A] : memref<2500x2x128xi32, #tpu.memory_space<hbm>> -> memref<79x1x128xi32, #tpu.memory_space<hbm>>
      %dma_wait3A_212 = tpu.memref_squeeze %dma_wait3A_211 : memref<79x1x128xi32, #tpu.memory_space<hbm>> -> memref<79x128xi32, #tpu.memory_space<hbm>>
      %dma_wait3A_213 = arith.constant 0 : i32
      %dma_wait3A_214 = tpu.memref_slice %arg2[%select_n3A, %run_scoped3A, %dma_wait3A_213] : memref<2500x2x128xi32, #tpu.memory_space<hbm>> -> memref<79x1x128xi32, #tpu.memory_space<hbm>>
      %dma_wait3A_215 = tpu.memref_squeeze %dma_wait3A_214 : memref<79x1x128xi32, #tpu.memory_space<hbm>> -> memref<79x128xi32, #tpu.memory_space<hbm>>
      tpu.wait_dma2 semaphore(%run_scoped3A_204 : memref<!tpu.dma_semaphore, #tpu.memory_space<semaphore_mem>>) src(%dma_wait3A_215 : memref<79x128xi32, #tpu.memory_space<hbm>>) dst(%arg5 : memref<79x128xi32, #tpu.memory_space<vmem>>)
      tpu.yield
    }) : () -> ()
    %run_scoped3A_48 = arith.constant 1 : i32
    "tpu.region"() ({
      %run_scoped3A_204 = tpu.sem_alloc : memref<!tpu.dma_semaphore, #tpu.memory_space<semaphore_mem>>
      %dma_start3A_205 = arith.constant 0 : i32
      %dma_start3A_206 = tpu.memref_slice %arg2[%select_n3A, %run_scoped3A_48, %dma_start3A_205] : memref<2500x2x128xi32, #tpu.memory_space<hbm>> -> memref<79x1x128xi32, #tpu.memory_space<hbm>>
      %dma_start3A_207 = tpu.memref_squeeze %dma_start3A_206 : memref<79x1x128xi32, #tpu.memory_space<hbm>> -> memref<79x128xi32, #tpu.memory_space<hbm>>
      %dma_start3A_208 = arith.constant 0 : i32
      %dma_start3A_209 = tpu.memref_slice %arg2[%select_n3A, %run_scoped3A_48, %dma_start3A_208] : memref<2500x2x128xi32, #tpu.memory_space<hbm>> -> memref<79x1x128xi32, #tpu.memory_space<hbm>>
      %dma_start3A_210 = tpu.memref_squeeze %dma_start3A_209 : memref<79x1x128xi32, #tpu.memory_space<hbm>> -> memref<79x128xi32, #tpu.memory_space<hbm>>
      tpu.enqueue_dma source(%dma_start3A_210 : memref<79x128xi32, #tpu.memory_space<hbm>>) target(%arg6 : memref<79x128xi32, #tpu.memory_space<vmem>>) target_semaphore(%run_scoped3A_204 : memref<!tpu.dma_semaphore, #tpu.memory_space<semaphore_mem>>)
      %dma_wait3A = arith.constant 0 : i32
      %dma_wait3A_211 = tpu.memref_slice %arg2[%select_n3A, %run_scoped3A_48, %dma_wait3A] : memref<2500x2x128xi32, #tpu.memory_space<hbm>> -> memref<79x1x128xi32, #tpu.memory_space<hbm>>
      %dma_wait3A_212 = tpu.memref_squeeze %dma_wait3A_211 : memref<79x1x128xi32, #tpu.memory_space<hbm>> -> memref<79x128xi32, #tpu.memory_space<hbm>>
      %dma_wait3A_213 = arith.constant 0 : i32
      %dma_wait3A_214 = tpu.memref_slice %arg2[%select_n3A, %run_scoped3A_48, %dma_wait3A_213] : memref<2500x2x128xi32, #tpu.memory_space<hbm>> -> memref<79x1x128xi32, #tpu.memory_space<hbm>>
      %dma_wait3A_215 = tpu.memref_squeeze %dma_wait3A_214 : memref<79x1x128xi32, #tpu.memory_space<hbm>> -> memref<79x128xi32, #tpu.memory_space<hbm>>
      tpu.wait_dma2 semaphore(%run_scoped3A_204 : memref<!tpu.dma_semaphore, #tpu.memory_space<semaphore_mem>>) src(%dma_wait3A_215 : memref<79x128xi32, #tpu.memory_space<hbm>>) dst(%arg6 : memref<79x128xi32, #tpu.memory_space<vmem>>)
      tpu.yield
    }) : () -> ()
    %scan3A = arith.constant 0 : i32
    %scan3A_49 = arith.constant 128 : i32
    %scan3A_50 = arith.addi %scan3A, %scan3A_49 : i32
    %scan3A_51 = arith.constant 1 : i32
    scf.for %scan3A_204 = %scan3A to %scan3A_50 step %scan3A_51  : i32 {
      %broadcast_in_dim3A = arith.constant 0.000000e+00 : f32
      %broadcast_in_dim3A_205 = vector.broadcast %broadcast_in_dim3A : f32 to vector<16xf32>
      %swap3A = arith.index_cast %scan3A_204 : i32 to index
      %swap3A_206 = arith.constant 0 : index
      %swap3A_207 = tpu.vector_load %arg7[%swap3A, %swap3A_206] {strides = array<i32>} : memref<128x40xf32, #tpu.memory_space<vmem>>, vector<16xf32>,
      tpu.vector_store %arg7[%swap3A, %swap3A_206], %broadcast_in_dim3A_205 {strides = array<i32>} : memref<128x40xf32, #tpu.memory_space<vmem>>, vector<16xf32>,
      %broadcast_in_dim3A_208 = arith.constant 0.000000e+00 : f32
      %broadcast_in_dim3A_209 = vector.broadcast %broadcast_in_dim3A_208 : f32 to vector<16xf32>
      %swap3A_210 = arith.index_cast %scan3A_204 : i32 to index
      %swap3A_211 = arith.constant 16 : index
      %swap3A_212 = tpu.vector_load %arg7[%swap3A_210, %swap3A_211] {strides = array<i32>} : memref<128x40xf32, #tpu.memory_space<vmem>>, vector<16xf32>,
      tpu.vector_store %arg7[%swap3A_210, %swap3A_211], %broadcast_in_dim3A_209 {strides = array<i32>} : memref<128x40xf32, #tpu.memory_space<vmem>>, vector<16xf32>,
      %broadcast_in_dim3A_213 = arith.constant 0.000000e+00 : f32
      %broadcast_in_dim3A_214 = vector.broadcast %broadcast_in_dim3A_213 : f32 to vector<16xf32>
      %swap3A_215 = arith.index_cast %scan3A_204 : i32 to index
      %swap3A_216 = arith.constant 24 : index
      %swap3A_217 = tpu.vector_load %arg7[%swap3A_215, %swap3A_216] {strides = array<i32>} : memref<128x40xf32, #tpu.memory_space<vmem>>, vector<16xf32>,
      tpu.vector_store %arg7[%swap3A_215, %swap3A_216], %broadcast_in_dim3A_214 {strides = array<i32>} : memref<128x40xf32, #tpu.memory_space<vmem>>, vector<16xf32>,
    }
    %scan3A_52 = arith.constant 128 : i32
    %mul3A_53 = arith.constant 640 : i32
    %mul3A_54 = arith.muli %arg1, %mul3A_53 : i32
    %multiple_of3A = tpu.assume_multiple %mul3A_54, 8 : i32
    %scan3A_55 = arith.constant 0 : i32
    %scan3A_56 = arith.constant 5 : i32
    %scan3A_57 = arith.addi %scan3A_55, %scan3A_56 : i32
    %scan3A_58 = arith.constant 1 : i32
    scf.for %scan3A_204 = %scan3A_55 to %scan3A_57 step %scan3A_58  : i32 {
      %mul3A_205 = arith.constant 128 : i32
      %mul3A_206 = arith.muli %scan3A_204, %mul3A_205 : i32
      %add3A_207 = arith.addi %multiple_of3A, %mul3A_206 : i32
      "tpu.region"() ({
        %run_scoped3A_208 = tpu.sem_alloc : memref<!tpu.dma_semaphore, #tpu.memory_space<semaphore_mem>>
        %dma_start3A_209 = arith.constant 0 : i32
        %dma_start3A_210 = tpu.memref_slice %arg15[%add3A_207, %dma_start3A_209] : memref<10240x40xf32, #tpu.memory_space<vmem_shared>> -> memref<128x40xf32, #tpu.memory_space<vmem_shared>>
        %dma_start3A_211 = arith.constant 0 : i32
        %dma_start3A_212 = tpu.memref_slice %arg15[%add3A_207, %dma_start3A_211] : memref<10240x40xf32, #tpu.memory_space<vmem_shared>> -> memref<128x40xf32, #tpu.memory_space<vmem_shared>>
        tpu.enqueue_dma source(%arg7 : memref<128x40xf32, #tpu.memory_space<vmem>>) target(%dma_start3A_212 : memref<128x40xf32, #tpu.memory_space<vmem_shared>>) target_semaphore(%run_scoped3A_208 : memref<!tpu.dma_semaphore, #tpu.memory_space<semaphore_mem>>)
        %dma_wait3A = arith.constant 0 : i32
        %dma_wait3A_213 = tpu.memref_slice %arg15[%add3A_207, %dma_wait3A] : memref<10240x40xf32, #tpu.memory_space<vmem_shared>> -> memref<128x40xf32, #tpu.memory_space<vmem_shared>>
        %dma_wait3A_214 = arith.constant 0 : i32
        %dma_wait3A_215 = tpu.memref_slice %arg15[%add3A_207, %dma_wait3A_214] : memref<10240x40xf32, #tpu.memory_space<vmem_shared>> -> memref<128x40xf32, #tpu.memory_space<vmem_shared>>
        tpu.wait_dma2 semaphore(%run_scoped3A_208 : memref<!tpu.dma_semaphore, #tpu.memory_space<semaphore_mem>>) src(%arg7 : memref<128x40xf32, #tpu.memory_space<vmem>>) dst(%dma_wait3A_215 : memref<128x40xf32, #tpu.memory_space<vmem_shared>>)
        tpu.yield
      }) : () -> ()
    }
    %scan3A_59 = arith.constant 5 : i32
    %barrier3A = arith.constant 0 : index
    tpu.barrier barrier_id(%barrier3A)
    %dma_start3A = arith.constant 0 : i32
    %dma_start3A_60 = arith.constant 0 : i32
    %dma_start3A_61 = tpu.memref_slice %arg5[%dma_start3A, %dma_start3A_60] : memref<79x128xi32, #tpu.memory_space<vmem>> -> memref<1x128xi32, #tpu.memory_space<vmem>>
    %dma_start3A_62 = tpu.memref_squeeze %dma_start3A_61 : memref<1x128xi32, #tpu.memory_space<vmem>> -> memref<128xi32, #tpu.memory_space<vmem>>
    %dma_start3A_63 = arith.constant 0 : i32
    %dma_start3A_64 = arith.constant 0 : i32
    %dma_start3A_65 = tpu.memref_slice %arg3[%dma_start3A_63, %dma_start3A_64] : memref<10000x40xf32, #tpu.memory_space<hbm>> -> memref<10000x40xf32, #tpu.memory_space<hbm>>
    tpu.enqueue_indirect_dma source(%dma_start3A_65 : memref<10000x40xf32, #tpu.memory_space<hbm>>) target(%arg7 : memref<128x40xf32, #tpu.memory_space<vmem>>) offsets(%dma_start3A_62 : memref<128xi32, #tpu.memory_space<vmem>>) semaphore(%arg16 : memref<!tpu.dma_semaphore, #tpu.memory_space<semaphore_mem>>)
    %dma_start3A_66 = arith.constant 1 : i32
    %dma_start3A_67 = arith.constant 0 : i32
    %dma_start3A_68 = tpu.memref_slice %arg5[%dma_start3A_66, %dma_start3A_67] : memref<79x128xi32, #tpu.memory_space<vmem>> -> memref<1x128xi32, #tpu.memory_space<vmem>>
    %dma_start3A_69 = tpu.memref_squeeze %dma_start3A_68 : memref<1x128xi32, #tpu.memory_space<vmem>> -> memref<128xi32, #tpu.memory_space<vmem>>
    %dma_start3A_70 = arith.constant 0 : i32
    %dma_start3A_71 = arith.constant 0 : i32
    %dma_start3A_72 = tpu.memref_slice %arg3[%dma_start3A_70, %dma_start3A_71] : memref<10000x40xf32, #tpu.memory_space<hbm>> -> memref<10000x40xf32, #tpu.memory_space<hbm>>
    tpu.enqueue_indirect_dma source(%dma_start3A_72 : memref<10000x40xf32, #tpu.memory_space<hbm>>) target(%arg8 : memref<128x40xf32, #tpu.memory_space<vmem>>) offsets(%dma_start3A_69 : memref<128xi32, #tpu.memory_space<vmem>>) semaphore(%arg16 : memref<!tpu.dma_semaphore, #tpu.memory_space<semaphore_mem>>)
    %dma_start3A_73 = arith.constant 2 : i32
    %dma_start3A_74 = arith.constant 0 : i32
    %dma_start3A_75 = tpu.memref_slice %arg5[%dma_start3A_73, %dma_start3A_74] : memref<79x128xi32, #tpu.memory_space<vmem>> -> memref<1x128xi32, #tpu.memory_space<vmem>>
    %dma_start3A_76 = tpu.memref_squeeze %dma_start3A_75 : memref<1x128xi32, #tpu.memory_space<vmem>> -> memref<128xi32, #tpu.memory_space<vmem>>
    %dma_start3A_77 = arith.constant 0 : i32
    %dma_start3A_78 = arith.constant 0 : i32
    %dma_start3A_79 = tpu.memref_slice %arg3[%dma_start3A_77, %dma_start3A_78] : memref<10000x40xf32, #tpu.memory_space<hbm>> -> memref<10000x40xf32, #tpu.memory_space<hbm>>
    tpu.enqueue_indirect_dma source(%dma_start3A_79 : memref<10000x40xf32, #tpu.memory_space<hbm>>) target(%arg9 : memref<128x40xf32, #tpu.memory_space<vmem>>) offsets(%dma_start3A_76 : memref<128xi32, #tpu.memory_space<vmem>>) semaphore(%arg16 : memref<!tpu.dma_semaphore, #tpu.memory_space<semaphore_mem>>)
    %dma_start3A_80 = arith.constant 3 : i32
    %dma_start3A_81 = arith.constant 0 : i32
    %dma_start3A_82 = tpu.memref_slice %arg5[%dma_start3A_80, %dma_start3A_81] : memref<79x128xi32, #tpu.memory_space<vmem>> -> memref<1x128xi32, #tpu.memory_space<vmem>>
    %dma_start3A_83 = tpu.memref_squeeze %dma_start3A_82 : memref<1x128xi32, #tpu.memory_space<vmem>> -> memref<128xi32, #tpu.memory_space<vmem>>
    %dma_start3A_84 = arith.constant 0 : i32
    %dma_start3A_85 = arith.constant 0 : i32
    %dma_start3A_86 = tpu.memref_slice %arg3[%dma_start3A_84, %dma_start3A_85] : memref<10000x40xf32, #tpu.memory_space<hbm>> -> memref<10000x40xf32, #tpu.memory_space<hbm>>
    tpu.enqueue_indirect_dma source(%dma_start3A_86 : memref<10000x40xf32, #tpu.memory_space<hbm>>) target(%arg10 : memref<128x40xf32, #tpu.memory_space<vmem>>) offsets(%dma_start3A_83 : memref<128xi32, #tpu.memory_space<vmem>>) semaphore(%arg16 : memref<!tpu.dma_semaphore, #tpu.memory_space<semaphore_mem>>)
    %dma_start3A_87 = arith.constant 4 : i32
    %dma_start3A_88 = arith.constant 0 : i32
    %dma_start3A_89 = tpu.memref_slice %arg5[%dma_start3A_87, %dma_start3A_88] : memref<79x128xi32, #tpu.memory_space<vmem>> -> memref<1x128xi32, #tpu.memory_space<vmem>>
    %dma_start3A_90 = tpu.memref_squeeze %dma_start3A_89 : memref<1x128xi32, #tpu.memory_space<vmem>> -> memref<128xi32, #tpu.memory_space<vmem>>
    %dma_start3A_91 = arith.constant 0 : i32
    %dma_start3A_92 = arith.constant 0 : i32
    %dma_start3A_93 = tpu.memref_slice %arg3[%dma_start3A_91, %dma_start3A_92] : memref<10000x40xf32, #tpu.memory_space<hbm>> -> memref<10000x40xf32, #tpu.memory_space<hbm>>
    tpu.enqueue_indirect_dma source(%dma_start3A_93 : memref<10000x40xf32, #tpu.memory_space<hbm>>) target(%arg11 : memref<128x40xf32, #tpu.memory_space<vmem>>) offsets(%dma_start3A_90 : memref<128xi32, #tpu.memory_space<vmem>>) semaphore(%arg16 : memref<!tpu.dma_semaphore, #tpu.memory_space<semaphore_mem>>)
    %dma_start3A_94 = arith.constant 5 : i32
    %dma_start3A_95 = arith.constant 0 : i32
    %dma_start3A_96 = tpu.memref_slice %arg5[%dma_start3A_94, %dma_start3A_95] : memref<79x128xi32, #tpu.memory_space<vmem>> -> memref<1x128xi32, #tpu.memory_space<vmem>>
    %dma_start3A_97 = tpu.memref_squeeze %dma_start3A_96 : memref<1x128xi32, #tpu.memory_space<vmem>> -> memref<128xi32, #tpu.memory_space<vmem>>
    %dma_start3A_98 = arith.constant 0 : i32
    %dma_start3A_99 = arith.constant 0 : i32
    %dma_start3A_100 = tpu.memref_slice %arg3[%dma_start3A_98, %dma_start3A_99] : memref<10000x40xf32, #tpu.memory_space<hbm>> -> memref<10000x40xf32, #tpu.memory_space<hbm>>
    tpu.enqueue_indirect_dma source(%dma_start3A_100 : memref<10000x40xf32, #tpu.memory_space<hbm>>) target(%arg12 : memref<128x40xf32, #tpu.memory_space<vmem>>) offsets(%dma_start3A_97 : memref<128xi32, #tpu.memory_space<vmem>>) semaphore(%arg16 : memref<!tpu.dma_semaphore, #tpu.memory_space<semaphore_mem>>)
    %dma_start3A_101 = arith.constant 6 : i32
    %dma_start3A_102 = arith.constant 0 : i32
    %dma_start3A_103 = tpu.memref_slice %arg5[%dma_start3A_101, %dma_start3A_102] : memref<79x128xi32, #tpu.memory_space<vmem>> -> memref<1x128xi32, #tpu.memory_space<vmem>>
    %dma_start3A_104 = tpu.memref_squeeze %dma_start3A_103 : memref<1x128xi32, #tpu.memory_space<vmem>> -> memref<128xi32, #tpu.memory_space<vmem>>
    %dma_start3A_105 = arith.constant 0 : i32
    %dma_start3A_106 = arith.constant 0 : i32
    %dma_start3A_107 = tpu.memref_slice %arg3[%dma_start3A_105, %dma_start3A_106] : memref<10000x40xf32, #tpu.memory_space<hbm>> -> memref<10000x40xf32, #tpu.memory_space<hbm>>
    tpu.enqueue_indirect_dma source(%dma_start3A_107 : memref<10000x40xf32, #tpu.memory_space<hbm>>) target(%arg13 : memref<128x40xf32, #tpu.memory_space<vmem>>) offsets(%dma_start3A_104 : memref<128xi32, #tpu.memory_space<vmem>>) semaphore(%arg16 : memref<!tpu.dma_semaphore, #tpu.memory_space<semaphore_mem>>)
    %dma_start3A_108 = arith.constant 7 : i32
    %dma_start3A_109 = arith.constant 0 : i32
    %dma_start3A_110 = tpu.memref_slice %arg5[%dma_start3A_108, %dma_start3A_109] : memref<79x128xi32, #tpu.memory_space<vmem>> -> memref<1x128xi32, #tpu.memory_space<vmem>>
    %dma_start3A_111 = tpu.memref_squeeze %dma_start3A_110 : memref<1x128xi32, #tpu.memory_space<vmem>> -> memref<128xi32, #tpu.memory_space<vmem>>
    %dma_start3A_112 = arith.constant 0 : i32
    %dma_start3A_113 = arith.constant 0 : i32
    %dma_start3A_114 = tpu.memref_slice %arg3[%dma_start3A_112, %dma_start3A_113] : memref<10000x40xf32, #tpu.memory_space<hbm>> -> memref<10000x40xf32, #tpu.memory_space<hbm>>
    tpu.enqueue_indirect_dma source(%dma_start3A_114 : memref<10000x40xf32, #tpu.memory_space<hbm>>) target(%arg14 : memref<128x40xf32, #tpu.memory_space<vmem>>) offsets(%dma_start3A_111 : memref<128xi32, #tpu.memory_space<vmem>>) semaphore(%arg16 : memref<!tpu.dma_semaphore, #tpu.memory_space<semaphore_mem>>)
    %jit3A_115 = arith.constant 8 : i32
    %div3A_116 = arith.divsi %sub3A_47, %jit3A_115 : i32
    %sign3A_117 = arith.constant 0 : i32
    %sign3A_118 = arith.cmpi sgt, %sub3A_47, %sign3A_117 : i32
    %sign3A_119 = arith.extui %sign3A_118 : i1 to i32
    %sign3A_120 = arith.constant 0 : i32
    %sign3A_121 = arith.cmpi slt, %sub3A_47, %sign3A_120 : i32
    %sign3A_122 = arith.extui %sign3A_121 : i1 to i32
    %sign3A_123 = arith.subi %sign3A_119, %sign3A_122 : i32
    %sign3A_124 = arith.constant 0 : i32
    %sign3A_125 = arith.cmpi sgt, %jit3A_115, %sign3A_124 : i32
    %sign3A_126 = arith.extui %sign3A_125 : i1 to i32
    %sign3A_127 = arith.constant 0 : i32
    %sign3A_128 = arith.cmpi slt, %jit3A_115, %sign3A_127 : i32
    %sign3A_129 = arith.extui %sign3A_128 : i1 to i32
    %sign3A_130 = arith.subi %sign3A_126, %sign3A_129 : i32
    %ne3A_131 = arith.cmpi ne, %sign3A_123, %sign3A_130 : i32
    %rem3A_132 = arith.remsi %sub3A_47, %jit3A_115 : i32
    %ne3A_133 = arith.constant 0 : i32
    %ne3A_134 = arith.cmpi ne, %rem3A_132, %ne3A_133 : i32
    %and3A_135 = arith.andi %ne3A_131, %ne3A_134 : i1
    %sub3A_136 = arith.constant 1 : i32
    %sub3A_137 = arith.subi %div3A_116, %sub3A_136 : i32
    %select_n3A_138 = arith.select %and3A_135, %sub3A_137, %div3A_116 : i32
    %while3A = arith.constant 0 : i32
    %while3A_139 = arith.subi %select_n3A_138, %while3A : i32
    %while3A_140 = arith.addi %while3A, %while3A_139 : i32
    %while3A_141 = arith.constant 1 : i32
    %while3A_142 = arith.divsi %while3A_139, %while3A_141 : i32
    %while3A_143 = arith.muli %while3A_142, %while3A_141 : i32
    %while3A_144 = arith.addi %while3A, %while3A_143 : i32
    %while3A_145 = arith.constant 1 : i32
    scf.for %while3A_204 = %while3A to %while3A_144 step %while3A_145  : i32 {
      %mul3A_205 = arith.constant 8 : i32
      %mul3A_206 = arith.muli %while3A_204, %mul3A_205 : i32
      %add3A_207 = arith.constant 0 : i32
      %add3A_208 = arith.addi %mul3A_206, %add3A_207 : i32
      %dma_wait3A = arith.constant 0 : i32
      %dma_wait3A_209 = arith.constant 0 : i32
      %dma_wait3A_210 = tpu.memref_slice %arg5[%dma_wait3A, %dma_wait3A_209] : memref<79x128xi32, #tpu.memory_space<vmem>> -> memref<1x128xi32, #tpu.memory_space<vmem>>
      %dma_wait3A_211 = tpu.memref_squeeze %dma_wait3A_210 : memref<1x128xi32, #tpu.memory_space<vmem>> -> memref<128xi32, #tpu.memory_space<vmem>>
      %dma_wait3A_212 = arith.constant 0 : i32
      %dma_wait3A_213 = arith.constant 0 : i32
      %dma_wait3A_214 = tpu.memref_slice %arg3[%dma_wait3A_212, %dma_wait3A_213] : memref<10000x40xf32, #tpu.memory_space<hbm>> -> memref<10000x40xf32, #tpu.memory_space<hbm>>
      tpu.wait_indirect_dma semaphore(%arg16 : memref<!tpu.dma_semaphore, #tpu.memory_space<semaphore_mem>>) src(%dma_wait3A_214 : memref<10000x40xf32, #tpu.memory_space<hbm>>) dst(%arg7 : memref<128x40xf32, #tpu.memory_space<vmem>>)
      "tpu.region"() ({
        %run_scoped3A_340 = tpu.sem_alloc : memref<!tpu.dma_semaphore, #tpu.memory_space<semaphore_mem>>
        %dma_start3A_341 = arith.constant 0 : i32
        %dma_start3A_342 = tpu.memref_slice %arg6[%add3A_208, %dma_start3A_341] : memref<79x128xi32, #tpu.memory_space<vmem>> -> memref<1x128xi32, #tpu.memory_space<vmem>>
        %dma_start3A_343 = tpu.memref_squeeze %dma_start3A_342 : memref<1x128xi32, #tpu.memory_space<vmem>> -> memref<128xi32, #tpu.memory_space<vmem>>
        %dma_start3A_344 = arith.constant 0 : i32
        %dma_start3A_345 = arith.constant 0 : i32
        %dma_start3A_346 = tpu.memref_slice %arg15[%dma_start3A_344, %dma_start3A_345] : memref<10240x40xf32, #tpu.memory_space<vmem_shared>> -> memref<10240x40xf32, #tpu.memory_space<vmem_shared>>
        tpu.enqueue_indirect_dma source(%arg7 : memref<128x40xf32, #tpu.memory_space<vmem>>) target(%dma_start3A_346 : memref<10240x40xf32, #tpu.memory_space<vmem_shared>>) offsets(%dma_start3A_343 : memref<128xi32, #tpu.memory_space<vmem>>) semaphore(%run_scoped3A_340 : memref<!tpu.dma_semaphore, #tpu.memory_space<semaphore_mem>>) {add = true}
        %dma_wait3A_347 = arith.constant 0 : i32
        %dma_wait3A_348 = tpu.memref_slice %arg6[%add3A_208, %dma_wait3A_347] : memref<79x128xi32, #tpu.memory_space<vmem>> -> memref<1x128xi32, #tpu.memory_space<vmem>>
        %dma_wait3A_349 = tpu.memref_squeeze %dma_wait3A_348 : memref<1x128xi32, #tpu.memory_space<vmem>> -> memref<128xi32, #tpu.memory_space<vmem>>
        %dma_wait3A_350 = arith.constant 0 : i32
        %dma_wait3A_351 = arith.constant 0 : i32
        %dma_wait3A_352 = tpu.memref_slice %arg15[%dma_wait3A_350, %dma_wait3A_351] : memref<10240x40xf32, #tpu.memory_space<vmem_shared>> -> memref<10240x40xf32, #tpu.memory_space<vmem_shared>>
        tpu.wait_indirect_dma semaphore(%run_scoped3A_340 : memref<!tpu.dma_semaphore, #tpu.memory_space<semaphore_mem>>) src(%arg7 : memref<128x40xf32, #tpu.memory_space<vmem>>) dst(%dma_wait3A_352 : memref<10240x40xf32, #tpu.memory_space<vmem_shared>>)
        tpu.yield
      }) : () -> ()
      %add3A_215 = arith.constant 8 : i32
      %add3A_216 = arith.addi %add3A_208, %add3A_215 : i32
      %lt3A_217 = arith.cmpi slt, %add3A_216, %sub3A_47 : i32
      %convert_element_type3A_218 = arith.extui %lt3A_217 : i1 to i32
      %cond3A_219 = arith.constant 0 : i32
      %cond3A_220 = arith.cmpi ne, %convert_element_type3A_218, %cond3A_219 : i32
      scf.if %cond3A_220 {
        %add3A_340 = arith.constant 8 : i32
        %add3A_341 = arith.addi %add3A_208, %add3A_340 : i32
        %dma_start3A_342 = arith.constant 0 : i32
        %dma_start3A_343 = tpu.memref_slice %arg5[%add3A_341, %dma_start3A_342] : memref<79x128xi32, #tpu.memory_space<vmem>> -> memref<1x128xi32, #tpu.memory_space<vmem>>
        %dma_start3A_344 = tpu.memref_squeeze %dma_start3A_343 : memref<1x128xi32, #tpu.memory_space<vmem>> -> memref<128xi32, #tpu.memory_space<vmem>>
        %dma_start3A_345 = arith.constant 0 : i32
        %dma_start3A_346 = arith.constant 0 : i32
        %dma_start3A_347 = tpu.memref_slice %arg3[%dma_start3A_345, %dma_start3A_346] : memref<10000x40xf32, #tpu.memory_space<hbm>> -> memref<10000x40xf32, #tpu.memory_space<hbm>>
        tpu.enqueue_indirect_dma source(%dma_start3A_347 : memref<10000x40xf32, #tpu.memory_space<hbm>>) target(%arg7 : memref<128x40xf32, #tpu.memory_space<vmem>>) offsets(%dma_start3A_344 : memref<128xi32, #tpu.memory_space<vmem>>) semaphore(%arg16 : memref<!tpu.dma_semaphore, #tpu.memory_space<semaphore_mem>>)
      } else {
      }
      %mul3A_221 = arith.constant 8 : i32
      %mul3A_222 = arith.muli %while3A_204, %mul3A_221 : i32
      %add3A_223 = arith.constant 1 : i32
      %add3A_224 = arith.addi %mul3A_222, %add3A_223 : i32
      %dma_wait3A_225 = arith.constant 0 : i32
      %dma_wait3A_226 = arith.constant 0 : i32
      %dma_wait3A_227 = tpu.memref_slice %arg5[%dma_wait3A_225, %dma_wait3A_226] : memref<79x128xi32, #tpu.memory_space<vmem>> -> memref<1x128xi32, #tpu.memory_space<vmem>>
      %dma_wait3A_228 = tpu.memref_squeeze %dma_wait3A_227 : memref<1x128xi32, #tpu.memory_space<vmem>> -> memref<128xi32, #tpu.memory_space<vmem>>
      %dma_wait3A_229 = arith.constant 0 : i32
      %dma_wait3A_230 = arith.constant 0 : i32
      %dma_wait3A_231 = tpu.memref_slice %arg3[%dma_wait3A_229, %dma_wait3A_230] : memref<10000x40xf32, #tpu.memory_space<hbm>> -> memref<10000x40xf32, #tpu.memory_space<hbm>>
      tpu.wait_indirect_dma semaphore(%arg16 : memref<!tpu.dma_semaphore, #tpu.memory_space<semaphore_mem>>) src(%dma_wait3A_231 : memref<10000x40xf32, #tpu.memory_space<hbm>>) dst(%arg8 : memref<128x40xf32, #tpu.memory_space<vmem>>)
      "tpu.region"() ({
        %run_scoped3A_340 = tpu.sem_alloc : memref<!tpu.dma_semaphore, #tpu.memory_space<semaphore_mem>>
        %dma_start3A_341 = arith.constant 0 : i32
        %dma_start3A_342 = tpu.memref_slice %arg6[%add3A_224, %dma_start3A_341] : memref<79x128xi32, #tpu.memory_space<vmem>> -> memref<1x128xi32, #tpu.memory_space<vmem>>
        %dma_start3A_343 = tpu.memref_squeeze %dma_start3A_342 : memref<1x128xi32, #tpu.memory_space<vmem>> -> memref<128xi32, #tpu.memory_space<vmem>>
        %dma_start3A_344 = arith.constant 0 : i32
        %dma_start3A_345 = arith.constant 0 : i32
        %dma_start3A_346 = tpu.memref_slice %arg15[%dma_start3A_344, %dma_start3A_345] : memref<10240x40xf32, #tpu.memory_space<vmem_shared>> -> memref<10240x40xf32, #tpu.memory_space<vmem_shared>>
        tpu.enqueue_indirect_dma source(%arg8 : memref<128x40xf32, #tpu.memory_space<vmem>>) target(%dma_start3A_346 : memref<10240x40xf32, #tpu.memory_space<vmem_shared>>) offsets(%dma_start3A_343 : memref<128xi32, #tpu.memory_space<vmem>>) semaphore(%run_scoped3A_340 : memref<!tpu.dma_semaphore, #tpu.memory_space<semaphore_mem>>) {add = true}
        %dma_wait3A_347 = arith.constant 0 : i32
        %dma_wait3A_348 = tpu.memref_slice %arg6[%add3A_224, %dma_wait3A_347] : memref<79x128xi32, #tpu.memory_space<vmem>> -> memref<1x128xi32, #tpu.memory_space<vmem>>
        %dma_wait3A_349 = tpu.memref_squeeze %dma_wait3A_348 : memref<1x128xi32, #tpu.memory_space<vmem>> -> memref<128xi32, #tpu.memory_space<vmem>>
        %dma_wait3A_350 = arith.constant 0 : i32
        %dma_wait3A_351 = arith.constant 0 : i32
        %dma_wait3A_352 = tpu.memref_slice %arg15[%dma_wait3A_350, %dma_wait3A_351] : memref<10240x40xf32, #tpu.memory_space<vmem_shared>> -> memref<10240x40xf32, #tpu.memory_space<vmem_shared>>
        tpu.wait_indirect_dma semaphore(%run_scoped3A_340 : memref<!tpu.dma_semaphore, #tpu.memory_space<semaphore_mem>>) src(%arg8 : memref<128x40xf32, #tpu.memory_space<vmem>>) dst(%dma_wait3A_352 : memref<10240x40xf32, #tpu.memory_space<vmem_shared>>)
        tpu.yield
      }) : () -> ()
      %add3A_232 = arith.constant 8 : i32
      %add3A_233 = arith.addi %add3A_224, %add3A_232 : i32
      %lt3A_234 = arith.cmpi slt, %add3A_233, %sub3A_47 : i32
      %convert_element_type3A_235 = arith.extui %lt3A_234 : i1 to i32
      %cond3A_236 = arith.constant 0 : i32
      %cond3A_237 = arith.cmpi ne, %convert_element_type3A_235, %cond3A_236 : i32
      scf.if %cond3A_237 {
        %add3A_340 = arith.constant 8 : i32
        %add3A_341 = arith.addi %add3A_224, %add3A_340 : i32
        %dma_start3A_342 = arith.constant 0 : i32
        %dma_start3A_343 = tpu.memref_slice %arg5[%add3A_341, %dma_start3A_342] : memref<79x128xi32, #tpu.memory_space<vmem>> -> memref<1x128xi32, #tpu.memory_space<vmem>>
        %dma_start3A_344 = tpu.memref_squeeze %dma_start3A_343 : memref<1x128xi32, #tpu.memory_space<vmem>> -> memref<128xi32, #tpu.memory_space<vmem>>
        %dma_start3A_345 = arith.constant 0 : i32
        %dma_start3A_346 = arith.constant 0 : i32
        %dma_start3A_347 = tpu.memref_slice %arg3[%dma_start3A_345, %dma_start3A_346] : memref<10000x40xf32, #tpu.memory_space<hbm>> -> memref<10000x40xf32, #tpu.memory_space<hbm>>
        tpu.enqueue_indirect_dma source(%dma_start3A_347 : memref<10000x40xf32, #tpu.memory_space<hbm>>) target(%arg8 : memref<128x40xf32, #tpu.memory_space<vmem>>) offsets(%dma_start3A_344 : memref<128xi32, #tpu.memory_space<vmem>>) semaphore(%arg16 : memref<!tpu.dma_semaphore, #tpu.memory_space<semaphore_mem>>)
      } else {
      }
      %mul3A_238 = arith.constant 8 : i32
      %mul3A_239 = arith.muli %while3A_204, %mul3A_238 : i32
      %add3A_240 = arith.constant 2 : i32
      %add3A_241 = arith.addi %mul3A_239, %add3A_240 : i32
      %dma_wait3A_242 = arith.constant 0 : i32
      %dma_wait3A_243 = arith.constant 0 : i32
      %dma_wait3A_244 = tpu.memref_slice %arg5[%dma_wait3A_242, %dma_wait3A_243] : memref<79x128xi32, #tpu.memory_space<vmem>> -> memref<1x128xi32, #tpu.memory_space<vmem>>
      %dma_wait3A_245 = tpu.memref_squeeze %dma_wait3A_244 : memref<1x128xi32, #tpu.memory_space<vmem>> -> memref<128xi32, #tpu.memory_space<vmem>>
      %dma_wait3A_246 = arith.constant 0 : i32
      %dma_wait3A_247 = arith.constant 0 : i32
      %dma_wait3A_248 = tpu.memref_slice %arg3[%dma_wait3A_246, %dma_wait3A_247] : memref<10000x40xf32, #tpu.memory_space<hbm>> -> memref<10000x40xf32, #tpu.memory_space<hbm>>
      tpu.wait_indirect_dma semaphore(%arg16 : memref<!tpu.dma_semaphore, #tpu.memory_space<semaphore_mem>>) src(%dma_wait3A_248 : memref<10000x40xf32, #tpu.memory_space<hbm>>) dst(%arg9 : memref<128x40xf32, #tpu.memory_space<vmem>>)
      "tpu.region"() ({
        %run_scoped3A_340 = tpu.sem_alloc : memref<!tpu.dma_semaphore, #tpu.memory_space<semaphore_mem>>
        %dma_start3A_341 = arith.constant 0 : i32
        %dma_start3A_342 = tpu.memref_slice %arg6[%add3A_241, %dma_start3A_341] : memref<79x128xi32, #tpu.memory_space<vmem>> -> memref<1x128xi32, #tpu.memory_space<vmem>>
        %dma_start3A_343 = tpu.memref_squeeze %dma_start3A_342 : memref<1x128xi32, #tpu.memory_space<vmem>> -> memref<128xi32, #tpu.memory_space<vmem>>
        %dma_start3A_344 = arith.constant 0 : i32
        %dma_start3A_345 = arith.constant 0 : i32
        %dma_start3A_346 = tpu.memref_slice %arg15[%dma_start3A_344, %dma_start3A_345] : memref<10240x40xf32, #tpu.memory_space<vmem_shared>> -> memref<10240x40xf32, #tpu.memory_space<vmem_shared>>
        tpu.enqueue_indirect_dma source(%arg9 : memref<128x40xf32, #tpu.memory_space<vmem>>) target(%dma_start3A_346 : memref<10240x40xf32, #tpu.memory_space<vmem_shared>>) offsets(%dma_start3A_343 : memref<128xi32, #tpu.memory_space<vmem>>) semaphore(%run_scoped3A_340 : memref<!tpu.dma_semaphore, #tpu.memory_space<semaphore_mem>>) {add = true}
        %dma_wait3A_347 = arith.constant 0 : i32
        %dma_wait3A_348 = tpu.memref_slice %arg6[%add3A_241, %dma_wait3A_347] : memref<79x128xi32, #tpu.memory_space<vmem>> -> memref<1x128xi32, #tpu.memory_space<vmem>>
        %dma_wait3A_349 = tpu.memref_squeeze %dma_wait3A_348 : memref<1x128xi32, #tpu.memory_space<vmem>> -> memref<128xi32, #tpu.memory_space<vmem>>
        %dma_wait3A_350 = arith.constant 0 : i32
        %dma_wait3A_351 = arith.constant 0 : i32
        %dma_wait3A_352 = tpu.memref_slice %arg15[%dma_wait3A_350, %dma_wait3A_351] : memref<10240x40xf32, #tpu.memory_space<vmem_shared>> -> memref<10240x40xf32, #tpu.memory_space<vmem_shared>>
        tpu.wait_indirect_dma semaphore(%run_scoped3A_340 : memref<!tpu.dma_semaphore, #tpu.memory_space<semaphore_mem>>) src(%arg9 : memref<128x40xf32, #tpu.memory_space<vmem>>) dst(%dma_wait3A_352 : memref<10240x40xf32, #tpu.memory_space<vmem_shared>>)
        tpu.yield
      }) : () -> ()
      %add3A_249 = arith.constant 8 : i32
      %add3A_250 = arith.addi %add3A_241, %add3A_249 : i32
      %lt3A_251 = arith.cmpi slt, %add3A_250, %sub3A_47 : i32
      %convert_element_type3A_252 = arith.extui %lt3A_251 : i1 to i32
      %cond3A_253 = arith.constant 0 : i32
      %cond3A_254 = arith.cmpi ne, %convert_element_type3A_252, %cond3A_253 : i32
      scf.if %cond3A_254 {
        %add3A_340 = arith.constant 8 : i32
        %add3A_341 = arith.addi %add3A_241, %add3A_340 : i32
        %dma_start3A_342 = arith.constant 0 : i32
        %dma_start3A_343 = tpu.memref_slice %arg5[%add3A_341, %dma_start3A_342] : memref<79x128xi32, #tpu.memory_space<vmem>> -> memref<1x128xi32, #tpu.memory_space<vmem>>
        %dma_start3A_344 = tpu.memref_squeeze %dma_start3A_343 : memref<1x128xi32, #tpu.memory_space<vmem>> -> memref<128xi32, #tpu.memory_space<vmem>>
        %dma_start3A_345 = arith.constant 0 : i32
        %dma_start3A_346 = arith.constant 0 : i32
        %dma_start3A_347 = tpu.memref_slice %arg3[%dma_start3A_345, %dma_start3A_346] : memref<10000x40xf32, #tpu.memory_space<hbm>> -> memref<10000x40xf32, #tpu.memory_space<hbm>>
        tpu.enqueue_indirect_dma source(%dma_start3A_347 : memref<10000x40xf32, #tpu.memory_space<hbm>>) target(%arg9 : memref<128x40xf32, #tpu.memory_space<vmem>>) offsets(%dma_start3A_344 : memref<128xi32, #tpu.memory_space<vmem>>) semaphore(%arg16 : memref<!tpu.dma_semaphore, #tpu.memory_space<semaphore_mem>>)
      } else {
      }
      %mul3A_255 = arith.constant 8 : i32
      %mul3A_256 = arith.muli %while3A_204, %mul3A_255 : i32
      %add3A_257 = arith.constant 3 : i32
      %add3A_258 = arith.addi %mul3A_256, %add3A_257 : i32
      %dma_wait3A_259 = arith.constant 0 : i32
      %dma_wait3A_260 = arith.constant 0 : i32
      %dma_wait3A_261 = tpu.memref_slice %arg5[%dma_wait3A_259, %dma_wait3A_260] : memref<79x128xi32, #tpu.memory_space<vmem>> -> memref<1x128xi32, #tpu.memory_space<vmem>>
      %dma_wait3A_262 = tpu.memref_squeeze %dma_wait3A_261 : memref<1x128xi32, #tpu.memory_space<vmem>> -> memref<128xi32, #tpu.memory_space<vmem>>
      %dma_wait3A_263 = arith.constant 0 : i32
      %dma_wait3A_264 = arith.constant 0 : i32
      %dma_wait3A_265 = tpu.memref_slice %arg3[%dma_wait3A_263, %dma_wait3A_264] : memref<10000x40xf32, #tpu.memory_space<hbm>> -> memref<10000x40xf32, #tpu.memory_space<hbm>>
      tpu.wait_indirect_dma semaphore(%arg16 : memref<!tpu.dma_semaphore, #tpu.memory_space<semaphore_mem>>) src(%dma_wait3A_265 : memref<10000x40xf32, #tpu.memory_space<hbm>>) dst(%arg10 : memref<128x40xf32, #tpu.memory_space<vmem>>)
      "tpu.region"() ({
        %run_scoped3A_340 = tpu.sem_alloc : memref<!tpu.dma_semaphore, #tpu.memory_space<semaphore_mem>>
        %dma_start3A_341 = arith.constant 0 : i32
        %dma_start3A_342 = tpu.memref_slice %arg6[%add3A_258, %dma_start3A_341] : memref<79x128xi32, #tpu.memory_space<vmem>> -> memref<1x128xi32, #tpu.memory_space<vmem>>
        %dma_start3A_343 = tpu.memref_squeeze %dma_start3A_342 : memref<1x128xi32, #tpu.memory_space<vmem>> -> memref<128xi32, #tpu.memory_space<vmem>>
        %dma_start3A_344 = arith.constant 0 : i32
        %dma_start3A_345 = arith.constant 0 : i32
        %dma_start3A_346 = tpu.memref_slice %arg15[%dma_start3A_344, %dma_start3A_345] : memref<10240x40xf32, #tpu.memory_space<vmem_shared>> -> memref<10240x40xf32, #tpu.memory_space<vmem_shared>>
        tpu.enqueue_indirect_dma source(%arg10 : memref<128x40xf32, #tpu.memory_space<vmem>>) target(%dma_start3A_346 : memref<10240x40xf32, #tpu.memory_space<vmem_shared>>) offsets(%dma_start3A_343 : memref<128xi32, #tpu.memory_space<vmem>>) semaphore(%run_scoped3A_340 : memref<!tpu.dma_semaphore, #tpu.memory_space<semaphore_mem>>) {add = true}
        %dma_wait3A_347 = arith.constant 0 : i32
        %dma_wait3A_348 = tpu.memref_slice %arg6[%add3A_258, %dma_wait3A_347] : memref<79x128xi32, #tpu.memory_space<vmem>> -> memref<1x128xi32, #tpu.memory_space<vmem>>
        %dma_wait3A_349 = tpu.memref_squeeze %dma_wait3A_348 : memref<1x128xi32, #tpu.memory_space<vmem>> -> memref<128xi32, #tpu.memory_space<vmem>>
        %dma_wait3A_350 = arith.constant 0 : i32
        %dma_wait3A_351 = arith.constant 0 : i32
        %dma_wait3A_352 = tpu.memref_slice %arg15[%dma_wait3A_350, %dma_wait3A_351] : memref<10240x40xf32, #tpu.memory_space<vmem_shared>> -> memref<10240x40xf32, #tpu.memory_space<vmem_shared>>
        tpu.wait_indirect_dma semaphore(%run_scoped3A_340 : memref<!tpu.dma_semaphore, #tpu.memory_space<semaphore_mem>>) src(%arg10 : memref<128x40xf32, #tpu.memory_space<vmem>>) dst(%dma_wait3A_352 : memref<10240x40xf32, #tpu.memory_space<vmem_shared>>)
        tpu.yield
      }) : () -> ()
      %add3A_266 = arith.constant 8 : i32
      %add3A_267 = arith.addi %add3A_258, %add3A_266 : i32
      %lt3A_268 = arith.cmpi slt, %add3A_267, %sub3A_47 : i32
      %convert_element_type3A_269 = arith.extui %lt3A_268 : i1 to i32
      %cond3A_270 = arith.constant 0 : i32
      %cond3A_271 = arith.cmpi ne, %convert_element_type3A_269, %cond3A_270 : i32
      scf.if %cond3A_271 {
        %add3A_340 = arith.constant 8 : i32
        %add3A_341 = arith.addi %add3A_258, %add3A_340 : i32
        %dma_start3A_342 = arith.constant 0 : i32
        %dma_start3A_343 = tpu.memref_slice %arg5[%add3A_341, %dma_start3A_342] : memref<79x128xi32, #tpu.memory_space<vmem>> -> memref<1x128xi32, #tpu.memory_space<vmem>>
        %dma_start3A_344 = tpu.memref_squeeze %dma_start3A_343 : memref<1x128xi32, #tpu.memory_space<vmem>> -> memref<128xi32, #tpu.memory_space<vmem>>
        %dma_start3A_345 = arith.constant 0 : i32
        %dma_start3A_346 = arith.constant 0 : i32
        %dma_start3A_347 = tpu.memref_slice %arg3[%dma_start3A_345, %dma_start3A_346] : memref<10000x40xf32, #tpu.memory_space<hbm>> -> memref<10000x40xf32, #tpu.memory_space<hbm>>
        tpu.enqueue_indirect_dma source(%dma_start3A_347 : memref<10000x40xf32, #tpu.memory_space<hbm>>) target(%arg10 : memref<128x40xf32, #tpu.memory_space<vmem>>) offsets(%dma_start3A_344 : memref<128xi32, #tpu.memory_space<vmem>>) semaphore(%arg16 : memref<!tpu.dma_semaphore, #tpu.memory_space<semaphore_mem>>)
      } else {
      }
      %mul3A_272 = arith.constant 8 : i32
      %mul3A_273 = arith.muli %while3A_204, %mul3A_272 : i32
      %add3A_274 = arith.constant 4 : i32
      %add3A_275 = arith.addi %mul3A_273, %add3A_274 : i32
      %dma_wait3A_276 = arith.constant 0 : i32
      %dma_wait3A_277 = arith.constant 0 : i32
      %dma_wait3A_278 = tpu.memref_slice %arg5[%dma_wait3A_276, %dma_wait3A_277] : memref<79x128xi32, #tpu.memory_space<vmem>> -> memref<1x128xi32, #tpu.memory_space<vmem>>
      %dma_wait3A_279 = tpu.memref_squeeze %dma_wait3A_278 : memref<1x128xi32, #tpu.memory_space<vmem>> -> memref<128xi32, #tpu.memory_space<vmem>>
      %dma_wait3A_280 = arith.constant 0 : i32
      %dma_wait3A_281 = arith.constant 0 : i32
      %dma_wait3A_282 = tpu.memref_slice %arg3[%dma_wait3A_280, %dma_wait3A_281] : memref<10000x40xf32, #tpu.memory_space<hbm>> -> memref<10000x40xf32, #tpu.memory_space<hbm>>
      tpu.wait_indirect_dma semaphore(%arg16 : memref<!tpu.dma_semaphore, #tpu.memory_space<semaphore_mem>>) src(%dma_wait3A_282 : memref<10000x40xf32, #tpu.memory_space<hbm>>) dst(%arg11 : memref<128x40xf32, #tpu.memory_space<vmem>>)
      "tpu.region"() ({
        %run_scoped3A_340 = tpu.sem_alloc : memref<!tpu.dma_semaphore, #tpu.memory_space<semaphore_mem>>
        %dma_start3A_341 = arith.constant 0 : i32
        %dma_start3A_342 = tpu.memref_slice %arg6[%add3A_275, %dma_start3A_341] : memref<79x128xi32, #tpu.memory_space<vmem>> -> memref<1x128xi32, #tpu.memory_space<vmem>>
        %dma_start3A_343 = tpu.memref_squeeze %dma_start3A_342 : memref<1x128xi32, #tpu.memory_space<vmem>> -> memref<128xi32, #tpu.memory_space<vmem>>
        %dma_start3A_344 = arith.constant 0 : i32
        %dma_start3A_345 = arith.constant 0 : i32
        %dma_start3A_346 = tpu.memref_slice %arg15[%dma_start3A_344, %dma_start3A_345] : memref<10240x40xf32, #tpu.memory_space<vmem_shared>> -> memref<10240x40xf32, #tpu.memory_space<vmem_shared>>
        tpu.enqueue_indirect_dma source(%arg11 : memref<128x40xf32, #tpu.memory_space<vmem>>) target(%dma_start3A_346 : memref<10240x40xf32, #tpu.memory_space<vmem_shared>>) offsets(%dma_start3A_343 : memref<128xi32, #tpu.memory_space<vmem>>) semaphore(%run_scoped3A_340 : memref<!tpu.dma_semaphore, #tpu.memory_space<semaphore_mem>>) {add = true}
        %dma_wait3A_347 = arith.constant 0 : i32
        %dma_wait3A_348 = tpu.memref_slice %arg6[%add3A_275, %dma_wait3A_347] : memref<79x128xi32, #tpu.memory_space<vmem>> -> memref<1x128xi32, #tpu.memory_space<vmem>>
        %dma_wait3A_349 = tpu.memref_squeeze %dma_wait3A_348 : memref<1x128xi32, #tpu.memory_space<vmem>> -> memref<128xi32, #tpu.memory_space<vmem>>
        %dma_wait3A_350 = arith.constant 0 : i32
        %dma_wait3A_351 = arith.constant 0 : i32
        %dma_wait3A_352 = tpu.memref_slice %arg15[%dma_wait3A_350, %dma_wait3A_351] : memref<10240x40xf32, #tpu.memory_space<vmem_shared>> -> memref<10240x40xf32, #tpu.memory_space<vmem_shared>>
        tpu.wait_indirect_dma semaphore(%run_scoped3A_340 : memref<!tpu.dma_semaphore, #tpu.memory_space<semaphore_mem>>) src(%arg11 : memref<128x40xf32, #tpu.memory_space<vmem>>) dst(%dma_wait3A_352 : memref<10240x40xf32, #tpu.memory_space<vmem_shared>>)
        tpu.yield
      }) : () -> ()
      %add3A_283 = arith.constant 8 : i32
      %add3A_284 = arith.addi %add3A_275, %add3A_283 : i32
      %lt3A_285 = arith.cmpi slt, %add3A_284, %sub3A_47 : i32
      %convert_element_type3A_286 = arith.extui %lt3A_285 : i1 to i32
      %cond3A_287 = arith.constant 0 : i32
      %cond3A_288 = arith.cmpi ne, %convert_element_type3A_286, %cond3A_287 : i32
      scf.if %cond3A_288 {
        %add3A_340 = arith.constant 8 : i32
        %add3A_341 = arith.addi %add3A_275, %add3A_340 : i32
        %dma_start3A_342 = arith.constant 0 : i32
        %dma_start3A_343 = tpu.memref_slice %arg5[%add3A_341, %dma_start3A_342] : memref<79x128xi32, #tpu.memory_space<vmem>> -> memref<1x128xi32, #tpu.memory_space<vmem>>
        %dma_start3A_344 = tpu.memref_squeeze %dma_start3A_343 : memref<1x128xi32, #tpu.memory_space<vmem>> -> memref<128xi32, #tpu.memory_space<vmem>>
        %dma_start3A_345 = arith.constant 0 : i32
        %dma_start3A_346 = arith.constant 0 : i32
        %dma_start3A_347 = tpu.memref_slice %arg3[%dma_start3A_345, %dma_start3A_346] : memref<10000x40xf32, #tpu.memory_space<hbm>> -> memref<10000x40xf32, #tpu.memory_space<hbm>>
        tpu.enqueue_indirect_dma source(%dma_start3A_347 : memref<10000x40xf32, #tpu.memory_space<hbm>>) target(%arg11 : memref<128x40xf32, #tpu.memory_space<vmem>>) offsets(%dma_start3A_344 : memref<128xi32, #tpu.memory_space<vmem>>) semaphore(%arg16 : memref<!tpu.dma_semaphore, #tpu.memory_space<semaphore_mem>>)
      } else {
      }
      %mul3A_289 = arith.constant 8 : i32
      %mul3A_290 = arith.muli %while3A_204, %mul3A_289 : i32
      %add3A_291 = arith.constant 5 : i32
      %add3A_292 = arith.addi %mul3A_290, %add3A_291 : i32
      %dma_wait3A_293 = arith.constant 0 : i32
      %dma_wait3A_294 = arith.constant 0 : i32
      %dma_wait3A_295 = tpu.memref_slice %arg5[%dma_wait3A_293, %dma_wait3A_294] : memref<79x128xi32, #tpu.memory_space<vmem>> -> memref<1x128xi32, #tpu.memory_space<vmem>>
      %dma_wait3A_296 = tpu.memref_squeeze %dma_wait3A_295 : memref<1x128xi32, #tpu.memory_space<vmem>> -> memref<128xi32, #tpu.memory_space<vmem>>
      %dma_wait3A_297 = arith.constant 0 : i32
      %dma_wait3A_298 = arith.constant 0 : i32
      %dma_wait3A_299 = tpu.memref_slice %arg3[%dma_wait3A_297, %dma_wait3A_298] : memref<10000x40xf32, #tpu.memory_space<hbm>> -> memref<10000x40xf32, #tpu.memory_space<hbm>>
      tpu.wait_indirect_dma semaphore(%arg16 : memref<!tpu.dma_semaphore, #tpu.memory_space<semaphore_mem>>) src(%dma_wait3A_299 : memref<10000x40xf32, #tpu.memory_space<hbm>>) dst(%arg12 : memref<128x40xf32, #tpu.memory_space<vmem>>)
      "tpu.region"() ({
        %run_scoped3A_340 = tpu.sem_alloc : memref<!tpu.dma_semaphore, #tpu.memory_space<semaphore_mem>>
        %dma_start3A_341 = arith.constant 0 : i32
        %dma_start3A_342 = tpu.memref_slice %arg6[%add3A_292, %dma_start3A_341] : memref<79x128xi32, #tpu.memory_space<vmem>> -> memref<1x128xi32, #tpu.memory_space<vmem>>
        %dma_start3A_343 = tpu.memref_squeeze %dma_start3A_342 : memref<1x128xi32, #tpu.memory_space<vmem>> -> memref<128xi32, #tpu.memory_space<vmem>>
        %dma_start3A_344 = arith.constant 0 : i32
        %dma_start3A_345 = arith.constant 0 : i32
        %dma_start3A_346 = tpu.memref_slice %arg15[%dma_start3A_344, %dma_start3A_345] : memref<10240x40xf32, #tpu.memory_space<vmem_shared>> -> memref<10240x40xf32, #tpu.memory_space<vmem_shared>>
        tpu.enqueue_indirect_dma source(%arg12 : memref<128x40xf32, #tpu.memory_space<vmem>>) target(%dma_start3A_346 : memref<10240x40xf32, #tpu.memory_space<vmem_shared>>) offsets(%dma_start3A_343 : memref<128xi32, #tpu.memory_space<vmem>>) semaphore(%run_scoped3A_340 : memref<!tpu.dma_semaphore, #tpu.memory_space<semaphore_mem>>) {add = true}
        %dma_wait3A_347 = arith.constant 0 : i32
        %dma_wait3A_348 = tpu.memref_slice %arg6[%add3A_292, %dma_wait3A_347] : memref<79x128xi32, #tpu.memory_space<vmem>> -> memref<1x128xi32, #tpu.memory_space<vmem>>
        %dma_wait3A_349 = tpu.memref_squeeze %dma_wait3A_348 : memref<1x128xi32, #tpu.memory_space<vmem>> -> memref<128xi32, #tpu.memory_space<vmem>>
        %dma_wait3A_350 = arith.constant 0 : i32
        %dma_wait3A_351 = arith.constant 0 : i32
        %dma_wait3A_352 = tpu.memref_slice %arg15[%dma_wait3A_350, %dma_wait3A_351] : memref<10240x40xf32, #tpu.memory_space<vmem_shared>> -> memref<10240x40xf32, #tpu.memory_space<vmem_shared>>
        tpu.wait_indirect_dma semaphore(%run_scoped3A_340 : memref<!tpu.dma_semaphore, #tpu.memory_space<semaphore_mem>>) src(%arg12 : memref<128x40xf32, #tpu.memory_space<vmem>>) dst(%dma_wait3A_352 : memref<10240x40xf32, #tpu.memory_space<vmem_shared>>)
        tpu.yield
      }) : () -> ()
      %add3A_300 = arith.constant 8 : i32
      %add3A_301 = arith.addi %add3A_292, %add3A_300 : i32
      %lt3A_302 = arith.cmpi slt, %add3A_301, %sub3A_47 : i32
      %convert_element_type3A_303 = arith.extui %lt3A_302 : i1 to i32
      %cond3A_304 = arith.constant 0 : i32
      %cond3A_305 = arith.cmpi ne, %convert_element_type3A_303, %cond3A_304 : i32
      scf.if %cond3A_305 {
        %add3A_340 = arith.constant 8 : i32
        %add3A_341 = arith.addi %add3A_292, %add3A_340 : i32
        %dma_start3A_342 = arith.constant 0 : i32
        %dma_start3A_343 = tpu.memref_slice %arg5[%add3A_341, %dma_start3A_342] : memref<79x128xi32, #tpu.memory_space<vmem>> -> memref<1x128xi32, #tpu.memory_space<vmem>>
        %dma_start3A_344 = tpu.memref_squeeze %dma_start3A_343 : memref<1x128xi32, #tpu.memory_space<vmem>> -> memref<128xi32, #tpu.memory_space<vmem>>
        %dma_start3A_345 = arith.constant 0 : i32
        %dma_start3A_346 = arith.constant 0 : i32
        %dma_start3A_347 = tpu.memref_slice %arg3[%dma_start3A_345, %dma_start3A_346] : memref<10000x40xf32, #tpu.memory_space<hbm>> -> memref<10000x40xf32, #tpu.memory_space<hbm>>
        tpu.enqueue_indirect_dma source(%dma_start3A_347 : memref<10000x40xf32, #tpu.memory_space<hbm>>) target(%arg12 : memref<128x40xf32, #tpu.memory_space<vmem>>) offsets(%dma_start3A_344 : memref<128xi32, #tpu.memory_space<vmem>>) semaphore(%arg16 : memref<!tpu.dma_semaphore, #tpu.memory_space<semaphore_mem>>)
      } else {
      }
      %mul3A_306 = arith.constant 8 : i32
      %mul3A_307 = arith.muli %while3A_204, %mul3A_306 : i32
      %add3A_308 = arith.constant 6 : i32
      %add3A_309 = arith.addi %mul3A_307, %add3A_308 : i32
      %dma_wait3A_310 = arith.constant 0 : i32
      %dma_wait3A_311 = arith.constant 0 : i32
      %dma_wait3A_312 = tpu.memref_slice %arg5[%dma_wait3A_310, %dma_wait3A_311] : memref<79x128xi32, #tpu.memory_space<vmem>> -> memref<1x128xi32, #tpu.memory_space<vmem>>
      %dma_wait3A_313 = tpu.memref_squeeze %dma_wait3A_312 : memref<1x128xi32, #tpu.memory_space<vmem>> -> memref<128xi32, #tpu.memory_space<vmem>>
      %dma_wait3A_314 = arith.constant 0 : i32
      %dma_wait3A_315 = arith.constant 0 : i32
      %dma_wait3A_316 = tpu.memref_slice %arg3[%dma_wait3A_314, %dma_wait3A_315] : memref<10000x40xf32, #tpu.memory_space<hbm>> -> memref<10000x40xf32, #tpu.memory_space<hbm>>
      tpu.wait_indirect_dma semaphore(%arg16 : memref<!tpu.dma_semaphore, #tpu.memory_space<semaphore_mem>>) src(%dma_wait3A_316 : memref<10000x40xf32, #tpu.memory_space<hbm>>) dst(%arg13 : memref<128x40xf32, #tpu.memory_space<vmem>>)
      "tpu.region"() ({
        %run_scoped3A_340 = tpu.sem_alloc : memref<!tpu.dma_semaphore, #tpu.memory_space<semaphore_mem>>
        %dma_start3A_341 = arith.constant 0 : i32
        %dma_start3A_342 = tpu.memref_slice %arg6[%add3A_309, %dma_start3A_341] : memref<79x128xi32, #tpu.memory_space<vmem>> -> memref<1x128xi32, #tpu.memory_space<vmem>>
        %dma_start3A_343 = tpu.memref_squeeze %dma_start3A_342 : memref<1x128xi32, #tpu.memory_space<vmem>> -> memref<128xi32, #tpu.memory_space<vmem>>
        %dma_start3A_344 = arith.constant 0 : i32
        %dma_start3A_345 = arith.constant 0 : i32
        %dma_start3A_346 = tpu.memref_slice %arg15[%dma_start3A_344, %dma_start3A_345] : memref<10240x40xf32, #tpu.memory_space<vmem_shared>> -> memref<10240x40xf32, #tpu.memory_space<vmem_shared>>
        tpu.enqueue_indirect_dma source(%arg13 : memref<128x40xf32, #tpu.memory_space<vmem>>) target(%dma_start3A_346 : memref<10240x40xf32, #tpu.memory_space<vmem_shared>>) offsets(%dma_start3A_343 : memref<128xi32, #tpu.memory_space<vmem>>) semaphore(%run_scoped3A_340 : memref<!tpu.dma_semaphore, #tpu.memory_space<semaphore_mem>>) {add = true}
        %dma_wait3A_347 = arith.constant 0 : i32
        %dma_wait3A_348 = tpu.memref_slice %arg6[%add3A_309, %dma_wait3A_347] : memref<79x128xi32, #tpu.memory_space<vmem>> -> memref<1x128xi32, #tpu.memory_space<vmem>>
        %dma_wait3A_349 = tpu.memref_squeeze %dma_wait3A_348 : memref<1x128xi32, #tpu.memory_space<vmem>> -> memref<128xi32, #tpu.memory_space<vmem>>
        %dma_wait3A_350 = arith.constant 0 : i32
        %dma_wait3A_351 = arith.constant 0 : i32
        %dma_wait3A_352 = tpu.memref_slice %arg15[%dma_wait3A_350, %dma_wait3A_351] : memref<10240x40xf32, #tpu.memory_space<vmem_shared>> -> memref<10240x40xf32, #tpu.memory_space<vmem_shared>>
        tpu.wait_indirect_dma semaphore(%run_scoped3A_340 : memref<!tpu.dma_semaphore, #tpu.memory_space<semaphore_mem>>) src(%arg13 : memref<128x40xf32, #tpu.memory_space<vmem>>) dst(%dma_wait3A_352 : memref<10240x40xf32, #tpu.memory_space<vmem_shared>>)
        tpu.yield
      }) : () -> ()
      %add3A_317 = arith.constant 8 : i32
      %add3A_318 = arith.addi %add3A_309, %add3A_317 : i32
      %lt3A_319 = arith.cmpi slt, %add3A_318, %sub3A_47 : i32
      %convert_element_type3A_320 = arith.extui %lt3A_319 : i1 to i32
      %cond3A_321 = arith.constant 0 : i32
      %cond3A_322 = arith.cmpi ne, %convert_element_type3A_320, %cond3A_321 : i32
      scf.if %cond3A_322 {
        %add3A_340 = arith.constant 8 : i32
        %add3A_341 = arith.addi %add3A_309, %add3A_340 : i32
        %dma_start3A_342 = arith.constant 0 : i32
        %dma_start3A_343 = tpu.memref_slice %arg5[%add3A_341, %dma_start3A_342] : memref<79x128xi32, #tpu.memory_space<vmem>> -> memref<1x128xi32, #tpu.memory_space<vmem>>
        %dma_start3A_344 = tpu.memref_squeeze %dma_start3A_343 : memref<1x128xi32, #tpu.memory_space<vmem>> -> memref<128xi32, #tpu.memory_space<vmem>>
        %dma_start3A_345 = arith.constant 0 : i32
        %dma_start3A_346 = arith.constant 0 : i32
        %dma_start3A_347 = tpu.memref_slice %arg3[%dma_start3A_345, %dma_start3A_346] : memref<10000x40xf32, #tpu.memory_space<hbm>> -> memref<10000x40xf32, #tpu.memory_space<hbm>>
        tpu.enqueue_indirect_dma source(%dma_start3A_347 : memref<10000x40xf32, #tpu.memory_space<hbm>>) target(%arg13 : memref<128x40xf32, #tpu.memory_space<vmem>>) offsets(%dma_start3A_344 : memref<128xi32, #tpu.memory_space<vmem>>) semaphore(%arg16 : memref<!tpu.dma_semaphore, #tpu.memory_space<semaphore_mem>>)
      } else {
      }
      %mul3A_323 = arith.constant 8 : i32
      %mul3A_324 = arith.muli %while3A_204, %mul3A_323 : i32
      %add3A_325 = arith.constant 7 : i32
      %add3A_326 = arith.addi %mul3A_324, %add3A_325 : i32
      %dma_wait3A_327 = arith.constant 0 : i32
      %dma_wait3A_328 = arith.constant 0 : i32
      %dma_wait3A_329 = tpu.memref_slice %arg5[%dma_wait3A_327, %dma_wait3A_328] : memref<79x128xi32, #tpu.memory_space<vmem>> -> memref<1x128xi32, #tpu.memory_space<vmem>>
      %dma_wait3A_330 = tpu.memref_squeeze %dma_wait3A_329 : memref<1x128xi32, #tpu.memory_space<vmem>> -> memref<128xi32, #tpu.memory_space<vmem>>
      %dma_wait3A_331 = arith.constant 0 : i32
      %dma_wait3A_332 = arith.constant 0 : i32
      %dma_wait3A_333 = tpu.memref_slice %arg3[%dma_wait3A_331, %dma_wait3A_332] : memref<10000x40xf32, #tpu.memory_space<hbm>> -> memref<10000x40xf32, #tpu.memory_space<hbm>>
      tpu.wait_indirect_dma semaphore(%arg16 : memref<!tpu.dma_semaphore, #tpu.memory_space<semaphore_mem>>) src(%dma_wait3A_333 : memref<10000x40xf32, #tpu.memory_space<hbm>>) dst(%arg14 : memref<128x40xf32, #tpu.memory_space<vmem>>)
      "tpu.region"() ({
        %run_scoped3A_340 = tpu.sem_alloc : memref<!tpu.dma_semaphore, #tpu.memory_space<semaphore_mem>>
        %dma_start3A_341 = arith.constant 0 : i32
        %dma_start3A_342 = tpu.memref_slice %arg6[%add3A_326, %dma_start3A_341] : memref<79x128xi32, #tpu.memory_space<vmem>> -> memref<1x128xi32, #tpu.memory_space<vmem>>
        %dma_start3A_343 = tpu.memref_squeeze %dma_start3A_342 : memref<1x128xi32, #tpu.memory_space<vmem>> -> memref<128xi32, #tpu.memory_space<vmem>>
        %dma_start3A_344 = arith.constant 0 : i32
        %dma_start3A_345 = arith.constant 0 : i32
        %dma_start3A_346 = tpu.memref_slice %arg15[%dma_start3A_344, %dma_start3A_345] : memref<10240x40xf32, #tpu.memory_space<vmem_shared>> -> memref<10240x40xf32, #tpu.memory_space<vmem_shared>>
        tpu.enqueue_indirect_dma source(%arg14 : memref<128x40xf32, #tpu.memory_space<vmem>>) target(%dma_start3A_346 : memref<10240x40xf32, #tpu.memory_space<vmem_shared>>) offsets(%dma_start3A_343 : memref<128xi32, #tpu.memory_space<vmem>>) semaphore(%run_scoped3A_340 : memref<!tpu.dma_semaphore, #tpu.memory_space<semaphore_mem>>) {add = true}
        %dma_wait3A_347 = arith.constant 0 : i32
        %dma_wait3A_348 = tpu.memref_slice %arg6[%add3A_326, %dma_wait3A_347] : memref<79x128xi32, #tpu.memory_space<vmem>> -> memref<1x128xi32, #tpu.memory_space<vmem>>
        %dma_wait3A_349 = tpu.memref_squeeze %dma_wait3A_348 : memref<1x128xi32, #tpu.memory_space<vmem>> -> memref<128xi32, #tpu.memory_space<vmem>>
        %dma_wait3A_350 = arith.constant 0 : i32
        %dma_wait3A_351 = arith.constant 0 : i32
        %dma_wait3A_352 = tpu.memref_slice %arg15[%dma_wait3A_350, %dma_wait3A_351] : memref<10240x40xf32, #tpu.memory_space<vmem_shared>> -> memref<10240x40xf32, #tpu.memory_space<vmem_shared>>
        tpu.wait_indirect_dma semaphore(%run_scoped3A_340 : memref<!tpu.dma_semaphore, #tpu.memory_space<semaphore_mem>>) src(%arg14 : memref<128x40xf32, #tpu.memory_space<vmem>>) dst(%dma_wait3A_352 : memref<10240x40xf32, #tpu.memory_space<vmem_shared>>)
        tpu.yield
      }) : () -> ()
      %add3A_334 = arith.constant 8 : i32
      %add3A_335 = arith.addi %add3A_326, %add3A_334 : i32
      %lt3A_336 = arith.cmpi slt, %add3A_335, %sub3A_47 : i32
      %convert_element_type3A_337 = arith.extui %lt3A_336 : i1 to i32
      %cond3A_338 = arith.constant 0 : i32
      %cond3A_339 = arith.cmpi ne, %convert_element_type3A_337, %cond3A_338 : i32
      scf.if %cond3A_339 {
        %add3A_340 = arith.constant 8 : i32
        %add3A_341 = arith.addi %add3A_326, %add3A_340 : i32
        %dma_start3A_342 = arith.constant 0 : i32
        %dma_start3A_343 = tpu.memref_slice %arg5[%add3A_341, %dma_start3A_342] : memref<79x128xi32, #tpu.memory_space<vmem>> -> memref<1x128xi32, #tpu.memory_space<vmem>>
        %dma_start3A_344 = tpu.memref_squeeze %dma_start3A_343 : memref<1x128xi32, #tpu.memory_space<vmem>> -> memref<128xi32, #tpu.memory_space<vmem>>
        %dma_start3A_345 = arith.constant 0 : i32
        %dma_start3A_346 = arith.constant 0 : i32
        %dma_start3A_347 = tpu.memref_slice %arg3[%dma_start3A_345, %dma_start3A_346] : memref<10000x40xf32, #tpu.memory_space<hbm>> -> memref<10000x40xf32, #tpu.memory_space<hbm>>
        tpu.enqueue_indirect_dma source(%dma_start3A_347 : memref<10000x40xf32, #tpu.memory_space<hbm>>) target(%arg14 : memref<128x40xf32, #tpu.memory_space<vmem>>) offsets(%dma_start3A_344 : memref<128xi32, #tpu.memory_space<vmem>>) semaphore(%arg16 : memref<!tpu.dma_semaphore, #tpu.memory_space<semaphore_mem>>)
      } else {
      }
    }
    %while3A_146 = arith.constant 1 : i32
    scf.for %while3A_204 = %while3A_144 to %while3A_140 step %while3A_146  : i32 {
      %mul3A_205 = arith.constant 8 : i32
      %mul3A_206 = arith.muli %while3A_204, %mul3A_205 : i32
      %add3A_207 = arith.constant 0 : i32
      %add3A_208 = arith.addi %mul3A_206, %add3A_207 : i32
      %dma_wait3A = arith.constant 0 : i32
      %dma_wait3A_209 = arith.constant 0 : i32
      %dma_wait3A_210 = tpu.memref_slice %arg5[%dma_wait3A, %dma_wait3A_209] : memref<79x128xi32, #tpu.memory_space<vmem>> -> memref<1x128xi32, #tpu.memory_space<vmem>>
      %dma_wait3A_211 = tpu.memref_squeeze %dma_wait3A_210 : memref<1x128xi32, #tpu.memory_space<vmem>> -> memref<128xi32, #tpu.memory_space<vmem>>
      %dma_wait3A_212 = arith.constant 0 : i32
      %dma_wait3A_213 = arith.constant 0 : i32
      %dma_wait3A_214 = tpu.memref_slice %arg3[%dma_wait3A_212, %dma_wait3A_213] : memref<10000x40xf32, #tpu.memory_space<hbm>> -> memref<10000x40xf32, #tpu.memory_space<hbm>>
      tpu.wait_indirect_dma semaphore(%arg16 : memref<!tpu.dma_semaphore, #tpu.memory_space<semaphore_mem>>) src(%dma_wait3A_214 : memref<10000x40xf32, #tpu.memory_space<hbm>>) dst(%arg7 : memref<128x40xf32, #tpu.memory_space<vmem>>)
      "tpu.region"() ({
        %run_scoped3A_340 = tpu.sem_alloc : memref<!tpu.dma_semaphore, #tpu.memory_space<semaphore_mem>>
        %dma_start3A_341 = arith.constant 0 : i32
        %dma_start3A_342 = tpu.memref_slice %arg6[%add3A_208, %dma_start3A_341] : memref<79x128xi32, #tpu.memory_space<vmem>> -> memref<1x128xi32, #tpu.memory_space<vmem>>
        %dma_start3A_343 = tpu.memref_squeeze %dma_start3A_342 : memref<1x128xi32, #tpu.memory_space<vmem>> -> memref<128xi32, #tpu.memory_space<vmem>>
        %dma_start3A_344 = arith.constant 0 : i32
        %dma_start3A_345 = arith.constant 0 : i32
        %dma_start3A_346 = tpu.memref_slice %arg15[%dma_start3A_344, %dma_start3A_345] : memref<10240x40xf32, #tpu.memory_space<vmem_shared>> -> memref<10240x40xf32, #tpu.memory_space<vmem_shared>>
        tpu.enqueue_indirect_dma source(%arg7 : memref<128x40xf32, #tpu.memory_space<vmem>>) target(%dma_start3A_346 : memref<10240x40xf32, #tpu.memory_space<vmem_shared>>) offsets(%dma_start3A_343 : memref<128xi32, #tpu.memory_space<vmem>>) semaphore(%run_scoped3A_340 : memref<!tpu.dma_semaphore, #tpu.memory_space<semaphore_mem>>) {add = true}
        %dma_wait3A_347 = arith.constant 0 : i32
        %dma_wait3A_348 = tpu.memref_slice %arg6[%add3A_208, %dma_wait3A_347] : memref<79x128xi32, #tpu.memory_space<vmem>> -> memref<1x128xi32, #tpu.memory_space<vmem>>
        %dma_wait3A_349 = tpu.memref_squeeze %dma_wait3A_348 : memref<1x128xi32, #tpu.memory_space<vmem>> -> memref<128xi32, #tpu.memory_space<vmem>>
        %dma_wait3A_350 = arith.constant 0 : i32
        %dma_wait3A_351 = arith.constant 0 : i32
        %dma_wait3A_352 = tpu.memref_slice %arg15[%dma_wait3A_350, %dma_wait3A_351] : memref<10240x40xf32, #tpu.memory_space<vmem_shared>> -> memref<10240x40xf32, #tpu.memory_space<vmem_shared>>
        tpu.wait_indirect_dma semaphore(%run_scoped3A_340 : memref<!tpu.dma_semaphore, #tpu.memory_space<semaphore_mem>>) src(%arg7 : memref<128x40xf32, #tpu.memory_space<vmem>>) dst(%dma_wait3A_352 : memref<10240x40xf32, #tpu.memory_space<vmem_shared>>)
        tpu.yield
      }) : () -> ()
      %add3A_215 = arith.constant 8 : i32
      %add3A_216 = arith.addi %add3A_208, %add3A_215 : i32
      %lt3A_217 = arith.cmpi slt, %add3A_216, %sub3A_47 : i32
      %convert_element_type3A_218 = arith.extui %lt3A_217 : i1 to i32
      %cond3A_219 = arith.constant 0 : i32
      %cond3A_220 = arith.cmpi ne, %convert_element_type3A_218, %cond3A_219 : i32
      scf.if %cond3A_220 {
        %add3A_340 = arith.constant 8 : i32
        %add3A_341 = arith.addi %add3A_208, %add3A_340 : i32
        %dma_start3A_342 = arith.constant 0 : i32
        %dma_start3A_343 = tpu.memref_slice %arg5[%add3A_341, %dma_start3A_342] : memref<79x128xi32, #tpu.memory_space<vmem>> -> memref<1x128xi32, #tpu.memory_space<vmem>>
        %dma_start3A_344 = tpu.memref_squeeze %dma_start3A_343 : memref<1x128xi32, #tpu.memory_space<vmem>> -> memref<128xi32, #tpu.memory_space<vmem>>
        %dma_start3A_345 = arith.constant 0 : i32
        %dma_start3A_346 = arith.constant 0 : i32
        %dma_start3A_347 = tpu.memref_slice %arg3[%dma_start3A_345, %dma_start3A_346] : memref<10000x40xf32, #tpu.memory_space<hbm>> -> memref<10000x40xf32, #tpu.memory_space<hbm>>
        tpu.enqueue_indirect_dma source(%dma_start3A_347 : memref<10000x40xf32, #tpu.memory_space<hbm>>) target(%arg7 : memref<128x40xf32, #tpu.memory_space<vmem>>) offsets(%dma_start3A_344 : memref<128xi32, #tpu.memory_space<vmem>>) semaphore(%arg16 : memref<!tpu.dma_semaphore, #tpu.memory_space<semaphore_mem>>)
      } else {
      }
      %mul3A_221 = arith.constant 8 : i32
      %mul3A_222 = arith.muli %while3A_204, %mul3A_221 : i32
      %add3A_223 = arith.constant 1 : i32
      %add3A_224 = arith.addi %mul3A_222, %add3A_223 : i32
      %dma_wait3A_225 = arith.constant 0 : i32
      %dma_wait3A_226 = arith.constant 0 : i32
      %dma_wait3A_227 = tpu.memref_slice %arg5[%dma_wait3A_225, %dma_wait3A_226] : memref<79x128xi32, #tpu.memory_space<vmem>> -> memref<1x128xi32, #tpu.memory_space<vmem>>
      %dma_wait3A_228 = tpu.memref_squeeze %dma_wait3A_227 : memref<1x128xi32, #tpu.memory_space<vmem>> -> memref<128xi32, #tpu.memory_space<vmem>>
      %dma_wait3A_229 = arith.constant 0 : i32
      %dma_wait3A_230 = arith.constant 0 : i32
      %dma_wait3A_231 = tpu.memref_slice %arg3[%dma_wait3A_229, %dma_wait3A_230] : memref<10000x40xf32, #tpu.memory_space<hbm>> -> memref<10000x40xf32, #tpu.memory_space<hbm>>
      tpu.wait_indirect_dma semaphore(%arg16 : memref<!tpu.dma_semaphore, #tpu.memory_space<semaphore_mem>>) src(%dma_wait3A_231 : memref<10000x40xf32, #tpu.memory_space<hbm>>) dst(%arg8 : memref<128x40xf32, #tpu.memory_space<vmem>>)
      "tpu.region"() ({
        %run_scoped3A_340 = tpu.sem_alloc : memref<!tpu.dma_semaphore, #tpu.memory_space<semaphore_mem>>
        %dma_start3A_341 = arith.constant 0 : i32
        %dma_start3A_342 = tpu.memref_slice %arg6[%add3A_224, %dma_start3A_341] : memref<79x128xi32, #tpu.memory_space<vmem>> -> memref<1x128xi32, #tpu.memory_space<vmem>>
        %dma_start3A_343 = tpu.memref_squeeze %dma_start3A_342 : memref<1x128xi32, #tpu.memory_space<vmem>> -> memref<128xi32, #tpu.memory_space<vmem>>
        %dma_start3A_344 = arith.constant 0 : i32
        %dma_start3A_345 = arith.constant 0 : i32
        %dma_start3A_346 = tpu.memref_slice %arg15[%dma_start3A_344, %dma_start3A_345] : memref<10240x40xf32, #tpu.memory_space<vmem_shared>> -> memref<10240x40xf32, #tpu.memory_space<vmem_shared>>
        tpu.enqueue_indirect_dma source(%arg8 : memref<128x40xf32, #tpu.memory_space<vmem>>) target(%dma_start3A_346 : memref<10240x40xf32, #tpu.memory_space<vmem_shared>>) offsets(%dma_start3A_343 : memref<128xi32, #tpu.memory_space<vmem>>) semaphore(%run_scoped3A_340 : memref<!tpu.dma_semaphore, #tpu.memory_space<semaphore_mem>>) {add = true}
        %dma_wait3A_347 = arith.constant 0 : i32
        %dma_wait3A_348 = tpu.memref_slice %arg6[%add3A_224, %dma_wait3A_347] : memref<79x128xi32, #tpu.memory_space<vmem>> -> memref<1x128xi32, #tpu.memory_space<vmem>>
        %dma_wait3A_349 = tpu.memref_squeeze %dma_wait3A_348 : memref<1x128xi32, #tpu.memory_space<vmem>> -> memref<128xi32, #tpu.memory_space<vmem>>
        %dma_wait3A_350 = arith.constant 0 : i32
        %dma_wait3A_351 = arith.constant 0 : i32
        %dma_wait3A_352 = tpu.memref_slice %arg15[%dma_wait3A_350, %dma_wait3A_351] : memref<10240x40xf32, #tpu.memory_space<vmem_shared>> -> memref<10240x40xf32, #tpu.memory_space<vmem_shared>>
        tpu.wait_indirect_dma semaphore(%run_scoped3A_340 : memref<!tpu.dma_semaphore, #tpu.memory_space<semaphore_mem>>) src(%arg8 : memref<128x40xf32, #tpu.memory_space<vmem>>) dst(%dma_wait3A_352 : memref<10240x40xf32, #tpu.memory_space<vmem_shared>>)
        tpu.yield
      }) : () -> ()
      %add3A_232 = arith.constant 8 : i32
      %add3A_233 = arith.addi %add3A_224, %add3A_232 : i32
      %lt3A_234 = arith.cmpi slt, %add3A_233, %sub3A_47 : i32
      %convert_element_type3A_235 = arith.extui %lt3A_234 : i1 to i32
      %cond3A_236 = arith.constant 0 : i32
      %cond3A_237 = arith.cmpi ne, %convert_element_type3A_235, %cond3A_236 : i32
      scf.if %cond3A_237 {
        %add3A_340 = arith.constant 8 : i32
        %add3A_341 = arith.addi %add3A_224, %add3A_340 : i32
        %dma_start3A_342 = arith.constant 0 : i32
        %dma_start3A_343 = tpu.memref_slice %arg5[%add3A_341, %dma_start3A_342] : memref<79x128xi32, #tpu.memory_space<vmem>> -> memref<1x128xi32, #tpu.memory_space<vmem>>
        %dma_start3A_344 = tpu.memref_squeeze %dma_start3A_343 : memref<1x128xi32, #tpu.memory_space<vmem>> -> memref<128xi32, #tpu.memory_space<vmem>>
        %dma_start3A_345 = arith.constant 0 : i32
        %dma_start3A_346 = arith.constant 0 : i32
        %dma_start3A_347 = tpu.memref_slice %arg3[%dma_start3A_345, %dma_start3A_346] : memref<10000x40xf32, #tpu.memory_space<hbm>> -> memref<10000x40xf32, #tpu.memory_space<hbm>>
        tpu.enqueue_indirect_dma source(%dma_start3A_347 : memref<10000x40xf32, #tpu.memory_space<hbm>>) target(%arg8 : memref<128x40xf32, #tpu.memory_space<vmem>>) offsets(%dma_start3A_344 : memref<128xi32, #tpu.memory_space<vmem>>) semaphore(%arg16 : memref<!tpu.dma_semaphore, #tpu.memory_space<semaphore_mem>>)
      } else {
      }
      %mul3A_238 = arith.constant 8 : i32
      %mul3A_239 = arith.muli %while3A_204, %mul3A_238 : i32
      %add3A_240 = arith.constant 2 : i32
      %add3A_241 = arith.addi %mul3A_239, %add3A_240 : i32
      %dma_wait3A_242 = arith.constant 0 : i32
      %dma_wait3A_243 = arith.constant 0 : i32
      %dma_wait3A_244 = tpu.memref_slice %arg5[%dma_wait3A_242, %dma_wait3A_243] : memref<79x128xi32, #tpu.memory_space<vmem>> -> memref<1x128xi32, #tpu.memory_space<vmem>>
      %dma_wait3A_245 = tpu.memref_squeeze %dma_wait3A_244 : memref<1x128xi32, #tpu.memory_space<vmem>> -> memref<128xi32, #tpu.memory_space<vmem>>
      %dma_wait3A_246 = arith.constant 0 : i32
      %dma_wait3A_247 = arith.constant 0 : i32
      %dma_wait3A_248 = tpu.memref_slice %arg3[%dma_wait3A_246, %dma_wait3A_247] : memref<10000x40xf32, #tpu.memory_space<hbm>> -> memref<10000x40xf32, #tpu.memory_space<hbm>>
      tpu.wait_indirect_dma semaphore(%arg16 : memref<!tpu.dma_semaphore, #tpu.memory_space<semaphore_mem>>) src(%dma_wait3A_248 : memref<10000x40xf32, #tpu.memory_space<hbm>>) dst(%arg9 : memref<128x40xf32, #tpu.memory_space<vmem>>)
      "tpu.region"() ({
        %run_scoped3A_340 = tpu.sem_alloc : memref<!tpu.dma_semaphore, #tpu.memory_space<semaphore_mem>>
        %dma_start3A_341 = arith.constant 0 : i32
        %dma_start3A_342 = tpu.memref_slice %arg6[%add3A_241, %dma_start3A_341] : memref<79x128xi32, #tpu.memory_space<vmem>> -> memref<1x128xi32, #tpu.memory_space<vmem>>
        %dma_start3A_343 = tpu.memref_squeeze %dma_start3A_342 : memref<1x128xi32, #tpu.memory_space<vmem>> -> memref<128xi32, #tpu.memory_space<vmem>>
        %dma_start3A_344 = arith.constant 0 : i32
        %dma_start3A_345 = arith.constant 0 : i32
        %dma_start3A_346 = tpu.memref_slice %arg15[%dma_start3A_344, %dma_start3A_345] : memref<10240x40xf32, #tpu.memory_space<vmem_shared>> -> memref<10240x40xf32, #tpu.memory_space<vmem_shared>>
        tpu.enqueue_indirect_dma source(%arg9 : memref<128x40xf32, #tpu.memory_space<vmem>>) target(%dma_start3A_346 : memref<10240x40xf32, #tpu.memory_space<vmem_shared>>) offsets(%dma_start3A_343 : memref<128xi32, #tpu.memory_space<vmem>>) semaphore(%run_scoped3A_340 : memref<!tpu.dma_semaphore, #tpu.memory_space<semaphore_mem>>) {add = true}
        %dma_wait3A_347 = arith.constant 0 : i32
        %dma_wait3A_348 = tpu.memref_slice %arg6[%add3A_241, %dma_wait3A_347] : memref<79x128xi32, #tpu.memory_space<vmem>> -> memref<1x128xi32, #tpu.memory_space<vmem>>
        %dma_wait3A_349 = tpu.memref_squeeze %dma_wait3A_348 : memref<1x128xi32, #tpu.memory_space<vmem>> -> memref<128xi32, #tpu.memory_space<vmem>>
        %dma_wait3A_350 = arith.constant 0 : i32
        %dma_wait3A_351 = arith.constant 0 : i32
        %dma_wait3A_352 = tpu.memref_slice %arg15[%dma_wait3A_350, %dma_wait3A_351] : memref<10240x40xf32, #tpu.memory_space<vmem_shared>> -> memref<10240x40xf32, #tpu.memory_space<vmem_shared>>
        tpu.wait_indirect_dma semaphore(%run_scoped3A_340 : memref<!tpu.dma_semaphore, #tpu.memory_space<semaphore_mem>>) src(%arg9 : memref<128x40xf32, #tpu.memory_space<vmem>>) dst(%dma_wait3A_352 : memref<10240x40xf32, #tpu.memory_space<vmem_shared>>)
        tpu.yield
      }) : () -> ()
      %add3A_249 = arith.constant 8 : i32
      %add3A_250 = arith.addi %add3A_241, %add3A_249 : i32
      %lt3A_251 = arith.cmpi slt, %add3A_250, %sub3A_47 : i32
      %convert_element_type3A_252 = arith.extui %lt3A_251 : i1 to i32
      %cond3A_253 = arith.constant 0 : i32
      %cond3A_254 = arith.cmpi ne, %convert_element_type3A_252, %cond3A_253 : i32
      scf.if %cond3A_254 {
        %add3A_340 = arith.constant 8 : i32
        %add3A_341 = arith.addi %add3A_241, %add3A_340 : i32
        %dma_start3A_342 = arith.constant 0 : i32
        %dma_start3A_343 = tpu.memref_slice %arg5[%add3A_341, %dma_start3A_342] : memref<79x128xi32, #tpu.memory_space<vmem>> -> memref<1x128xi32, #tpu.memory_space<vmem>>
        %dma_start3A_344 = tpu.memref_squeeze %dma_start3A_343 : memref<1x128xi32, #tpu.memory_space<vmem>> -> memref<128xi32, #tpu.memory_space<vmem>>
        %dma_start3A_345 = arith.constant 0 : i32
        %dma_start3A_346 = arith.constant 0 : i32
        %dma_start3A_347 = tpu.memref_slice %arg3[%dma_start3A_345, %dma_start3A_346] : memref<10000x40xf32, #tpu.memory_space<hbm>> -> memref<10000x40xf32, #tpu.memory_space<hbm>>
        tpu.enqueue_indirect_dma source(%dma_start3A_347 : memref<10000x40xf32, #tpu.memory_space<hbm>>) target(%arg9 : memref<128x40xf32, #tpu.memory_space<vmem>>) offsets(%dma_start3A_344 : memref<128xi32, #tpu.memory_space<vmem>>) semaphore(%arg16 : memref<!tpu.dma_semaphore, #tpu.memory_space<semaphore_mem>>)
      } else {
      }
      %mul3A_255 = arith.constant 8 : i32
      %mul3A_256 = arith.muli %while3A_204, %mul3A_255 : i32
      %add3A_257 = arith.constant 3 : i32
      %add3A_258 = arith.addi %mul3A_256, %add3A_257 : i32
      %dma_wait3A_259 = arith.constant 0 : i32
      %dma_wait3A_260 = arith.constant 0 : i32
      %dma_wait3A_261 = tpu.memref_slice %arg5[%dma_wait3A_259, %dma_wait3A_260] : memref<79x128xi32, #tpu.memory_space<vmem>> -> memref<1x128xi32, #tpu.memory_space<vmem>>
      %dma_wait3A_262 = tpu.memref_squeeze %dma_wait3A_261 : memref<1x128xi32, #tpu.memory_space<vmem>> -> memref<128xi32, #tpu.memory_space<vmem>>
      %dma_wait3A_263 = arith.constant 0 : i32
      %dma_wait3A_264 = arith.constant 0 : i32
      %dma_wait3A_265 = tpu.memref_slice %arg3[%dma_wait3A_263, %dma_wait3A_264] : memref<10000x40xf32, #tpu.memory_space<hbm>> -> memref<10000x40xf32, #tpu.memory_space<hbm>>
      tpu.wait_indirect_dma semaphore(%arg16 : memref<!tpu.dma_semaphore, #tpu.memory_space<semaphore_mem>>) src(%dma_wait3A_265 : memref<10000x40xf32, #tpu.memory_space<hbm>>) dst(%arg10 : memref<128x40xf32, #tpu.memory_space<vmem>>)
      "tpu.region"() ({
        %run_scoped3A_340 = tpu.sem_alloc : memref<!tpu.dma_semaphore, #tpu.memory_space<semaphore_mem>>
        %dma_start3A_341 = arith.constant 0 : i32
        %dma_start3A_342 = tpu.memref_slice %arg6[%add3A_258, %dma_start3A_341] : memref<79x128xi32, #tpu.memory_space<vmem>> -> memref<1x128xi32, #tpu.memory_space<vmem>>
        %dma_start3A_343 = tpu.memref_squeeze %dma_start3A_342 : memref<1x128xi32, #tpu.memory_space<vmem>> -> memref<128xi32, #tpu.memory_space<vmem>>
        %dma_start3A_344 = arith.constant 0 : i32
        %dma_start3A_345 = arith.constant 0 : i32
        %dma_start3A_346 = tpu.memref_slice %arg15[%dma_start3A_344, %dma_start3A_345] : memref<10240x40xf32, #tpu.memory_space<vmem_shared>> -> memref<10240x40xf32, #tpu.memory_space<vmem_shared>>
        tpu.enqueue_indirect_dma source(%arg10 : memref<128x40xf32, #tpu.memory_space<vmem>>) target(%dma_start3A_346 : memref<10240x40xf32, #tpu.memory_space<vmem_shared>>) offsets(%dma_start3A_343 : memref<128xi32, #tpu.memory_space<vmem>>) semaphore(%run_scoped3A_340 : memref<!tpu.dma_semaphore, #tpu.memory_space<semaphore_mem>>) {add = true}
        %dma_wait3A_347 = arith.constant 0 : i32
        %dma_wait3A_348 = tpu.memref_slice %arg6[%add3A_258, %dma_wait3A_347] : memref<79x128xi32, #tpu.memory_space<vmem>> -> memref<1x128xi32, #tpu.memory_space<vmem>>
        %dma_wait3A_349 = tpu.memref_squeeze %dma_wait3A_348 : memref<1x128xi32, #tpu.memory_space<vmem>> -> memref<128xi32, #tpu.memory_space<vmem>>
        %dma_wait3A_350 = arith.constant 0 : i32
        %dma_wait3A_351 = arith.constant 0 : i32
        %dma_wait3A_352 = tpu.memref_slice %arg15[%dma_wait3A_350, %dma_wait3A_351] : memref<10240x40xf32, #tpu.memory_space<vmem_shared>> -> memref<10240x40xf32, #tpu.memory_space<vmem_shared>>
        tpu.wait_indirect_dma semaphore(%run_scoped3A_340 : memref<!tpu.dma_semaphore, #tpu.memory_space<semaphore_mem>>) src(%arg10 : memref<128x40xf32, #tpu.memory_space<vmem>>) dst(%dma_wait3A_352 : memref<10240x40xf32, #tpu.memory_space<vmem_shared>>)
        tpu.yield
      }) : () -> ()
      %add3A_266 = arith.constant 8 : i32
      %add3A_267 = arith.addi %add3A_258, %add3A_266 : i32
      %lt3A_268 = arith.cmpi slt, %add3A_267, %sub3A_47 : i32
      %convert_element_type3A_269 = arith.extui %lt3A_268 : i1 to i32
      %cond3A_270 = arith.constant 0 : i32
      %cond3A_271 = arith.cmpi ne, %convert_element_type3A_269, %cond3A_270 : i32
      scf.if %cond3A_271 {
        %add3A_340 = arith.constant 8 : i32
        %add3A_341 = arith.addi %add3A_258, %add3A_340 : i32
        %dma_start3A_342 = arith.constant 0 : i32
        %dma_start3A_343 = tpu.memref_slice %arg5[%add3A_341, %dma_start3A_342] : memref<79x128xi32, #tpu.memory_space<vmem>> -> memref<1x128xi32, #tpu.memory_space<vmem>>
        %dma_start3A_344 = tpu.memref_squeeze %dma_start3A_343 : memref<1x128xi32, #tpu.memory_space<vmem>> -> memref<128xi32, #tpu.memory_space<vmem>>
        %dma_start3A_345 = arith.constant 0 : i32
        %dma_start3A_346 = arith.constant 0 : i32
        %dma_start3A_347 = tpu.memref_slice %arg3[%dma_start3A_345, %dma_start3A_346] : memref<10000x40xf32, #tpu.memory_space<hbm>> -> memref<10000x40xf32, #tpu.memory_space<hbm>>
        tpu.enqueue_indirect_dma source(%dma_start3A_347 : memref<10000x40xf32, #tpu.memory_space<hbm>>) target(%arg10 : memref<128x40xf32, #tpu.memory_space<vmem>>) offsets(%dma_start3A_344 : memref<128xi32, #tpu.memory_space<vmem>>) semaphore(%arg16 : memref<!tpu.dma_semaphore, #tpu.memory_space<semaphore_mem>>)
      } else {
      }
      %mul3A_272 = arith.constant 8 : i32
      %mul3A_273 = arith.muli %while3A_204, %mul3A_272 : i32
      %add3A_274 = arith.constant 4 : i32
      %add3A_275 = arith.addi %mul3A_273, %add3A_274 : i32
      %dma_wait3A_276 = arith.constant 0 : i32
      %dma_wait3A_277 = arith.constant 0 : i32
      %dma_wait3A_278 = tpu.memref_slice %arg5[%dma_wait3A_276, %dma_wait3A_277] : memref<79x128xi32, #tpu.memory_space<vmem>> -> memref<1x128xi32, #tpu.memory_space<vmem>>
      %dma_wait3A_279 = tpu.memref_squeeze %dma_wait3A_278 : memref<1x128xi32, #tpu.memory_space<vmem>> -> memref<128xi32, #tpu.memory_space<vmem>>
      %dma_wait3A_280 = arith.constant 0 : i32
      %dma_wait3A_281 = arith.constant 0 : i32
      %dma_wait3A_282 = tpu.memref_slice %arg3[%dma_wait3A_280, %dma_wait3A_281] : memref<10000x40xf32, #tpu.memory_space<hbm>> -> memref<10000x40xf32, #tpu.memory_space<hbm>>
      tpu.wait_indirect_dma semaphore(%arg16 : memref<!tpu.dma_semaphore, #tpu.memory_space<semaphore_mem>>) src(%dma_wait3A_282 : memref<10000x40xf32, #tpu.memory_space<hbm>>) dst(%arg11 : memref<128x40xf32, #tpu.memory_space<vmem>>)
      "tpu.region"() ({
        %run_scoped3A_340 = tpu.sem_alloc : memref<!tpu.dma_semaphore, #tpu.memory_space<semaphore_mem>>
        %dma_start3A_341 = arith.constant 0 : i32
        %dma_start3A_342 = tpu.memref_slice %arg6[%add3A_275, %dma_start3A_341] : memref<79x128xi32, #tpu.memory_space<vmem>> -> memref<1x128xi32, #tpu.memory_space<vmem>>
        %dma_start3A_343 = tpu.memref_squeeze %dma_start3A_342 : memref<1x128xi32, #tpu.memory_space<vmem>> -> memref<128xi32, #tpu.memory_space<vmem>>
        %dma_start3A_344 = arith.constant 0 : i32
        %dma_start3A_345 = arith.constant 0 : i32
        %dma_start3A_346 = tpu.memref_slice %arg15[%dma_start3A_344, %dma_start3A_345] : memref<10240x40xf32, #tpu.memory_space<vmem_shared>> -> memref<10240x40xf32, #tpu.memory_space<vmem_shared>>
        tpu.enqueue_indirect_dma source(%arg11 : memref<128x40xf32, #tpu.memory_space<vmem>>) target(%dma_start3A_346 : memref<10240x40xf32, #tpu.memory_space<vmem_shared>>) offsets(%dma_start3A_343 : memref<128xi32, #tpu.memory_space<vmem>>) semaphore(%run_scoped3A_340 : memref<!tpu.dma_semaphore, #tpu.memory_space<semaphore_mem>>) {add = true}
        %dma_wait3A_347 = arith.constant 0 : i32
        %dma_wait3A_348 = tpu.memref_slice %arg6[%add3A_275, %dma_wait3A_347] : memref<79x128xi32, #tpu.memory_space<vmem>> -> memref<1x128xi32, #tpu.memory_space<vmem>>
        %dma_wait3A_349 = tpu.memref_squeeze %dma_wait3A_348 : memref<1x128xi32, #tpu.memory_space<vmem>> -> memref<128xi32, #tpu.memory_space<vmem>>
        %dma_wait3A_350 = arith.constant 0 : i32
        %dma_wait3A_351 = arith.constant 0 : i32
        %dma_wait3A_352 = tpu.memref_slice %arg15[%dma_wait3A_350, %dma_wait3A_351] : memref<10240x40xf32, #tpu.memory_space<vmem_shared>> -> memref<10240x40xf32, #tpu.memory_space<vmem_shared>>
        tpu.wait_indirect_dma semaphore(%run_scoped3A_340 : memref<!tpu.dma_semaphore, #tpu.memory_space<semaphore_mem>>) src(%arg11 : memref<128x40xf32, #tpu.memory_space<vmem>>) dst(%dma_wait3A_352 : memref<10240x40xf32, #tpu.memory_space<vmem_shared>>)
        tpu.yield
      }) : () -> ()
      %add3A_283 = arith.constant 8 : i32
      %add3A_284 = arith.addi %add3A_275, %add3A_283 : i32
      %lt3A_285 = arith.cmpi slt, %add3A_284, %sub3A_47 : i32
      %convert_element_type3A_286 = arith.extui %lt3A_285 : i1 to i32
      %cond3A_287 = arith.constant 0 : i32
      %cond3A_288 = arith.cmpi ne, %convert_element_type3A_286, %cond3A_287 : i32
      scf.if %cond3A_288 {
        %add3A_340 = arith.constant 8 : i32
        %add3A_341 = arith.addi %add3A_275, %add3A_340 : i32
        %dma_start3A_342 = arith.constant 0 : i32
        %dma_start3A_343 = tpu.memref_slice %arg5[%add3A_341, %dma_start3A_342] : memref<79x128xi32, #tpu.memory_space<vmem>> -> memref<1x128xi32, #tpu.memory_space<vmem>>
        %dma_start3A_344 = tpu.memref_squeeze %dma_start3A_343 : memref<1x128xi32, #tpu.memory_space<vmem>> -> memref<128xi32, #tpu.memory_space<vmem>>
        %dma_start3A_345 = arith.constant 0 : i32
        %dma_start3A_346 = arith.constant 0 : i32
        %dma_start3A_347 = tpu.memref_slice %arg3[%dma_start3A_345, %dma_start3A_346] : memref<10000x40xf32, #tpu.memory_space<hbm>> -> memref<10000x40xf32, #tpu.memory_space<hbm>>
        tpu.enqueue_indirect_dma source(%dma_start3A_347 : memref<10000x40xf32, #tpu.memory_space<hbm>>) target(%arg11 : memref<128x40xf32, #tpu.memory_space<vmem>>) offsets(%dma_start3A_344 : memref<128xi32, #tpu.memory_space<vmem>>) semaphore(%arg16 : memref<!tpu.dma_semaphore, #tpu.memory_space<semaphore_mem>>)
      } else {
      }
      %mul3A_289 = arith.constant 8 : i32
      %mul3A_290 = arith.muli %while3A_204, %mul3A_289 : i32
      %add3A_291 = arith.constant 5 : i32
      %add3A_292 = arith.addi %mul3A_290, %add3A_291 : i32
      %dma_wait3A_293 = arith.constant 0 : i32
      %dma_wait3A_294 = arith.constant 0 : i32
      %dma_wait3A_295 = tpu.memref_slice %arg5[%dma_wait3A_293, %dma_wait3A_294] : memref<79x128xi32, #tpu.memory_space<vmem>> -> memref<1x128xi32, #tpu.memory_space<vmem>>
      %dma_wait3A_296 = tpu.memref_squeeze %dma_wait3A_295 : memref<1x128xi32, #tpu.memory_space<vmem>> -> memref<128xi32, #tpu.memory_space<vmem>>
      %dma_wait3A_297 = arith.constant 0 : i32
      %dma_wait3A_298 = arith.constant 0 : i32
      %dma_wait3A_299 = tpu.memref_slice %arg3[%dma_wait3A_297, %dma_wait3A_298] : memref<10000x40xf32, #tpu.memory_space<hbm>> -> memref<10000x40xf32, #tpu.memory_space<hbm>>
      tpu.wait_indirect_dma semaphore(%arg16 : memref<!tpu.dma_semaphore, #tpu.memory_space<semaphore_mem>>) src(%dma_wait3A_299 : memref<10000x40xf32, #tpu.memory_space<hbm>>) dst(%arg12 : memref<128x40xf32, #tpu.memory_space<vmem>>)
      "tpu.region"() ({
        %run_scoped3A_340 = tpu.sem_alloc : memref<!tpu.dma_semaphore, #tpu.memory_space<semaphore_mem>>
        %dma_start3A_341 = arith.constant 0 : i32
        %dma_start3A_342 = tpu.memref_slice %arg6[%add3A_292, %dma_start3A_341] : memref<79x128xi32, #tpu.memory_space<vmem>> -> memref<1x128xi32, #tpu.memory_space<vmem>>
        %dma_start3A_343 = tpu.memref_squeeze %dma_start3A_342 : memref<1x128xi32, #tpu.memory_space<vmem>> -> memref<128xi32, #tpu.memory_space<vmem>>
        %dma_start3A_344 = arith.constant 0 : i32
        %dma_start3A_345 = arith.constant 0 : i32
        %dma_start3A_346 = tpu.memref_slice %arg15[%dma_start3A_344, %dma_start3A_345] : memref<10240x40xf32, #tpu.memory_space<vmem_shared>> -> memref<10240x40xf32, #tpu.memory_space<vmem_shared>>
        tpu.enqueue_indirect_dma source(%arg12 : memref<128x40xf32, #tpu.memory_space<vmem>>) target(%dma_start3A_346 : memref<10240x40xf32, #tpu.memory_space<vmem_shared>>) offsets(%dma_start3A_343 : memref<128xi32, #tpu.memory_space<vmem>>) semaphore(%run_scoped3A_340 : memref<!tpu.dma_semaphore, #tpu.memory_space<semaphore_mem>>) {add = true}
        %dma_wait3A_347 = arith.constant 0 : i32
        %dma_wait3A_348 = tpu.memref_slice %arg6[%add3A_292, %dma_wait3A_347] : memref<79x128xi32, #tpu.memory_space<vmem>> -> memref<1x128xi32, #tpu.memory_space<vmem>>
        %dma_wait3A_349 = tpu.memref_squeeze %dma_wait3A_348 : memref<1x128xi32, #tpu.memory_space<vmem>> -> memref<128xi32, #tpu.memory_space<vmem>>
        %dma_wait3A_350 = arith.constant 0 : i32
        %dma_wait3A_351 = arith.constant 0 : i32
        %dma_wait3A_352 = tpu.memref_slice %arg15[%dma_wait3A_350, %dma_wait3A_351] : memref<10240x40xf32, #tpu.memory_space<vmem_shared>> -> memref<10240x40xf32, #tpu.memory_space<vmem_shared>>
        tpu.wait_indirect_dma semaphore(%run_scoped3A_340 : memref<!tpu.dma_semaphore, #tpu.memory_space<semaphore_mem>>) src(%arg12 : memref<128x40xf32, #tpu.memory_space<vmem>>) dst(%dma_wait3A_352 : memref<10240x40xf32, #tpu.memory_space<vmem_shared>>)
        tpu.yield
      }) : () -> ()
      %add3A_300 = arith.constant 8 : i32
      %add3A_301 = arith.addi %add3A_292, %add3A_300 : i32
      %lt3A_302 = arith.cmpi slt, %add3A_301, %sub3A_47 : i32
      %convert_element_type3A_303 = arith.extui %lt3A_302 : i1 to i32
      %cond3A_304 = arith.constant 0 : i32
      %cond3A_305 = arith.cmpi ne, %convert_element_type3A_303, %cond3A_304 : i32
      scf.if %cond3A_305 {
        %add3A_340 = arith.constant 8 : i32
        %add3A_341 = arith.addi %add3A_292, %add3A_340 : i32
        %dma_start3A_342 = arith.constant 0 : i32
        %dma_start3A_343 = tpu.memref_slice %arg5[%add3A_341, %dma_start3A_342] : memref<79x128xi32, #tpu.memory_space<vmem>> -> memref<1x128xi32, #tpu.memory_space<vmem>>
        %dma_start3A_344 = tpu.memref_squeeze %dma_start3A_343 : memref<1x128xi32, #tpu.memory_space<vmem>> -> memref<128xi32, #tpu.memory_space<vmem>>
        %dma_start3A_345 = arith.constant 0 : i32
        %dma_start3A_346 = arith.constant 0 : i32
        %dma_start3A_347 = tpu.memref_slice %arg3[%dma_start3A_345, %dma_start3A_346] : memref<10000x40xf32, #tpu.memory_space<hbm>> -> memref<10000x40xf32, #tpu.memory_space<hbm>>
        tpu.enqueue_indirect_dma source(%dma_start3A_347 : memref<10000x40xf32, #tpu.memory_space<hbm>>) target(%arg12 : memref<128x40xf32, #tpu.memory_space<vmem>>) offsets(%dma_start3A_344 : memref<128xi32, #tpu.memory_space<vmem>>) semaphore(%arg16 : memref<!tpu.dma_semaphore, #tpu.memory_space<semaphore_mem>>)
      } else {
      }
      %mul3A_306 = arith.constant 8 : i32
      %mul3A_307 = arith.muli %while3A_204, %mul3A_306 : i32
      %add3A_308 = arith.constant 6 : i32
      %add3A_309 = arith.addi %mul3A_307, %add3A_308 : i32
      %dma_wait3A_310 = arith.constant 0 : i32
      %dma_wait3A_311 = arith.constant 0 : i32
      %dma_wait3A_312 = tpu.memref_slice %arg5[%dma_wait3A_310, %dma_wait3A_311] : memref<79x128xi32, #tpu.memory_space<vmem>> -> memref<1x128xi32, #tpu.memory_space<vmem>>
      %dma_wait3A_313 = tpu.memref_squeeze %dma_wait3A_312 : memref<1x128xi32, #tpu.memory_space<vmem>> -> memref<128xi32, #tpu.memory_space<vmem>>
      %dma_wait3A_314 = arith.constant 0 : i32
      %dma_wait3A_315 = arith.constant 0 : i32
      %dma_wait3A_316 = tpu.memref_slice %arg3[%dma_wait3A_314, %dma_wait3A_315] : memref<10000x40xf32, #tpu.memory_space<hbm>> -> memref<10000x40xf32, #tpu.memory_space<hbm>>
      tpu.wait_indirect_dma semaphore(%arg16 : memref<!tpu.dma_semaphore, #tpu.memory_space<semaphore_mem>>) src(%dma_wait3A_316 : memref<10000x40xf32, #tpu.memory_space<hbm>>) dst(%arg13 : memref<128x40xf32, #tpu.memory_space<vmem>>)
      "tpu.region"() ({
        %run_scoped3A_340 = tpu.sem_alloc : memref<!tpu.dma_semaphore, #tpu.memory_space<semaphore_mem>>
        %dma_start3A_341 = arith.constant 0 : i32
        %dma_start3A_342 = tpu.memref_slice %arg6[%add3A_309, %dma_start3A_341] : memref<79x128xi32, #tpu.memory_space<vmem>> -> memref<1x128xi32, #tpu.memory_space<vmem>>
        %dma_start3A_343 = tpu.memref_squeeze %dma_start3A_342 : memref<1x128xi32, #tpu.memory_space<vmem>> -> memref<128xi32, #tpu.memory_space<vmem>>
        %dma_start3A_344 = arith.constant 0 : i32
        %dma_start3A_345 = arith.constant 0 : i32
        %dma_start3A_346 = tpu.memref_slice %arg15[%dma_start3A_344, %dma_start3A_345] : memref<10240x40xf32, #tpu.memory_space<vmem_shared>> -> memref<10240x40xf32, #tpu.memory_space<vmem_shared>>
        tpu.enqueue_indirect_dma source(%arg13 : memref<128x40xf32, #tpu.memory_space<vmem>>) target(%dma_start3A_346 : memref<10240x40xf32, #tpu.memory_space<vmem_shared>>) offsets(%dma_start3A_343 : memref<128xi32, #tpu.memory_space<vmem>>) semaphore(%run_scoped3A_340 : memref<!tpu.dma_semaphore, #tpu.memory_space<semaphore_mem>>) {add = true}
        %dma_wait3A_347 = arith.constant 0 : i32
        %dma_wait3A_348 = tpu.memref_slice %arg6[%add3A_309, %dma_wait3A_347] : memref<79x128xi32, #tpu.memory_space<vmem>> -> memref<1x128xi32, #tpu.memory_space<vmem>>
        %dma_wait3A_349 = tpu.memref_squeeze %dma_wait3A_348 : memref<1x128xi32, #tpu.memory_space<vmem>> -> memref<128xi32, #tpu.memory_space<vmem>>
        %dma_wait3A_350 = arith.constant 0 : i32
        %dma_wait3A_351 = arith.constant 0 : i32
        %dma_wait3A_352 = tpu.memref_slice %arg15[%dma_wait3A_350, %dma_wait3A_351] : memref<10240x40xf32, #tpu.memory_space<vmem_shared>> -> memref<10240x40xf32, #tpu.memory_space<vmem_shared>>
        tpu.wait_indirect_dma semaphore(%run_scoped3A_340 : memref<!tpu.dma_semaphore, #tpu.memory_space<semaphore_mem>>) src(%arg13 : memref<128x40xf32, #tpu.memory_space<vmem>>) dst(%dma_wait3A_352 : memref<10240x40xf32, #tpu.memory_space<vmem_shared>>)
        tpu.yield
      }) : () -> ()
      %add3A_317 = arith.constant 8 : i32
      %add3A_318 = arith.addi %add3A_309, %add3A_317 : i32
      %lt3A_319 = arith.cmpi slt, %add3A_318, %sub3A_47 : i32
      %convert_element_type3A_320 = arith.extui %lt3A_319 : i1 to i32
      %cond3A_321 = arith.constant 0 : i32
      %cond3A_322 = arith.cmpi ne, %convert_element_type3A_320, %cond3A_321 : i32
      scf.if %cond3A_322 {
        %add3A_340 = arith.constant 8 : i32
        %add3A_341 = arith.addi %add3A_309, %add3A_340 : i32
        %dma_start3A_342 = arith.constant 0 : i32
        %dma_start3A_343 = tpu.memref_slice %arg5[%add3A_341, %dma_start3A_342] : memref<79x128xi32, #tpu.memory_space<vmem>> -> memref<1x128xi32, #tpu.memory_space<vmem>>
        %dma_start3A_344 = tpu.memref_squeeze %dma_start3A_343 : memref<1x128xi32, #tpu.memory_space<vmem>> -> memref<128xi32, #tpu.memory_space<vmem>>
        %dma_start3A_345 = arith.constant 0 : i32
        %dma_start3A_346 = arith.constant 0 : i32
        %dma_start3A_347 = tpu.memref_slice %arg3[%dma_start3A_345, %dma_start3A_346] : memref<10000x40xf32, #tpu.memory_space<hbm>> -> memref<10000x40xf32, #tpu.memory_space<hbm>>
        tpu.enqueue_indirect_dma source(%dma_start3A_347 : memref<10000x40xf32, #tpu.memory_space<hbm>>) target(%arg13 : memref<128x40xf32, #tpu.memory_space<vmem>>) offsets(%dma_start3A_344 : memref<128xi32, #tpu.memory_space<vmem>>) semaphore(%arg16 : memref<!tpu.dma_semaphore, #tpu.memory_space<semaphore_mem>>)
      } else {
      }
      %mul3A_323 = arith.constant 8 : i32
      %mul3A_324 = arith.muli %while3A_204, %mul3A_323 : i32
      %add3A_325 = arith.constant 7 : i32
      %add3A_326 = arith.addi %mul3A_324, %add3A_325 : i32
      %dma_wait3A_327 = arith.constant 0 : i32
      %dma_wait3A_328 = arith.constant 0 : i32
      %dma_wait3A_329 = tpu.memref_slice %arg5[%dma_wait3A_327, %dma_wait3A_328] : memref<79x128xi32, #tpu.memory_space<vmem>> -> memref<1x128xi32, #tpu.memory_space<vmem>>
      %dma_wait3A_330 = tpu.memref_squeeze %dma_wait3A_329 : memref<1x128xi32, #tpu.memory_space<vmem>> -> memref<128xi32, #tpu.memory_space<vmem>>
      %dma_wait3A_331 = arith.constant 0 : i32
      %dma_wait3A_332 = arith.constant 0 : i32
      %dma_wait3A_333 = tpu.memref_slice %arg3[%dma_wait3A_331, %dma_wait3A_332] : memref<10000x40xf32, #tpu.memory_space<hbm>> -> memref<10000x40xf32, #tpu.memory_space<hbm>>
      tpu.wait_indirect_dma semaphore(%arg16 : memref<!tpu.dma_semaphore, #tpu.memory_space<semaphore_mem>>) src(%dma_wait3A_333 : memref<10000x40xf32, #tpu.memory_space<hbm>>) dst(%arg14 : memref<128x40xf32, #tpu.memory_space<vmem>>)
      "tpu.region"() ({
        %run_scoped3A_340 = tpu.sem_alloc : memref<!tpu.dma_semaphore, #tpu.memory_space<semaphore_mem>>
        %dma_start3A_341 = arith.constant 0 : i32
        %dma_start3A_342 = tpu.memref_slice %arg6[%add3A_326, %dma_start3A_341] : memref<79x128xi32, #tpu.memory_space<vmem>> -> memref<1x128xi32, #tpu.memory_space<vmem>>
        %dma_start3A_343 = tpu.memref_squeeze %dma_start3A_342 : memref<1x128xi32, #tpu.memory_space<vmem>> -> memref<128xi32, #tpu.memory_space<vmem>>
        %dma_start3A_344 = arith.constant 0 : i32
        %dma_start3A_345 = arith.constant 0 : i32
        %dma_start3A_346 = tpu.memref_slice %arg15[%dma_start3A_344, %dma_start3A_345] : memref<10240x40xf32, #tpu.memory_space<vmem_shared>> -> memref<10240x40xf32, #tpu.memory_space<vmem_shared>>
        tpu.enqueue_indirect_dma source(%arg14 : memref<128x40xf32, #tpu.memory_space<vmem>>) target(%dma_start3A_346 : memref<10240x40xf32, #tpu.memory_space<vmem_shared>>) offsets(%dma_start3A_343 : memref<128xi32, #tpu.memory_space<vmem>>) semaphore(%run_scoped3A_340 : memref<!tpu.dma_semaphore, #tpu.memory_space<semaphore_mem>>) {add = true}
        %dma_wait3A_347 = arith.constant 0 : i32
        %dma_wait3A_348 = tpu.memref_slice %arg6[%add3A_326, %dma_wait3A_347] : memref<79x128xi32, #tpu.memory_space<vmem>> -> memref<1x128xi32, #tpu.memory_space<vmem>>
        %dma_wait3A_349 = tpu.memref_squeeze %dma_wait3A_348 : memref<1x128xi32, #tpu.memory_space<vmem>> -> memref<128xi32, #tpu.memory_space<vmem>>
        %dma_wait3A_350 = arith.constant 0 : i32
        %dma_wait3A_351 = arith.constant 0 : i32
        %dma_wait3A_352 = tpu.memref_slice %arg15[%dma_wait3A_350, %dma_wait3A_351] : memref<10240x40xf32, #tpu.memory_space<vmem_shared>> -> memref<10240x40xf32, #tpu.memory_space<vmem_shared>>
        tpu.wait_indirect_dma semaphore(%run_scoped3A_340 : memref<!tpu.dma_semaphore, #tpu.memory_space<semaphore_mem>>) src(%arg14 : memref<128x40xf32, #tpu.memory_space<vmem>>) dst(%dma_wait3A_352 : memref<10240x40xf32, #tpu.memory_space<vmem_shared>>)
        tpu.yield
      }) : () -> ()
      %add3A_334 = arith.constant 8 : i32
      %add3A_335 = arith.addi %add3A_326, %add3A_334 : i32
      %lt3A_336 = arith.cmpi slt, %add3A_335, %sub3A_47 : i32
      %convert_element_type3A_337 = arith.extui %lt3A_336 : i1 to i32
      %cond3A_338 = arith.constant 0 : i32
      %cond3A_339 = arith.cmpi ne, %convert_element_type3A_337, %cond3A_338 : i32
      scf.if %cond3A_339 {
        %add3A_340 = arith.constant 8 : i32
        %add3A_341 = arith.addi %add3A_326, %add3A_340 : i32
        %dma_start3A_342 = arith.constant 0 : i32
        %dma_start3A_343 = tpu.memref_slice %arg5[%add3A_341, %dma_start3A_342] : memref<79x128xi32, #tpu.memory_space<vmem>> -> memref<1x128xi32, #tpu.memory_space<vmem>>
        %dma_start3A_344 = tpu.memref_squeeze %dma_start3A_343 : memref<1x128xi32, #tpu.memory_space<vmem>> -> memref<128xi32, #tpu.memory_space<vmem>>
        %dma_start3A_345 = arith.constant 0 : i32
        %dma_start3A_346 = arith.constant 0 : i32
        %dma_start3A_347 = tpu.memref_slice %arg3[%dma_start3A_345, %dma_start3A_346] : memref<10000x40xf32, #tpu.memory_space<hbm>> -> memref<10000x40xf32, #tpu.memory_space<hbm>>
        tpu.enqueue_indirect_dma source(%dma_start3A_347 : memref<10000x40xf32, #tpu.memory_space<hbm>>) target(%arg14 : memref<128x40xf32, #tpu.memory_space<vmem>>) offsets(%dma_start3A_344 : memref<128xi32, #tpu.memory_space<vmem>>) semaphore(%arg16 : memref<!tpu.dma_semaphore, #tpu.memory_space<semaphore_mem>>)
      } else {
      }
    }
    %mul3A_147 = arith.constant 8 : i32
    %mul3A_148 = arith.muli %select_n3A_138, %mul3A_147 : i32
    %add3A_149 = arith.constant 0 : i32
    %add3A_150 = arith.addi %mul3A_148, %add3A_149 : i32
    %lt3A = arith.cmpi slt, %add3A_150, %sub3A_47 : i32
    %convert_element_type3A = arith.extui %lt3A : i1 to i32
    %cond3A = arith.constant 0 : i32
    %cond3A_151 = arith.cmpi ne, %convert_element_type3A, %cond3A : i32
    scf.if %cond3A_151 {
      %dma_wait3A = arith.constant 0 : i32
      %dma_wait3A_204 = arith.constant 0 : i32
      %dma_wait3A_205 = tpu.memref_slice %arg5[%dma_wait3A, %dma_wait3A_204] : memref<79x128xi32, #tpu.memory_space<vmem>> -> memref<1x128xi32, #tpu.memory_space<vmem>>
      %dma_wait3A_206 = tpu.memref_squeeze %dma_wait3A_205 : memref<1x128xi32, #tpu.memory_space<vmem>> -> memref<128xi32, #tpu.memory_space<vmem>>
      %dma_wait3A_207 = arith.constant 0 : i32
      %dma_wait3A_208 = arith.constant 0 : i32
      %dma_wait3A_209 = tpu.memref_slice %arg3[%dma_wait3A_207, %dma_wait3A_208] : memref<10000x40xf32, #tpu.memory_space<hbm>> -> memref<10000x40xf32, #tpu.memory_space<hbm>>
      tpu.wait_indirect_dma semaphore(%arg16 : memref<!tpu.dma_semaphore, #tpu.memory_space<semaphore_mem>>) src(%dma_wait3A_209 : memref<10000x40xf32, #tpu.memory_space<hbm>>) dst(%arg7 : memref<128x40xf32, #tpu.memory_space<vmem>>)
      "tpu.region"() ({
        %run_scoped3A_210 = tpu.sem_alloc : memref<!tpu.dma_semaphore, #tpu.memory_space<semaphore_mem>>
        %dma_start3A_211 = arith.constant 0 : i32
        %dma_start3A_212 = tpu.memref_slice %arg6[%add3A_150, %dma_start3A_211] : memref<79x128xi32, #tpu.memory_space<vmem>> -> memref<1x128xi32, #tpu.memory_space<vmem>>
        %dma_start3A_213 = tpu.memref_squeeze %dma_start3A_212 : memref<1x128xi32, #tpu.memory_space<vmem>> -> memref<128xi32, #tpu.memory_space<vmem>>
        %dma_start3A_214 = arith.constant 0 : i32
        %dma_start3A_215 = arith.constant 0 : i32
        %dma_start3A_216 = tpu.memref_slice %arg15[%dma_start3A_214, %dma_start3A_215] : memref<10240x40xf32, #tpu.memory_space<vmem_shared>> -> memref<10240x40xf32, #tpu.memory_space<vmem_shared>>
        tpu.enqueue_indirect_dma source(%arg7 : memref<128x40xf32, #tpu.memory_space<vmem>>) target(%dma_start3A_216 : memref<10240x40xf32, #tpu.memory_space<vmem_shared>>) offsets(%dma_start3A_213 : memref<128xi32, #tpu.memory_space<vmem>>) semaphore(%run_scoped3A_210 : memref<!tpu.dma_semaphore, #tpu.memory_space<semaphore_mem>>) {add = true}
        %dma_wait3A_217 = arith.constant 0 : i32
        %dma_wait3A_218 = tpu.memref_slice %arg6[%add3A_150, %dma_wait3A_217] : memref<79x128xi32, #tpu.memory_space<vmem>> -> memref<1x128xi32, #tpu.memory_space<vmem>>
        %dma_wait3A_219 = tpu.memref_squeeze %dma_wait3A_218 : memref<1x128xi32, #tpu.memory_space<vmem>> -> memref<128xi32, #tpu.memory_space<vmem>>
        %dma_wait3A_220 = arith.constant 0 : i32
        %dma_wait3A_221 = arith.constant 0 : i32
        %dma_wait3A_222 = tpu.memref_slice %arg15[%dma_wait3A_220, %dma_wait3A_221] : memref<10240x40xf32, #tpu.memory_space<vmem_shared>> -> memref<10240x40xf32, #tpu.memory_space<vmem_shared>>
        tpu.wait_indirect_dma semaphore(%run_scoped3A_210 : memref<!tpu.dma_semaphore, #tpu.memory_space<semaphore_mem>>) src(%arg7 : memref<128x40xf32, #tpu.memory_space<vmem>>) dst(%dma_wait3A_222 : memref<10240x40xf32, #tpu.memory_space<vmem_shared>>)
        tpu.yield
      }) : () -> ()
    } else {
    }
    %mul3A_152 = arith.constant 8 : i32
    %mul3A_153 = arith.muli %select_n3A_138, %mul3A_152 : i32
    %add3A_154 = arith.constant 1 : i32
    %add3A_155 = arith.addi %mul3A_153, %add3A_154 : i32
    %lt3A_156 = arith.cmpi slt, %add3A_155, %sub3A_47 : i32
    %convert_element_type3A_157 = arith.extui %lt3A_156 : i1 to i32
    %cond3A_158 = arith.constant 0 : i32
    %cond3A_159 = arith.cmpi ne, %convert_element_type3A_157, %cond3A_158 : i32
    scf.if %cond3A_159 {
      %dma_wait3A = arith.constant 0 : i32
      %dma_wait3A_204 = arith.constant 0 : i32
      %dma_wait3A_205 = tpu.memref_slice %arg5[%dma_wait3A, %dma_wait3A_204] : memref<79x128xi32, #tpu.memory_space<vmem>> -> memref<1x128xi32, #tpu.memory_space<vmem>>
      %dma_wait3A_206 = tpu.memref_squeeze %dma_wait3A_205 : memref<1x128xi32, #tpu.memory_space<vmem>> -> memref<128xi32, #tpu.memory_space<vmem>>
      %dma_wait3A_207 = arith.constant 0 : i32
      %dma_wait3A_208 = arith.constant 0 : i32
      %dma_wait3A_209 = tpu.memref_slice %arg3[%dma_wait3A_207, %dma_wait3A_208] : memref<10000x40xf32, #tpu.memory_space<hbm>> -> memref<10000x40xf32, #tpu.memory_space<hbm>>
      tpu.wait_indirect_dma semaphore(%arg16 : memref<!tpu.dma_semaphore, #tpu.memory_space<semaphore_mem>>) src(%dma_wait3A_209 : memref<10000x40xf32, #tpu.memory_space<hbm>>) dst(%arg8 : memref<128x40xf32, #tpu.memory_space<vmem>>)
      "tpu.region"() ({
        %run_scoped3A_210 = tpu.sem_alloc : memref<!tpu.dma_semaphore, #tpu.memory_space<semaphore_mem>>
        %dma_start3A_211 = arith.constant 0 : i32
        %dma_start3A_212 = tpu.memref_slice %arg6[%add3A_155, %dma_start3A_211] : memref<79x128xi32, #tpu.memory_space<vmem>> -> memref<1x128xi32, #tpu.memory_space<vmem>>
        %dma_start3A_213 = tpu.memref_squeeze %dma_start3A_212 : memref<1x128xi32, #tpu.memory_space<vmem>> -> memref<128xi32, #tpu.memory_space<vmem>>
        %dma_start3A_214 = arith.constant 0 : i32
        %dma_start3A_215 = arith.constant 0 : i32
        %dma_start3A_216 = tpu.memref_slice %arg15[%dma_start3A_214, %dma_start3A_215] : memref<10240x40xf32, #tpu.memory_space<vmem_shared>> -> memref<10240x40xf32, #tpu.memory_space<vmem_shared>>
        tpu.enqueue_indirect_dma source(%arg8 : memref<128x40xf32, #tpu.memory_space<vmem>>) target(%dma_start3A_216 : memref<10240x40xf32, #tpu.memory_space<vmem_shared>>) offsets(%dma_start3A_213 : memref<128xi32, #tpu.memory_space<vmem>>) semaphore(%run_scoped3A_210 : memref<!tpu.dma_semaphore, #tpu.memory_space<semaphore_mem>>) {add = true}
        %dma_wait3A_217 = arith.constant 0 : i32
        %dma_wait3A_218 = tpu.memref_slice %arg6[%add3A_155, %dma_wait3A_217] : memref<79x128xi32, #tpu.memory_space<vmem>> -> memref<1x128xi32, #tpu.memory_space<vmem>>
        %dma_wait3A_219 = tpu.memref_squeeze %dma_wait3A_218 : memref<1x128xi32, #tpu.memory_space<vmem>> -> memref<128xi32, #tpu.memory_space<vmem>>
        %dma_wait3A_220 = arith.constant 0 : i32
        %dma_wait3A_221 = arith.constant 0 : i32
        %dma_wait3A_222 = tpu.memref_slice %arg15[%dma_wait3A_220, %dma_wait3A_221] : memref<10240x40xf32, #tpu.memory_space<vmem_shared>> -> memref<10240x40xf32, #tpu.memory_space<vmem_shared>>
        tpu.wait_indirect_dma semaphore(%run_scoped3A_210 : memref<!tpu.dma_semaphore, #tpu.memory_space<semaphore_mem>>) src(%arg8 : memref<128x40xf32, #tpu.memory_space<vmem>>) dst(%dma_wait3A_222 : memref<10240x40xf32, #tpu.memory_space<vmem_shared>>)
        tpu.yield
      }) : () -> ()
    } else {
    }
    %mul3A_160 = arith.constant 8 : i32
    %mul3A_161 = arith.muli %select_n3A_138, %mul3A_160 : i32
    %add3A_162 = arith.constant 2 : i32
    %add3A_163 = arith.addi %mul3A_161, %add3A_162 : i32
    %lt3A_164 = arith.cmpi slt, %add3A_163, %sub3A_47 : i32
    %convert_element_type3A_165 = arith.extui %lt3A_164 : i1 to i32
    %cond3A_166 = arith.constant 0 : i32
    %cond3A_167 = arith.cmpi ne, %convert_element_type3A_165, %cond3A_166 : i32
    scf.if %cond3A_167 {
      %dma_wait3A = arith.constant 0 : i32
      %dma_wait3A_204 = arith.constant 0 : i32
      %dma_wait3A_205 = tpu.memref_slice %arg5[%dma_wait3A, %dma_wait3A_204] : memref<79x128xi32, #tpu.memory_space<vmem>> -> memref<1x128xi32, #tpu.memory_space<vmem>>
      %dma_wait3A_206 = tpu.memref_squeeze %dma_wait3A_205 : memref<1x128xi32, #tpu.memory_space<vmem>> -> memref<128xi32, #tpu.memory_space<vmem>>
      %dma_wait3A_207 = arith.constant 0 : i32
      %dma_wait3A_208 = arith.constant 0 : i32
      %dma_wait3A_209 = tpu.memref_slice %arg3[%dma_wait3A_207, %dma_wait3A_208] : memref<10000x40xf32, #tpu.memory_space<hbm>> -> memref<10000x40xf32, #tpu.memory_space<hbm>>
      tpu.wait_indirect_dma semaphore(%arg16 : memref<!tpu.dma_semaphore, #tpu.memory_space<semaphore_mem>>) src(%dma_wait3A_209 : memref<10000x40xf32, #tpu.memory_space<hbm>>) dst(%arg9 : memref<128x40xf32, #tpu.memory_space<vmem>>)
      "tpu.region"() ({
        %run_scoped3A_210 = tpu.sem_alloc : memref<!tpu.dma_semaphore, #tpu.memory_space<semaphore_mem>>
        %dma_start3A_211 = arith.constant 0 : i32
        %dma_start3A_212 = tpu.memref_slice %arg6[%add3A_163, %dma_start3A_211] : memref<79x128xi32, #tpu.memory_space<vmem>> -> memref<1x128xi32, #tpu.memory_space<vmem>>
        %dma_start3A_213 = tpu.memref_squeeze %dma_start3A_212 : memref<1x128xi32, #tpu.memory_space<vmem>> -> memref<128xi32, #tpu.memory_space<vmem>>
        %dma_start3A_214 = arith.constant 0 : i32
        %dma_start3A_215 = arith.constant 0 : i32
        %dma_start3A_216 = tpu.memref_slice %arg15[%dma_start3A_214, %dma_start3A_215] : memref<10240x40xf32, #tpu.memory_space<vmem_shared>> -> memref<10240x40xf32, #tpu.memory_space<vmem_shared>>
        tpu.enqueue_indirect_dma source(%arg9 : memref<128x40xf32, #tpu.memory_space<vmem>>) target(%dma_start3A_216 : memref<10240x40xf32, #tpu.memory_space<vmem_shared>>) offsets(%dma_start3A_213 : memref<128xi32, #tpu.memory_space<vmem>>) semaphore(%run_scoped3A_210 : memref<!tpu.dma_semaphore, #tpu.memory_space<semaphore_mem>>) {add = true}
        %dma_wait3A_217 = arith.constant 0 : i32
        %dma_wait3A_218 = tpu.memref_slice %arg6[%add3A_163, %dma_wait3A_217] : memref<79x128xi32, #tpu.memory_space<vmem>> -> memref<1x128xi32, #tpu.memory_space<vmem>>
        %dma_wait3A_219 = tpu.memref_squeeze %dma_wait3A_218 : memref<1x128xi32, #tpu.memory_space<vmem>> -> memref<128xi32, #tpu.memory_space<vmem>>
        %dma_wait3A_220 = arith.constant 0 : i32
        %dma_wait3A_221 = arith.constant 0 : i32
        %dma_wait3A_222 = tpu.memref_slice %arg15[%dma_wait3A_220, %dma_wait3A_221] : memref<10240x40xf32, #tpu.memory_space<vmem_shared>> -> memref<10240x40xf32, #tpu.memory_space<vmem_shared>>
        tpu.wait_indirect_dma semaphore(%run_scoped3A_210 : memref<!tpu.dma_semaphore, #tpu.memory_space<semaphore_mem>>) src(%arg9 : memref<128x40xf32, #tpu.memory_space<vmem>>) dst(%dma_wait3A_222 : memref<10240x40xf32, #tpu.memory_space<vmem_shared>>)
        tpu.yield
      }) : () -> ()
    } else {
    }
    %mul3A_168 = arith.constant 8 : i32
    %mul3A_169 = arith.muli %select_n3A_138, %mul3A_168 : i32
    %add3A_170 = arith.constant 3 : i32
    %add3A_171 = arith.addi %mul3A_169, %add3A_170 : i32
    %lt3A_172 = arith.cmpi slt, %add3A_171, %sub3A_47 : i32
    %convert_element_type3A_173 = arith.extui %lt3A_172 : i1 to i32
    %cond3A_174 = arith.constant 0 : i32
    %cond3A_175 = arith.cmpi ne, %convert_element_type3A_173, %cond3A_174 : i32
    scf.if %cond3A_175 {
      %dma_wait3A = arith.constant 0 : i32
      %dma_wait3A_204 = arith.constant 0 : i32
      %dma_wait3A_205 = tpu.memref_slice %arg5[%dma_wait3A, %dma_wait3A_204] : memref<79x128xi32, #tpu.memory_space<vmem>> -> memref<1x128xi32, #tpu.memory_space<vmem>>
      %dma_wait3A_206 = tpu.memref_squeeze %dma_wait3A_205 : memref<1x128xi32, #tpu.memory_space<vmem>> -> memref<128xi32, #tpu.memory_space<vmem>>
      %dma_wait3A_207 = arith.constant 0 : i32
      %dma_wait3A_208 = arith.constant 0 : i32
      %dma_wait3A_209 = tpu.memref_slice %arg3[%dma_wait3A_207, %dma_wait3A_208] : memref<10000x40xf32, #tpu.memory_space<hbm>> -> memref<10000x40xf32, #tpu.memory_space<hbm>>
      tpu.wait_indirect_dma semaphore(%arg16 : memref<!tpu.dma_semaphore, #tpu.memory_space<semaphore_mem>>) src(%dma_wait3A_209 : memref<10000x40xf32, #tpu.memory_space<hbm>>) dst(%arg10 : memref<128x40xf32, #tpu.memory_space<vmem>>)
      "tpu.region"() ({
        %run_scoped3A_210 = tpu.sem_alloc : memref<!tpu.dma_semaphore, #tpu.memory_space<semaphore_mem>>
        %dma_start3A_211 = arith.constant 0 : i32
        %dma_start3A_212 = tpu.memref_slice %arg6[%add3A_171, %dma_start3A_211] : memref<79x128xi32, #tpu.memory_space<vmem>> -> memref<1x128xi32, #tpu.memory_space<vmem>>
        %dma_start3A_213 = tpu.memref_squeeze %dma_start3A_212 : memref<1x128xi32, #tpu.memory_space<vmem>> -> memref<128xi32, #tpu.memory_space<vmem>>
        %dma_start3A_214 = arith.constant 0 : i32
        %dma_start3A_215 = arith.constant 0 : i32
        %dma_start3A_216 = tpu.memref_slice %arg15[%dma_start3A_214, %dma_start3A_215] : memref<10240x40xf32, #tpu.memory_space<vmem_shared>> -> memref<10240x40xf32, #tpu.memory_space<vmem_shared>>
        tpu.enqueue_indirect_dma source(%arg10 : memref<128x40xf32, #tpu.memory_space<vmem>>) target(%dma_start3A_216 : memref<10240x40xf32, #tpu.memory_space<vmem_shared>>) offsets(%dma_start3A_213 : memref<128xi32, #tpu.memory_space<vmem>>) semaphore(%run_scoped3A_210 : memref<!tpu.dma_semaphore, #tpu.memory_space<semaphore_mem>>) {add = true}
        %dma_wait3A_217 = arith.constant 0 : i32
        %dma_wait3A_218 = tpu.memref_slice %arg6[%add3A_171, %dma_wait3A_217] : memref<79x128xi32, #tpu.memory_space<vmem>> -> memref<1x128xi32, #tpu.memory_space<vmem>>
        %dma_wait3A_219 = tpu.memref_squeeze %dma_wait3A_218 : memref<1x128xi32, #tpu.memory_space<vmem>> -> memref<128xi32, #tpu.memory_space<vmem>>
        %dma_wait3A_220 = arith.constant 0 : i32
        %dma_wait3A_221 = arith.constant 0 : i32
        %dma_wait3A_222 = tpu.memref_slice %arg15[%dma_wait3A_220, %dma_wait3A_221] : memref<10240x40xf32, #tpu.memory_space<vmem_shared>> -> memref<10240x40xf32, #tpu.memory_space<vmem_shared>>
        tpu.wait_indirect_dma semaphore(%run_scoped3A_210 : memref<!tpu.dma_semaphore, #tpu.memory_space<semaphore_mem>>) src(%arg10 : memref<128x40xf32, #tpu.memory_space<vmem>>) dst(%dma_wait3A_222 : memref<10240x40xf32, #tpu.memory_space<vmem_shared>>)
        tpu.yield
      }) : () -> ()
    } else {
    }
    %mul3A_176 = arith.constant 8 : i32
    %mul3A_177 = arith.muli %select_n3A_138, %mul3A_176 : i32
    %add3A_178 = arith.constant 4 : i32
    %add3A_179 = arith.addi %mul3A_177, %add3A_178 : i32
    %lt3A_180 = arith.cmpi slt, %add3A_179, %sub3A_47 : i32
    %convert_element_type3A_181 = arith.extui %lt3A_180 : i1 to i32
    %cond3A_182 = arith.constant 0 : i32
    %cond3A_183 = arith.cmpi ne, %convert_element_type3A_181, %cond3A_182 : i32
    scf.if %cond3A_183 {
      %dma_wait3A = arith.constant 0 : i32
      %dma_wait3A_204 = arith.constant 0 : i32
      %dma_wait3A_205 = tpu.memref_slice %arg5[%dma_wait3A, %dma_wait3A_204] : memref<79x128xi32, #tpu.memory_space<vmem>> -> memref<1x128xi32, #tpu.memory_space<vmem>>
      %dma_wait3A_206 = tpu.memref_squeeze %dma_wait3A_205 : memref<1x128xi32, #tpu.memory_space<vmem>> -> memref<128xi32, #tpu.memory_space<vmem>>
      %dma_wait3A_207 = arith.constant 0 : i32
      %dma_wait3A_208 = arith.constant 0 : i32
      %dma_wait3A_209 = tpu.memref_slice %arg3[%dma_wait3A_207, %dma_wait3A_208] : memref<10000x40xf32, #tpu.memory_space<hbm>> -> memref<10000x40xf32, #tpu.memory_space<hbm>>
      tpu.wait_indirect_dma semaphore(%arg16 : memref<!tpu.dma_semaphore, #tpu.memory_space<semaphore_mem>>) src(%dma_wait3A_209 : memref<10000x40xf32, #tpu.memory_space<hbm>>) dst(%arg11 : memref<128x40xf32, #tpu.memory_space<vmem>>)
      "tpu.region"() ({
        %run_scoped3A_210 = tpu.sem_alloc : memref<!tpu.dma_semaphore, #tpu.memory_space<semaphore_mem>>
        %dma_start3A_211 = arith.constant 0 : i32
        %dma_start3A_212 = tpu.memref_slice %arg6[%add3A_179, %dma_start3A_211] : memref<79x128xi32, #tpu.memory_space<vmem>> -> memref<1x128xi32, #tpu.memory_space<vmem>>
        %dma_start3A_213 = tpu.memref_squeeze %dma_start3A_212 : memref<1x128xi32, #tpu.memory_space<vmem>> -> memref<128xi32, #tpu.memory_space<vmem>>
        %dma_start3A_214 = arith.constant 0 : i32
        %dma_start3A_215 = arith.constant 0 : i32
        %dma_start3A_216 = tpu.memref_slice %arg15[%dma_start3A_214, %dma_start3A_215] : memref<10240x40xf32, #tpu.memory_space<vmem_shared>> -> memref<10240x40xf32, #tpu.memory_space<vmem_shared>>
        tpu.enqueue_indirect_dma source(%arg11 : memref<128x40xf32, #tpu.memory_space<vmem>>) target(%dma_start3A_216 : memref<10240x40xf32, #tpu.memory_space<vmem_shared>>) offsets(%dma_start3A_213 : memref<128xi32, #tpu.memory_space<vmem>>) semaphore(%run_scoped3A_210 : memref<!tpu.dma_semaphore, #tpu.memory_space<semaphore_mem>>) {add = true}
        %dma_wait3A_217 = arith.constant 0 : i32
        %dma_wait3A_218 = tpu.memref_slice %arg6[%add3A_179, %dma_wait3A_217] : memref<79x128xi32, #tpu.memory_space<vmem>> -> memref<1x128xi32, #tpu.memory_space<vmem>>
        %dma_wait3A_219 = tpu.memref_squeeze %dma_wait3A_218 : memref<1x128xi32, #tpu.memory_space<vmem>> -> memref<128xi32, #tpu.memory_space<vmem>>
        %dma_wait3A_220 = arith.constant 0 : i32
        %dma_wait3A_221 = arith.constant 0 : i32
        %dma_wait3A_222 = tpu.memref_slice %arg15[%dma_wait3A_220, %dma_wait3A_221] : memref<10240x40xf32, #tpu.memory_space<vmem_shared>> -> memref<10240x40xf32, #tpu.memory_space<vmem_shared>>
        tpu.wait_indirect_dma semaphore(%run_scoped3A_210 : memref<!tpu.dma_semaphore, #tpu.memory_space<semaphore_mem>>) src(%arg11 : memref<128x40xf32, #tpu.memory_space<vmem>>) dst(%dma_wait3A_222 : memref<10240x40xf32, #tpu.memory_space<vmem_shared>>)
        tpu.yield
      }) : () -> ()
    } else {
    }
    %mul3A_184 = arith.constant 8 : i32
    %mul3A_185 = arith.muli %select_n3A_138, %mul3A_184 : i32
    %add3A_186 = arith.constant 5 : i32
    %add3A_187 = arith.addi %mul3A_185, %add3A_186 : i32
    %lt3A_188 = arith.cmpi slt, %add3A_187, %sub3A_47 : i32
    %convert_element_type3A_189 = arith.extui %lt3A_188 : i1 to i32
    %cond3A_190 = arith.constant 0 : i32
    %cond3A_191 = arith.cmpi ne, %convert_element_type3A_189, %cond3A_190 : i32
    scf.if %cond3A_191 {
      %dma_wait3A = arith.constant 0 : i32
      %dma_wait3A_204 = arith.constant 0 : i32
      %dma_wait3A_205 = tpu.memref_slice %arg5[%dma_wait3A, %dma_wait3A_204] : memref<79x128xi32, #tpu.memory_space<vmem>> -> memref<1x128xi32, #tpu.memory_space<vmem>>
      %dma_wait3A_206 = tpu.memref_squeeze %dma_wait3A_205 : memref<1x128xi32, #tpu.memory_space<vmem>> -> memref<128xi32, #tpu.memory_space<vmem>>
      %dma_wait3A_207 = arith.constant 0 : i32
      %dma_wait3A_208 = arith.constant 0 : i32
      %dma_wait3A_209 = tpu.memref_slice %arg3[%dma_wait3A_207, %dma_wait3A_208] : memref<10000x40xf32, #tpu.memory_space<hbm>> -> memref<10000x40xf32, #tpu.memory_space<hbm>>
      tpu.wait_indirect_dma semaphore(%arg16 : memref<!tpu.dma_semaphore, #tpu.memory_space<semaphore_mem>>) src(%dma_wait3A_209 : memref<10000x40xf32, #tpu.memory_space<hbm>>) dst(%arg12 : memref<128x40xf32, #tpu.memory_space<vmem>>)
      "tpu.region"() ({
        %run_scoped3A_210 = tpu.sem_alloc : memref<!tpu.dma_semaphore, #tpu.memory_space<semaphore_mem>>
        %dma_start3A_211 = arith.constant 0 : i32
        %dma_start3A_212 = tpu.memref_slice %arg6[%add3A_187, %dma_start3A_211] : memref<79x128xi32, #tpu.memory_space<vmem>> -> memref<1x128xi32, #tpu.memory_space<vmem>>
        %dma_start3A_213 = tpu.memref_squeeze %dma_start3A_212 : memref<1x128xi32, #tpu.memory_space<vmem>> -> memref<128xi32, #tpu.memory_space<vmem>>
        %dma_start3A_214 = arith.constant 0 : i32
        %dma_start3A_215 = arith.constant 0 : i32
        %dma_start3A_216 = tpu.memref_slice %arg15[%dma_start3A_214, %dma_start3A_215] : memref<10240x40xf32, #tpu.memory_space<vmem_shared>> -> memref<10240x40xf32, #tpu.memory_space<vmem_shared>>
        tpu.enqueue_indirect_dma source(%arg12 : memref<128x40xf32, #tpu.memory_space<vmem>>) target(%dma_start3A_216 : memref<10240x40xf32, #tpu.memory_space<vmem_shared>>) offsets(%dma_start3A_213 : memref<128xi32, #tpu.memory_space<vmem>>) semaphore(%run_scoped3A_210 : memref<!tpu.dma_semaphore, #tpu.memory_space<semaphore_mem>>) {add = true}
        %dma_wait3A_217 = arith.constant 0 : i32
        %dma_wait3A_218 = tpu.memref_slice %arg6[%add3A_187, %dma_wait3A_217] : memref<79x128xi32, #tpu.memory_space<vmem>> -> memref<1x128xi32, #tpu.memory_space<vmem>>
        %dma_wait3A_219 = tpu.memref_squeeze %dma_wait3A_218 : memref<1x128xi32, #tpu.memory_space<vmem>> -> memref<128xi32, #tpu.memory_space<vmem>>
        %dma_wait3A_220 = arith.constant 0 : i32
        %dma_wait3A_221 = arith.constant 0 : i32
        %dma_wait3A_222 = tpu.memref_slice %arg15[%dma_wait3A_220, %dma_wait3A_221] : memref<10240x40xf32, #tpu.memory_space<vmem_shared>> -> memref<10240x40xf32, #tpu.memory_space<vmem_shared>>
        tpu.wait_indirect_dma semaphore(%run_scoped3A_210 : memref<!tpu.dma_semaphore, #tpu.memory_space<semaphore_mem>>) src(%arg12 : memref<128x40xf32, #tpu.memory_space<vmem>>) dst(%dma_wait3A_222 : memref<10240x40xf32, #tpu.memory_space<vmem_shared>>)
        tpu.yield
      }) : () -> ()
    } else {
    }
    %mul3A_192 = arith.constant 8 : i32
    %mul3A_193 = arith.muli %select_n3A_138, %mul3A_192 : i32
    %add3A_194 = arith.constant 6 : i32
    %add3A_195 = arith.addi %mul3A_193, %add3A_194 : i32
    %lt3A_196 = arith.cmpi slt, %add3A_195, %sub3A_47 : i32
    %convert_element_type3A_197 = arith.extui %lt3A_196 : i1 to i32
    %cond3A_198 = arith.constant 0 : i32
    %cond3A_199 = arith.cmpi ne, %convert_element_type3A_197, %cond3A_198 : i32
    scf.if %cond3A_199 {
      %dma_wait3A = arith.constant 0 : i32
      %dma_wait3A_204 = arith.constant 0 : i32
      %dma_wait3A_205 = tpu.memref_slice %arg5[%dma_wait3A, %dma_wait3A_204] : memref<79x128xi32, #tpu.memory_space<vmem>> -> memref<1x128xi32, #tpu.memory_space<vmem>>
      %dma_wait3A_206 = tpu.memref_squeeze %dma_wait3A_205 : memref<1x128xi32, #tpu.memory_space<vmem>> -> memref<128xi32, #tpu.memory_space<vmem>>
      %dma_wait3A_207 = arith.constant 0 : i32
      %dma_wait3A_208 = arith.constant 0 : i32
      %dma_wait3A_209 = tpu.memref_slice %arg3[%dma_wait3A_207, %dma_wait3A_208] : memref<10000x40xf32, #tpu.memory_space<hbm>> -> memref<10000x40xf32, #tpu.memory_space<hbm>>
      tpu.wait_indirect_dma semaphore(%arg16 : memref<!tpu.dma_semaphore, #tpu.memory_space<semaphore_mem>>) src(%dma_wait3A_209 : memref<10000x40xf32, #tpu.memory_space<hbm>>) dst(%arg13 : memref<128x40xf32, #tpu.memory_space<vmem>>)
      "tpu.region"() ({
        %run_scoped3A_210 = tpu.sem_alloc : memref<!tpu.dma_semaphore, #tpu.memory_space<semaphore_mem>>
        %dma_start3A_211 = arith.constant 0 : i32
        %dma_start3A_212 = tpu.memref_slice %arg6[%add3A_195, %dma_start3A_211] : memref<79x128xi32, #tpu.memory_space<vmem>> -> memref<1x128xi32, #tpu.memory_space<vmem>>
        %dma_start3A_213 = tpu.memref_squeeze %dma_start3A_212 : memref<1x128xi32, #tpu.memory_space<vmem>> -> memref<128xi32, #tpu.memory_space<vmem>>
        %dma_start3A_214 = arith.constant 0 : i32
        %dma_start3A_215 = arith.constant 0 : i32
        %dma_start3A_216 = tpu.memref_slice %arg15[%dma_start3A_214, %dma_start3A_215] : memref<10240x40xf32, #tpu.memory_space<vmem_shared>> -> memref<10240x40xf32, #tpu.memory_space<vmem_shared>>
        tpu.enqueue_indirect_dma source(%arg13 : memref<128x40xf32, #tpu.memory_space<vmem>>) target(%dma_start3A_216 : memref<10240x40xf32, #tpu.memory_space<vmem_shared>>) offsets(%dma_start3A_213 : memref<128xi32, #tpu.memory_space<vmem>>) semaphore(%run_scoped3A_210 : memref<!tpu.dma_semaphore, #tpu.memory_space<semaphore_mem>>) {add = true}
        %dma_wait3A_217 = arith.constant 0 : i32
        %dma_wait3A_218 = tpu.memref_slice %arg6[%add3A_195, %dma_wait3A_217] : memref<79x128xi32, #tpu.memory_space<vmem>> -> memref<1x128xi32, #tpu.memory_space<vmem>>
        %dma_wait3A_219 = tpu.memref_squeeze %dma_wait3A_218 : memref<1x128xi32, #tpu.memory_space<vmem>> -> memref<128xi32, #tpu.memory_space<vmem>>
        %dma_wait3A_220 = arith.constant 0 : i32
        %dma_wait3A_221 = arith.constant 0 : i32
        %dma_wait3A_222 = tpu.memref_slice %arg15[%dma_wait3A_220, %dma_wait3A_221] : memref<10240x40xf32, #tpu.memory_space<vmem_shared>> -> memref<10240x40xf32, #tpu.memory_space<vmem_shared>>
        tpu.wait_indirect_dma semaphore(%run_scoped3A_210 : memref<!tpu.dma_semaphore, #tpu.memory_space<semaphore_mem>>) src(%arg13 : memref<128x40xf32, #tpu.memory_space<vmem>>) dst(%dma_wait3A_222 : memref<10240x40xf32, #tpu.memory_space<vmem_shared>>)
        tpu.yield
      }) : () -> ()
    } else {
    }
    %barrier3A_200 = arith.constant 0 : index
    tpu.barrier barrier_id(%barrier3A_200)
    %mul3A_201 = arith.constant 40 : i32
    %mul3A_202 = arith.muli %arg0, %mul3A_201 : i32
    %multiple_of3A_203 = tpu.assume_multiple %mul3A_202, 8 : i32
    "tpu.region"() ({
      %run_scoped3A_204 = tpu.sem_alloc : memref<!tpu.dma_semaphore, #tpu.memory_space<semaphore_mem>>
      %dma_start3A_205 = tpu.memref_slice %arg4[%multiple_of3A, %multiple_of3A_203] : memref<10240x128xf32, #tpu.memory_space<hbm>> -> memref<640x40xf32, #tpu.memory_space<hbm>>
      %dma_start3A_206 = arith.constant 0 : i32
      %dma_start3A_207 = tpu.memref_slice %arg15[%multiple_of3A, %dma_start3A_206] : memref<10240x40xf32, #tpu.memory_space<vmem_shared>> -> memref<640x40xf32, #tpu.memory_space<vmem_shared>>
      tpu.enqueue_dma source(%dma_start3A_207 : memref<640x40xf32, #tpu.memory_space<vmem_shared>>) target(%dma_start3A_205 : memref<640x40xf32, #tpu.memory_space<hbm>>) target_semaphore(%run_scoped3A_204 : memref<!tpu.dma_semaphore, #tpu.memory_space<semaphore_mem>>)
      %dma_wait3A = tpu.memref_slice %arg4[%multiple_of3A, %multiple_of3A_203] : memref<10240x128xf32, #tpu.memory_space<hbm>> -> memref<640x40xf32, #tpu.memory_space<hbm>>
      %dma_wait3A_208 = arith.constant 0 : i32
      %dma_wait3A_209 = tpu.memref_slice %arg15[%multiple_of3A, %dma_wait3A_208] : memref<10240x40xf32, #tpu.memory_space<vmem_shared>> -> memref<640x40xf32, #tpu.memory_space<vmem_shared>>
      tpu.wait_dma2 semaphore(%run_scoped3A_204 : memref<!tpu.dma_semaphore, #tpu.memory_space<semaphore_mem>>) src(%dma_wait3A_209 : memref<640x40xf32, #tpu.memory_space<vmem_shared>>) dst(%dma_wait3A : memref<640x40xf32, #tpu.memory_space<hbm>>)
      tpu.yield
    }) : () -> ()
    return
  }
}

#map = affine_map<(d0, d1) -> (0, 0, 0)>
#map1 = affine_map<(d0, d1) -> (0, 0)>
module attributes {stable_mosaic.version = 14 : i64} {
  func.func @msg(%arg0: i32, %arg1: i32, %arg2: memref<2500x2x128xi32, #tpu.memory_space<hbm>>, %arg3: memref<20000x64xf32, #tpu.memory_space<hbm>>, %arg4: memref<10240x128xf32, #tpu.memory_space<hbm>>, %arg5: memref<79x128xi32, #tpu.memory_space<vmem>>, %arg6: memref<79x128xi32, #tpu.memory_space<vmem>>, %arg7: memref<128x64xf32, #tpu.memory_space<vmem>>, %arg8: memref<128x64xf32, #tpu.memory_space<vmem>>, %arg9: memref<128x64xf32, #tpu.memory_space<vmem>>, %arg10: memref<128x64xf32, #tpu.memory_space<vmem>>, %arg11: memref<128x64xf32, #tpu.memory_space<vmem>>, %arg12: memref<10240x64xf32, #tpu.memory_space<vmem_shared>>, %arg13: memref<!tpu.dma_semaphore, #tpu.memory_space<semaphore_mem>>) attributes {dimension_semantics = [#tpu.dimension_semantics<core_parallel>, #tpu.dimension_semantics<subcore_parallel>], iteration_bounds = array<i64: 2, 16>, scalar_prefetch = 0 : i64, scratch_operands = 9 : i64, tpu.core_type = #tpu.core_type<sc_vector_subcore>, window_params = [{transform_indices = #map}, {transform_indices = #map1}, {transform_indices = #map1}]} {
    %mul3A = arith.constant 16 : i32
    %mul3A_0 = arith.muli %arg0, %mul3A : i32
    %add3A = arith.addi %mul3A_0, %arg1 : i32
    %mul3A_1 = arith.constant 2500 : i32
    %mul3A_2 = arith.muli %mul3A_1, %add3A : i32
    %jit3A = arith.constant 32 : i32
    %div3A = arith.divsi %mul3A_2, %jit3A : i32
    %sign3A = arith.constant 0 : i32
    %sign3A_3 = arith.cmpi sgt, %mul3A_2, %sign3A : i32
    %sign3A_4 = arith.extui %sign3A_3 : i1 to i32
    %sign3A_5 = arith.constant 0 : i32
    %sign3A_6 = arith.cmpi slt, %mul3A_2, %sign3A_5 : i32
    %sign3A_7 = arith.extui %sign3A_6 : i1 to i32
    %sign3A_8 = arith.subi %sign3A_4, %sign3A_7 : i32
    %sign3A_9 = arith.constant 0 : i32
    %sign3A_10 = arith.cmpi sgt, %jit3A, %sign3A_9 : i32
    %sign3A_11 = arith.extui %sign3A_10 : i1 to i32
    %sign3A_12 = arith.constant 0 : i32
    %sign3A_13 = arith.cmpi slt, %jit3A, %sign3A_12 : i32
    %sign3A_14 = arith.extui %sign3A_13 : i1 to i32
    %sign3A_15 = arith.subi %sign3A_11, %sign3A_14 : i32
    %ne3A = arith.cmpi ne, %sign3A_8, %sign3A_15 : i32
    %rem3A = arith.remsi %mul3A_2, %jit3A : i32
    %ne3A_16 = arith.constant 0 : i32
    %ne3A_17 = arith.cmpi ne, %rem3A, %ne3A_16 : i32
    %and3A = arith.andi %ne3A, %ne3A_17 : i1
    %sub3A = arith.constant 1 : i32
    %sub3A_18 = arith.subi %div3A, %sub3A : i32
    %select_n3A = arith.select %and3A, %sub3A_18, %div3A : i32
    %add3A_19 = arith.constant 1 : i32
    %add3A_20 = arith.addi %add3A, %add3A_19 : i32
    %mul3A_21 = arith.constant 2500 : i32
    %mul3A_22 = arith.muli %mul3A_21, %add3A_20 : i32
    %jit3A_23 = arith.constant 32 : i32
    %div3A_24 = arith.divsi %mul3A_22, %jit3A_23 : i32
    %sign3A_25 = arith.constant 0 : i32
    %sign3A_26 = arith.cmpi sgt, %mul3A_22, %sign3A_25 : i32
    %sign3A_27 = arith.extui %sign3A_26 : i1 to i32
    %sign3A_28 = arith.constant 0 : i32
    %sign3A_29 = arith.cmpi slt, %mul3A_22, %sign3A_28 : i32
    %sign3A_30 = arith.extui %sign3A_29 : i1 to i32
    %sign3A_31 = arith.subi %sign3A_27, %sign3A_30 : i32
    %sign3A_32 = arith.constant 0 : i32
    %sign3A_33 = arith.cmpi sgt, %jit3A_23, %sign3A_32 : i32
    %sign3A_34 = arith.extui %sign3A_33 : i1 to i32
    %sign3A_35 = arith.constant 0 : i32
    %sign3A_36 = arith.cmpi slt, %jit3A_23, %sign3A_35 : i32
    %sign3A_37 = arith.extui %sign3A_36 : i1 to i32
    %sign3A_38 = arith.subi %sign3A_34, %sign3A_37 : i32
    %ne3A_39 = arith.cmpi ne, %sign3A_31, %sign3A_38 : i32
    %rem3A_40 = arith.remsi %mul3A_22, %jit3A_23 : i32
    %ne3A_41 = arith.constant 0 : i32
    %ne3A_42 = arith.cmpi ne, %rem3A_40, %ne3A_41 : i32
    %and3A_43 = arith.andi %ne3A_39, %ne3A_42 : i1
    %sub3A_44 = arith.constant 1 : i32
    %sub3A_45 = arith.subi %div3A_24, %sub3A_44 : i32
    %select_n3A_46 = arith.select %and3A_43, %sub3A_45, %div3A_24 : i32
    %sub3A_47 = arith.subi %select_n3A_46, %select_n3A : i32
    %run_scoped3A = arith.constant 0 : i32
    "tpu.region"() ({
      %run_scoped3A_169 = tpu.sem_alloc : memref<!tpu.dma_semaphore, #tpu.memory_space<semaphore_mem>>
      %dma_start3A_170 = arith.constant 0 : i32
      %dma_start3A_171 = tpu.memref_slice %arg2[%select_n3A, %run_scoped3A, %dma_start3A_170] : memref<2500x2x128xi32, #tpu.memory_space<hbm>> -> memref<79x1x128xi32, #tpu.memory_space<hbm>>
      %dma_start3A_172 = tpu.memref_squeeze %dma_start3A_171 : memref<79x1x128xi32, #tpu.memory_space<hbm>> -> memref<79x128xi32, #tpu.memory_space<hbm>>
      %dma_start3A_173 = arith.constant 0 : i32
      %dma_start3A_174 = tpu.memref_slice %arg2[%select_n3A, %run_scoped3A, %dma_start3A_173] : memref<2500x2x128xi32, #tpu.memory_space<hbm>> -> memref<79x1x128xi32, #tpu.memory_space<hbm>>
      %dma_start3A_175 = tpu.memref_squeeze %dma_start3A_174 : memref<79x1x128xi32, #tpu.memory_space<hbm>> -> memref<79x128xi32, #tpu.memory_space<hbm>>
      tpu.enqueue_dma source(%dma_start3A_175 : memref<79x128xi32, #tpu.memory_space<hbm>>) target(%arg5 : memref<79x128xi32, #tpu.memory_space<vmem>>) target_semaphore(%run_scoped3A_169 : memref<!tpu.dma_semaphore, #tpu.memory_space<semaphore_mem>>)
      %dma_wait3A = arith.constant 0 : i32
      %dma_wait3A_176 = tpu.memref_slice %arg2[%select_n3A, %run_scoped3A, %dma_wait3A] : memref<2500x2x128xi32, #tpu.memory_space<hbm>> -> memref<79x1x128xi32, #tpu.memory_space<hbm>>
      %dma_wait3A_177 = tpu.memref_squeeze %dma_wait3A_176 : memref<79x1x128xi32, #tpu.memory_space<hbm>> -> memref<79x128xi32, #tpu.memory_space<hbm>>
      %dma_wait3A_178 = arith.constant 0 : i32
      %dma_wait3A_179 = tpu.memref_slice %arg2[%select_n3A, %run_scoped3A, %dma_wait3A_178] : memref<2500x2x128xi32, #tpu.memory_space<hbm>> -> memref<79x1x128xi32, #tpu.memory_space<hbm>>
      %dma_wait3A_180 = tpu.memref_squeeze %dma_wait3A_179 : memref<79x1x128xi32, #tpu.memory_space<hbm>> -> memref<79x128xi32, #tpu.memory_space<hbm>>
      tpu.wait_dma2 semaphore(%run_scoped3A_169 : memref<!tpu.dma_semaphore, #tpu.memory_space<semaphore_mem>>) src(%dma_wait3A_180 : memref<79x128xi32, #tpu.memory_space<hbm>>) dst(%arg5 : memref<79x128xi32, #tpu.memory_space<vmem>>)
      tpu.yield
    }) : () -> ()
    %run_scoped3A_48 = arith.constant 1 : i32
    "tpu.region"() ({
      %run_scoped3A_169 = tpu.sem_alloc : memref<!tpu.dma_semaphore, #tpu.memory_space<semaphore_mem>>
      %dma_start3A_170 = arith.constant 0 : i32
      %dma_start3A_171 = tpu.memref_slice %arg2[%select_n3A, %run_scoped3A_48, %dma_start3A_170] : memref<2500x2x128xi32, #tpu.memory_space<hbm>> -> memref<79x1x128xi32, #tpu.memory_space<hbm>>
      %dma_start3A_172 = tpu.memref_squeeze %dma_start3A_171 : memref<79x1x128xi32, #tpu.memory_space<hbm>> -> memref<79x128xi32, #tpu.memory_space<hbm>>
      %dma_start3A_173 = arith.constant 0 : i32
      %dma_start3A_174 = tpu.memref_slice %arg2[%select_n3A, %run_scoped3A_48, %dma_start3A_173] : memref<2500x2x128xi32, #tpu.memory_space<hbm>> -> memref<79x1x128xi32, #tpu.memory_space<hbm>>
      %dma_start3A_175 = tpu.memref_squeeze %dma_start3A_174 : memref<79x1x128xi32, #tpu.memory_space<hbm>> -> memref<79x128xi32, #tpu.memory_space<hbm>>
      tpu.enqueue_dma source(%dma_start3A_175 : memref<79x128xi32, #tpu.memory_space<hbm>>) target(%arg6 : memref<79x128xi32, #tpu.memory_space<vmem>>) target_semaphore(%run_scoped3A_169 : memref<!tpu.dma_semaphore, #tpu.memory_space<semaphore_mem>>)
      %dma_wait3A = arith.constant 0 : i32
      %dma_wait3A_176 = tpu.memref_slice %arg2[%select_n3A, %run_scoped3A_48, %dma_wait3A] : memref<2500x2x128xi32, #tpu.memory_space<hbm>> -> memref<79x1x128xi32, #tpu.memory_space<hbm>>
      %dma_wait3A_177 = tpu.memref_squeeze %dma_wait3A_176 : memref<79x1x128xi32, #tpu.memory_space<hbm>> -> memref<79x128xi32, #tpu.memory_space<hbm>>
      %dma_wait3A_178 = arith.constant 0 : i32
      %dma_wait3A_179 = tpu.memref_slice %arg2[%select_n3A, %run_scoped3A_48, %dma_wait3A_178] : memref<2500x2x128xi32, #tpu.memory_space<hbm>> -> memref<79x1x128xi32, #tpu.memory_space<hbm>>
      %dma_wait3A_180 = tpu.memref_squeeze %dma_wait3A_179 : memref<79x1x128xi32, #tpu.memory_space<hbm>> -> memref<79x128xi32, #tpu.memory_space<hbm>>
      tpu.wait_dma2 semaphore(%run_scoped3A_169 : memref<!tpu.dma_semaphore, #tpu.memory_space<semaphore_mem>>) src(%dma_wait3A_180 : memref<79x128xi32, #tpu.memory_space<hbm>>) dst(%arg6 : memref<79x128xi32, #tpu.memory_space<vmem>>)
      tpu.yield
    }) : () -> ()
    %scan3A = arith.constant 0 : i32
    %scan3A_49 = arith.constant 5 : i32
    %scan3A_50 = arith.addi %scan3A, %scan3A_49 : i32
    %scan3A_51 = arith.constant 1 : i32
    scf.for %scan3A_169 = %scan3A to %scan3A_50 step %scan3A_51  : i32 {
      %get3A = arith.index_cast %scan3A_169 : i32 to index
      %get3A_170 = arith.constant 0 : index
      %get3A_171 = tpu.vector_load %arg5[%get3A, %get3A_170] {strides = array<i32>} : memref<79x128xi32, #tpu.memory_space<vmem>>, vector<16xi32>,
      %add3A_172 = arith.addi %get3A_171, %get3A_171 : vector<16xi32>
      %swap3A = arith.index_cast %scan3A_169 : i32 to index
      %swap3A_173 = arith.constant 0 : index
      %swap3A_174 = tpu.vector_load %arg5[%swap3A, %swap3A_173] {strides = array<i32>} : memref<79x128xi32, #tpu.memory_space<vmem>>, vector<16xi32>,
      tpu.vector_store %arg5[%swap3A, %swap3A_173], %add3A_172 {strides = array<i32>} : memref<79x128xi32, #tpu.memory_space<vmem>>, vector<16xi32>,
      %get3A_175 = arith.index_cast %scan3A_169 : i32 to index
      %get3A_176 = arith.constant 16 : index
      %get3A_177 = tpu.vector_load %arg5[%get3A_175, %get3A_176] {strides = array<i32>} : memref<79x128xi32, #tpu.memory_space<vmem>>, vector<16xi32>,
      %add3A_178 = arith.addi %get3A_177, %get3A_177 : vector<16xi32>
      %swap3A_179 = arith.index_cast %scan3A_169 : i32 to index
      %swap3A_180 = arith.constant 16 : index
      %swap3A_181 = tpu.vector_load %arg5[%swap3A_179, %swap3A_180] {strides = array<i32>} : memref<79x128xi32, #tpu.memory_space<vmem>>, vector<16xi32>,
      tpu.vector_store %arg5[%swap3A_179, %swap3A_180], %add3A_178 {strides = array<i32>} : memref<79x128xi32, #tpu.memory_space<vmem>>, vector<16xi32>,
      %get3A_182 = arith.index_cast %scan3A_169 : i32 to index
      %get3A_183 = arith.constant 32 : index
      %get3A_184 = tpu.vector_load %arg5[%get3A_182, %get3A_183] {strides = array<i32>} : memref<79x128xi32, #tpu.memory_space<vmem>>, vector<16xi32>,
      %add3A_185 = arith.addi %get3A_184, %get3A_184 : vector<16xi32>
      %swap3A_186 = arith.index_cast %scan3A_169 : i32 to index
      %swap3A_187 = arith.constant 32 : index
      %swap3A_188 = tpu.vector_load %arg5[%swap3A_186, %swap3A_187] {strides = array<i32>} : memref<79x128xi32, #tpu.memory_space<vmem>>, vector<16xi32>,
      tpu.vector_store %arg5[%swap3A_186, %swap3A_187], %add3A_185 {strides = array<i32>} : memref<79x128xi32, #tpu.memory_space<vmem>>, vector<16xi32>,
      %get3A_189 = arith.index_cast %scan3A_169 : i32 to index
      %get3A_190 = arith.constant 48 : index
      %get3A_191 = tpu.vector_load %arg5[%get3A_189, %get3A_190] {strides = array<i32>} : memref<79x128xi32, #tpu.memory_space<vmem>>, vector<16xi32>,
      %add3A_192 = arith.addi %get3A_191, %get3A_191 : vector<16xi32>
      %swap3A_193 = arith.index_cast %scan3A_169 : i32 to index
      %swap3A_194 = arith.constant 48 : index
      %swap3A_195 = tpu.vector_load %arg5[%swap3A_193, %swap3A_194] {strides = array<i32>} : memref<79x128xi32, #tpu.memory_space<vmem>>, vector<16xi32>,
      tpu.vector_store %arg5[%swap3A_193, %swap3A_194], %add3A_192 {strides = array<i32>} : memref<79x128xi32, #tpu.memory_space<vmem>>, vector<16xi32>,
      %get3A_196 = arith.index_cast %scan3A_169 : i32 to index
      %get3A_197 = arith.constant 64 : index
      %get3A_198 = tpu.vector_load %arg5[%get3A_196, %get3A_197] {strides = array<i32>} : memref<79x128xi32, #tpu.memory_space<vmem>>, vector<16xi32>,
      %add3A_199 = arith.addi %get3A_198, %get3A_198 : vector<16xi32>
      %swap3A_200 = arith.index_cast %scan3A_169 : i32 to index
      %swap3A_201 = arith.constant 64 : index
      %swap3A_202 = tpu.vector_load %arg5[%swap3A_200, %swap3A_201] {strides = array<i32>} : memref<79x128xi32, #tpu.memory_space<vmem>>, vector<16xi32>,
      tpu.vector_store %arg5[%swap3A_200, %swap3A_201], %add3A_199 {strides = array<i32>} : memref<79x128xi32, #tpu.memory_space<vmem>>, vector<16xi32>,
      %get3A_203 = arith.index_cast %scan3A_169 : i32 to index
      %get3A_204 = arith.constant 80 : index
      %get3A_205 = tpu.vector_load %arg5[%get3A_203, %get3A_204] {strides = array<i32>} : memref<79x128xi32, #tpu.memory_space<vmem>>, vector<16xi32>,
      %add3A_206 = arith.addi %get3A_205, %get3A_205 : vector<16xi32>
      %swap3A_207 = arith.index_cast %scan3A_169 : i32 to index
      %swap3A_208 = arith.constant 80 : index
      %swap3A_209 = tpu.vector_load %arg5[%swap3A_207, %swap3A_208] {strides = array<i32>} : memref<79x128xi32, #tpu.memory_space<vmem>>, vector<16xi32>,
      tpu.vector_store %arg5[%swap3A_207, %swap3A_208], %add3A_206 {strides = array<i32>} : memref<79x128xi32, #tpu.memory_space<vmem>>, vector<16xi32>,
      %get3A_210 = arith.index_cast %scan3A_169 : i32 to index
      %get3A_211 = arith.constant 96 : index
      %get3A_212 = tpu.vector_load %arg5[%get3A_210, %get3A_211] {strides = array<i32>} : memref<79x128xi32, #tpu.memory_space<vmem>>, vector<16xi32>,
      %add3A_213 = arith.addi %get3A_212, %get3A_212 : vector<16xi32>
      %swap3A_214 = arith.index_cast %scan3A_169 : i32 to index
      %swap3A_215 = arith.constant 96 : index
      %swap3A_216 = tpu.vector_load %arg5[%swap3A_214, %swap3A_215] {strides = array<i32>} : memref<79x128xi32, #tpu.memory_space<vmem>>, vector<16xi32>,
      tpu.vector_store %arg5[%swap3A_214, %swap3A_215], %add3A_213 {strides = array<i32>} : memref<79x128xi32, #tpu.memory_space<vmem>>, vector<16xi32>,
      %get3A_217 = arith.index_cast %scan3A_169 : i32 to index
      %get3A_218 = arith.constant 112 : index
      %get3A_219 = tpu.vector_load %arg5[%get3A_217, %get3A_218] {strides = array<i32>} : memref<79x128xi32, #tpu.memory_space<vmem>>, vector<16xi32>,
      %add3A_220 = arith.addi %get3A_219, %get3A_219 : vector<16xi32>
      %swap3A_221 = arith.index_cast %scan3A_169 : i32 to index
      %swap3A_222 = arith.constant 112 : index
      %swap3A_223 = tpu.vector_load %arg5[%swap3A_221, %swap3A_222] {strides = array<i32>} : memref<79x128xi32, #tpu.memory_space<vmem>>, vector<16xi32>,
      tpu.vector_store %arg5[%swap3A_221, %swap3A_222], %add3A_220 {strides = array<i32>} : memref<79x128xi32, #tpu.memory_space<vmem>>, vector<16xi32>,
    }
    %scan3A_52 = arith.constant 5 : i32
    %scan3A_53 = arith.constant 0 : i32
    %scan3A_54 = arith.constant 128 : i32
    %scan3A_55 = arith.addi %scan3A_53, %scan3A_54 : i32
    %scan3A_56 = arith.constant 1 : i32
    scf.for %scan3A_169 = %scan3A_53 to %scan3A_55 step %scan3A_56  : i32 {
      %broadcast_in_dim3A = arith.constant 0.000000e+00 : f32
      %broadcast_in_dim3A_170 = vector.broadcast %broadcast_in_dim3A : f32 to vector<16xf32>
      %swap3A = arith.index_cast %scan3A_169 : i32 to index
      %swap3A_171 = arith.constant 0 : index
      %swap3A_172 = tpu.vector_load %arg7[%swap3A, %swap3A_171] {strides = array<i32>} : memref<128x64xf32, #tpu.memory_space<vmem>>, vector<16xf32>,
      tpu.vector_store %arg7[%swap3A, %swap3A_171], %broadcast_in_dim3A_170 {strides = array<i32>} : memref<128x64xf32, #tpu.memory_space<vmem>>, vector<16xf32>,
      %broadcast_in_dim3A_173 = arith.constant 0.000000e+00 : f32
      %broadcast_in_dim3A_174 = vector.broadcast %broadcast_in_dim3A_173 : f32 to vector<16xf32>
      %swap3A_175 = arith.index_cast %scan3A_169 : i32 to index
      %swap3A_176 = arith.constant 16 : index
      %swap3A_177 = tpu.vector_load %arg7[%swap3A_175, %swap3A_176] {strides = array<i32>} : memref<128x64xf32, #tpu.memory_space<vmem>>, vector<16xf32>,
      tpu.vector_store %arg7[%swap3A_175, %swap3A_176], %broadcast_in_dim3A_174 {strides = array<i32>} : memref<128x64xf32, #tpu.memory_space<vmem>>, vector<16xf32>,
      %broadcast_in_dim3A_178 = arith.constant 0.000000e+00 : f32
      %broadcast_in_dim3A_179 = vector.broadcast %broadcast_in_dim3A_178 : f32 to vector<16xf32>
      %swap3A_180 = arith.index_cast %scan3A_169 : i32 to index
      %swap3A_181 = arith.constant 32 : index
      %swap3A_182 = tpu.vector_load %arg7[%swap3A_180, %swap3A_181] {strides = array<i32>} : memref<128x64xf32, #tpu.memory_space<vmem>>, vector<16xf32>,
      tpu.vector_store %arg7[%swap3A_180, %swap3A_181], %broadcast_in_dim3A_179 {strides = array<i32>} : memref<128x64xf32, #tpu.memory_space<vmem>>, vector<16xf32>,
      %broadcast_in_dim3A_183 = arith.constant 0.000000e+00 : f32
      %broadcast_in_dim3A_184 = vector.broadcast %broadcast_in_dim3A_183 : f32 to vector<16xf32>
      %swap3A_185 = arith.index_cast %scan3A_169 : i32 to index
      %swap3A_186 = arith.constant 48 : index
      %swap3A_187 = tpu.vector_load %arg7[%swap3A_185, %swap3A_186] {strides = array<i32>} : memref<128x64xf32, #tpu.memory_space<vmem>>, vector<16xf32>,
      tpu.vector_store %arg7[%swap3A_185, %swap3A_186], %broadcast_in_dim3A_184 {strides = array<i32>} : memref<128x64xf32, #tpu.memory_space<vmem>>, vector<16xf32>,
    }
    %scan3A_57 = arith.constant 128 : i32
    %mul3A_58 = arith.constant 640 : i32
    %mul3A_59 = arith.muli %arg1, %mul3A_58 : i32
    %multiple_of3A = tpu.assume_multiple %mul3A_59, 8 : i32
    %scan3A_60 = arith.constant 0 : i32
    %scan3A_61 = arith.constant 5 : i32
    %scan3A_62 = arith.addi %scan3A_60, %scan3A_61 : i32
    %scan3A_63 = arith.constant 1 : i32
    scf.for %scan3A_169 = %scan3A_60 to %scan3A_62 step %scan3A_63  : i32 {
      %mul3A_170 = arith.constant 128 : i32
      %mul3A_171 = arith.muli %scan3A_169, %mul3A_170 : i32
      %add3A_172 = arith.addi %multiple_of3A, %mul3A_171 : i32
      "tpu.region"() ({
        %run_scoped3A_173 = tpu.sem_alloc : memref<!tpu.dma_semaphore, #tpu.memory_space<semaphore_mem>>
        %dma_start3A_174 = arith.constant 0 : i32
        %dma_start3A_175 = tpu.memref_slice %arg12[%add3A_172, %dma_start3A_174] : memref<10240x64xf32, #tpu.memory_space<vmem_shared>> -> memref<128x64xf32, #tpu.memory_space<vmem_shared>>
        %dma_start3A_176 = arith.constant 0 : i32
        %dma_start3A_177 = tpu.memref_slice %arg12[%add3A_172, %dma_start3A_176] : memref<10240x64xf32, #tpu.memory_space<vmem_shared>> -> memref<128x64xf32, #tpu.memory_space<vmem_shared>>
        tpu.enqueue_dma source(%arg7 : memref<128x64xf32, #tpu.memory_space<vmem>>) target(%dma_start3A_177 : memref<128x64xf32, #tpu.memory_space<vmem_shared>>) target_semaphore(%run_scoped3A_173 : memref<!tpu.dma_semaphore, #tpu.memory_space<semaphore_mem>>)
        %dma_wait3A = arith.constant 0 : i32
        %dma_wait3A_178 = tpu.memref_slice %arg12[%add3A_172, %dma_wait3A] : memref<10240x64xf32, #tpu.memory_space<vmem_shared>> -> memref<128x64xf32, #tpu.memory_space<vmem_shared>>
        %dma_wait3A_179 = arith.constant 0 : i32
        %dma_wait3A_180 = tpu.memref_slice %arg12[%add3A_172, %dma_wait3A_179] : memref<10240x64xf32, #tpu.memory_space<vmem_shared>> -> memref<128x64xf32, #tpu.memory_space<vmem_shared>>
        tpu.wait_dma2 semaphore(%run_scoped3A_173 : memref<!tpu.dma_semaphore, #tpu.memory_space<semaphore_mem>>) src(%arg7 : memref<128x64xf32, #tpu.memory_space<vmem>>) dst(%dma_wait3A_180 : memref<128x64xf32, #tpu.memory_space<vmem_shared>>)
        tpu.yield
      }) : () -> ()
    }
    %scan3A_64 = arith.constant 5 : i32
    %barrier3A = arith.constant 0 : index
    tpu.barrier barrier_id(%barrier3A)
    %dma_start3A = arith.constant 0 : i32
    %dma_start3A_65 = arith.constant 0 : i32
    %dma_start3A_66 = tpu.memref_slice %arg5[%dma_start3A, %dma_start3A_65] : memref<79x128xi32, #tpu.memory_space<vmem>> -> memref<1x128xi32, #tpu.memory_space<vmem>>
    %dma_start3A_67 = tpu.memref_squeeze %dma_start3A_66 : memref<1x128xi32, #tpu.memory_space<vmem>> -> memref<128xi32, #tpu.memory_space<vmem>>
    %dma_start3A_68 = arith.constant 0 : i32
    %dma_start3A_69 = arith.constant 0 : i32
    %dma_start3A_70 = tpu.memref_slice %arg3[%dma_start3A_68, %dma_start3A_69] : memref<20000x64xf32, #tpu.memory_space<hbm>> -> memref<20000x64xf32, #tpu.memory_space<hbm>>
    tpu.enqueue_indirect_dma source(%dma_start3A_70 : memref<20000x64xf32, #tpu.memory_space<hbm>>) target(%arg7 : memref<128x64xf32, #tpu.memory_space<vmem>>) offsets(%dma_start3A_67 : memref<128xi32, #tpu.memory_space<vmem>>) semaphore(%arg13 : memref<!tpu.dma_semaphore, #tpu.memory_space<semaphore_mem>>)
    %dma_start3A_71 = arith.constant 1 : i32
    %dma_start3A_72 = arith.constant 0 : i32
    %dma_start3A_73 = tpu.memref_slice %arg5[%dma_start3A_71, %dma_start3A_72] : memref<79x128xi32, #tpu.memory_space<vmem>> -> memref<1x128xi32, #tpu.memory_space<vmem>>
    %dma_start3A_74 = tpu.memref_squeeze %dma_start3A_73 : memref<1x128xi32, #tpu.memory_space<vmem>> -> memref<128xi32, #tpu.memory_space<vmem>>
    %dma_start3A_75 = arith.constant 0 : i32
    %dma_start3A_76 = arith.constant 0 : i32
    %dma_start3A_77 = tpu.memref_slice %arg3[%dma_start3A_75, %dma_start3A_76] : memref<20000x64xf32, #tpu.memory_space<hbm>> -> memref<20000x64xf32, #tpu.memory_space<hbm>>
    tpu.enqueue_indirect_dma source(%dma_start3A_77 : memref<20000x64xf32, #tpu.memory_space<hbm>>) target(%arg8 : memref<128x64xf32, #tpu.memory_space<vmem>>) offsets(%dma_start3A_74 : memref<128xi32, #tpu.memory_space<vmem>>) semaphore(%arg13 : memref<!tpu.dma_semaphore, #tpu.memory_space<semaphore_mem>>)
    %dma_start3A_78 = arith.constant 2 : i32
    %dma_start3A_79 = arith.constant 0 : i32
    %dma_start3A_80 = tpu.memref_slice %arg5[%dma_start3A_78, %dma_start3A_79] : memref<79x128xi32, #tpu.memory_space<vmem>> -> memref<1x128xi32, #tpu.memory_space<vmem>>
    %dma_start3A_81 = tpu.memref_squeeze %dma_start3A_80 : memref<1x128xi32, #tpu.memory_space<vmem>> -> memref<128xi32, #tpu.memory_space<vmem>>
    %dma_start3A_82 = arith.constant 0 : i32
    %dma_start3A_83 = arith.constant 0 : i32
    %dma_start3A_84 = tpu.memref_slice %arg3[%dma_start3A_82, %dma_start3A_83] : memref<20000x64xf32, #tpu.memory_space<hbm>> -> memref<20000x64xf32, #tpu.memory_space<hbm>>
    tpu.enqueue_indirect_dma source(%dma_start3A_84 : memref<20000x64xf32, #tpu.memory_space<hbm>>) target(%arg9 : memref<128x64xf32, #tpu.memory_space<vmem>>) offsets(%dma_start3A_81 : memref<128xi32, #tpu.memory_space<vmem>>) semaphore(%arg13 : memref<!tpu.dma_semaphore, #tpu.memory_space<semaphore_mem>>)
    %dma_start3A_85 = arith.constant 3 : i32
    %dma_start3A_86 = arith.constant 0 : i32
    %dma_start3A_87 = tpu.memref_slice %arg5[%dma_start3A_85, %dma_start3A_86] : memref<79x128xi32, #tpu.memory_space<vmem>> -> memref<1x128xi32, #tpu.memory_space<vmem>>
    %dma_start3A_88 = tpu.memref_squeeze %dma_start3A_87 : memref<1x128xi32, #tpu.memory_space<vmem>> -> memref<128xi32, #tpu.memory_space<vmem>>
    %dma_start3A_89 = arith.constant 0 : i32
    %dma_start3A_90 = arith.constant 0 : i32
    %dma_start3A_91 = tpu.memref_slice %arg3[%dma_start3A_89, %dma_start3A_90] : memref<20000x64xf32, #tpu.memory_space<hbm>> -> memref<20000x64xf32, #tpu.memory_space<hbm>>
    tpu.enqueue_indirect_dma source(%dma_start3A_91 : memref<20000x64xf32, #tpu.memory_space<hbm>>) target(%arg10 : memref<128x64xf32, #tpu.memory_space<vmem>>) offsets(%dma_start3A_88 : memref<128xi32, #tpu.memory_space<vmem>>) semaphore(%arg13 : memref<!tpu.dma_semaphore, #tpu.memory_space<semaphore_mem>>)
    %dma_start3A_92 = arith.constant 4 : i32
    %dma_start3A_93 = arith.constant 0 : i32
    %dma_start3A_94 = tpu.memref_slice %arg5[%dma_start3A_92, %dma_start3A_93] : memref<79x128xi32, #tpu.memory_space<vmem>> -> memref<1x128xi32, #tpu.memory_space<vmem>>
    %dma_start3A_95 = tpu.memref_squeeze %dma_start3A_94 : memref<1x128xi32, #tpu.memory_space<vmem>> -> memref<128xi32, #tpu.memory_space<vmem>>
    %dma_start3A_96 = arith.constant 0 : i32
    %dma_start3A_97 = arith.constant 0 : i32
    %dma_start3A_98 = tpu.memref_slice %arg3[%dma_start3A_96, %dma_start3A_97] : memref<20000x64xf32, #tpu.memory_space<hbm>> -> memref<20000x64xf32, #tpu.memory_space<hbm>>
    tpu.enqueue_indirect_dma source(%dma_start3A_98 : memref<20000x64xf32, #tpu.memory_space<hbm>>) target(%arg11 : memref<128x64xf32, #tpu.memory_space<vmem>>) offsets(%dma_start3A_95 : memref<128xi32, #tpu.memory_space<vmem>>) semaphore(%arg13 : memref<!tpu.dma_semaphore, #tpu.memory_space<semaphore_mem>>)
    %scan3A_99 = arith.constant 5 : i32
    %scan3A_100 = arith.constant 74 : i32
    %scan3A_101 = arith.addi %scan3A_99, %scan3A_100 : i32
    %scan3A_102 = arith.constant 1 : i32
    scf.for %scan3A_169 = %scan3A_99 to %scan3A_101 step %scan3A_102  : i32 {
      %get3A = arith.index_cast %scan3A_169 : i32 to index
      %get3A_170 = arith.constant 0 : index
      %get3A_171 = tpu.vector_load %arg5[%get3A, %get3A_170] {strides = array<i32>} : memref<79x128xi32, #tpu.memory_space<vmem>>, vector<16xi32>,
      %add3A_172 = arith.addi %get3A_171, %get3A_171 : vector<16xi32>
      %swap3A = arith.index_cast %scan3A_169 : i32 to index
      %swap3A_173 = arith.constant 0 : index
      %swap3A_174 = tpu.vector_load %arg5[%swap3A, %swap3A_173] {strides = array<i32>} : memref<79x128xi32, #tpu.memory_space<vmem>>, vector<16xi32>,
      tpu.vector_store %arg5[%swap3A, %swap3A_173], %add3A_172 {strides = array<i32>} : memref<79x128xi32, #tpu.memory_space<vmem>>, vector<16xi32>,
      %get3A_175 = arith.index_cast %scan3A_169 : i32 to index
      %get3A_176 = arith.constant 16 : index
      %get3A_177 = tpu.vector_load %arg5[%get3A_175, %get3A_176] {strides = array<i32>} : memref<79x128xi32, #tpu.memory_space<vmem>>, vector<16xi32>,
      %add3A_178 = arith.addi %get3A_177, %get3A_177 : vector<16xi32>
      %swap3A_179 = arith.index_cast %scan3A_169 : i32 to index
      %swap3A_180 = arith.constant 16 : index
      %swap3A_181 = tpu.vector_load %arg5[%swap3A_179, %swap3A_180] {strides = array<i32>} : memref<79x128xi32, #tpu.memory_space<vmem>>, vector<16xi32>,
      tpu.vector_store %arg5[%swap3A_179, %swap3A_180], %add3A_178 {strides = array<i32>} : memref<79x128xi32, #tpu.memory_space<vmem>>, vector<16xi32>,
      %get3A_182 = arith.index_cast %scan3A_169 : i32 to index
      %get3A_183 = arith.constant 32 : index
      %get3A_184 = tpu.vector_load %arg5[%get3A_182, %get3A_183] {strides = array<i32>} : memref<79x128xi32, #tpu.memory_space<vmem>>, vector<16xi32>,
      %add3A_185 = arith.addi %get3A_184, %get3A_184 : vector<16xi32>
      %swap3A_186 = arith.index_cast %scan3A_169 : i32 to index
      %swap3A_187 = arith.constant 32 : index
      %swap3A_188 = tpu.vector_load %arg5[%swap3A_186, %swap3A_187] {strides = array<i32>} : memref<79x128xi32, #tpu.memory_space<vmem>>, vector<16xi32>,
      tpu.vector_store %arg5[%swap3A_186, %swap3A_187], %add3A_185 {strides = array<i32>} : memref<79x128xi32, #tpu.memory_space<vmem>>, vector<16xi32>,
      %get3A_189 = arith.index_cast %scan3A_169 : i32 to index
      %get3A_190 = arith.constant 48 : index
      %get3A_191 = tpu.vector_load %arg5[%get3A_189, %get3A_190] {strides = array<i32>} : memref<79x128xi32, #tpu.memory_space<vmem>>, vector<16xi32>,
      %add3A_192 = arith.addi %get3A_191, %get3A_191 : vector<16xi32>
      %swap3A_193 = arith.index_cast %scan3A_169 : i32 to index
      %swap3A_194 = arith.constant 48 : index
      %swap3A_195 = tpu.vector_load %arg5[%swap3A_193, %swap3A_194] {strides = array<i32>} : memref<79x128xi32, #tpu.memory_space<vmem>>, vector<16xi32>,
      tpu.vector_store %arg5[%swap3A_193, %swap3A_194], %add3A_192 {strides = array<i32>} : memref<79x128xi32, #tpu.memory_space<vmem>>, vector<16xi32>,
      %get3A_196 = arith.index_cast %scan3A_169 : i32 to index
      %get3A_197 = arith.constant 64 : index
      %get3A_198 = tpu.vector_load %arg5[%get3A_196, %get3A_197] {strides = array<i32>} : memref<79x128xi32, #tpu.memory_space<vmem>>, vector<16xi32>,
      %add3A_199 = arith.addi %get3A_198, %get3A_198 : vector<16xi32>
      %swap3A_200 = arith.index_cast %scan3A_169 : i32 to index
      %swap3A_201 = arith.constant 64 : index
      %swap3A_202 = tpu.vector_load %arg5[%swap3A_200, %swap3A_201] {strides = array<i32>} : memref<79x128xi32, #tpu.memory_space<vmem>>, vector<16xi32>,
      tpu.vector_store %arg5[%swap3A_200, %swap3A_201], %add3A_199 {strides = array<i32>} : memref<79x128xi32, #tpu.memory_space<vmem>>, vector<16xi32>,
      %get3A_203 = arith.index_cast %scan3A_169 : i32 to index
      %get3A_204 = arith.constant 80 : index
      %get3A_205 = tpu.vector_load %arg5[%get3A_203, %get3A_204] {strides = array<i32>} : memref<79x128xi32, #tpu.memory_space<vmem>>, vector<16xi32>,
      %add3A_206 = arith.addi %get3A_205, %get3A_205 : vector<16xi32>
      %swap3A_207 = arith.index_cast %scan3A_169 : i32 to index
      %swap3A_208 = arith.constant 80 : index
      %swap3A_209 = tpu.vector_load %arg5[%swap3A_207, %swap3A_208] {strides = array<i32>} : memref<79x128xi32, #tpu.memory_space<vmem>>, vector<16xi32>,
      tpu.vector_store %arg5[%swap3A_207, %swap3A_208], %add3A_206 {strides = array<i32>} : memref<79x128xi32, #tpu.memory_space<vmem>>, vector<16xi32>,
      %get3A_210 = arith.index_cast %scan3A_169 : i32 to index
      %get3A_211 = arith.constant 96 : index
      %get3A_212 = tpu.vector_load %arg5[%get3A_210, %get3A_211] {strides = array<i32>} : memref<79x128xi32, #tpu.memory_space<vmem>>, vector<16xi32>,
      %add3A_213 = arith.addi %get3A_212, %get3A_212 : vector<16xi32>
      %swap3A_214 = arith.index_cast %scan3A_169 : i32 to index
      %swap3A_215 = arith.constant 96 : index
      %swap3A_216 = tpu.vector_load %arg5[%swap3A_214, %swap3A_215] {strides = array<i32>} : memref<79x128xi32, #tpu.memory_space<vmem>>, vector<16xi32>,
      tpu.vector_store %arg5[%swap3A_214, %swap3A_215], %add3A_213 {strides = array<i32>} : memref<79x128xi32, #tpu.memory_space<vmem>>, vector<16xi32>,
      %get3A_217 = arith.index_cast %scan3A_169 : i32 to index
      %get3A_218 = arith.constant 112 : index
      %get3A_219 = tpu.vector_load %arg5[%get3A_217, %get3A_218] {strides = array<i32>} : memref<79x128xi32, #tpu.memory_space<vmem>>, vector<16xi32>,
      %add3A_220 = arith.addi %get3A_219, %get3A_219 : vector<16xi32>
      %swap3A_221 = arith.index_cast %scan3A_169 : i32 to index
      %swap3A_222 = arith.constant 112 : index
      %swap3A_223 = tpu.vector_load %arg5[%swap3A_221, %swap3A_222] {strides = array<i32>} : memref<79x128xi32, #tpu.memory_space<vmem>>, vector<16xi32>,
      tpu.vector_store %arg5[%swap3A_221, %swap3A_222], %add3A_220 {strides = array<i32>} : memref<79x128xi32, #tpu.memory_space<vmem>>, vector<16xi32>,
    }
    %scan3A_103 = arith.constant 74 : i32
    %jit3A_104 = arith.constant 5 : i32
    %div3A_105 = arith.divsi %sub3A_47, %jit3A_104 : i32
    %sign3A_106 = arith.constant 0 : i32
    %sign3A_107 = arith.cmpi sgt, %sub3A_47, %sign3A_106 : i32
    %sign3A_108 = arith.extui %sign3A_107 : i1 to i32
    %sign3A_109 = arith.constant 0 : i32
    %sign3A_110 = arith.cmpi slt, %sub3A_47, %sign3A_109 : i32
    %sign3A_111 = arith.extui %sign3A_110 : i1 to i32
    %sign3A_112 = arith.subi %sign3A_108, %sign3A_111 : i32
    %sign3A_113 = arith.constant 0 : i32
    %sign3A_114 = arith.cmpi sgt, %jit3A_104, %sign3A_113 : i32
    %sign3A_115 = arith.extui %sign3A_114 : i1 to i32
    %sign3A_116 = arith.constant 0 : i32
    %sign3A_117 = arith.cmpi slt, %jit3A_104, %sign3A_116 : i32
    %sign3A_118 = arith.extui %sign3A_117 : i1 to i32
    %sign3A_119 = arith.subi %sign3A_115, %sign3A_118 : i32
    %ne3A_120 = arith.cmpi ne, %sign3A_112, %sign3A_119 : i32
    %rem3A_121 = arith.remsi %sub3A_47, %jit3A_104 : i32
    %ne3A_122 = arith.constant 0 : i32
    %ne3A_123 = arith.cmpi ne, %rem3A_121, %ne3A_122 : i32
    %and3A_124 = arith.andi %ne3A_120, %ne3A_123 : i1
    %sub3A_125 = arith.constant 1 : i32
    %sub3A_126 = arith.subi %div3A_105, %sub3A_125 : i32
    %select_n3A_127 = arith.select %and3A_124, %sub3A_126, %div3A_105 : i32
    %while3A = arith.constant 0 : i32
    %while3A_128 = arith.subi %select_n3A_127, %while3A : i32
    %while3A_129 = arith.addi %while3A, %while3A_128 : i32
    %while3A_130 = arith.constant 1 : i32
    %while3A_131 = arith.divsi %while3A_128, %while3A_130 : i32
    %while3A_132 = arith.muli %while3A_131, %while3A_130 : i32
    %while3A_133 = arith.addi %while3A, %while3A_132 : i32
    %while3A_134 = arith.constant 1 : i32
    scf.for %while3A_169 = %while3A to %while3A_133 step %while3A_134  : i32 {
      %mul3A_170 = arith.constant 5 : i32
      %mul3A_171 = arith.muli %while3A_169, %mul3A_170 : i32
      %add3A_172 = arith.constant 0 : i32
      %add3A_173 = arith.addi %mul3A_171, %add3A_172 : i32
      %dma_wait3A = arith.constant 0 : i32
      %dma_wait3A_174 = arith.constant 0 : i32
      %dma_wait3A_175 = tpu.memref_slice %arg5[%dma_wait3A, %dma_wait3A_174] : memref<79x128xi32, #tpu.memory_space<vmem>> -> memref<1x128xi32, #tpu.memory_space<vmem>>
      %dma_wait3A_176 = tpu.memref_squeeze %dma_wait3A_175 : memref<1x128xi32, #tpu.memory_space<vmem>> -> memref<128xi32, #tpu.memory_space<vmem>>
      %dma_wait3A_177 = arith.constant 0 : i32
      %dma_wait3A_178 = arith.constant 0 : i32
      %dma_wait3A_179 = tpu.memref_slice %arg3[%dma_wait3A_177, %dma_wait3A_178] : memref<20000x64xf32, #tpu.memory_space<hbm>> -> memref<20000x64xf32, #tpu.memory_space<hbm>>
      tpu.wait_indirect_dma semaphore(%arg13 : memref<!tpu.dma_semaphore, #tpu.memory_space<semaphore_mem>>) src(%dma_wait3A_179 : memref<20000x64xf32, #tpu.memory_space<hbm>>) dst(%arg7 : memref<128x64xf32, #tpu.memory_space<vmem>>)
      "tpu.region"() ({
        %run_scoped3A_254 = tpu.sem_alloc : memref<!tpu.dma_semaphore, #tpu.memory_space<semaphore_mem>>
        %dma_start3A_255 = arith.constant 0 : i32
        %dma_start3A_256 = tpu.memref_slice %arg6[%add3A_173, %dma_start3A_255] : memref<79x128xi32, #tpu.memory_space<vmem>> -> memref<1x128xi32, #tpu.memory_space<vmem>>
        %dma_start3A_257 = tpu.memref_squeeze %dma_start3A_256 : memref<1x128xi32, #tpu.memory_space<vmem>> -> memref<128xi32, #tpu.memory_space<vmem>>
        %dma_start3A_258 = arith.constant 0 : i32
        %dma_start3A_259 = arith.constant 0 : i32
        %dma_start3A_260 = tpu.memref_slice %arg12[%dma_start3A_258, %dma_start3A_259] : memref<10240x64xf32, #tpu.memory_space<vmem_shared>> -> memref<10240x64xf32, #tpu.memory_space<vmem_shared>>
        tpu.enqueue_indirect_dma source(%arg7 : memref<128x64xf32, #tpu.memory_space<vmem>>) target(%dma_start3A_260 : memref<10240x64xf32, #tpu.memory_space<vmem_shared>>) offsets(%dma_start3A_257 : memref<128xi32, #tpu.memory_space<vmem>>) semaphore(%run_scoped3A_254 : memref<!tpu.dma_semaphore, #tpu.memory_space<semaphore_mem>>) {add = true}
        %dma_wait3A_261 = arith.constant 0 : i32
        %dma_wait3A_262 = tpu.memref_slice %arg6[%add3A_173, %dma_wait3A_261] : memref<79x128xi32, #tpu.memory_space<vmem>> -> memref<1x128xi32, #tpu.memory_space<vmem>>
        %dma_wait3A_263 = tpu.memref_squeeze %dma_wait3A_262 : memref<1x128xi32, #tpu.memory_space<vmem>> -> memref<128xi32, #tpu.memory_space<vmem>>
        %dma_wait3A_264 = arith.constant 0 : i32
        %dma_wait3A_265 = arith.constant 0 : i32
        %dma_wait3A_266 = tpu.memref_slice %arg12[%dma_wait3A_264, %dma_wait3A_265] : memref<10240x64xf32, #tpu.memory_space<vmem_shared>> -> memref<10240x64xf32, #tpu.memory_space<vmem_shared>>
        tpu.wait_indirect_dma semaphore(%run_scoped3A_254 : memref<!tpu.dma_semaphore, #tpu.memory_space<semaphore_mem>>) src(%arg7 : memref<128x64xf32, #tpu.memory_space<vmem>>) dst(%dma_wait3A_266 : memref<10240x64xf32, #tpu.memory_space<vmem_shared>>)
        tpu.yield
      }) : () -> ()
      %add3A_180 = arith.constant 5 : i32
      %add3A_181 = arith.addi %add3A_173, %add3A_180 : i32
      %lt3A_182 = arith.cmpi slt, %add3A_181, %sub3A_47 : i32
      %convert_element_type3A_183 = arith.extui %lt3A_182 : i1 to i32
      %cond3A_184 = arith.constant 0 : i32
      %cond3A_185 = arith.cmpi ne, %convert_element_type3A_183, %cond3A_184 : i32
      scf.if %cond3A_185 {
        %add3A_254 = arith.constant 5 : i32
        %add3A_255 = arith.addi %add3A_173, %add3A_254 : i32
        %dma_start3A_256 = arith.constant 0 : i32
        %dma_start3A_257 = tpu.memref_slice %arg5[%add3A_255, %dma_start3A_256] : memref<79x128xi32, #tpu.memory_space<vmem>> -> memref<1x128xi32, #tpu.memory_space<vmem>>
        %dma_start3A_258 = tpu.memref_squeeze %dma_start3A_257 : memref<1x128xi32, #tpu.memory_space<vmem>> -> memref<128xi32, #tpu.memory_space<vmem>>
        %dma_start3A_259 = arith.constant 0 : i32
        %dma_start3A_260 = arith.constant 0 : i32
        %dma_start3A_261 = tpu.memref_slice %arg3[%dma_start3A_259, %dma_start3A_260] : memref<20000x64xf32, #tpu.memory_space<hbm>> -> memref<20000x64xf32, #tpu.memory_space<hbm>>
        tpu.enqueue_indirect_dma source(%dma_start3A_261 : memref<20000x64xf32, #tpu.memory_space<hbm>>) target(%arg7 : memref<128x64xf32, #tpu.memory_space<vmem>>) offsets(%dma_start3A_258 : memref<128xi32, #tpu.memory_space<vmem>>) semaphore(%arg13 : memref<!tpu.dma_semaphore, #tpu.memory_space<semaphore_mem>>)
      } else {
      }
      %mul3A_186 = arith.constant 5 : i32
      %mul3A_187 = arith.muli %while3A_169, %mul3A_186 : i32
      %add3A_188 = arith.constant 1 : i32
      %add3A_189 = arith.addi %mul3A_187, %add3A_188 : i32
      %dma_wait3A_190 = arith.constant 0 : i32
      %dma_wait3A_191 = arith.constant 0 : i32
      %dma_wait3A_192 = tpu.memref_slice %arg5[%dma_wait3A_190, %dma_wait3A_191] : memref<79x128xi32, #tpu.memory_space<vmem>> -> memref<1x128xi32, #tpu.memory_space<vmem>>
      %dma_wait3A_193 = tpu.memref_squeeze %dma_wait3A_192 : memref<1x128xi32, #tpu.memory_space<vmem>> -> memref<128xi32, #tpu.memory_space<vmem>>
      %dma_wait3A_194 = arith.constant 0 : i32
      %dma_wait3A_195 = arith.constant 0 : i32
      %dma_wait3A_196 = tpu.memref_slice %arg3[%dma_wait3A_194, %dma_wait3A_195] : memref<20000x64xf32, #tpu.memory_space<hbm>> -> memref<20000x64xf32, #tpu.memory_space<hbm>>
      tpu.wait_indirect_dma semaphore(%arg13 : memref<!tpu.dma_semaphore, #tpu.memory_space<semaphore_mem>>) src(%dma_wait3A_196 : memref<20000x64xf32, #tpu.memory_space<hbm>>) dst(%arg8 : memref<128x64xf32, #tpu.memory_space<vmem>>)
      "tpu.region"() ({
        %run_scoped3A_254 = tpu.sem_alloc : memref<!tpu.dma_semaphore, #tpu.memory_space<semaphore_mem>>
        %dma_start3A_255 = arith.constant 0 : i32
        %dma_start3A_256 = tpu.memref_slice %arg6[%add3A_189, %dma_start3A_255] : memref<79x128xi32, #tpu.memory_space<vmem>> -> memref<1x128xi32, #tpu.memory_space<vmem>>
        %dma_start3A_257 = tpu.memref_squeeze %dma_start3A_256 : memref<1x128xi32, #tpu.memory_space<vmem>> -> memref<128xi32, #tpu.memory_space<vmem>>
        %dma_start3A_258 = arith.constant 0 : i32
        %dma_start3A_259 = arith.constant 0 : i32
        %dma_start3A_260 = tpu.memref_slice %arg12[%dma_start3A_258, %dma_start3A_259] : memref<10240x64xf32, #tpu.memory_space<vmem_shared>> -> memref<10240x64xf32, #tpu.memory_space<vmem_shared>>
        tpu.enqueue_indirect_dma source(%arg8 : memref<128x64xf32, #tpu.memory_space<vmem>>) target(%dma_start3A_260 : memref<10240x64xf32, #tpu.memory_space<vmem_shared>>) offsets(%dma_start3A_257 : memref<128xi32, #tpu.memory_space<vmem>>) semaphore(%run_scoped3A_254 : memref<!tpu.dma_semaphore, #tpu.memory_space<semaphore_mem>>) {add = true}
        %dma_wait3A_261 = arith.constant 0 : i32
        %dma_wait3A_262 = tpu.memref_slice %arg6[%add3A_189, %dma_wait3A_261] : memref<79x128xi32, #tpu.memory_space<vmem>> -> memref<1x128xi32, #tpu.memory_space<vmem>>
        %dma_wait3A_263 = tpu.memref_squeeze %dma_wait3A_262 : memref<1x128xi32, #tpu.memory_space<vmem>> -> memref<128xi32, #tpu.memory_space<vmem>>
        %dma_wait3A_264 = arith.constant 0 : i32
        %dma_wait3A_265 = arith.constant 0 : i32
        %dma_wait3A_266 = tpu.memref_slice %arg12[%dma_wait3A_264, %dma_wait3A_265] : memref<10240x64xf32, #tpu.memory_space<vmem_shared>> -> memref<10240x64xf32, #tpu.memory_space<vmem_shared>>
        tpu.wait_indirect_dma semaphore(%run_scoped3A_254 : memref<!tpu.dma_semaphore, #tpu.memory_space<semaphore_mem>>) src(%arg8 : memref<128x64xf32, #tpu.memory_space<vmem>>) dst(%dma_wait3A_266 : memref<10240x64xf32, #tpu.memory_space<vmem_shared>>)
        tpu.yield
      }) : () -> ()
      %add3A_197 = arith.constant 5 : i32
      %add3A_198 = arith.addi %add3A_189, %add3A_197 : i32
      %lt3A_199 = arith.cmpi slt, %add3A_198, %sub3A_47 : i32
      %convert_element_type3A_200 = arith.extui %lt3A_199 : i1 to i32
      %cond3A_201 = arith.constant 0 : i32
      %cond3A_202 = arith.cmpi ne, %convert_element_type3A_200, %cond3A_201 : i32
      scf.if %cond3A_202 {
        %add3A_254 = arith.constant 5 : i32
        %add3A_255 = arith.addi %add3A_189, %add3A_254 : i32
        %dma_start3A_256 = arith.constant 0 : i32
        %dma_start3A_257 = tpu.memref_slice %arg5[%add3A_255, %dma_start3A_256] : memref<79x128xi32, #tpu.memory_space<vmem>> -> memref<1x128xi32, #tpu.memory_space<vmem>>
        %dma_start3A_258 = tpu.memref_squeeze %dma_start3A_257 : memref<1x128xi32, #tpu.memory_space<vmem>> -> memref<128xi32, #tpu.memory_space<vmem>>
        %dma_start3A_259 = arith.constant 0 : i32
        %dma_start3A_260 = arith.constant 0 : i32
        %dma_start3A_261 = tpu.memref_slice %arg3[%dma_start3A_259, %dma_start3A_260] : memref<20000x64xf32, #tpu.memory_space<hbm>> -> memref<20000x64xf32, #tpu.memory_space<hbm>>
        tpu.enqueue_indirect_dma source(%dma_start3A_261 : memref<20000x64xf32, #tpu.memory_space<hbm>>) target(%arg8 : memref<128x64xf32, #tpu.memory_space<vmem>>) offsets(%dma_start3A_258 : memref<128xi32, #tpu.memory_space<vmem>>) semaphore(%arg13 : memref<!tpu.dma_semaphore, #tpu.memory_space<semaphore_mem>>)
      } else {
      }
      %mul3A_203 = arith.constant 5 : i32
      %mul3A_204 = arith.muli %while3A_169, %mul3A_203 : i32
      %add3A_205 = arith.constant 2 : i32
      %add3A_206 = arith.addi %mul3A_204, %add3A_205 : i32
      %dma_wait3A_207 = arith.constant 0 : i32
      %dma_wait3A_208 = arith.constant 0 : i32
      %dma_wait3A_209 = tpu.memref_slice %arg5[%dma_wait3A_207, %dma_wait3A_208] : memref<79x128xi32, #tpu.memory_space<vmem>> -> memref<1x128xi32, #tpu.memory_space<vmem>>
      %dma_wait3A_210 = tpu.memref_squeeze %dma_wait3A_209 : memref<1x128xi32, #tpu.memory_space<vmem>> -> memref<128xi32, #tpu.memory_space<vmem>>
      %dma_wait3A_211 = arith.constant 0 : i32
      %dma_wait3A_212 = arith.constant 0 : i32
      %dma_wait3A_213 = tpu.memref_slice %arg3[%dma_wait3A_211, %dma_wait3A_212] : memref<20000x64xf32, #tpu.memory_space<hbm>> -> memref<20000x64xf32, #tpu.memory_space<hbm>>
      tpu.wait_indirect_dma semaphore(%arg13 : memref<!tpu.dma_semaphore, #tpu.memory_space<semaphore_mem>>) src(%dma_wait3A_213 : memref<20000x64xf32, #tpu.memory_space<hbm>>) dst(%arg9 : memref<128x64xf32, #tpu.memory_space<vmem>>)
      "tpu.region"() ({
        %run_scoped3A_254 = tpu.sem_alloc : memref<!tpu.dma_semaphore, #tpu.memory_space<semaphore_mem>>
        %dma_start3A_255 = arith.constant 0 : i32
        %dma_start3A_256 = tpu.memref_slice %arg6[%add3A_206, %dma_start3A_255] : memref<79x128xi32, #tpu.memory_space<vmem>> -> memref<1x128xi32, #tpu.memory_space<vmem>>
        %dma_start3A_257 = tpu.memref_squeeze %dma_start3A_256 : memref<1x128xi32, #tpu.memory_space<vmem>> -> memref<128xi32, #tpu.memory_space<vmem>>
        %dma_start3A_258 = arith.constant 0 : i32
        %dma_start3A_259 = arith.constant 0 : i32
        %dma_start3A_260 = tpu.memref_slice %arg12[%dma_start3A_258, %dma_start3A_259] : memref<10240x64xf32, #tpu.memory_space<vmem_shared>> -> memref<10240x64xf32, #tpu.memory_space<vmem_shared>>
        tpu.enqueue_indirect_dma source(%arg9 : memref<128x64xf32, #tpu.memory_space<vmem>>) target(%dma_start3A_260 : memref<10240x64xf32, #tpu.memory_space<vmem_shared>>) offsets(%dma_start3A_257 : memref<128xi32, #tpu.memory_space<vmem>>) semaphore(%run_scoped3A_254 : memref<!tpu.dma_semaphore, #tpu.memory_space<semaphore_mem>>) {add = true}
        %dma_wait3A_261 = arith.constant 0 : i32
        %dma_wait3A_262 = tpu.memref_slice %arg6[%add3A_206, %dma_wait3A_261] : memref<79x128xi32, #tpu.memory_space<vmem>> -> memref<1x128xi32, #tpu.memory_space<vmem>>
        %dma_wait3A_263 = tpu.memref_squeeze %dma_wait3A_262 : memref<1x128xi32, #tpu.memory_space<vmem>> -> memref<128xi32, #tpu.memory_space<vmem>>
        %dma_wait3A_264 = arith.constant 0 : i32
        %dma_wait3A_265 = arith.constant 0 : i32
        %dma_wait3A_266 = tpu.memref_slice %arg12[%dma_wait3A_264, %dma_wait3A_265] : memref<10240x64xf32, #tpu.memory_space<vmem_shared>> -> memref<10240x64xf32, #tpu.memory_space<vmem_shared>>
        tpu.wait_indirect_dma semaphore(%run_scoped3A_254 : memref<!tpu.dma_semaphore, #tpu.memory_space<semaphore_mem>>) src(%arg9 : memref<128x64xf32, #tpu.memory_space<vmem>>) dst(%dma_wait3A_266 : memref<10240x64xf32, #tpu.memory_space<vmem_shared>>)
        tpu.yield
      }) : () -> ()
      %add3A_214 = arith.constant 5 : i32
      %add3A_215 = arith.addi %add3A_206, %add3A_214 : i32
      %lt3A_216 = arith.cmpi slt, %add3A_215, %sub3A_47 : i32
      %convert_element_type3A_217 = arith.extui %lt3A_216 : i1 to i32
      %cond3A_218 = arith.constant 0 : i32
      %cond3A_219 = arith.cmpi ne, %convert_element_type3A_217, %cond3A_218 : i32
      scf.if %cond3A_219 {
        %add3A_254 = arith.constant 5 : i32
        %add3A_255 = arith.addi %add3A_206, %add3A_254 : i32
        %dma_start3A_256 = arith.constant 0 : i32
        %dma_start3A_257 = tpu.memref_slice %arg5[%add3A_255, %dma_start3A_256] : memref<79x128xi32, #tpu.memory_space<vmem>> -> memref<1x128xi32, #tpu.memory_space<vmem>>
        %dma_start3A_258 = tpu.memref_squeeze %dma_start3A_257 : memref<1x128xi32, #tpu.memory_space<vmem>> -> memref<128xi32, #tpu.memory_space<vmem>>
        %dma_start3A_259 = arith.constant 0 : i32
        %dma_start3A_260 = arith.constant 0 : i32
        %dma_start3A_261 = tpu.memref_slice %arg3[%dma_start3A_259, %dma_start3A_260] : memref<20000x64xf32, #tpu.memory_space<hbm>> -> memref<20000x64xf32, #tpu.memory_space<hbm>>
        tpu.enqueue_indirect_dma source(%dma_start3A_261 : memref<20000x64xf32, #tpu.memory_space<hbm>>) target(%arg9 : memref<128x64xf32, #tpu.memory_space<vmem>>) offsets(%dma_start3A_258 : memref<128xi32, #tpu.memory_space<vmem>>) semaphore(%arg13 : memref<!tpu.dma_semaphore, #tpu.memory_space<semaphore_mem>>)
      } else {
      }
      %mul3A_220 = arith.constant 5 : i32
      %mul3A_221 = arith.muli %while3A_169, %mul3A_220 : i32
      %add3A_222 = arith.constant 3 : i32
      %add3A_223 = arith.addi %mul3A_221, %add3A_222 : i32
      %dma_wait3A_224 = arith.constant 0 : i32
      %dma_wait3A_225 = arith.constant 0 : i32
      %dma_wait3A_226 = tpu.memref_slice %arg5[%dma_wait3A_224, %dma_wait3A_225] : memref<79x128xi32, #tpu.memory_space<vmem>> -> memref<1x128xi32, #tpu.memory_space<vmem>>
      %dma_wait3A_227 = tpu.memref_squeeze %dma_wait3A_226 : memref<1x128xi32, #tpu.memory_space<vmem>> -> memref<128xi32, #tpu.memory_space<vmem>>
      %dma_wait3A_228 = arith.constant 0 : i32
      %dma_wait3A_229 = arith.constant 0 : i32
      %dma_wait3A_230 = tpu.memref_slice %arg3[%dma_wait3A_228, %dma_wait3A_229] : memref<20000x64xf32, #tpu.memory_space<hbm>> -> memref<20000x64xf32, #tpu.memory_space<hbm>>
      tpu.wait_indirect_dma semaphore(%arg13 : memref<!tpu.dma_semaphore, #tpu.memory_space<semaphore_mem>>) src(%dma_wait3A_230 : memref<20000x64xf32, #tpu.memory_space<hbm>>) dst(%arg10 : memref<128x64xf32, #tpu.memory_space<vmem>>)
      "tpu.region"() ({
        %run_scoped3A_254 = tpu.sem_alloc : memref<!tpu.dma_semaphore, #tpu.memory_space<semaphore_mem>>
        %dma_start3A_255 = arith.constant 0 : i32
        %dma_start3A_256 = tpu.memref_slice %arg6[%add3A_223, %dma_start3A_255] : memref<79x128xi32, #tpu.memory_space<vmem>> -> memref<1x128xi32, #tpu.memory_space<vmem>>
        %dma_start3A_257 = tpu.memref_squeeze %dma_start3A_256 : memref<1x128xi32, #tpu.memory_space<vmem>> -> memref<128xi32, #tpu.memory_space<vmem>>
        %dma_start3A_258 = arith.constant 0 : i32
        %dma_start3A_259 = arith.constant 0 : i32
        %dma_start3A_260 = tpu.memref_slice %arg12[%dma_start3A_258, %dma_start3A_259] : memref<10240x64xf32, #tpu.memory_space<vmem_shared>> -> memref<10240x64xf32, #tpu.memory_space<vmem_shared>>
        tpu.enqueue_indirect_dma source(%arg10 : memref<128x64xf32, #tpu.memory_space<vmem>>) target(%dma_start3A_260 : memref<10240x64xf32, #tpu.memory_space<vmem_shared>>) offsets(%dma_start3A_257 : memref<128xi32, #tpu.memory_space<vmem>>) semaphore(%run_scoped3A_254 : memref<!tpu.dma_semaphore, #tpu.memory_space<semaphore_mem>>) {add = true}
        %dma_wait3A_261 = arith.constant 0 : i32
        %dma_wait3A_262 = tpu.memref_slice %arg6[%add3A_223, %dma_wait3A_261] : memref<79x128xi32, #tpu.memory_space<vmem>> -> memref<1x128xi32, #tpu.memory_space<vmem>>
        %dma_wait3A_263 = tpu.memref_squeeze %dma_wait3A_262 : memref<1x128xi32, #tpu.memory_space<vmem>> -> memref<128xi32, #tpu.memory_space<vmem>>
        %dma_wait3A_264 = arith.constant 0 : i32
        %dma_wait3A_265 = arith.constant 0 : i32
        %dma_wait3A_266 = tpu.memref_slice %arg12[%dma_wait3A_264, %dma_wait3A_265] : memref<10240x64xf32, #tpu.memory_space<vmem_shared>> -> memref<10240x64xf32, #tpu.memory_space<vmem_shared>>
        tpu.wait_indirect_dma semaphore(%run_scoped3A_254 : memref<!tpu.dma_semaphore, #tpu.memory_space<semaphore_mem>>) src(%arg10 : memref<128x64xf32, #tpu.memory_space<vmem>>) dst(%dma_wait3A_266 : memref<10240x64xf32, #tpu.memory_space<vmem_shared>>)
        tpu.yield
      }) : () -> ()
      %add3A_231 = arith.constant 5 : i32
      %add3A_232 = arith.addi %add3A_223, %add3A_231 : i32
      %lt3A_233 = arith.cmpi slt, %add3A_232, %sub3A_47 : i32
      %convert_element_type3A_234 = arith.extui %lt3A_233 : i1 to i32
      %cond3A_235 = arith.constant 0 : i32
      %cond3A_236 = arith.cmpi ne, %convert_element_type3A_234, %cond3A_235 : i32
      scf.if %cond3A_236 {
        %add3A_254 = arith.constant 5 : i32
        %add3A_255 = arith.addi %add3A_223, %add3A_254 : i32
        %dma_start3A_256 = arith.constant 0 : i32
        %dma_start3A_257 = tpu.memref_slice %arg5[%add3A_255, %dma_start3A_256] : memref<79x128xi32, #tpu.memory_space<vmem>> -> memref<1x128xi32, #tpu.memory_space<vmem>>
        %dma_start3A_258 = tpu.memref_squeeze %dma_start3A_257 : memref<1x128xi32, #tpu.memory_space<vmem>> -> memref<128xi32, #tpu.memory_space<vmem>>
        %dma_start3A_259 = arith.constant 0 : i32
        %dma_start3A_260 = arith.constant 0 : i32
        %dma_start3A_261 = tpu.memref_slice %arg3[%dma_start3A_259, %dma_start3A_260] : memref<20000x64xf32, #tpu.memory_space<hbm>> -> memref<20000x64xf32, #tpu.memory_space<hbm>>
        tpu.enqueue_indirect_dma source(%dma_start3A_261 : memref<20000x64xf32, #tpu.memory_space<hbm>>) target(%arg10 : memref<128x64xf32, #tpu.memory_space<vmem>>) offsets(%dma_start3A_258 : memref<128xi32, #tpu.memory_space<vmem>>) semaphore(%arg13 : memref<!tpu.dma_semaphore, #tpu.memory_space<semaphore_mem>>)
      } else {
      }
      %mul3A_237 = arith.constant 5 : i32
      %mul3A_238 = arith.muli %while3A_169, %mul3A_237 : i32
      %add3A_239 = arith.constant 4 : i32
      %add3A_240 = arith.addi %mul3A_238, %add3A_239 : i32
      %dma_wait3A_241 = arith.constant 0 : i32
      %dma_wait3A_242 = arith.constant 0 : i32
      %dma_wait3A_243 = tpu.memref_slice %arg5[%dma_wait3A_241, %dma_wait3A_242] : memref<79x128xi32, #tpu.memory_space<vmem>> -> memref<1x128xi32, #tpu.memory_space<vmem>>
      %dma_wait3A_244 = tpu.memref_squeeze %dma_wait3A_243 : memref<1x128xi32, #tpu.memory_space<vmem>> -> memref<128xi32, #tpu.memory_space<vmem>>
      %dma_wait3A_245 = arith.constant 0 : i32
      %dma_wait3A_246 = arith.constant 0 : i32
      %dma_wait3A_247 = tpu.memref_slice %arg3[%dma_wait3A_245, %dma_wait3A_246] : memref<20000x64xf32, #tpu.memory_space<hbm>> -> memref<20000x64xf32, #tpu.memory_space<hbm>>
      tpu.wait_indirect_dma semaphore(%arg13 : memref<!tpu.dma_semaphore, #tpu.memory_space<semaphore_mem>>) src(%dma_wait3A_247 : memref<20000x64xf32, #tpu.memory_space<hbm>>) dst(%arg11 : memref<128x64xf32, #tpu.memory_space<vmem>>)
      "tpu.region"() ({
        %run_scoped3A_254 = tpu.sem_alloc : memref<!tpu.dma_semaphore, #tpu.memory_space<semaphore_mem>>
        %dma_start3A_255 = arith.constant 0 : i32
        %dma_start3A_256 = tpu.memref_slice %arg6[%add3A_240, %dma_start3A_255] : memref<79x128xi32, #tpu.memory_space<vmem>> -> memref<1x128xi32, #tpu.memory_space<vmem>>
        %dma_start3A_257 = tpu.memref_squeeze %dma_start3A_256 : memref<1x128xi32, #tpu.memory_space<vmem>> -> memref<128xi32, #tpu.memory_space<vmem>>
        %dma_start3A_258 = arith.constant 0 : i32
        %dma_start3A_259 = arith.constant 0 : i32
        %dma_start3A_260 = tpu.memref_slice %arg12[%dma_start3A_258, %dma_start3A_259] : memref<10240x64xf32, #tpu.memory_space<vmem_shared>> -> memref<10240x64xf32, #tpu.memory_space<vmem_shared>>
        tpu.enqueue_indirect_dma source(%arg11 : memref<128x64xf32, #tpu.memory_space<vmem>>) target(%dma_start3A_260 : memref<10240x64xf32, #tpu.memory_space<vmem_shared>>) offsets(%dma_start3A_257 : memref<128xi32, #tpu.memory_space<vmem>>) semaphore(%run_scoped3A_254 : memref<!tpu.dma_semaphore, #tpu.memory_space<semaphore_mem>>) {add = true}
        %dma_wait3A_261 = arith.constant 0 : i32
        %dma_wait3A_262 = tpu.memref_slice %arg6[%add3A_240, %dma_wait3A_261] : memref<79x128xi32, #tpu.memory_space<vmem>> -> memref<1x128xi32, #tpu.memory_space<vmem>>
        %dma_wait3A_263 = tpu.memref_squeeze %dma_wait3A_262 : memref<1x128xi32, #tpu.memory_space<vmem>> -> memref<128xi32, #tpu.memory_space<vmem>>
        %dma_wait3A_264 = arith.constant 0 : i32
        %dma_wait3A_265 = arith.constant 0 : i32
        %dma_wait3A_266 = tpu.memref_slice %arg12[%dma_wait3A_264, %dma_wait3A_265] : memref<10240x64xf32, #tpu.memory_space<vmem_shared>> -> memref<10240x64xf32, #tpu.memory_space<vmem_shared>>
        tpu.wait_indirect_dma semaphore(%run_scoped3A_254 : memref<!tpu.dma_semaphore, #tpu.memory_space<semaphore_mem>>) src(%arg11 : memref<128x64xf32, #tpu.memory_space<vmem>>) dst(%dma_wait3A_266 : memref<10240x64xf32, #tpu.memory_space<vmem_shared>>)
        tpu.yield
      }) : () -> ()
      %add3A_248 = arith.constant 5 : i32
      %add3A_249 = arith.addi %add3A_240, %add3A_248 : i32
      %lt3A_250 = arith.cmpi slt, %add3A_249, %sub3A_47 : i32
      %convert_element_type3A_251 = arith.extui %lt3A_250 : i1 to i32
      %cond3A_252 = arith.constant 0 : i32
      %cond3A_253 = arith.cmpi ne, %convert_element_type3A_251, %cond3A_252 : i32
      scf.if %cond3A_253 {
        %add3A_254 = arith.constant 5 : i32
        %add3A_255 = arith.addi %add3A_240, %add3A_254 : i32
        %dma_start3A_256 = arith.constant 0 : i32
        %dma_start3A_257 = tpu.memref_slice %arg5[%add3A_255, %dma_start3A_256] : memref<79x128xi32, #tpu.memory_space<vmem>> -> memref<1x128xi32, #tpu.memory_space<vmem>>
        %dma_start3A_258 = tpu.memref_squeeze %dma_start3A_257 : memref<1x128xi32, #tpu.memory_space<vmem>> -> memref<128xi32, #tpu.memory_space<vmem>>
        %dma_start3A_259 = arith.constant 0 : i32
        %dma_start3A_260 = arith.constant 0 : i32
        %dma_start3A_261 = tpu.memref_slice %arg3[%dma_start3A_259, %dma_start3A_260] : memref<20000x64xf32, #tpu.memory_space<hbm>> -> memref<20000x64xf32, #tpu.memory_space<hbm>>
        tpu.enqueue_indirect_dma source(%dma_start3A_261 : memref<20000x64xf32, #tpu.memory_space<hbm>>) target(%arg11 : memref<128x64xf32, #tpu.memory_space<vmem>>) offsets(%dma_start3A_258 : memref<128xi32, #tpu.memory_space<vmem>>) semaphore(%arg13 : memref<!tpu.dma_semaphore, #tpu.memory_space<semaphore_mem>>)
      } else {
      }
    }
    %while3A_135 = arith.constant 1 : i32
    scf.for %while3A_169 = %while3A_133 to %while3A_129 step %while3A_135  : i32 {
      %mul3A_170 = arith.constant 5 : i32
      %mul3A_171 = arith.muli %while3A_169, %mul3A_170 : i32
      %add3A_172 = arith.constant 0 : i32
      %add3A_173 = arith.addi %mul3A_171, %add3A_172 : i32
      %dma_wait3A = arith.constant 0 : i32
      %dma_wait3A_174 = arith.constant 0 : i32
      %dma_wait3A_175 = tpu.memref_slice %arg5[%dma_wait3A, %dma_wait3A_174] : memref<79x128xi32, #tpu.memory_space<vmem>> -> memref<1x128xi32, #tpu.memory_space<vmem>>
      %dma_wait3A_176 = tpu.memref_squeeze %dma_wait3A_175 : memref<1x128xi32, #tpu.memory_space<vmem>> -> memref<128xi32, #tpu.memory_space<vmem>>
      %dma_wait3A_177 = arith.constant 0 : i32
      %dma_wait3A_178 = arith.constant 0 : i32
      %dma_wait3A_179 = tpu.memref_slice %arg3[%dma_wait3A_177, %dma_wait3A_178] : memref<20000x64xf32, #tpu.memory_space<hbm>> -> memref<20000x64xf32, #tpu.memory_space<hbm>>
      tpu.wait_indirect_dma semaphore(%arg13 : memref<!tpu.dma_semaphore, #tpu.memory_space<semaphore_mem>>) src(%dma_wait3A_179 : memref<20000x64xf32, #tpu.memory_space<hbm>>) dst(%arg7 : memref<128x64xf32, #tpu.memory_space<vmem>>)
      "tpu.region"() ({
        %run_scoped3A_254 = tpu.sem_alloc : memref<!tpu.dma_semaphore, #tpu.memory_space<semaphore_mem>>
        %dma_start3A_255 = arith.constant 0 : i32
        %dma_start3A_256 = tpu.memref_slice %arg6[%add3A_173, %dma_start3A_255] : memref<79x128xi32, #tpu.memory_space<vmem>> -> memref<1x128xi32, #tpu.memory_space<vmem>>
        %dma_start3A_257 = tpu.memref_squeeze %dma_start3A_256 : memref<1x128xi32, #tpu.memory_space<vmem>> -> memref<128xi32, #tpu.memory_space<vmem>>
        %dma_start3A_258 = arith.constant 0 : i32
        %dma_start3A_259 = arith.constant 0 : i32
        %dma_start3A_260 = tpu.memref_slice %arg12[%dma_start3A_258, %dma_start3A_259] : memref<10240x64xf32, #tpu.memory_space<vmem_shared>> -> memref<10240x64xf32, #tpu.memory_space<vmem_shared>>
        tpu.enqueue_indirect_dma source(%arg7 : memref<128x64xf32, #tpu.memory_space<vmem>>) target(%dma_start3A_260 : memref<10240x64xf32, #tpu.memory_space<vmem_shared>>) offsets(%dma_start3A_257 : memref<128xi32, #tpu.memory_space<vmem>>) semaphore(%run_scoped3A_254 : memref<!tpu.dma_semaphore, #tpu.memory_space<semaphore_mem>>) {add = true}
        %dma_wait3A_261 = arith.constant 0 : i32
        %dma_wait3A_262 = tpu.memref_slice %arg6[%add3A_173, %dma_wait3A_261] : memref<79x128xi32, #tpu.memory_space<vmem>> -> memref<1x128xi32, #tpu.memory_space<vmem>>
        %dma_wait3A_263 = tpu.memref_squeeze %dma_wait3A_262 : memref<1x128xi32, #tpu.memory_space<vmem>> -> memref<128xi32, #tpu.memory_space<vmem>>
        %dma_wait3A_264 = arith.constant 0 : i32
        %dma_wait3A_265 = arith.constant 0 : i32
        %dma_wait3A_266 = tpu.memref_slice %arg12[%dma_wait3A_264, %dma_wait3A_265] : memref<10240x64xf32, #tpu.memory_space<vmem_shared>> -> memref<10240x64xf32, #tpu.memory_space<vmem_shared>>
        tpu.wait_indirect_dma semaphore(%run_scoped3A_254 : memref<!tpu.dma_semaphore, #tpu.memory_space<semaphore_mem>>) src(%arg7 : memref<128x64xf32, #tpu.memory_space<vmem>>) dst(%dma_wait3A_266 : memref<10240x64xf32, #tpu.memory_space<vmem_shared>>)
        tpu.yield
      }) : () -> ()
      %add3A_180 = arith.constant 5 : i32
      %add3A_181 = arith.addi %add3A_173, %add3A_180 : i32
      %lt3A_182 = arith.cmpi slt, %add3A_181, %sub3A_47 : i32
      %convert_element_type3A_183 = arith.extui %lt3A_182 : i1 to i32
      %cond3A_184 = arith.constant 0 : i32
      %cond3A_185 = arith.cmpi ne, %convert_element_type3A_183, %cond3A_184 : i32
      scf.if %cond3A_185 {
        %add3A_254 = arith.constant 5 : i32
        %add3A_255 = arith.addi %add3A_173, %add3A_254 : i32
        %dma_start3A_256 = arith.constant 0 : i32
        %dma_start3A_257 = tpu.memref_slice %arg5[%add3A_255, %dma_start3A_256] : memref<79x128xi32, #tpu.memory_space<vmem>> -> memref<1x128xi32, #tpu.memory_space<vmem>>
        %dma_start3A_258 = tpu.memref_squeeze %dma_start3A_257 : memref<1x128xi32, #tpu.memory_space<vmem>> -> memref<128xi32, #tpu.memory_space<vmem>>
        %dma_start3A_259 = arith.constant 0 : i32
        %dma_start3A_260 = arith.constant 0 : i32
        %dma_start3A_261 = tpu.memref_slice %arg3[%dma_start3A_259, %dma_start3A_260] : memref<20000x64xf32, #tpu.memory_space<hbm>> -> memref<20000x64xf32, #tpu.memory_space<hbm>>
        tpu.enqueue_indirect_dma source(%dma_start3A_261 : memref<20000x64xf32, #tpu.memory_space<hbm>>) target(%arg7 : memref<128x64xf32, #tpu.memory_space<vmem>>) offsets(%dma_start3A_258 : memref<128xi32, #tpu.memory_space<vmem>>) semaphore(%arg13 : memref<!tpu.dma_semaphore, #tpu.memory_space<semaphore_mem>>)
      } else {
      }
      %mul3A_186 = arith.constant 5 : i32
      %mul3A_187 = arith.muli %while3A_169, %mul3A_186 : i32
      %add3A_188 = arith.constant 1 : i32
      %add3A_189 = arith.addi %mul3A_187, %add3A_188 : i32
      %dma_wait3A_190 = arith.constant 0 : i32
      %dma_wait3A_191 = arith.constant 0 : i32
      %dma_wait3A_192 = tpu.memref_slice %arg5[%dma_wait3A_190, %dma_wait3A_191] : memref<79x128xi32, #tpu.memory_space<vmem>> -> memref<1x128xi32, #tpu.memory_space<vmem>>
      %dma_wait3A_193 = tpu.memref_squeeze %dma_wait3A_192 : memref<1x128xi32, #tpu.memory_space<vmem>> -> memref<128xi32, #tpu.memory_space<vmem>>
      %dma_wait3A_194 = arith.constant 0 : i32
      %dma_wait3A_195 = arith.constant 0 : i32
      %dma_wait3A_196 = tpu.memref_slice %arg3[%dma_wait3A_194, %dma_wait3A_195] : memref<20000x64xf32, #tpu.memory_space<hbm>> -> memref<20000x64xf32, #tpu.memory_space<hbm>>
      tpu.wait_indirect_dma semaphore(%arg13 : memref<!tpu.dma_semaphore, #tpu.memory_space<semaphore_mem>>) src(%dma_wait3A_196 : memref<20000x64xf32, #tpu.memory_space<hbm>>) dst(%arg8 : memref<128x64xf32, #tpu.memory_space<vmem>>)
      "tpu.region"() ({
        %run_scoped3A_254 = tpu.sem_alloc : memref<!tpu.dma_semaphore, #tpu.memory_space<semaphore_mem>>
        %dma_start3A_255 = arith.constant 0 : i32
        %dma_start3A_256 = tpu.memref_slice %arg6[%add3A_189, %dma_start3A_255] : memref<79x128xi32, #tpu.memory_space<vmem>> -> memref<1x128xi32, #tpu.memory_space<vmem>>
        %dma_start3A_257 = tpu.memref_squeeze %dma_start3A_256 : memref<1x128xi32, #tpu.memory_space<vmem>> -> memref<128xi32, #tpu.memory_space<vmem>>
        %dma_start3A_258 = arith.constant 0 : i32
        %dma_start3A_259 = arith.constant 0 : i32
        %dma_start3A_260 = tpu.memref_slice %arg12[%dma_start3A_258, %dma_start3A_259] : memref<10240x64xf32, #tpu.memory_space<vmem_shared>> -> memref<10240x64xf32, #tpu.memory_space<vmem_shared>>
        tpu.enqueue_indirect_dma source(%arg8 : memref<128x64xf32, #tpu.memory_space<vmem>>) target(%dma_start3A_260 : memref<10240x64xf32, #tpu.memory_space<vmem_shared>>) offsets(%dma_start3A_257 : memref<128xi32, #tpu.memory_space<vmem>>) semaphore(%run_scoped3A_254 : memref<!tpu.dma_semaphore, #tpu.memory_space<semaphore_mem>>) {add = true}
        %dma_wait3A_261 = arith.constant 0 : i32
        %dma_wait3A_262 = tpu.memref_slice %arg6[%add3A_189, %dma_wait3A_261] : memref<79x128xi32, #tpu.memory_space<vmem>> -> memref<1x128xi32, #tpu.memory_space<vmem>>
        %dma_wait3A_263 = tpu.memref_squeeze %dma_wait3A_262 : memref<1x128xi32, #tpu.memory_space<vmem>> -> memref<128xi32, #tpu.memory_space<vmem>>
        %dma_wait3A_264 = arith.constant 0 : i32
        %dma_wait3A_265 = arith.constant 0 : i32
        %dma_wait3A_266 = tpu.memref_slice %arg12[%dma_wait3A_264, %dma_wait3A_265] : memref<10240x64xf32, #tpu.memory_space<vmem_shared>> -> memref<10240x64xf32, #tpu.memory_space<vmem_shared>>
        tpu.wait_indirect_dma semaphore(%run_scoped3A_254 : memref<!tpu.dma_semaphore, #tpu.memory_space<semaphore_mem>>) src(%arg8 : memref<128x64xf32, #tpu.memory_space<vmem>>) dst(%dma_wait3A_266 : memref<10240x64xf32, #tpu.memory_space<vmem_shared>>)
        tpu.yield
      }) : () -> ()
      %add3A_197 = arith.constant 5 : i32
      %add3A_198 = arith.addi %add3A_189, %add3A_197 : i32
      %lt3A_199 = arith.cmpi slt, %add3A_198, %sub3A_47 : i32
      %convert_element_type3A_200 = arith.extui %lt3A_199 : i1 to i32
      %cond3A_201 = arith.constant 0 : i32
      %cond3A_202 = arith.cmpi ne, %convert_element_type3A_200, %cond3A_201 : i32
      scf.if %cond3A_202 {
        %add3A_254 = arith.constant 5 : i32
        %add3A_255 = arith.addi %add3A_189, %add3A_254 : i32
        %dma_start3A_256 = arith.constant 0 : i32
        %dma_start3A_257 = tpu.memref_slice %arg5[%add3A_255, %dma_start3A_256] : memref<79x128xi32, #tpu.memory_space<vmem>> -> memref<1x128xi32, #tpu.memory_space<vmem>>
        %dma_start3A_258 = tpu.memref_squeeze %dma_start3A_257 : memref<1x128xi32, #tpu.memory_space<vmem>> -> memref<128xi32, #tpu.memory_space<vmem>>
        %dma_start3A_259 = arith.constant 0 : i32
        %dma_start3A_260 = arith.constant 0 : i32
        %dma_start3A_261 = tpu.memref_slice %arg3[%dma_start3A_259, %dma_start3A_260] : memref<20000x64xf32, #tpu.memory_space<hbm>> -> memref<20000x64xf32, #tpu.memory_space<hbm>>
        tpu.enqueue_indirect_dma source(%dma_start3A_261 : memref<20000x64xf32, #tpu.memory_space<hbm>>) target(%arg8 : memref<128x64xf32, #tpu.memory_space<vmem>>) offsets(%dma_start3A_258 : memref<128xi32, #tpu.memory_space<vmem>>) semaphore(%arg13 : memref<!tpu.dma_semaphore, #tpu.memory_space<semaphore_mem>>)
      } else {
      }
      %mul3A_203 = arith.constant 5 : i32
      %mul3A_204 = arith.muli %while3A_169, %mul3A_203 : i32
      %add3A_205 = arith.constant 2 : i32
      %add3A_206 = arith.addi %mul3A_204, %add3A_205 : i32
      %dma_wait3A_207 = arith.constant 0 : i32
      %dma_wait3A_208 = arith.constant 0 : i32
      %dma_wait3A_209 = tpu.memref_slice %arg5[%dma_wait3A_207, %dma_wait3A_208] : memref<79x128xi32, #tpu.memory_space<vmem>> -> memref<1x128xi32, #tpu.memory_space<vmem>>
      %dma_wait3A_210 = tpu.memref_squeeze %dma_wait3A_209 : memref<1x128xi32, #tpu.memory_space<vmem>> -> memref<128xi32, #tpu.memory_space<vmem>>
      %dma_wait3A_211 = arith.constant 0 : i32
      %dma_wait3A_212 = arith.constant 0 : i32
      %dma_wait3A_213 = tpu.memref_slice %arg3[%dma_wait3A_211, %dma_wait3A_212] : memref<20000x64xf32, #tpu.memory_space<hbm>> -> memref<20000x64xf32, #tpu.memory_space<hbm>>
      tpu.wait_indirect_dma semaphore(%arg13 : memref<!tpu.dma_semaphore, #tpu.memory_space<semaphore_mem>>) src(%dma_wait3A_213 : memref<20000x64xf32, #tpu.memory_space<hbm>>) dst(%arg9 : memref<128x64xf32, #tpu.memory_space<vmem>>)
      "tpu.region"() ({
        %run_scoped3A_254 = tpu.sem_alloc : memref<!tpu.dma_semaphore, #tpu.memory_space<semaphore_mem>>
        %dma_start3A_255 = arith.constant 0 : i32
        %dma_start3A_256 = tpu.memref_slice %arg6[%add3A_206, %dma_start3A_255] : memref<79x128xi32, #tpu.memory_space<vmem>> -> memref<1x128xi32, #tpu.memory_space<vmem>>
        %dma_start3A_257 = tpu.memref_squeeze %dma_start3A_256 : memref<1x128xi32, #tpu.memory_space<vmem>> -> memref<128xi32, #tpu.memory_space<vmem>>
        %dma_start3A_258 = arith.constant 0 : i32
        %dma_start3A_259 = arith.constant 0 : i32
        %dma_start3A_260 = tpu.memref_slice %arg12[%dma_start3A_258, %dma_start3A_259] : memref<10240x64xf32, #tpu.memory_space<vmem_shared>> -> memref<10240x64xf32, #tpu.memory_space<vmem_shared>>
        tpu.enqueue_indirect_dma source(%arg9 : memref<128x64xf32, #tpu.memory_space<vmem>>) target(%dma_start3A_260 : memref<10240x64xf32, #tpu.memory_space<vmem_shared>>) offsets(%dma_start3A_257 : memref<128xi32, #tpu.memory_space<vmem>>) semaphore(%run_scoped3A_254 : memref<!tpu.dma_semaphore, #tpu.memory_space<semaphore_mem>>) {add = true}
        %dma_wait3A_261 = arith.constant 0 : i32
        %dma_wait3A_262 = tpu.memref_slice %arg6[%add3A_206, %dma_wait3A_261] : memref<79x128xi32, #tpu.memory_space<vmem>> -> memref<1x128xi32, #tpu.memory_space<vmem>>
        %dma_wait3A_263 = tpu.memref_squeeze %dma_wait3A_262 : memref<1x128xi32, #tpu.memory_space<vmem>> -> memref<128xi32, #tpu.memory_space<vmem>>
        %dma_wait3A_264 = arith.constant 0 : i32
        %dma_wait3A_265 = arith.constant 0 : i32
        %dma_wait3A_266 = tpu.memref_slice %arg12[%dma_wait3A_264, %dma_wait3A_265] : memref<10240x64xf32, #tpu.memory_space<vmem_shared>> -> memref<10240x64xf32, #tpu.memory_space<vmem_shared>>
        tpu.wait_indirect_dma semaphore(%run_scoped3A_254 : memref<!tpu.dma_semaphore, #tpu.memory_space<semaphore_mem>>) src(%arg9 : memref<128x64xf32, #tpu.memory_space<vmem>>) dst(%dma_wait3A_266 : memref<10240x64xf32, #tpu.memory_space<vmem_shared>>)
        tpu.yield
      }) : () -> ()
      %add3A_214 = arith.constant 5 : i32
      %add3A_215 = arith.addi %add3A_206, %add3A_214 : i32
      %lt3A_216 = arith.cmpi slt, %add3A_215, %sub3A_47 : i32
      %convert_element_type3A_217 = arith.extui %lt3A_216 : i1 to i32
      %cond3A_218 = arith.constant 0 : i32
      %cond3A_219 = arith.cmpi ne, %convert_element_type3A_217, %cond3A_218 : i32
      scf.if %cond3A_219 {
        %add3A_254 = arith.constant 5 : i32
        %add3A_255 = arith.addi %add3A_206, %add3A_254 : i32
        %dma_start3A_256 = arith.constant 0 : i32
        %dma_start3A_257 = tpu.memref_slice %arg5[%add3A_255, %dma_start3A_256] : memref<79x128xi32, #tpu.memory_space<vmem>> -> memref<1x128xi32, #tpu.memory_space<vmem>>
        %dma_start3A_258 = tpu.memref_squeeze %dma_start3A_257 : memref<1x128xi32, #tpu.memory_space<vmem>> -> memref<128xi32, #tpu.memory_space<vmem>>
        %dma_start3A_259 = arith.constant 0 : i32
        %dma_start3A_260 = arith.constant 0 : i32
        %dma_start3A_261 = tpu.memref_slice %arg3[%dma_start3A_259, %dma_start3A_260] : memref<20000x64xf32, #tpu.memory_space<hbm>> -> memref<20000x64xf32, #tpu.memory_space<hbm>>
        tpu.enqueue_indirect_dma source(%dma_start3A_261 : memref<20000x64xf32, #tpu.memory_space<hbm>>) target(%arg9 : memref<128x64xf32, #tpu.memory_space<vmem>>) offsets(%dma_start3A_258 : memref<128xi32, #tpu.memory_space<vmem>>) semaphore(%arg13 : memref<!tpu.dma_semaphore, #tpu.memory_space<semaphore_mem>>)
      } else {
      }
      %mul3A_220 = arith.constant 5 : i32
      %mul3A_221 = arith.muli %while3A_169, %mul3A_220 : i32
      %add3A_222 = arith.constant 3 : i32
      %add3A_223 = arith.addi %mul3A_221, %add3A_222 : i32
      %dma_wait3A_224 = arith.constant 0 : i32
      %dma_wait3A_225 = arith.constant 0 : i32
      %dma_wait3A_226 = tpu.memref_slice %arg5[%dma_wait3A_224, %dma_wait3A_225] : memref<79x128xi32, #tpu.memory_space<vmem>> -> memref<1x128xi32, #tpu.memory_space<vmem>>
      %dma_wait3A_227 = tpu.memref_squeeze %dma_wait3A_226 : memref<1x128xi32, #tpu.memory_space<vmem>> -> memref<128xi32, #tpu.memory_space<vmem>>
      %dma_wait3A_228 = arith.constant 0 : i32
      %dma_wait3A_229 = arith.constant 0 : i32
      %dma_wait3A_230 = tpu.memref_slice %arg3[%dma_wait3A_228, %dma_wait3A_229] : memref<20000x64xf32, #tpu.memory_space<hbm>> -> memref<20000x64xf32, #tpu.memory_space<hbm>>
      tpu.wait_indirect_dma semaphore(%arg13 : memref<!tpu.dma_semaphore, #tpu.memory_space<semaphore_mem>>) src(%dma_wait3A_230 : memref<20000x64xf32, #tpu.memory_space<hbm>>) dst(%arg10 : memref<128x64xf32, #tpu.memory_space<vmem>>)
      "tpu.region"() ({
        %run_scoped3A_254 = tpu.sem_alloc : memref<!tpu.dma_semaphore, #tpu.memory_space<semaphore_mem>>
        %dma_start3A_255 = arith.constant 0 : i32
        %dma_start3A_256 = tpu.memref_slice %arg6[%add3A_223, %dma_start3A_255] : memref<79x128xi32, #tpu.memory_space<vmem>> -> memref<1x128xi32, #tpu.memory_space<vmem>>
        %dma_start3A_257 = tpu.memref_squeeze %dma_start3A_256 : memref<1x128xi32, #tpu.memory_space<vmem>> -> memref<128xi32, #tpu.memory_space<vmem>>
        %dma_start3A_258 = arith.constant 0 : i32
        %dma_start3A_259 = arith.constant 0 : i32
        %dma_start3A_260 = tpu.memref_slice %arg12[%dma_start3A_258, %dma_start3A_259] : memref<10240x64xf32, #tpu.memory_space<vmem_shared>> -> memref<10240x64xf32, #tpu.memory_space<vmem_shared>>
        tpu.enqueue_indirect_dma source(%arg10 : memref<128x64xf32, #tpu.memory_space<vmem>>) target(%dma_start3A_260 : memref<10240x64xf32, #tpu.memory_space<vmem_shared>>) offsets(%dma_start3A_257 : memref<128xi32, #tpu.memory_space<vmem>>) semaphore(%run_scoped3A_254 : memref<!tpu.dma_semaphore, #tpu.memory_space<semaphore_mem>>) {add = true}
        %dma_wait3A_261 = arith.constant 0 : i32
        %dma_wait3A_262 = tpu.memref_slice %arg6[%add3A_223, %dma_wait3A_261] : memref<79x128xi32, #tpu.memory_space<vmem>> -> memref<1x128xi32, #tpu.memory_space<vmem>>
        %dma_wait3A_263 = tpu.memref_squeeze %dma_wait3A_262 : memref<1x128xi32, #tpu.memory_space<vmem>> -> memref<128xi32, #tpu.memory_space<vmem>>
        %dma_wait3A_264 = arith.constant 0 : i32
        %dma_wait3A_265 = arith.constant 0 : i32
        %dma_wait3A_266 = tpu.memref_slice %arg12[%dma_wait3A_264, %dma_wait3A_265] : memref<10240x64xf32, #tpu.memory_space<vmem_shared>> -> memref<10240x64xf32, #tpu.memory_space<vmem_shared>>
        tpu.wait_indirect_dma semaphore(%run_scoped3A_254 : memref<!tpu.dma_semaphore, #tpu.memory_space<semaphore_mem>>) src(%arg10 : memref<128x64xf32, #tpu.memory_space<vmem>>) dst(%dma_wait3A_266 : memref<10240x64xf32, #tpu.memory_space<vmem_shared>>)
        tpu.yield
      }) : () -> ()
      %add3A_231 = arith.constant 5 : i32
      %add3A_232 = arith.addi %add3A_223, %add3A_231 : i32
      %lt3A_233 = arith.cmpi slt, %add3A_232, %sub3A_47 : i32
      %convert_element_type3A_234 = arith.extui %lt3A_233 : i1 to i32
      %cond3A_235 = arith.constant 0 : i32
      %cond3A_236 = arith.cmpi ne, %convert_element_type3A_234, %cond3A_235 : i32
      scf.if %cond3A_236 {
        %add3A_254 = arith.constant 5 : i32
        %add3A_255 = arith.addi %add3A_223, %add3A_254 : i32
        %dma_start3A_256 = arith.constant 0 : i32
        %dma_start3A_257 = tpu.memref_slice %arg5[%add3A_255, %dma_start3A_256] : memref<79x128xi32, #tpu.memory_space<vmem>> -> memref<1x128xi32, #tpu.memory_space<vmem>>
        %dma_start3A_258 = tpu.memref_squeeze %dma_start3A_257 : memref<1x128xi32, #tpu.memory_space<vmem>> -> memref<128xi32, #tpu.memory_space<vmem>>
        %dma_start3A_259 = arith.constant 0 : i32
        %dma_start3A_260 = arith.constant 0 : i32
        %dma_start3A_261 = tpu.memref_slice %arg3[%dma_start3A_259, %dma_start3A_260] : memref<20000x64xf32, #tpu.memory_space<hbm>> -> memref<20000x64xf32, #tpu.memory_space<hbm>>
        tpu.enqueue_indirect_dma source(%dma_start3A_261 : memref<20000x64xf32, #tpu.memory_space<hbm>>) target(%arg10 : memref<128x64xf32, #tpu.memory_space<vmem>>) offsets(%dma_start3A_258 : memref<128xi32, #tpu.memory_space<vmem>>) semaphore(%arg13 : memref<!tpu.dma_semaphore, #tpu.memory_space<semaphore_mem>>)
      } else {
      }
      %mul3A_237 = arith.constant 5 : i32
      %mul3A_238 = arith.muli %while3A_169, %mul3A_237 : i32
      %add3A_239 = arith.constant 4 : i32
      %add3A_240 = arith.addi %mul3A_238, %add3A_239 : i32
      %dma_wait3A_241 = arith.constant 0 : i32
      %dma_wait3A_242 = arith.constant 0 : i32
      %dma_wait3A_243 = tpu.memref_slice %arg5[%dma_wait3A_241, %dma_wait3A_242] : memref<79x128xi32, #tpu.memory_space<vmem>> -> memref<1x128xi32, #tpu.memory_space<vmem>>
      %dma_wait3A_244 = tpu.memref_squeeze %dma_wait3A_243 : memref<1x128xi32, #tpu.memory_space<vmem>> -> memref<128xi32, #tpu.memory_space<vmem>>
      %dma_wait3A_245 = arith.constant 0 : i32
      %dma_wait3A_246 = arith.constant 0 : i32
      %dma_wait3A_247 = tpu.memref_slice %arg3[%dma_wait3A_245, %dma_wait3A_246] : memref<20000x64xf32, #tpu.memory_space<hbm>> -> memref<20000x64xf32, #tpu.memory_space<hbm>>
      tpu.wait_indirect_dma semaphore(%arg13 : memref<!tpu.dma_semaphore, #tpu.memory_space<semaphore_mem>>) src(%dma_wait3A_247 : memref<20000x64xf32, #tpu.memory_space<hbm>>) dst(%arg11 : memref<128x64xf32, #tpu.memory_space<vmem>>)
      "tpu.region"() ({
        %run_scoped3A_254 = tpu.sem_alloc : memref<!tpu.dma_semaphore, #tpu.memory_space<semaphore_mem>>
        %dma_start3A_255 = arith.constant 0 : i32
        %dma_start3A_256 = tpu.memref_slice %arg6[%add3A_240, %dma_start3A_255] : memref<79x128xi32, #tpu.memory_space<vmem>> -> memref<1x128xi32, #tpu.memory_space<vmem>>
        %dma_start3A_257 = tpu.memref_squeeze %dma_start3A_256 : memref<1x128xi32, #tpu.memory_space<vmem>> -> memref<128xi32, #tpu.memory_space<vmem>>
        %dma_start3A_258 = arith.constant 0 : i32
        %dma_start3A_259 = arith.constant 0 : i32
        %dma_start3A_260 = tpu.memref_slice %arg12[%dma_start3A_258, %dma_start3A_259] : memref<10240x64xf32, #tpu.memory_space<vmem_shared>> -> memref<10240x64xf32, #tpu.memory_space<vmem_shared>>
        tpu.enqueue_indirect_dma source(%arg11 : memref<128x64xf32, #tpu.memory_space<vmem>>) target(%dma_start3A_260 : memref<10240x64xf32, #tpu.memory_space<vmem_shared>>) offsets(%dma_start3A_257 : memref<128xi32, #tpu.memory_space<vmem>>) semaphore(%run_scoped3A_254 : memref<!tpu.dma_semaphore, #tpu.memory_space<semaphore_mem>>) {add = true}
        %dma_wait3A_261 = arith.constant 0 : i32
        %dma_wait3A_262 = tpu.memref_slice %arg6[%add3A_240, %dma_wait3A_261] : memref<79x128xi32, #tpu.memory_space<vmem>> -> memref<1x128xi32, #tpu.memory_space<vmem>>
        %dma_wait3A_263 = tpu.memref_squeeze %dma_wait3A_262 : memref<1x128xi32, #tpu.memory_space<vmem>> -> memref<128xi32, #tpu.memory_space<vmem>>
        %dma_wait3A_264 = arith.constant 0 : i32
        %dma_wait3A_265 = arith.constant 0 : i32
        %dma_wait3A_266 = tpu.memref_slice %arg12[%dma_wait3A_264, %dma_wait3A_265] : memref<10240x64xf32, #tpu.memory_space<vmem_shared>> -> memref<10240x64xf32, #tpu.memory_space<vmem_shared>>
        tpu.wait_indirect_dma semaphore(%run_scoped3A_254 : memref<!tpu.dma_semaphore, #tpu.memory_space<semaphore_mem>>) src(%arg11 : memref<128x64xf32, #tpu.memory_space<vmem>>) dst(%dma_wait3A_266 : memref<10240x64xf32, #tpu.memory_space<vmem_shared>>)
        tpu.yield
      }) : () -> ()
      %add3A_248 = arith.constant 5 : i32
      %add3A_249 = arith.addi %add3A_240, %add3A_248 : i32
      %lt3A_250 = arith.cmpi slt, %add3A_249, %sub3A_47 : i32
      %convert_element_type3A_251 = arith.extui %lt3A_250 : i1 to i32
      %cond3A_252 = arith.constant 0 : i32
      %cond3A_253 = arith.cmpi ne, %convert_element_type3A_251, %cond3A_252 : i32
      scf.if %cond3A_253 {
        %add3A_254 = arith.constant 5 : i32
        %add3A_255 = arith.addi %add3A_240, %add3A_254 : i32
        %dma_start3A_256 = arith.constant 0 : i32
        %dma_start3A_257 = tpu.memref_slice %arg5[%add3A_255, %dma_start3A_256] : memref<79x128xi32, #tpu.memory_space<vmem>> -> memref<1x128xi32, #tpu.memory_space<vmem>>
        %dma_start3A_258 = tpu.memref_squeeze %dma_start3A_257 : memref<1x128xi32, #tpu.memory_space<vmem>> -> memref<128xi32, #tpu.memory_space<vmem>>
        %dma_start3A_259 = arith.constant 0 : i32
        %dma_start3A_260 = arith.constant 0 : i32
        %dma_start3A_261 = tpu.memref_slice %arg3[%dma_start3A_259, %dma_start3A_260] : memref<20000x64xf32, #tpu.memory_space<hbm>> -> memref<20000x64xf32, #tpu.memory_space<hbm>>
        tpu.enqueue_indirect_dma source(%dma_start3A_261 : memref<20000x64xf32, #tpu.memory_space<hbm>>) target(%arg11 : memref<128x64xf32, #tpu.memory_space<vmem>>) offsets(%dma_start3A_258 : memref<128xi32, #tpu.memory_space<vmem>>) semaphore(%arg13 : memref<!tpu.dma_semaphore, #tpu.memory_space<semaphore_mem>>)
      } else {
      }
    }
    %mul3A_136 = arith.constant 5 : i32
    %mul3A_137 = arith.muli %select_n3A_127, %mul3A_136 : i32
    %add3A_138 = arith.constant 0 : i32
    %add3A_139 = arith.addi %mul3A_137, %add3A_138 : i32
    %lt3A = arith.cmpi slt, %add3A_139, %sub3A_47 : i32
    %convert_element_type3A = arith.extui %lt3A : i1 to i32
    %cond3A = arith.constant 0 : i32
    %cond3A_140 = arith.cmpi ne, %convert_element_type3A, %cond3A : i32
    scf.if %cond3A_140 {
      %dma_wait3A = arith.constant 0 : i32
      %dma_wait3A_169 = arith.constant 0 : i32
      %dma_wait3A_170 = tpu.memref_slice %arg5[%dma_wait3A, %dma_wait3A_169] : memref<79x128xi32, #tpu.memory_space<vmem>> -> memref<1x128xi32, #tpu.memory_space<vmem>>
      %dma_wait3A_171 = tpu.memref_squeeze %dma_wait3A_170 : memref<1x128xi32, #tpu.memory_space<vmem>> -> memref<128xi32, #tpu.memory_space<vmem>>
      %dma_wait3A_172 = arith.constant 0 : i32
      %dma_wait3A_173 = arith.constant 0 : i32
      %dma_wait3A_174 = tpu.memref_slice %arg3[%dma_wait3A_172, %dma_wait3A_173] : memref<20000x64xf32, #tpu.memory_space<hbm>> -> memref<20000x64xf32, #tpu.memory_space<hbm>>
      tpu.wait_indirect_dma semaphore(%arg13 : memref<!tpu.dma_semaphore, #tpu.memory_space<semaphore_mem>>) src(%dma_wait3A_174 : memref<20000x64xf32, #tpu.memory_space<hbm>>) dst(%arg7 : memref<128x64xf32, #tpu.memory_space<vmem>>)
      "tpu.region"() ({
        %run_scoped3A_175 = tpu.sem_alloc : memref<!tpu.dma_semaphore, #tpu.memory_space<semaphore_mem>>
        %dma_start3A_176 = arith.constant 0 : i32
        %dma_start3A_177 = tpu.memref_slice %arg6[%add3A_139, %dma_start3A_176] : memref<79x128xi32, #tpu.memory_space<vmem>> -> memref<1x128xi32, #tpu.memory_space<vmem>>
        %dma_start3A_178 = tpu.memref_squeeze %dma_start3A_177 : memref<1x128xi32, #tpu.memory_space<vmem>> -> memref<128xi32, #tpu.memory_space<vmem>>
        %dma_start3A_179 = arith.constant 0 : i32
        %dma_start3A_180 = arith.constant 0 : i32
        %dma_start3A_181 = tpu.memref_slice %arg12[%dma_start3A_179, %dma_start3A_180] : memref<10240x64xf32, #tpu.memory_space<vmem_shared>> -> memref<10240x64xf32, #tpu.memory_space<vmem_shared>>
        tpu.enqueue_indirect_dma source(%arg7 : memref<128x64xf32, #tpu.memory_space<vmem>>) target(%dma_start3A_181 : memref<10240x64xf32, #tpu.memory_space<vmem_shared>>) offsets(%dma_start3A_178 : memref<128xi32, #tpu.memory_space<vmem>>) semaphore(%run_scoped3A_175 : memref<!tpu.dma_semaphore, #tpu.memory_space<semaphore_mem>>) {add = true}
        %dma_wait3A_182 = arith.constant 0 : i32
        %dma_wait3A_183 = tpu.memref_slice %arg6[%add3A_139, %dma_wait3A_182] : memref<79x128xi32, #tpu.memory_space<vmem>> -> memref<1x128xi32, #tpu.memory_space<vmem>>
        %dma_wait3A_184 = tpu.memref_squeeze %dma_wait3A_183 : memref<1x128xi32, #tpu.memory_space<vmem>> -> memref<128xi32, #tpu.memory_space<vmem>>
        %dma_wait3A_185 = arith.constant 0 : i32
        %dma_wait3A_186 = arith.constant 0 : i32
        %dma_wait3A_187 = tpu.memref_slice %arg12[%dma_wait3A_185, %dma_wait3A_186] : memref<10240x64xf32, #tpu.memory_space<vmem_shared>> -> memref<10240x64xf32, #tpu.memory_space<vmem_shared>>
        tpu.wait_indirect_dma semaphore(%run_scoped3A_175 : memref<!tpu.dma_semaphore, #tpu.memory_space<semaphore_mem>>) src(%arg7 : memref<128x64xf32, #tpu.memory_space<vmem>>) dst(%dma_wait3A_187 : memref<10240x64xf32, #tpu.memory_space<vmem_shared>>)
        tpu.yield
      }) : () -> ()
    } else {
    }
    %mul3A_141 = arith.constant 5 : i32
    %mul3A_142 = arith.muli %select_n3A_127, %mul3A_141 : i32
    %add3A_143 = arith.constant 1 : i32
    %add3A_144 = arith.addi %mul3A_142, %add3A_143 : i32
    %lt3A_145 = arith.cmpi slt, %add3A_144, %sub3A_47 : i32
    %convert_element_type3A_146 = arith.extui %lt3A_145 : i1 to i32
    %cond3A_147 = arith.constant 0 : i32
    %cond3A_148 = arith.cmpi ne, %convert_element_type3A_146, %cond3A_147 : i32
    scf.if %cond3A_148 {
      %dma_wait3A = arith.constant 0 : i32
      %dma_wait3A_169 = arith.constant 0 : i32
      %dma_wait3A_170 = tpu.memref_slice %arg5[%dma_wait3A, %dma_wait3A_169] : memref<79x128xi32, #tpu.memory_space<vmem>> -> memref<1x128xi32, #tpu.memory_space<vmem>>
      %dma_wait3A_171 = tpu.memref_squeeze %dma_wait3A_170 : memref<1x128xi32, #tpu.memory_space<vmem>> -> memref<128xi32, #tpu.memory_space<vmem>>
      %dma_wait3A_172 = arith.constant 0 : i32
      %dma_wait3A_173 = arith.constant 0 : i32
      %dma_wait3A_174 = tpu.memref_slice %arg3[%dma_wait3A_172, %dma_wait3A_173] : memref<20000x64xf32, #tpu.memory_space<hbm>> -> memref<20000x64xf32, #tpu.memory_space<hbm>>
      tpu.wait_indirect_dma semaphore(%arg13 : memref<!tpu.dma_semaphore, #tpu.memory_space<semaphore_mem>>) src(%dma_wait3A_174 : memref<20000x64xf32, #tpu.memory_space<hbm>>) dst(%arg8 : memref<128x64xf32, #tpu.memory_space<vmem>>)
      "tpu.region"() ({
        %run_scoped3A_175 = tpu.sem_alloc : memref<!tpu.dma_semaphore, #tpu.memory_space<semaphore_mem>>
        %dma_start3A_176 = arith.constant 0 : i32
        %dma_start3A_177 = tpu.memref_slice %arg6[%add3A_144, %dma_start3A_176] : memref<79x128xi32, #tpu.memory_space<vmem>> -> memref<1x128xi32, #tpu.memory_space<vmem>>
        %dma_start3A_178 = tpu.memref_squeeze %dma_start3A_177 : memref<1x128xi32, #tpu.memory_space<vmem>> -> memref<128xi32, #tpu.memory_space<vmem>>
        %dma_start3A_179 = arith.constant 0 : i32
        %dma_start3A_180 = arith.constant 0 : i32
        %dma_start3A_181 = tpu.memref_slice %arg12[%dma_start3A_179, %dma_start3A_180] : memref<10240x64xf32, #tpu.memory_space<vmem_shared>> -> memref<10240x64xf32, #tpu.memory_space<vmem_shared>>
        tpu.enqueue_indirect_dma source(%arg8 : memref<128x64xf32, #tpu.memory_space<vmem>>) target(%dma_start3A_181 : memref<10240x64xf32, #tpu.memory_space<vmem_shared>>) offsets(%dma_start3A_178 : memref<128xi32, #tpu.memory_space<vmem>>) semaphore(%run_scoped3A_175 : memref<!tpu.dma_semaphore, #tpu.memory_space<semaphore_mem>>) {add = true}
        %dma_wait3A_182 = arith.constant 0 : i32
        %dma_wait3A_183 = tpu.memref_slice %arg6[%add3A_144, %dma_wait3A_182] : memref<79x128xi32, #tpu.memory_space<vmem>> -> memref<1x128xi32, #tpu.memory_space<vmem>>
        %dma_wait3A_184 = tpu.memref_squeeze %dma_wait3A_183 : memref<1x128xi32, #tpu.memory_space<vmem>> -> memref<128xi32, #tpu.memory_space<vmem>>
        %dma_wait3A_185 = arith.constant 0 : i32
        %dma_wait3A_186 = arith.constant 0 : i32
        %dma_wait3A_187 = tpu.memref_slice %arg12[%dma_wait3A_185, %dma_wait3A_186] : memref<10240x64xf32, #tpu.memory_space<vmem_shared>> -> memref<10240x64xf32, #tpu.memory_space<vmem_shared>>
        tpu.wait_indirect_dma semaphore(%run_scoped3A_175 : memref<!tpu.dma_semaphore, #tpu.memory_space<semaphore_mem>>) src(%arg8 : memref<128x64xf32, #tpu.memory_space<vmem>>) dst(%dma_wait3A_187 : memref<10240x64xf32, #tpu.memory_space<vmem_shared>>)
        tpu.yield
      }) : () -> ()
    } else {
    }
    %mul3A_149 = arith.constant 5 : i32
    %mul3A_150 = arith.muli %select_n3A_127, %mul3A_149 : i32
    %add3A_151 = arith.constant 2 : i32
    %add3A_152 = arith.addi %mul3A_150, %add3A_151 : i32
    %lt3A_153 = arith.cmpi slt, %add3A_152, %sub3A_47 : i32
    %convert_element_type3A_154 = arith.extui %lt3A_153 : i1 to i32
    %cond3A_155 = arith.constant 0 : i32
    %cond3A_156 = arith.cmpi ne, %convert_element_type3A_154, %cond3A_155 : i32
    scf.if %cond3A_156 {
      %dma_wait3A = arith.constant 0 : i32
      %dma_wait3A_169 = arith.constant 0 : i32
      %dma_wait3A_170 = tpu.memref_slice %arg5[%dma_wait3A, %dma_wait3A_169] : memref<79x128xi32, #tpu.memory_space<vmem>> -> memref<1x128xi32, #tpu.memory_space<vmem>>
      %dma_wait3A_171 = tpu.memref_squeeze %dma_wait3A_170 : memref<1x128xi32, #tpu.memory_space<vmem>> -> memref<128xi32, #tpu.memory_space<vmem>>
      %dma_wait3A_172 = arith.constant 0 : i32
      %dma_wait3A_173 = arith.constant 0 : i32
      %dma_wait3A_174 = tpu.memref_slice %arg3[%dma_wait3A_172, %dma_wait3A_173] : memref<20000x64xf32, #tpu.memory_space<hbm>> -> memref<20000x64xf32, #tpu.memory_space<hbm>>
      tpu.wait_indirect_dma semaphore(%arg13 : memref<!tpu.dma_semaphore, #tpu.memory_space<semaphore_mem>>) src(%dma_wait3A_174 : memref<20000x64xf32, #tpu.memory_space<hbm>>) dst(%arg9 : memref<128x64xf32, #tpu.memory_space<vmem>>)
      "tpu.region"() ({
        %run_scoped3A_175 = tpu.sem_alloc : memref<!tpu.dma_semaphore, #tpu.memory_space<semaphore_mem>>
        %dma_start3A_176 = arith.constant 0 : i32
        %dma_start3A_177 = tpu.memref_slice %arg6[%add3A_152, %dma_start3A_176] : memref<79x128xi32, #tpu.memory_space<vmem>> -> memref<1x128xi32, #tpu.memory_space<vmem>>
        %dma_start3A_178 = tpu.memref_squeeze %dma_start3A_177 : memref<1x128xi32, #tpu.memory_space<vmem>> -> memref<128xi32, #tpu.memory_space<vmem>>
        %dma_start3A_179 = arith.constant 0 : i32
        %dma_start3A_180 = arith.constant 0 : i32
        %dma_start3A_181 = tpu.memref_slice %arg12[%dma_start3A_179, %dma_start3A_180] : memref<10240x64xf32, #tpu.memory_space<vmem_shared>> -> memref<10240x64xf32, #tpu.memory_space<vmem_shared>>
        tpu.enqueue_indirect_dma source(%arg9 : memref<128x64xf32, #tpu.memory_space<vmem>>) target(%dma_start3A_181 : memref<10240x64xf32, #tpu.memory_space<vmem_shared>>) offsets(%dma_start3A_178 : memref<128xi32, #tpu.memory_space<vmem>>) semaphore(%run_scoped3A_175 : memref<!tpu.dma_semaphore, #tpu.memory_space<semaphore_mem>>) {add = true}
        %dma_wait3A_182 = arith.constant 0 : i32
        %dma_wait3A_183 = tpu.memref_slice %arg6[%add3A_152, %dma_wait3A_182] : memref<79x128xi32, #tpu.memory_space<vmem>> -> memref<1x128xi32, #tpu.memory_space<vmem>>
        %dma_wait3A_184 = tpu.memref_squeeze %dma_wait3A_183 : memref<1x128xi32, #tpu.memory_space<vmem>> -> memref<128xi32, #tpu.memory_space<vmem>>
        %dma_wait3A_185 = arith.constant 0 : i32
        %dma_wait3A_186 = arith.constant 0 : i32
        %dma_wait3A_187 = tpu.memref_slice %arg12[%dma_wait3A_185, %dma_wait3A_186] : memref<10240x64xf32, #tpu.memory_space<vmem_shared>> -> memref<10240x64xf32, #tpu.memory_space<vmem_shared>>
        tpu.wait_indirect_dma semaphore(%run_scoped3A_175 : memref<!tpu.dma_semaphore, #tpu.memory_space<semaphore_mem>>) src(%arg9 : memref<128x64xf32, #tpu.memory_space<vmem>>) dst(%dma_wait3A_187 : memref<10240x64xf32, #tpu.memory_space<vmem_shared>>)
        tpu.yield
      }) : () -> ()
    } else {
    }
    %mul3A_157 = arith.constant 5 : i32
    %mul3A_158 = arith.muli %select_n3A_127, %mul3A_157 : i32
    %add3A_159 = arith.constant 3 : i32
    %add3A_160 = arith.addi %mul3A_158, %add3A_159 : i32
    %lt3A_161 = arith.cmpi slt, %add3A_160, %sub3A_47 : i32
    %convert_element_type3A_162 = arith.extui %lt3A_161 : i1 to i32
    %cond3A_163 = arith.constant 0 : i32
    %cond3A_164 = arith.cmpi ne, %convert_element_type3A_162, %cond3A_163 : i32
    scf.if %cond3A_164 {
      %dma_wait3A = arith.constant 0 : i32
      %dma_wait3A_169 = arith.constant 0 : i32
      %dma_wait3A_170 = tpu.memref_slice %arg5[%dma_wait3A, %dma_wait3A_169] : memref<79x128xi32, #tpu.memory_space<vmem>> -> memref<1x128xi32, #tpu.memory_space<vmem>>
      %dma_wait3A_171 = tpu.memref_squeeze %dma_wait3A_170 : memref<1x128xi32, #tpu.memory_space<vmem>> -> memref<128xi32, #tpu.memory_space<vmem>>
      %dma_wait3A_172 = arith.constant 0 : i32
      %dma_wait3A_173 = arith.constant 0 : i32
      %dma_wait3A_174 = tpu.memref_slice %arg3[%dma_wait3A_172, %dma_wait3A_173] : memref<20000x64xf32, #tpu.memory_space<hbm>> -> memref<20000x64xf32, #tpu.memory_space<hbm>>
      tpu.wait_indirect_dma semaphore(%arg13 : memref<!tpu.dma_semaphore, #tpu.memory_space<semaphore_mem>>) src(%dma_wait3A_174 : memref<20000x64xf32, #tpu.memory_space<hbm>>) dst(%arg10 : memref<128x64xf32, #tpu.memory_space<vmem>>)
      "tpu.region"() ({
        %run_scoped3A_175 = tpu.sem_alloc : memref<!tpu.dma_semaphore, #tpu.memory_space<semaphore_mem>>
        %dma_start3A_176 = arith.constant 0 : i32
        %dma_start3A_177 = tpu.memref_slice %arg6[%add3A_160, %dma_start3A_176] : memref<79x128xi32, #tpu.memory_space<vmem>> -> memref<1x128xi32, #tpu.memory_space<vmem>>
        %dma_start3A_178 = tpu.memref_squeeze %dma_start3A_177 : memref<1x128xi32, #tpu.memory_space<vmem>> -> memref<128xi32, #tpu.memory_space<vmem>>
        %dma_start3A_179 = arith.constant 0 : i32
        %dma_start3A_180 = arith.constant 0 : i32
        %dma_start3A_181 = tpu.memref_slice %arg12[%dma_start3A_179, %dma_start3A_180] : memref<10240x64xf32, #tpu.memory_space<vmem_shared>> -> memref<10240x64xf32, #tpu.memory_space<vmem_shared>>
        tpu.enqueue_indirect_dma source(%arg10 : memref<128x64xf32, #tpu.memory_space<vmem>>) target(%dma_start3A_181 : memref<10240x64xf32, #tpu.memory_space<vmem_shared>>) offsets(%dma_start3A_178 : memref<128xi32, #tpu.memory_space<vmem>>) semaphore(%run_scoped3A_175 : memref<!tpu.dma_semaphore, #tpu.memory_space<semaphore_mem>>) {add = true}
        %dma_wait3A_182 = arith.constant 0 : i32
        %dma_wait3A_183 = tpu.memref_slice %arg6[%add3A_160, %dma_wait3A_182] : memref<79x128xi32, #tpu.memory_space<vmem>> -> memref<1x128xi32, #tpu.memory_space<vmem>>
        %dma_wait3A_184 = tpu.memref_squeeze %dma_wait3A_183 : memref<1x128xi32, #tpu.memory_space<vmem>> -> memref<128xi32, #tpu.memory_space<vmem>>
        %dma_wait3A_185 = arith.constant 0 : i32
        %dma_wait3A_186 = arith.constant 0 : i32
        %dma_wait3A_187 = tpu.memref_slice %arg12[%dma_wait3A_185, %dma_wait3A_186] : memref<10240x64xf32, #tpu.memory_space<vmem_shared>> -> memref<10240x64xf32, #tpu.memory_space<vmem_shared>>
        tpu.wait_indirect_dma semaphore(%run_scoped3A_175 : memref<!tpu.dma_semaphore, #tpu.memory_space<semaphore_mem>>) src(%arg10 : memref<128x64xf32, #tpu.memory_space<vmem>>) dst(%dma_wait3A_187 : memref<10240x64xf32, #tpu.memory_space<vmem_shared>>)
        tpu.yield
      }) : () -> ()
    } else {
    }
    %barrier3A_165 = arith.constant 0 : index
    tpu.barrier barrier_id(%barrier3A_165)
    %mul3A_166 = arith.constant 64 : i32
    %mul3A_167 = arith.muli %arg0, %mul3A_166 : i32
    %multiple_of3A_168 = tpu.assume_multiple %mul3A_167, 8 : i32
    "tpu.region"() ({
      %run_scoped3A_169 = tpu.sem_alloc : memref<!tpu.dma_semaphore, #tpu.memory_space<semaphore_mem>>
      %dma_start3A_170 = tpu.memref_slice %arg4[%multiple_of3A, %multiple_of3A_168] : memref<10240x128xf32, #tpu.memory_space<hbm>> -> memref<640x64xf32, #tpu.memory_space<hbm>>
      %dma_start3A_171 = arith.constant 0 : i32
      %dma_start3A_172 = tpu.memref_slice %arg12[%multiple_of3A, %dma_start3A_171] : memref<10240x64xf32, #tpu.memory_space<vmem_shared>> -> memref<640x64xf32, #tpu.memory_space<vmem_shared>>
      tpu.enqueue_dma source(%dma_start3A_172 : memref<640x64xf32, #tpu.memory_space<vmem_shared>>) target(%dma_start3A_170 : memref<640x64xf32, #tpu.memory_space<hbm>>) target_semaphore(%run_scoped3A_169 : memref<!tpu.dma_semaphore, #tpu.memory_space<semaphore_mem>>)
      %dma_wait3A = tpu.memref_slice %arg4[%multiple_of3A, %multiple_of3A_168] : memref<10240x128xf32, #tpu.memory_space<hbm>> -> memref<640x64xf32, #tpu.memory_space<hbm>>
      %dma_wait3A_173 = arith.constant 0 : i32
      %dma_wait3A_174 = tpu.memref_slice %arg12[%multiple_of3A, %dma_wait3A_173] : memref<10240x64xf32, #tpu.memory_space<vmem_shared>> -> memref<640x64xf32, #tpu.memory_space<vmem_shared>>
      tpu.wait_dma2 semaphore(%run_scoped3A_169 : memref<!tpu.dma_semaphore, #tpu.memory_space<semaphore_mem>>) src(%dma_wait3A_174 : memref<640x64xf32, #tpu.memory_space<vmem_shared>>) dst(%dma_wait3A : memref<640x64xf32, #tpu.memory_space<hbm>>)
      tpu.yield
    }) : () -> ()
    return
  }
}

#map = affine_map<(d0, d1) -> (0, 0, 0)>
#map1 = affine_map<(d0, d1) -> (0, 0)>
module attributes {stable_mosaic.version = 14 : i64} {
  func.func @_deg_kernel(%arg0: i32, %arg1: i32, %arg2: memref<2500x2x128xi32, #tpu.memory_space<hbm>>, %arg3: memref<32x10240xf32, #tpu.memory_space<hbm>>, %arg4: memref<79x128xi32, #tpu.memory_space<vmem>>, %arg5: memref<10240xf32, #tpu.memory_space<vmem>>) attributes {dimension_semantics = [#tpu.dimension_semantics<core_parallel>, #tpu.dimension_semantics<subcore_parallel>], iteration_bounds = array<i64: 2, 16>, scalar_prefetch = 0 : i64, scratch_operands = 2 : i64, tpu.core_type = #tpu.core_type<sc_vector_subcore>, window_params = [{transform_indices = #map}, {transform_indices = #map1}]} {
    %mul3A = arith.constant 16 : i32
    %mul3A_0 = arith.muli %arg0, %mul3A : i32
    %add3A = arith.addi %mul3A_0, %arg1 : i32
    %mul3A_1 = arith.constant 2500 : i32
    %mul3A_2 = arith.muli %mul3A_1, %add3A : i32
    %jit3A = arith.constant 32 : i32
    %div3A = arith.divsi %mul3A_2, %jit3A : i32
    %sign3A = arith.constant 0 : i32
    %sign3A_3 = arith.cmpi sgt, %mul3A_2, %sign3A : i32
    %sign3A_4 = arith.extui %sign3A_3 : i1 to i32
    %sign3A_5 = arith.constant 0 : i32
    %sign3A_6 = arith.cmpi slt, %mul3A_2, %sign3A_5 : i32
    %sign3A_7 = arith.extui %sign3A_6 : i1 to i32
    %sign3A_8 = arith.subi %sign3A_4, %sign3A_7 : i32
    %sign3A_9 = arith.constant 0 : i32
    %sign3A_10 = arith.cmpi sgt, %jit3A, %sign3A_9 : i32
    %sign3A_11 = arith.extui %sign3A_10 : i1 to i32
    %sign3A_12 = arith.constant 0 : i32
    %sign3A_13 = arith.cmpi slt, %jit3A, %sign3A_12 : i32
    %sign3A_14 = arith.extui %sign3A_13 : i1 to i32
    %sign3A_15 = arith.subi %sign3A_11, %sign3A_14 : i32
    %ne3A = arith.cmpi ne, %sign3A_8, %sign3A_15 : i32
    %rem3A = arith.remsi %mul3A_2, %jit3A : i32
    %ne3A_16 = arith.constant 0 : i32
    %ne3A_17 = arith.cmpi ne, %rem3A, %ne3A_16 : i32
    %and3A = arith.andi %ne3A, %ne3A_17 : i1
    %sub3A = arith.constant 1 : i32
    %sub3A_18 = arith.subi %div3A, %sub3A : i32
    %select_n3A = arith.select %and3A, %sub3A_18, %div3A : i32
    %add3A_19 = arith.constant 1 : i32
    %add3A_20 = arith.addi %add3A, %add3A_19 : i32
    %mul3A_21 = arith.constant 2500 : i32
    %mul3A_22 = arith.muli %mul3A_21, %add3A_20 : i32
    %jit3A_23 = arith.constant 32 : i32
    %div3A_24 = arith.divsi %mul3A_22, %jit3A_23 : i32
    %sign3A_25 = arith.constant 0 : i32
    %sign3A_26 = arith.cmpi sgt, %mul3A_22, %sign3A_25 : i32
    %sign3A_27 = arith.extui %sign3A_26 : i1 to i32
    %sign3A_28 = arith.constant 0 : i32
    %sign3A_29 = arith.cmpi slt, %mul3A_22, %sign3A_28 : i32
    %sign3A_30 = arith.extui %sign3A_29 : i1 to i32
    %sign3A_31 = arith.subi %sign3A_27, %sign3A_30 : i32
    %sign3A_32 = arith.constant 0 : i32
    %sign3A_33 = arith.cmpi sgt, %jit3A_23, %sign3A_32 : i32
    %sign3A_34 = arith.extui %sign3A_33 : i1 to i32
    %sign3A_35 = arith.constant 0 : i32
    %sign3A_36 = arith.cmpi slt, %jit3A_23, %sign3A_35 : i32
    %sign3A_37 = arith.extui %sign3A_36 : i1 to i32
    %sign3A_38 = arith.subi %sign3A_34, %sign3A_37 : i32
    %ne3A_39 = arith.cmpi ne, %sign3A_31, %sign3A_38 : i32
    %rem3A_40 = arith.remsi %mul3A_22, %jit3A_23 : i32
    %ne3A_41 = arith.constant 0 : i32
    %ne3A_42 = arith.cmpi ne, %rem3A_40, %ne3A_41 : i32
    %and3A_43 = arith.andi %ne3A_39, %ne3A_42 : i1
    %sub3A_44 = arith.constant 1 : i32
    %sub3A_45 = arith.subi %div3A_24, %sub3A_44 : i32
    %select_n3A_46 = arith.select %and3A_43, %sub3A_45, %div3A_24 : i32
    %sub3A_47 = arith.subi %select_n3A_46, %select_n3A : i32
    %scan3A = arith.constant 0 : i32
    %scan3A_48 = arith.constant 640 : i32
    %scan3A_49 = arith.addi %scan3A, %scan3A_48 : i32
    %scan3A_50 = arith.constant 1 : i32
    scf.for %scan3A_61 = %scan3A to %scan3A_49 step %scan3A_50  : i32 {
      %broadcast_in_dim3A_62 = arith.constant 0.000000e+00 : f32
      %broadcast_in_dim3A_63 = vector.broadcast %broadcast_in_dim3A_62 : f32 to vector<16xf32>
      %mul3A_64 = arith.constant 16 : i32
      %mul3A_65 = arith.muli %scan3A_61, %mul3A_64 : i32
      %swap3A = arith.index_cast %mul3A_65 : i32 to index
      %swap3A_66 = tpu.vector_load %arg5[%swap3A] {strides = array<i32>} : memref<10240xf32, #tpu.memory_space<vmem>>, vector<16xf32>,
      tpu.vector_store %arg5[%swap3A], %broadcast_in_dim3A_63 {strides = array<i32>} : memref<10240xf32, #tpu.memory_space<vmem>>, vector<16xf32>,
    }
    %scan3A_51 = arith.constant 640 : i32
    %run_scoped3A = arith.constant 1 : i32
    "tpu.region"() ({
      %run_scoped3A_61 = tpu.sem_alloc : memref<!tpu.dma_semaphore, #tpu.memory_space<semaphore_mem>>
      %dma_start3A = arith.constant 0 : i32
      %dma_start3A_62 = tpu.memref_slice %arg2[%select_n3A, %run_scoped3A, %dma_start3A] : memref<2500x2x128xi32, #tpu.memory_space<hbm>> -> memref<79x1x128xi32, #tpu.memory_space<hbm>>
      %dma_start3A_63 = tpu.memref_squeeze %dma_start3A_62 : memref<79x1x128xi32, #tpu.memory_space<hbm>> -> memref<79x128xi32, #tpu.memory_space<hbm>>
      %dma_start3A_64 = arith.constant 0 : i32
      %dma_start3A_65 = tpu.memref_slice %arg2[%select_n3A, %run_scoped3A, %dma_start3A_64] : memref<2500x2x128xi32, #tpu.memory_space<hbm>> -> memref<79x1x128xi32, #tpu.memory_space<hbm>>
      %dma_start3A_66 = tpu.memref_squeeze %dma_start3A_65 : memref<79x1x128xi32, #tpu.memory_space<hbm>> -> memref<79x128xi32, #tpu.memory_space<hbm>>
      tpu.enqueue_dma source(%dma_start3A_66 : memref<79x128xi32, #tpu.memory_space<hbm>>) target(%arg4 : memref<79x128xi32, #tpu.memory_space<vmem>>) target_semaphore(%run_scoped3A_61 : memref<!tpu.dma_semaphore, #tpu.memory_space<semaphore_mem>>)
      %dma_wait3A = arith.constant 0 : i32
      %dma_wait3A_67 = tpu.memref_slice %arg2[%select_n3A, %run_scoped3A, %dma_wait3A] : memref<2500x2x128xi32, #tpu.memory_space<hbm>> -> memref<79x1x128xi32, #tpu.memory_space<hbm>>
      %dma_wait3A_68 = tpu.memref_squeeze %dma_wait3A_67 : memref<79x1x128xi32, #tpu.memory_space<hbm>> -> memref<79x128xi32, #tpu.memory_space<hbm>>
      %dma_wait3A_69 = arith.constant 0 : i32
      %dma_wait3A_70 = tpu.memref_slice %arg2[%select_n3A, %run_scoped3A, %dma_wait3A_69] : memref<2500x2x128xi32, #tpu.memory_space<hbm>> -> memref<79x1x128xi32, #tpu.memory_space<hbm>>
      %dma_wait3A_71 = tpu.memref_squeeze %dma_wait3A_70 : memref<79x1x128xi32, #tpu.memory_space<hbm>> -> memref<79x128xi32, #tpu.memory_space<hbm>>
      tpu.wait_dma2 semaphore(%run_scoped3A_61 : memref<!tpu.dma_semaphore, #tpu.memory_space<semaphore_mem>>) src(%dma_wait3A_71 : memref<79x128xi32, #tpu.memory_space<hbm>>) dst(%arg4 : memref<79x128xi32, #tpu.memory_space<vmem>>)
      tpu.yield
    }) : () -> ()
    %broadcast_in_dim3A = arith.constant 1.000000e+00 : f32
    %broadcast_in_dim3A_52 = vector.broadcast %broadcast_in_dim3A : f32 to vector<16xf32>
    %while3A = arith.constant 0 : i32
    %while3A_53 = arith.subi %sub3A_47, %while3A : i32
    %while3A_54 = arith.addi %while3A, %while3A_53 : i32
    %while3A_55 = arith.constant 1 : i32
    %while3A_56 = arith.divsi %while3A_53, %while3A_55 : i32
    %while3A_57 = arith.muli %while3A_56, %while3A_55 : i32
    %while3A_58 = arith.addi %while3A, %while3A_57 : i32
    %while3A_59 = arith.constant 1 : i32
    scf.for %while3A_61 = %while3A to %while3A_58 step %while3A_59  : i32 {
      %get3A = arith.index_cast %while3A_61 : i32 to index
      %get3A_62 = arith.constant 0 : index
      %get3A_63 = tpu.vector_load %arg4[%get3A, %get3A_62] {strides = array<i32>} : memref<79x128xi32, #tpu.memory_space<vmem>>, vector<16xi32>,
      tpu.vector_store_idx %arg5[%get3A_63], %broadcast_in_dim3A_52 {add = true} : memref<10240xf32, #tpu.memory_space<vmem>>[vector<16xi32>], vector<16xf32>,
      %get3A_64 = arith.index_cast %while3A_61 : i32 to index
      %get3A_65 = arith.constant 16 : index
      %get3A_66 = tpu.vector_load %arg4[%get3A_64, %get3A_65] {strides = array<i32>} : memref<79x128xi32, #tpu.memory_space<vmem>>, vector<16xi32>,
      tpu.vector_store_idx %arg5[%get3A_66], %broadcast_in_dim3A_52 {add = true} : memref<10240xf32, #tpu.memory_space<vmem>>[vector<16xi32>], vector<16xf32>,
      %get3A_67 = arith.index_cast %while3A_61 : i32 to index
      %get3A_68 = arith.constant 32 : index
      %get3A_69 = tpu.vector_load %arg4[%get3A_67, %get3A_68] {strides = array<i32>} : memref<79x128xi32, #tpu.memory_space<vmem>>, vector<16xi32>,
      tpu.vector_store_idx %arg5[%get3A_69], %broadcast_in_dim3A_52 {add = true} : memref<10240xf32, #tpu.memory_space<vmem>>[vector<16xi32>], vector<16xf32>,
      %get3A_70 = arith.index_cast %while3A_61 : i32 to index
      %get3A_71 = arith.constant 48 : index
      %get3A_72 = tpu.vector_load %arg4[%get3A_70, %get3A_71] {strides = array<i32>} : memref<79x128xi32, #tpu.memory_space<vmem>>, vector<16xi32>,
      tpu.vector_store_idx %arg5[%get3A_72], %broadcast_in_dim3A_52 {add = true} : memref<10240xf32, #tpu.memory_space<vmem>>[vector<16xi32>], vector<16xf32>,
      %get3A_73 = arith.index_cast %while3A_61 : i32 to index
      %get3A_74 = arith.constant 64 : index
      %get3A_75 = tpu.vector_load %arg4[%get3A_73, %get3A_74] {strides = array<i32>} : memref<79x128xi32, #tpu.memory_space<vmem>>, vector<16xi32>,
      tpu.vector_store_idx %arg5[%get3A_75], %broadcast_in_dim3A_52 {add = true} : memref<10240xf32, #tpu.memory_space<vmem>>[vector<16xi32>], vector<16xf32>,
      %get3A_76 = arith.index_cast %while3A_61 : i32 to index
      %get3A_77 = arith.constant 80 : index
      %get3A_78 = tpu.vector_load %arg4[%get3A_76, %get3A_77] {strides = array<i32>} : memref<79x128xi32, #tpu.memory_space<vmem>>, vector<16xi32>,
      tpu.vector_store_idx %arg5[%get3A_78], %broadcast_in_dim3A_52 {add = true} : memref<10240xf32, #tpu.memory_space<vmem>>[vector<16xi32>], vector<16xf32>,
      %get3A_79 = arith.index_cast %while3A_61 : i32 to index
      %get3A_80 = arith.constant 96 : index
      %get3A_81 = tpu.vector_load %arg4[%get3A_79, %get3A_80] {strides = array<i32>} : memref<79x128xi32, #tpu.memory_space<vmem>>, vector<16xi32>,
      tpu.vector_store_idx %arg5[%get3A_81], %broadcast_in_dim3A_52 {add = true} : memref<10240xf32, #tpu.memory_space<vmem>>[vector<16xi32>], vector<16xf32>,
      %get3A_82 = arith.index_cast %while3A_61 : i32 to index
      %get3A_83 = arith.constant 112 : index
      %get3A_84 = tpu.vector_load %arg4[%get3A_82, %get3A_83] {strides = array<i32>} : memref<79x128xi32, #tpu.memory_space<vmem>>, vector<16xi32>,
      tpu.vector_store_idx %arg5[%get3A_84], %broadcast_in_dim3A_52 {add = true} : memref<10240xf32, #tpu.memory_space<vmem>>[vector<16xi32>], vector<16xf32>,
    }
    %while3A_60 = arith.constant 1 : i32
    scf.for %while3A_61 = %while3A_58 to %while3A_54 step %while3A_60  : i32 {
      %get3A = arith.index_cast %while3A_61 : i32 to index
      %get3A_62 = arith.constant 0 : index
      %get3A_63 = tpu.vector_load %arg4[%get3A, %get3A_62] {strides = array<i32>} : memref<79x128xi32, #tpu.memory_space<vmem>>, vector<16xi32>,
      tpu.vector_store_idx %arg5[%get3A_63], %broadcast_in_dim3A_52 {add = true} : memref<10240xf32, #tpu.memory_space<vmem>>[vector<16xi32>], vector<16xf32>,
      %get3A_64 = arith.index_cast %while3A_61 : i32 to index
      %get3A_65 = arith.constant 16 : index
      %get3A_66 = tpu.vector_load %arg4[%get3A_64, %get3A_65] {strides = array<i32>} : memref<79x128xi32, #tpu.memory_space<vmem>>, vector<16xi32>,
      tpu.vector_store_idx %arg5[%get3A_66], %broadcast_in_dim3A_52 {add = true} : memref<10240xf32, #tpu.memory_space<vmem>>[vector<16xi32>], vector<16xf32>,
      %get3A_67 = arith.index_cast %while3A_61 : i32 to index
      %get3A_68 = arith.constant 32 : index
      %get3A_69 = tpu.vector_load %arg4[%get3A_67, %get3A_68] {strides = array<i32>} : memref<79x128xi32, #tpu.memory_space<vmem>>, vector<16xi32>,
      tpu.vector_store_idx %arg5[%get3A_69], %broadcast_in_dim3A_52 {add = true} : memref<10240xf32, #tpu.memory_space<vmem>>[vector<16xi32>], vector<16xf32>,
      %get3A_70 = arith.index_cast %while3A_61 : i32 to index
      %get3A_71 = arith.constant 48 : index
      %get3A_72 = tpu.vector_load %arg4[%get3A_70, %get3A_71] {strides = array<i32>} : memref<79x128xi32, #tpu.memory_space<vmem>>, vector<16xi32>,
      tpu.vector_store_idx %arg5[%get3A_72], %broadcast_in_dim3A_52 {add = true} : memref<10240xf32, #tpu.memory_space<vmem>>[vector<16xi32>], vector<16xf32>,
      %get3A_73 = arith.index_cast %while3A_61 : i32 to index
      %get3A_74 = arith.constant 64 : index
      %get3A_75 = tpu.vector_load %arg4[%get3A_73, %get3A_74] {strides = array<i32>} : memref<79x128xi32, #tpu.memory_space<vmem>>, vector<16xi32>,
      tpu.vector_store_idx %arg5[%get3A_75], %broadcast_in_dim3A_52 {add = true} : memref<10240xf32, #tpu.memory_space<vmem>>[vector<16xi32>], vector<16xf32>,
      %get3A_76 = arith.index_cast %while3A_61 : i32 to index
      %get3A_77 = arith.constant 80 : index
      %get3A_78 = tpu.vector_load %arg4[%get3A_76, %get3A_77] {strides = array<i32>} : memref<79x128xi32, #tpu.memory_space<vmem>>, vector<16xi32>,
      tpu.vector_store_idx %arg5[%get3A_78], %broadcast_in_dim3A_52 {add = true} : memref<10240xf32, #tpu.memory_space<vmem>>[vector<16xi32>], vector<16xf32>,
      %get3A_79 = arith.index_cast %while3A_61 : i32 to index
      %get3A_80 = arith.constant 96 : index
      %get3A_81 = tpu.vector_load %arg4[%get3A_79, %get3A_80] {strides = array<i32>} : memref<79x128xi32, #tpu.memory_space<vmem>>, vector<16xi32>,
      tpu.vector_store_idx %arg5[%get3A_81], %broadcast_in_dim3A_52 {add = true} : memref<10240xf32, #tpu.memory_space<vmem>>[vector<16xi32>], vector<16xf32>,
      %get3A_82 = arith.index_cast %while3A_61 : i32 to index
      %get3A_83 = arith.constant 112 : index
      %get3A_84 = tpu.vector_load %arg4[%get3A_82, %get3A_83] {strides = array<i32>} : memref<79x128xi32, #tpu.memory_space<vmem>>, vector<16xi32>,
      tpu.vector_store_idx %arg5[%get3A_84], %broadcast_in_dim3A_52 {add = true} : memref<10240xf32, #tpu.memory_space<vmem>>[vector<16xi32>], vector<16xf32>,
    }
    "tpu.region"() ({
      %run_scoped3A_61 = tpu.sem_alloc : memref<!tpu.dma_semaphore, #tpu.memory_space<semaphore_mem>>
      %dma_start3A = arith.constant 0 : i32
      %dma_start3A_62 = tpu.memref_slice %arg3[%add3A, %dma_start3A] : memref<32x10240xf32, #tpu.memory_space<hbm>> -> memref<1x10240xf32, #tpu.memory_space<hbm>>
      %dma_start3A_63 = tpu.memref_squeeze %dma_start3A_62 : memref<1x10240xf32, #tpu.memory_space<hbm>> -> memref<10240xf32, #tpu.memory_space<hbm>>
      %dma_start3A_64 = arith.constant 0 : i32
      %dma_start3A_65 = tpu.memref_slice %arg3[%add3A, %dma_start3A_64] : memref<32x10240xf32, #tpu.memory_space<hbm>> -> memref<1x10240xf32, #tpu.memory_space<hbm>>
      %dma_start3A_66 = tpu.memref_squeeze %dma_start3A_65 : memref<1x10240xf32, #tpu.memory_space<hbm>> -> memref<10240xf32, #tpu.memory_space<hbm>>
      tpu.enqueue_dma source(%arg5 : memref<10240xf32, #tpu.memory_space<vmem>>) target(%dma_start3A_66 : memref<10240xf32, #tpu.memory_space<hbm>>) target_semaphore(%run_scoped3A_61 : memref<!tpu.dma_semaphore, #tpu.memory_space<semaphore_mem>>)
      %dma_wait3A = arith.constant 0 : i32
      %dma_wait3A_67 = tpu.memref_slice %arg3[%add3A, %dma_wait3A] : memref<32x10240xf32, #tpu.memory_space<hbm>> -> memref<1x10240xf32, #tpu.memory_space<hbm>>
      %dma_wait3A_68 = tpu.memref_squeeze %dma_wait3A_67 : memref<1x10240xf32, #tpu.memory_space<hbm>> -> memref<10240xf32, #tpu.memory_space<hbm>>
      %dma_wait3A_69 = arith.constant 0 : i32
      %dma_wait3A_70 = tpu.memref_slice %arg3[%add3A, %dma_wait3A_69] : memref<32x10240xf32, #tpu.memory_space<hbm>> -> memref<1x10240xf32, #tpu.memory_space<hbm>>
      %dma_wait3A_71 = tpu.memref_squeeze %dma_wait3A_70 : memref<1x10240xf32, #tpu.memory_space<hbm>> -> memref<10240xf32, #tpu.memory_space<hbm>>
      tpu.wait_dma2 semaphore(%run_scoped3A_61 : memref<!tpu.dma_semaphore, #tpu.memory_space<semaphore_mem>>) src(%arg5 : memref<10240xf32, #tpu.memory_space<vmem>>) dst(%dma_wait3A_71 : memref<10240xf32, #tpu.memory_space<hbm>>)
      tpu.yield
    }) : () -> ()
    return
  }
}

module attributes {stable_mosaic.version = 14 : i64} {
  func.func @_tc1_body(%arg0: i32, %arg1: memref<32x2048xf32, #tpu.memory_space<vmem>>, %arg2: memref<2048x128xf32, #tpu.memory_space<vmem>>, %arg3: memref<128x64xf32, #tpu.memory_space<vmem>>, %arg4: memref<2048x128xf32, #tpu.memory_space<vmem>>) attributes {dimension_semantics = [#tpu.dimension_semantics<arbitrary>], iteration_bounds = array<i64: 5>, scalar_prefetch = 0 : i64, scratch_operands = 0 : i64, tpu.core_type = #tpu.core_type<tc>, window_params = [{transform_indices = @transform_0, window_bounds = array<i64: 32, 2048>}, {transform_indices = @transform_1, window_bounds = array<i64: 2048, 128>}, {pipeline_mode = #tpu.pipeline_mode<synchronous>, transform_indices = @transform_2, window_bounds = array<i64: 128, 64>}, {transform_indices = @transform_3, window_bounds = array<i64: 2048, 128>}]} {
    %get3A = arith.constant 0 : index
    %get3A_0 = arith.constant 0 : index
    %get3A_1 = vector.load %arg1[%get3A, %get3A_0] : memref<32x2048xf32, #tpu.memory_space<vmem>>, vector<32x2048xf32>
    %reduce_sum3A = arith.constant dense<0.000000e+00> : vector<2048xf32>
    %reduce_sum3A_2 = vector.multi_reduction <add>, %get3A_1, %reduce_sum3A [0] : vector<32x2048xf32> to vector<2048xf32>
    %add3A = arith.constant 1.000000e+00 : f32
    %add3A_3 = vector.broadcast %add3A : f32 to vector<2048xf32>
    %add3A_4 = arith.addf %reduce_sum3A_2, %add3A_3 : vector<2048xf32>
    %rsqrt3A = math.rsqrt %add3A_4 : vector<2048xf32>
    %broadcast_in_dim3A = vector.shape_cast %rsqrt3A : vector<2048xf32> to vector<2048x1xf32>
    %get3A_5 = arith.constant 0 : index
    %get3A_6 = arith.constant 0 : index
    %get3A_7 = vector.load %arg2[%get3A_5, %get3A_6] : memref<2048x128xf32, #tpu.memory_space<vmem>>, vector<2048x128xf32>
    %get3A_8 = arith.constant 0 : index
    %get3A_9 = arith.constant 0 : index
    %get3A_10 = vector.load %arg3[%get3A_8, %get3A_9] : memref<128x64xf32, #tpu.memory_space<vmem>>, vector<128x64xf32>
    %dot_general3A = arith.constant dense<0.000000e+00> : vector<2048x64xf32>
    %dot_general3A_11 = tpu.matmul %get3A_7, %get3A_10, %dot_general3A {dimension_numbers = #tpu.dot_dimension_numbers<[1], [0], [0], [1], [0, 0, 1, 1], [], []>, transpose_lhs_hint = false} : vector<2048x128xf32>, vector<128x64xf32>, vector<2048x64xf32> -> vector<2048x64xf32>
    %mul3A = vector.broadcast %broadcast_in_dim3A : vector<2048x1xf32> to vector<2048x64xf32>
    %mul3A_12 = arith.mulf %dot_general3A_11, %mul3A : vector<2048x64xf32>
    %swap3A = arith.constant 0 : index
    %swap3A_13 = arith.constant 0 : index
    %swap3A_14 = vector.load %arg4[%swap3A, %swap3A_13] : memref<2048x128xf32, #tpu.memory_space<vmem>>, vector<2048x64xf32>
    tpu.vector_store %arg4[%swap3A, %swap3A_13], %mul3A_12 {strides = array<i32>} : memref<2048x128xf32, #tpu.memory_space<vmem>>, vector<2048x64xf32>,
    return
  }
  func.func @transform_0(%arg0: i32) -> (i32, i32) {
    %c0_i32 = arith.constant 0 : i32
    %c0_i32_0 = arith.constant 0 : i32
    return %c0_i32, %arg0 : i32, i32
  }
  func.func @transform_1(%arg0: i32) -> (i32, i32) {
    %c0_i32 = arith.constant 0 : i32
    %c0_i32_0 = arith.constant 0 : i32
    return %arg0, %c0_i32 : i32, i32
  }
  func.func @transform_2(%arg0: i32) -> (i32, i32) {
    %c0_i32 = arith.constant 0 : i32
    %c0_i32_0 = arith.constant 0 : i32
    %c0_i32_1 = arith.constant 0 : i32
    return %c0_i32, %c0_i32_0 : i32, i32
  }
  func.func @transform_3(%arg0: i32) -> (i32, i32) {
    %c0_i32 = arith.constant 0 : i32
    %c0_i32_0 = arith.constant 0 : i32
    return %arg0, %c0_i32 : i32, i32
  }
}

module attributes {stable_mosaic.version = 14 : i64} {
  func.func @_tc2_body(%arg0: i32, %arg1: memref<32x2048xf32, #tpu.memory_space<vmem>>, %arg2: memref<2048x128xf32, #tpu.memory_space<vmem>>, %arg3: memref<2048x128xf32, #tpu.memory_space<vmem>>, %arg4: memref<1x64xf32, #tpu.memory_space<vmem>>, %arg5: memref<64x40xf32, #tpu.memory_space<vmem>>, %arg6: memref<2048x40xf32, #tpu.memory_space<vmem>>) attributes {dimension_semantics = [#tpu.dimension_semantics<arbitrary>], iteration_bounds = array<i64: 5>, scalar_prefetch = 0 : i64, scratch_operands = 0 : i64, tpu.core_type = #tpu.core_type<tc>, window_params = [{transform_indices = @transform_0, window_bounds = array<i64: 32, 2048>}, {transform_indices = @transform_1, window_bounds = array<i64: 2048, 128>}, {transform_indices = @transform_2, window_bounds = array<i64: 2048, 128>}, {pipeline_mode = #tpu.pipeline_mode<synchronous>, transform_indices = @transform_3, window_bounds = array<i64: 1, 64>}, {pipeline_mode = #tpu.pipeline_mode<synchronous>, transform_indices = @transform_4, window_bounds = array<i64: 64, 40>}, {transform_indices = @transform_5, window_bounds = array<i64: 2048, 40>}]} {
    %get3A = arith.constant 0 : index
    %get3A_0 = arith.constant 0 : index
    %get3A_1 = vector.load %arg1[%get3A, %get3A_0] : memref<32x2048xf32, #tpu.memory_space<vmem>>, vector<32x2048xf32>
    %reduce_sum3A = arith.constant dense<0.000000e+00> : vector<2048xf32>
    %reduce_sum3A_2 = vector.multi_reduction <add>, %get3A_1, %reduce_sum3A [0] : vector<32x2048xf32> to vector<2048xf32>
    %add3A = arith.constant 1.000000e+00 : f32
    %add3A_3 = vector.broadcast %add3A : f32 to vector<2048xf32>
    %add3A_4 = arith.addf %reduce_sum3A_2, %add3A_3 : vector<2048xf32>
    %rsqrt3A = math.rsqrt %add3A_4 : vector<2048xf32>
    %broadcast_in_dim3A = vector.shape_cast %rsqrt3A : vector<2048xf32> to vector<2048x1xf32>
    %get3A_5 = arith.constant 0 : index
    %get3A_6 = arith.constant 0 : index
    %get3A_7 = vector.load %arg2[%get3A_5, %get3A_6] : memref<2048x128xf32, #tpu.memory_space<vmem>>, vector<2048x128xf32>
    %get3A_8 = arith.constant 0 : index
    %get3A_9 = arith.constant 0 : index
    %get3A_10 = vector.load %arg3[%get3A_8, %get3A_9] : memref<2048x128xf32, #tpu.memory_space<vmem>>, vector<2048x128xf32>
    %slice3A = vector.extract_strided_slice %get3A_7 {offsets = [0, 0], sizes = [2048, 64], strides = [1, 1]} : vector<2048x128xf32> to vector<2048x64xf32>
    %slice3A_11 = vector.extract_strided_slice %get3A_7 {offsets = [0, 64], sizes = [2048, 64], strides = [1, 1]} : vector<2048x128xf32> to vector<2048x64xf32>
    %add3A_12 = arith.addf %slice3A, %slice3A_11 : vector<2048x64xf32>
    %slice3A_13 = vector.extract_strided_slice %get3A_10 {offsets = [0, 0], sizes = [2048, 64], strides = [1, 1]} : vector<2048x128xf32> to vector<2048x64xf32>
    %add3A_14 = arith.addf %add3A_12, %slice3A_13 : vector<2048x64xf32>
    %mul3A = vector.broadcast %broadcast_in_dim3A : vector<2048x1xf32> to vector<2048x64xf32>
    %mul3A_15 = arith.mulf %mul3A, %add3A_14 : vector<2048x64xf32>
    %get3A_16 = arith.constant 0 : index
    %get3A_17 = arith.constant 0 : index
    %get3A_18 = vector.load %arg4[%get3A_16, %get3A_17] : memref<1x64xf32, #tpu.memory_space<vmem>>, vector<1x64xf32>
    %add3A_19 = vector.broadcast %get3A_18 : vector<1x64xf32> to vector<2048x64xf32>
    %add3A_20 = arith.addf %mul3A_15, %add3A_19 : vector<2048x64xf32>
    %max3A = arith.constant 0.000000e+00 : f32
    %max3A_21 = vector.broadcast %max3A : f32 to vector<2048x64xf32>
    %max3A_22 = arith.maximumf %add3A_20, %max3A_21 : vector<2048x64xf32>
    %get3A_23 = arith.constant 0 : index
    %get3A_24 = arith.constant 0 : index
    %get3A_25 = vector.load %arg5[%get3A_23, %get3A_24] : memref<64x40xf32, #tpu.memory_space<vmem>>, vector<64x40xf32>
    %dot_general3A = arith.constant dense<0.000000e+00> : vector<2048x40xf32>
    %dot_general3A_26 = tpu.matmul %max3A_22, %get3A_25, %dot_general3A {dimension_numbers = #tpu.dot_dimension_numbers<[1], [0], [0], [1], [0, 0, 1, 1], [], []>, transpose_lhs_hint = false} : vector<2048x64xf32>, vector<64x40xf32>, vector<2048x40xf32> -> vector<2048x40xf32>
    %mul3A_27 = vector.broadcast %broadcast_in_dim3A : vector<2048x1xf32> to vector<2048x40xf32>
    %mul3A_28 = arith.mulf %dot_general3A_26, %mul3A_27 : vector<2048x40xf32>
    %swap3A = arith.constant 0 : index
    %swap3A_29 = arith.constant 0 : index
    %swap3A_30 = vector.load %arg6[%swap3A, %swap3A_29] : memref<2048x40xf32, #tpu.memory_space<vmem>>, vector<2048x40xf32>
    tpu.vector_store %arg6[%swap3A, %swap3A_29], %mul3A_28 {strides = array<i32>} : memref<2048x40xf32, #tpu.memory_space<vmem>>, vector<2048x40xf32>,
    return
  }
  func.func @transform_0(%arg0: i32) -> (i32, i32) {
    %c0_i32 = arith.constant 0 : i32
    %c0_i32_0 = arith.constant 0 : i32
    return %c0_i32, %arg0 : i32, i32
  }
  func.func @transform_1(%arg0: i32) -> (i32, i32) {
    %c0_i32 = arith.constant 0 : i32
    %c0_i32_0 = arith.constant 0 : i32
    return %arg0, %c0_i32 : i32, i32
  }
  func.func @transform_2(%arg0: i32) -> (i32, i32) {
    %c0_i32 = arith.constant 0 : i32
    %c0_i32_0 = arith.constant 0 : i32
    return %arg0, %c0_i32 : i32, i32
  }
  func.func @transform_3(%arg0: i32) -> (i32, i32) {
    %c0_i32 = arith.constant 0 : i32
    %c0_i32_0 = arith.constant 0 : i32
    %c0_i32_1 = arith.constant 0 : i32
    return %c0_i32, %c0_i32_0 : i32, i32
  }
  func.func @transform_4(%arg0: i32) -> (i32, i32) {
    %c0_i32 = arith.constant 0 : i32
    %c0_i32_0 = arith.constant 0 : i32
    %c0_i32_1 = arith.constant 0 : i32
    return %c0_i32, %c0_i32_0 : i32, i32
  }
  func.func @transform_5(%arg0: i32) -> (i32, i32) {
    %c0_i32 = arith.constant 0 : i32
    %c0_i32_0 = arith.constant 0 : i32
    return %arg0, %c0_i32 : i32, i32
  }
}

module attributes {stable_mosaic.version = 14 : i64} {
  func.func @_tc3_body(%arg0: i32, %arg1: memref<32x2048xf32, #tpu.memory_space<vmem>>, %arg2: memref<2048x128xf32, #tpu.memory_space<vmem>>, %arg3: memref<2048x40xf32, #tpu.memory_space<vmem>>, %arg4: memref<1x40xf32, #tpu.memory_space<vmem>>, %arg5: memref<2048x40xf32, #tpu.memory_space<vmem>>) attributes {dimension_semantics = [#tpu.dimension_semantics<arbitrary>], iteration_bounds = array<i64: 5>, scalar_prefetch = 0 : i64, scratch_operands = 0 : i64, tpu.core_type = #tpu.core_type<tc>, window_params = [{transform_indices = @transform_0, window_bounds = array<i64: 32, 2048>}, {transform_indices = @transform_1, window_bounds = array<i64: 2048, 128>}, {transform_indices = @transform_2, window_bounds = array<i64: 2048, 40>}, {pipeline_mode = #tpu.pipeline_mode<synchronous>, transform_indices = @transform_3, window_bounds = array<i64: 1, 40>}, {transform_indices = @transform_4, window_bounds = array<i64: 2048, 40>}]} {
    %get3A = arith.constant 0 : index
    %get3A_0 = arith.constant 0 : index
    %get3A_1 = vector.load %arg1[%get3A, %get3A_0] : memref<32x2048xf32, #tpu.memory_space<vmem>>, vector<32x2048xf32>
    %reduce_sum3A = arith.constant dense<0.000000e+00> : vector<2048xf32>
    %reduce_sum3A_2 = vector.multi_reduction <add>, %get3A_1, %reduce_sum3A [0] : vector<32x2048xf32> to vector<2048xf32>
    %add3A = arith.constant 1.000000e+00 : f32
    %add3A_3 = vector.broadcast %add3A : f32 to vector<2048xf32>
    %add3A_4 = arith.addf %reduce_sum3A_2, %add3A_3 : vector<2048xf32>
    %rsqrt3A = math.rsqrt %add3A_4 : vector<2048xf32>
    %broadcast_in_dim3A = vector.shape_cast %rsqrt3A : vector<2048xf32> to vector<2048x1xf32>
    %get3A_5 = arith.constant 0 : index
    %get3A_6 = arith.constant 0 : index
    %get3A_7 = vector.load %arg2[%get3A_5, %get3A_6] : memref<2048x128xf32, #tpu.memory_space<vmem>>, vector<2048x128xf32>
    %slice3A = vector.extract_strided_slice %get3A_7 {offsets = [0, 0], sizes = [2048, 40], strides = [1, 1]} : vector<2048x128xf32> to vector<2048x40xf32>
    %slice3A_8 = vector.extract_strided_slice %get3A_7 {offsets = [0, 40], sizes = [2048, 40], strides = [1, 1]} : vector<2048x128xf32> to vector<2048x40xf32>
    %add3A_9 = arith.addf %slice3A, %slice3A_8 : vector<2048x40xf32>
    %get3A_10 = arith.constant 0 : index
    %get3A_11 = arith.constant 0 : index
    %get3A_12 = vector.load %arg3[%get3A_10, %get3A_11] : memref<2048x40xf32, #tpu.memory_space<vmem>>, vector<2048x40xf32>
    %add3A_13 = arith.addf %add3A_9, %get3A_12 : vector<2048x40xf32>
    %mul3A = vector.broadcast %broadcast_in_dim3A : vector<2048x1xf32> to vector<2048x40xf32>
    %mul3A_14 = arith.mulf %mul3A, %add3A_13 : vector<2048x40xf32>
    %get3A_15 = arith.constant 0 : index
    %get3A_16 = arith.constant 0 : index
    %get3A_17 = vector.load %arg4[%get3A_15, %get3A_16] : memref<1x40xf32, #tpu.memory_space<vmem>>, vector<1x40xf32>
    %add3A_18 = vector.broadcast %get3A_17 : vector<1x40xf32> to vector<2048x40xf32>
    %add3A_19 = arith.addf %mul3A_14, %add3A_18 : vector<2048x40xf32>
    %reduce_max3A = arith.constant dense<0xFF800000> : vector<2048xf32>
    %reduce_max3A_20 = vector.multi_reduction <maximumf>, %add3A_19, %reduce_max3A [1] : vector<2048x40xf32> to vector<2048xf32>
    %broadcast_in_dim3A_21 = vector.shape_cast %reduce_max3A_20 : vector<2048xf32> to vector<2048x1xf32>
    %sub3A = vector.broadcast %broadcast_in_dim3A_21 : vector<2048x1xf32> to vector<2048x40xf32>
    %sub3A_22 = arith.subf %add3A_19, %sub3A : vector<2048x40xf32>
    %exp3A = math.exp %sub3A_22 : vector<2048x40xf32>
    %reduce_sum3A_23 = arith.constant dense<0.000000e+00> : vector<2048xf32>
    %reduce_sum3A_24 = vector.multi_reduction <add>, %exp3A, %reduce_sum3A_23 [1] : vector<2048x40xf32> to vector<2048xf32>
    %broadcast_in_dim3A_25 = vector.shape_cast %reduce_sum3A_24 : vector<2048xf32> to vector<2048x1xf32>
    %log3A = math.log %broadcast_in_dim3A_25 : vector<2048x1xf32>
    %add3A_26 = arith.addf %broadcast_in_dim3A_21, %log3A : vector<2048x1xf32>
    %sub3A_27 = vector.broadcast %add3A_26 : vector<2048x1xf32> to vector<2048x40xf32>
    %sub3A_28 = arith.subf %add3A_19, %sub3A_27 : vector<2048x40xf32>
    %swap3A = arith.constant 0 : index
    %swap3A_29 = arith.constant 0 : index
    %swap3A_30 = vector.load %arg5[%swap3A, %swap3A_29] : memref<2048x40xf32, #tpu.memory_space<vmem>>, vector<2048x40xf32>
    tpu.vector_store %arg5[%swap3A, %swap3A_29], %sub3A_28 {strides = array<i32>} : memref<2048x40xf32, #tpu.memory_space<vmem>>, vector<2048x40xf32>,
    return
  }
  func.func @transform_0(%arg0: i32) -> (i32, i32) {
    %c0_i32 = arith.constant 0 : i32
    %c0_i32_0 = arith.constant 0 : i32
    return %c0_i32, %arg0 : i32, i32
  }
  func.func @transform_1(%arg0: i32) -> (i32, i32) {
    %c0_i32 = arith.constant 0 : i32
    %c0_i32_0 = arith.constant 0 : i32
    return %arg0, %c0_i32 : i32, i32
  }
  func.func @transform_2(%arg0: i32) -> (i32, i32) {
    %c0_i32 = arith.constant 0 : i32
    %c0_i32_0 = arith.constant 0 : i32
    return %arg0, %c0_i32 : i32, i32
  }
  func.func @transform_3(%arg0: i32) -> (i32, i32) {
    %c0_i32 = arith.constant 0 : i32
    %c0_i32_0 = arith.constant 0 : i32
    %c0_i32_1 = arith.constant 0 : i32
    return %c0_i32, %c0_i32_0 : i32, i32
  }
  func.func @transform_4(%arg0: i32) -> (i32, i32) {
    %c0_i32 = arith.constant 0 : i32
    %c0_i32_0 = arith.constant 0 : i32
    return %arg0, %c0_i32 : i32, i32
  }
}

</mosaic_0001>

<sc_bundles>
// kernel: kernel.11.cloned.1.call-start
scs
__scs_entry_jumppad:
0x0: {  	(pc) =	sbr.rel $0x88, $3  }
0x1: {  	(tag) =	ssettag $0x0;
	lr =	simm.s32 $0x1  }
0x2: {  	[smem:$0x3F9B] =	sst lr;
	_ =	strace $0xD0000000  }
0x3: {  	_ = 	snop  }
0x4: {  	_ = 	snop  }
0x5: {  	_ = 	snop  }
0x6: {  	_ = 	snop  }
0x7: {  	_ = 	snop  }
__scs_overlays_trampoline_lowered:
0x8: {  	[smem:$0x3FAA] =	sst s0  }
0x9: {  	[smem:$0x3FAB] =	sst s1  }
0xa: {  	[smem:$0x3FAC] =	sst s2  }
0xb: {  	[smem:$0x3FAD] =	sst s3  }
0xc: {  	[smem:$0x3FAE] =	sst s4  }
0xd: {  	[smem:$0x3FAF] =	sst s5  }
0xe: {  	[smem:$0x3FB0] =	sst s6  }
0xf: {  	[smem:$0x3FB1] =	sst s7  }
0x10: {  	[smem:$0x3FB2] =	sst s8  }
0x11: {  	[smem:$0x3FB3] =	sst s9;
	s0 =	simm.s32 @!p0 $0x0  }
0x12: {  	s1 =	sld [smem:$0x3F99];
	s0 =	simm.s32 @p0 $0x1  }
0x13: {  	[smem:$0x3FB4] =	sst s0;
	s0 =	simm.s32 @!p1 $0x0  }
0x14: {  	s2 =	sld [smem:$0x3F98];
	s0 =	simm.s32 @p1 $0x1  }
0x15: {  	[smem:$0x3FB5] =	sst s0;
	s0 =	simm.s32 @!p2 $0x0  }
0x16: {  	s3 =	sld [smem:$0x3FDB];
	s0 =	simm.s32 @p2 $0x1  }
0x17: {  	s4 =	simm.s32 $0x1BF5;
	[smem:$0x3FB7] =	sst s0  }
0x18: {  	s0 =	sld [smem:$0x3F9A];
	_ =	swait.ge [sflag:s4], $0x0  }
0x19: {  	s7 =	sld [smem:$0x3F9B]  }
0x1a: {  	s8 =	sadd.s32 $0xFFFFE003, lr  }
0x1b: {  	s9 =	sadd.s32 $0xFFFFFEF7, lr;
	s5 =	simm.s32 $0xFFFFFFFF;
	p2 =	slt.u32 s8, $0xFFFFF086  }
0x1c: {  	p1 =	slt.u32 s9, $0xF7A;
	s5 =	simm.s32 @!p2 $0x0  }
0x1d: {  	s5 =	simm.s32 @p1 $0x1;
	p0 =	seq.s32 s7, s2  }
0x1e: {  	s7 =	smul.u32 @!p0 $0xF7A, s2;
	p2 =	seq.s32 @!p0 s5, $0x0  }
0x1f: {  	s9 =	smul.u32 $0xF7A, s1;
	s8 =	simm.s32 @!p0 $0x1BF5;
	p2 =	por !p2, p0  }
0x20: {  	[sflag:s8] =	ssyncset.s32 @!p0 $0xFFFFF086;
	s6 =	sadd.s32 @!p0 s3, s7;
	s7 =	simm.s32 @!p0 $0x108  }
0x21: {  	s3 =	sadd.s32 s3, s9;
	s6 =	sadd.s32 @!p0 $0x88, s6;
	s7 =	simm.s32 @p2 $0x1082  }
0x22: {  	[simem:s7], [sflag:s8] =	dma.local @!p0 [hbm:s6], $0xF7A  }
0x23: {  	s9 =	sor.u32 $0xD0000000, s2;
	s6 =	simm.s32 $0x108;
	_ =	swait.ge @!p0 [sflag:s8], $0x0  }
0x24: {  	s3 =	sadd.s32 $0x88, s3;
	s6 =	simm.s32 @!p1 $0x1082;
	[sflag:s4] =	ssyncset.s32 $0xFFFFF086  }
0x25: {  	[simem:s6], [sflag:s4] =	dma.local [hbm:s3], $0xF7A  }
0x26: {  	[smem:$0x3F9B] =	sst s1;
	(tag) =	ssettag s2;
	_ =	strace s9  }
0x27: {  	s1 =	sld [smem:$0x3FAB]  }
0x28: {  	s2 =	sld [smem:$0x3FAC]  }
0x29: {  	s4 =	sld [smem:$0x3FAE]  }
0x2a: {  	p0 =	seq.s32 s5, $0x0;
	s5 =	sld [smem:$0x3FAF]  }
0x2b: {  	s6 =	sld [smem:$0x3FB0]  }
0x2c: {  	s7 =	sld [smem:$0x3FB1]  }
0x2d: {  	s3 =	simm.s32 $0x108;
	s8 =	sld [smem:$0x3FB2]  }
0x2e: {  	s3 =	simm.s32 @!p0 $0x1082;
	s9 =	sld [smem:$0x3FB3]  }
0x2f: {  	lr =	sadd.s32 s0, s3;
	s0 =	sld [smem:$0x3FAA]  }
0x30: {  	s3 =	sld [smem:$0x3FAD]  }
0x31: {  	[smem:$0x3FB6] =	sst s10  }
0x32: {  	s10 =	sld [smem:$0x3FB4];
	_ =	sdelay $0x3  }
0x33: {  	p0 =	seq.s32 s10, $0x1;
	s10 =	sld [smem:$0x3FB6];
	_ =	sdelay $0x3  }
0x34: {  	[smem:$0x3FB6] =	sst s10  }
0x35: {  	s10 =	sld [smem:$0x3FB5];
	_ =	sdelay $0x3  }
0x36: {  	p1 =	seq.s32 s10, $0x1;
	s10 =	sld [smem:$0x3FB6];
	_ =	sdelay $0x3  }
0x37: {  	[smem:$0x3FB6] =	sst s10  }
0x38: {  	s10 =	sld [smem:$0x3FB7]  }
0x39: {  	_ = 	snop;
	(pc) =	sbr.ind lr, $3  }
0x3a: {  	_ = 	snop  }
0x3b: {  	_ = 	snop  }
0x3c: {  	p2 =	seq.s32 s10, $0x1;
	s10 =	sld [smem:$0x3FB6]  }
0x3d: {  	_ =	shalt  }
0x3e: {  	_ =	shalt  }
0x3f: {  	_ =	shalt  }
0x40: {  	_ =	shalt  }
0x41: {  	_ =	shalt  }
0x42: {  	_ =	shalt  }
0x43: {  	_ =	shalt  }
0x44: {  	_ =	shalt  }
0x45: {  	_ =	shalt  }
0x46: {  	_ =	shalt  }
0x47: {  	_ =	shalt  }
0x48: {  	_ =	shalt  }
0x49: {  	_ =	shalt  }
0x4a: {  	_ =	shalt  }
0x4b: {  	_ =	shalt  }
0x4c: {  	_ =	shalt  }
0x4d: {  	_ =	shalt  }
0x4e: {  	_ =	shalt  }
0x4f: {  	_ =	shalt  }
0x50: {  	_ =	shalt  }
0x51: {  	_ =	shalt  }
0x52: {  	_ =	shalt  }
0x53: {  	_ =	shalt  }
0x54: {  	_ =	shalt  }
0x55: {  	_ =	shalt  }
0x56: {  	_ =	shalt  }
0x57: {  	_ =	shalt  }
0x58: {  	_ =	shalt  }
0x59: {  	_ =	shalt  }
0x5a: {  	_ =	shalt  }
0x5b: {  	_ =	shalt  }
0x5c: {  	_ =	shalt  }
0x5d: {  	_ =	shalt  }
0x5e: {  	_ =	shalt  }
0x5f: {  	_ =	shalt  }
0x60: {  	_ =	shalt  }
0x61: {  	_ =	shalt  }
0x62: {  	_ =	shalt  }
0x63: {  	_ =	shalt  }
0x64: {  	_ =	shalt  }
0x65: {  	_ =	shalt  }
0x66: {  	_ =	shalt  }
0x67: {  	_ =	shalt  }
0x68: {  	_ =	shalt  }
0x69: {  	_ =	shalt  }
0x6a: {  	_ =	shalt  }
0x6b: {  	_ =	shalt  }
0x6c: {  	_ =	shalt  }
0x6d: {  	_ =	shalt  }
0x6e: {  	_ =	shalt  }
0x6f: {  	_ =	shalt  }
0x70: {  	_ =	shalt  }
0x71: {  	_ =	shalt  }
0x72: {  	_ =	shalt  }
0x73: {  	_ =	shalt  }
0x74: {  	_ =	shalt  }
0x75: {  	_ =	shalt  }
0x76: {  	_ =	shalt  }
0x77: {  	_ =	shalt  }
0x78: {  	_ =	shalt  }
0x79: {  	_ =	shalt  }
0x7a: {  	_ =	shalt  }
0x7b: {  	_ =	shalt  }
0x7c: {  	_ =	shalt  }
0x7d: {  	_ =	shalt  }
0x7e: {  	_ =	shalt  }
0x7f: {  	_ =	shalt  }
0x80: {  	_ =	shalt  }
0x81: {  	_ =	shalt  }
0x82: {  	_ =	shalt  }
0x83: {  	_ =	shalt  }
0x84: {  	_ =	shalt  }
0x85: {  	_ =	shalt  }
0x86: {  	_ =	shalt  }
0x87: {  	_ =	shalt  }
.Lfunc_end0:
.L_simem_size_0:
called_computation.1_lowered:
.L_overlay_start_0:
0x88: {  	s2 =	sld [smem:$0x3FD9]  }
0x89: {  	s3 =	sld [smem:$0x3FFE];
	_ =	sdelay $0x1  }
0x8a: {  	s1 =	srdreg.scid  }
0x8b: {  	s0 =	sand.u32 $0x1, s1  }
0x8c: {  	s17 =	sshll.u32 s0, $0xA;
	s2 =	sadd.s32 s3, s2  }
0x8d: {  	s2 =	sadd.s32 s2, s17  }
0x8e: {  	[smem:$0x3FC2] =	sst s2  }
0x8f: {  	_ = 	snop  }
0x90: {  	s2 =	sld [smem:$0x3FC8];
	(tm) =	ssettm $0x1  }
0x91: {  	s18 =	sld [smem:$0x3FFB];
	_ =	sdelay $0x3  }
0x92: {  	_ =	strace s18  }
0x93: {  	s3 =	sld [smem:$0x3FFC];
	_ =	sdelay $0x3  }
0x94: {  	_ =	strace s3  }
0x95: {  	s3 =	sld [smem:$0x3FFD];
	_ =	sdelay $0x3  }
0x96: {  	_ =	strace s3  }
0x97: {  	_ =	strace $0x8FFFFFFF  }
0x98: {  	s19 =	sld [smem:$0x3FDB];
	_ =	sdelay $0x1  }
0x99: {  	s4 =	simm.s32 $_scs_section_size  }
0x9a: {  	s5 =	simm.s32 $_size__tile_overlayer_lowered;
	s6 =	simm.s32 $_tile_overlayer_lowered  }
0x9b: {  	s22 =	simm.s32 $0x1BFF;
	s21 =	sshll.u32 s6, $0x1;
	s3 =	sadd.s32 s4, s19  }
0x9c: {  	s7 =	simm.s32 $0x0;
	s20 =	sshll.u32 s5, $0x1;
	s5 =	sadd.s32 s21, s3  }
0x9d: {  	[timem:s7], [sflag:s22] =	dma.local [hbm:s5], s20  }
0x9e: {  	_ =	swait.ge [sflag:s22], s20  }
0x9f: {  	s4 =	ssub.s32 $0x0, s20;
	[sflag:s22] =	ssyncset.done $0x0  }
0xa0: {  	[sflag:s22] =	ssyncadd.s32 s4;
	_ =	sdelay $0x1  }
0xa1: {  	s23 =	simm.s32 $0x1B8B  }
0xa2: {  	_ =	swait.ge [sflag:s23], $0x1  }
0xa3: {  	[sflag:s23] =	ssyncset.done $0x0  }
0xa4: {  	s25 =	simm.s32 $0x1B8E;
	s24 =	sld [smem:$0x3FFE];
	[sflag:s23] =	ssyncadd.s32 $0xFFFFFFFF  }
0xa5: {  	s26 =	simm.s32 $execute0_lowered;
	[smem:$0x3FD2] =	sst s25  }
0xa6: {  	s5 =	sshll.u32 s26, $0x1;
	_ =	strace $0x80000049;
	[dreg:$0x1] =	wrdreg $0xFFFFFFFF  }
0xa7: {  	s28 =	simm.s32 $_size_execute0_lowered;
	s3 =	sadd.s32 s3, s5;
	[dreg:$0x0] =	wrdreg $0x0  }
0xa8: {  	s5 =	sshll.u32 s28, $0x1;
	[dreg:$0x2] =	wrdreg s3  }
0xa9: {  	[dreg:$0x3] =	wrdreg s5  }
0xaa: {  	[dreg:$0x4] =	wrdreg $0xC0  }
0xab: {  	_ =	task [dreg:s7], $0x5FFFF  }
0xac: {  	[dreg:$0x1] =	wrdreg $0xFFFFFFFF  }
0xad: {  	[dreg:$0x0] =	wrdreg $0x60  }
0xae: {  	[dreg:$0x2] =	wrdreg s2  }
0xaf: {  	[dreg:$0x3] =	wrdreg s24  }
0xb0: {  	[dreg:$0x4] =	wrdreg $0xEF000  }
0xb1: {  	[dreg:$0x5] =	wrdreg $0x9  }
0xb2: {  	_ =	task.clear_ibuf [dreg:s7], $0x6FFFF;
	_ =	strace $0x90000049  }
0xb3: {  	s29 =	simm.s32 $0x9;
	_ =	strace $0x8000004B  }
0xb4: {  	_ =	swait.ge [sflag:s29], $0x1  }
0xb5: {  	[sflag:s29] =	ssyncadd.s32 $0xFFFFFFFF  }
0xb6: {  	_ =	strace $0x9000004B  }
0xb7: {  	_ =	sfence  }
0xb8: {  	s30 =	sld [smem:$0x0];
	_ =	sdelay $0x2  }
0xb9: {  	s31 =	sshll.u32 s1, $0xD;
	s1 =	sshrl.u32 s1, $0x2  }
0xba: {  	s3 =	sand.u32 $0x4000, s31;
	s1 =	sadd.s32 s1, s30  }
0xbb: {  	s0 =	sor.u32 s3, s0;
	s1 =	sshll.u32 s1, $0x11  }
0xbc: {  	s0 =	sor.u32 s1, s0  }
0xbd: {  	s0 =	sadd.s32 $0x8F2B, s0  }
0xbe: {  	[sflag:s0] =	ssyncadd.remote.s32 $0x1  }
0xbf: {  	_ =	sfence.sel $0xFFFF  }
0xc0: {  	[dreg:$0x0] =	wrdreg $0xFFFFFFFF;
	(pc) =	sbr.abs _section_cstart, $3  }
0xc1: {  	[dreg:$0x1] =	wrdreg $0xFFFFFFFF  }
0xc2: {  	_ =	task.clear_ibuf [dreg:s7], $0x2FFFF;
	_ =	strace $0x9FFFFFFF  }
0xc3: {  	(tm) =	ssettm $0x7FFFFFFF  }
tec
execute0_lowered:
.L_overlay_start_1:
0x0: {  	(tag) =	ssettag $0x1  }
0x1: {  	s1 =	rddreg [dreg:$0x0]  }
0x2: {  	s0 =	srdreg.scid;
	s3 =	rddreg [dreg:$0x1]  }
0x3: {  	s12 =	stileid.u32;
	s2 =	rddreg [dreg:$0x2]  }
0x4: {  	s31 =	simm.s32 $0x0;
	s28 =	simm.s32 $0x8F00;
	s0 =	sand.u32 $0x1, s0  }
0x5: {  	s30 =	simm.s32 $0xAF00;
	s7 =	smul.u32 $0x14000, s12;
	s4 =	sshll.u32 s0, $0x4  }
0x6: {  	s29 =	simm.s32 $0x0;
	s18 =	smul.u32 $0x28000, s12;
	s4 =	sor.u32 s12, s4  }
0x7: {  	[smem:$0x7FF] =	sst s31;
	s10 =	sshll.u32 s0, $0x6;
	s6 =	smul.u32 $0x9C4, s4  }
0x8: {  	_ =	strace $0x8000004A;
	s0 =	ssub.s32 $0x2, s0;
	s7 =	sor.u32 s10, s7  }
0x9: {  	s17 =	sshrl.u32 s0, $0x1;
	s21 =	sshrl.u32 s18, $0x2;
	s4 =	sadd.s32 $0x9C4, s6  }
0xa: {  	s7 =	sshrl.u32 s7, $0x3;
	s8 =	sshrl.u32 s6, $0x5;
	s9 =	sshrl.u32 s4, $0x5  }
0xb: {  	s0 =	ssub.s32 s0, s17;
	s6 =	sand.u32 $0x1FFE0, s6;
	s5 =	ssub.s32 s9, s8  }
0xc: {  	s4 =	sadd.s32 $0x2400, s3;
	s3 =	sadd.s32 s7, s3;
	s11 =	smul.u32 $0xFFFFCCCD, s5  }
0xd: {  	p0 =	sne.s32 s9, s8;
	s8 =	simm.s32 $0x1;
	s26 =	sshll.u32 s5, $0x10  }
0xe: {  	s13 =	sshra.s32 s5, $0x1F;
	s8 =	simm.s32 @!p0 $0x0;
	s11 =	sadd.s32 $0x1999, s11  }
0xf: {  	s10 =	sshra.s32 s26, $0x10;
	s8 =	sor.u32 s8, s13;
	s14 =	sand.u32 $0xFFFF, s11  }
0x10: {  	s10 =	smul.u32 $0x6667, s10;
	p6 =	sne.s32 s8, $0x1;
	p1 =	sgt.u32 s14, $0x3332  }
0x11: {  	s20 =	sadd.s32 s1, s6;
	s9 =	simm.s32 $0x1;
	p0 =	por !p1, !p6  }
0x12: {  	s15 =	sshrl.u32 s10, $0x1F;
	s16 =	sshra.s32 s10, $0x11;
	p0 =	por !p0, !p0  }
0x13: {  	[dreg:$0x5] =	wrdreg s20;
	s7 =	sadd.s32 s15, s16;
	s9 =	simm.s32 @!p0 $0x0  }
0x14: {  	s10 =	simm.s32 $0x1;
	s15 =	sadd.s32 $0x29600, s3;
	s7 =	ssub.s32 s7, s9  }
0x15: {  	s16 =	smax.u32 s0, $0x1;
	s9 =	sadd.s32 $0x10, s20;
	s19 =	smul.u32 $0xA00, s7  }
0x16: {  	s22 =	smul.u32 $0x5, s7;
	[dreg:$0x6] =	wrdreg s9;
	s9 =	sadd.s32 s21, s2  }
0x17: {  	s21 =	simm.s32 $0x80;
	[dreg:$0x4] =	wrdreg s7;
	p4 =	slt.s32 s7, $0x1  }
0x18: {  	s17 =	sadd.s32 $0x2000, s9;
	s18 =	sadd.s32 $0x4000, s9;
	s20 =	sadd.s32 $0x8000, s9  }
0x19: {  	s11 =	sshra.s32 s19, $0x2;
	s12 =	sadd.s32 $0x1, s22;
	s24 =	sadd.s32 $0x2, s22  }
0x1a: {  	s25 =	sadd.s32 $0x3, s22;
	s19 =	sadd.s32 $0x6000, s9;
	p0 =	sge.s32 s22, s5  }
0x1b: {  	s22 =	simm.s32 $0x100;
	s1 =	sadd.s32 $0x2780, s11;
	s23 =	sshll.u32 s12, $0x9  }
0x1c: {  	s13 =	sshll.u32 s24, $0x9;
	s14 =	sshll.u32 s25, $0x9;
	p1 =	sge.s32 s12, s5  }
.Ltmp0:
0x1d: {  	p2 =	sge.s32 s24, s5;
	p3 =	sge.s32 s25, s5;
	(pc) =	sbr.rel .LBB2_1-.Ltmp0, $4  }
0x1e: {  	s25 =	simm.s32 $0x4F00;
	[dreg:$0x7] =	wrdreg s1;
	s8 =	sshra.s32 s23, $0x2  }
0x1f: {  	s26 =	sshra.s32 s13, $0x2;
	s14 =	sshra.s32 s14, $0x2;
	s23 =	simm.s32 $0x2  }
0x20: {  	s1 =	simm.s32 $0xCF00;
	s8 =	sadd.s32 $0x2780, s8;
	s13 =	sadd.s32 $0x2780, s26  }
0x21: {  	v0 =	vimm.f32 $0.0e+00;
	s14 =	sadd.s32 $0x2780, s14;
	s26 =	simm.s32 $0x6F00;
	[dreg:$0x8] =	wrdreg s8  }
.LBB2_8:
0x22: {  	[tilespmem:s3], [sflag:$0x1] =	stream.indirect.gather @!p6 [hbm4b:s4+s8], $0x40, s6, s8, $0xb8;
	[tilespmem:$0x18F00] =	vst v63  }
0x23: {  	s31 =	simm.s32 $0x0  }
.LBB2_9:
0x24: {  	s0 =	simm.s32 @!p0 $0x1  }
0x25: {  	_ =	swait.ge @!p0 [sflag:s0], $0x2000  }
0x26: {  	s3 =	simm.s32 @!p0 $0x4F00;
	[sflag:s0] =	ssyncset.done @!p0 $0x0  }
0x27: {  	s6 =	rddreg [dreg:$0x7];
	[sflag:s0] =	ssyncadd.s32 @!p0 $0xFFFFE000;
	s0 =	simm.s32 @!p0 $0x80  }
0x28: {  	[spmem:s2] =	stream.indirect.scatter.add.f32 @!p0 [tilespmem:s3], [sflag:$0x2], $0x40, s6, s0, $0xb8;
	[tilespmem:$0x18F00] =	vst v63  }
0x29: {  	s0 =	simm.s32 @!p0 $0x2  }
0x2a: {  	_ =	swait.ge @!p0 [sflag:s0], $0x2000  }
0x2b: {  	[sflag:s0] =	ssyncset.done @!p0 $0x0  }
0x2c: {  	[sflag:s0] =	ssyncadd.s32 @!p0 $0xFFFFE000;
	s0 =	simm.s32 @!p1 $0x1  }
0x2d: {  	_ =	swait.ge @!p1 [sflag:s0], $0x2000  }
0x2e: {  	s3 =	simm.s32 @!p1 $0x6F00;
	[sflag:s0] =	ssyncset.done @!p1 $0x0  }
0x2f: {  	s6 =	rddreg [dreg:$0x8];
	[sflag:s0] =	ssyncadd.s32 @!p1 $0xFFFFE000;
	s0 =	simm.s32 @!p1 $0x80  }
0x30: {  	[spmem:s2] =	stream.indirect.scatter.add.f32 @!p1 [tilespmem:s3], [sflag:$0x2], $0x40, s6, s0, $0xb8;
	[tilespmem:$0x18F00] =	vst v63  }
0x31: {  	s0 =	simm.s32 @!p1 $0x2  }
0x32: {  	_ =	swait.ge @!p1 [sflag:s0], $0x2000  }
0x33: {  	[sflag:s0] =	ssyncset.done @!p1 $0x0  }
0x34: {  	[sflag:s0] =	ssyncadd.s32 @!p1 $0xFFFFE000;
	s0 =	simm.s32 @!p2 $0x1  }
0x35: {  	_ =	swait.ge @!p2 [sflag:s0], $0x2000  }
0x36: {  	[sflag:s0] =	ssyncset.done @!p2 $0x0  }
0x37: {  	s3 =	simm.s32 @!p2 $0x8F00;
	[sflag:s0] =	ssyncadd.s32 @!p2 $0xFFFFE000;
	s0 =	simm.s32 @!p2 $0x80  }
0x38: {  	[spmem:s2] =	stream.indirect.scatter.add.f32 @!p2 [tilespmem:s3], [sflag:$0x2], $0x40, s13, s0, $0xb8;
	[tilespmem:$0x18F00] =	vst v63  }
0x39: {  	s0 =	simm.s32 @!p2 $0x2  }
0x3a: {  	_ =	swait.ge @!p2 [sflag:s0], $0x2000  }
0x3b: {  	[sflag:s0] =	ssyncset.done @!p2 $0x0  }
0x3c: {  	[sflag:s0] =	ssyncadd.s32 @!p2 $0xFFFFE000;
	s0 =	simm.s32 @!p3 $0x1  }
0x3d: {  	_ =	swait.ge @!p3 [sflag:s0], $0x2000  }
0x3e: {  	[sflag:s0] =	ssyncset.done @!p3 $0x0  }
0x3f: {  	s3 =	simm.s32 @!p3 $0xAF00;
	[sflag:s0] =	ssyncadd.s32 @!p3 $0xFFFFE000;
	s0 =	simm.s32 @!p3 $0x80  }
0x40: {  	[spmem:s2] =	stream.indirect.scatter.add.f32 @!p3 [tilespmem:s3], [sflag:$0x2], $0x40, s14, s0, $0xb8;
	[tilespmem:$0x18F00] =	vst v63  }
0x41: {  	s11 =	stileid.u32;
	s0 =	simm.s32 @!p3 $0x2  }
0x42: {  	s12 =	sshrl.u32 s9, $0x3;
	s24 =	simm.s32 $0x10;
	_ =	swait.ge @!p3 [sflag:s0], $0x2000  }
0x43: {  	s7 =	simm.s32 $0x8;
	s29 =	sadd.s32 $0x1, s29;
	[sflag:s0] =	ssyncset.done @!p3 $0x0  }
0x44: {  	p5 =	sne.s32 s29, s16;
	[sflag:s0] =	ssyncadd.s32 @!p3 $0xFFFFE000;
	s0 =	sshll.u32 s11, $0x6  }
.Ltmp1:
0x45: {  	[bflag:$0x0] =	sbarrier.arrive $0xFFFF;
	s0 =	sor.u32 $0x1C02, s0;
	(pc) =	sbr.rel @!p5 .LBB2_10-.Ltmp1, $4  }
0x46: {  	[hbm:s15@s24], [sflag:s0] =	dma.strided [spmem:s12@s7], $0x1400, s10, $0x8   }
0x47: {  	_ =	swait.ge [sflag:s23], $0x1400  }
0x48: {  	[sflag:s23] =	ssyncset.done $0x0  }
0x49: {  	[sflag:s23] =	ssyncadd.s32 $0xFFFFEC00  }
.LBB2_1:
0x4a: {  	s0 =	rddreg [dreg:$0x5]  }
0x4b: {  	[tilespmem:s31], [sflag:$0x2] =	stream.strided.gather [hbm4b:s0+s21], $0x2780, s22, s21, $0x38;
	[tilespmem:$0x18F00] =	vst v63  }
0x4c: {  	_ =	swait.ge [sflag:s23], $0x2780  }
0x4d: {  	[sflag:s23] =	ssyncset.done $0x0  }
0x4e: {  	s3 =	simm.s32 $0x2780;
	s24 =	rddreg [dreg:$0x6];
	[sflag:s23] =	ssyncadd.s32 $0xFFFFD880  }
0x4f: {  	[tilespmem:s3], [sflag:$0x2] =	stream.strided.gather [hbm4b:s24+s21], $0x2780, s22, s21, $0x38;
	[tilespmem:$0x18F00] =	vst v63  }
0x50: {  	_ =	swait.ge [sflag:s23], $0x2780  }
0x51: {  	[sflag:s23] =	ssyncset.done $0x0  }
0x52: {  	[sflag:s23] =	ssyncadd.s32 $0xFFFFD880  }
0x53: {  	v1 =	vld [tilespmem:$0x0]  }
0x54: {  	v2 =	vld [tilespmem:$0x10]  }
0x55: {  	v3 =	vld [tilespmem:$0x20]  }
0x56: {  	v4 =	vld [tilespmem:$0x30]  }
0x57: {  	v5 =	vld [tilespmem:$0x40]  }
0x58: {  	v6 =	vld [tilespmem:$0x50];
	v1 =	vshll.u32 v1, $0x1  }
0x59: {  	[tilespmem:$0x0] =	vst v1;
	v1 =	vshll.u32 v2, $0x1;
	v2 =	vld [tilespmem:$0x60]  }
0x5a: {  	[tilespmem:$0x10] =	vst v1;
	v1 =	vshll.u32 v3, $0x1;
	v3 =	vld [tilespmem:$0x70]  }
0x5b: {  	v44 =	vld [tilespmem:$0x80];
	[tilespmem:$0x20] =	vst v1;
	v1 =	vshll.u32 v4, $0x1  }
0x5c: {  	v45 =	vld [tilespmem:$0x90];
	[tilespmem:$0x30] =	vst v1;
	v1 =	vshll.u32 v5, $0x1  }
0x5d: {  	v46 =	vld [tilespmem:$0xA0];
	[tilespmem:$0x40] =	vst v1;
	v1 =	vshll.u32 v6, $0x1  }
0x5e: {  	[tilespmem:$0x50] =	vst v1;
	v1 =	vshll.u32 v2, $0x1;
	v2 =	vld [tilespmem:$0xB0]  }
0x5f: {  	[tilespmem:$0x60] =	vst v1;
	v1 =	vshll.u32 v3, $0x1;
	v3 =	vld [tilespmem:$0xC0]  }
0x60: {  	v47 =	vld [tilespmem:$0xD0];
	[tilespmem:$0x70] =	vst v1;
	v1 =	vshll.u32 v44, $0x1  }
0x61: {  	v48 =	vld [tilespmem:$0xE0];
	[tilespmem:$0x80] =	vst v1;
	v1 =	vshll.u32 v45, $0x1  }
0x62: {  	v49 =	vld [tilespmem:$0xF0];
	[tilespmem:$0x90] =	vst v1;
	v1 =	vshll.u32 v46, $0x1  }
0x63: {  	[tilespmem:$0xA0] =	vst v1;
	v1 =	vshll.u32 v2, $0x1;
	v2 =	vld [tilespmem:$0x100]  }
0x64: {  	[tilespmem:$0xB0] =	vst v1;
	v1 =	vshll.u32 v3, $0x1;
	v3 =	vld [tilespmem:$0x110]  }
0x65: {  	v50 =	vld [tilespmem:$0x120];
	[tilespmem:$0xC0] =	vst v1;
	v1 =	vshll.u32 v47, $0x1  }
0x66: {  	v51 =	vld [tilespmem:$0x130];
	[tilespmem:$0xD0] =	vst v1;
	v1 =	vshll.u32 v48, $0x1  }
0x67: {  	v52 =	vld [tilespmem:$0x140];
	[tilespmem:$0xE0] =	vst v1;
	v1 =	vshll.u32 v49, $0x1  }
0x68: {  	[tilespmem:$0xF0] =	vst v1;
	v1 =	vshll.u32 v2, $0x1;
	v2 =	vld [tilespmem:$0x150]  }
0x69: {  	[tilespmem:$0x100] =	vst v1;
	v1 =	vshll.u32 v3, $0x1;
	v3 =	vld [tilespmem:$0x160]  }
0x6a: {  	v53 =	vld [tilespmem:$0x170];
	[tilespmem:$0x110] =	vst v1;
	v1 =	vshll.u32 v50, $0x1  }
0x6b: {  	v54 =	vld [tilespmem:$0x180];
	[tilespmem:$0x120] =	vst v1;
	v1 =	vshll.u32 v51, $0x1  }
0x6c: {  	v55 =	vld [tilespmem:$0x190];
	[tilespmem:$0x130] =	vst v1;
	v1 =	vshll.u32 v52, $0x1  }
0x6d: {  	[tilespmem:$0x140] =	vst v1;
	v1 =	vshll.u32 v2, $0x1;
	v2 =	vld [tilespmem:$0x1A0]  }
0x6e: {  	[tilespmem:$0x150] =	vst v1;
	v1 =	vshll.u32 v3, $0x1;
	v3 =	vld [tilespmem:$0x1B0]  }
0x6f: {  	v56 =	vld [tilespmem:$0x1C0];
	[tilespmem:$0x160] =	vst v1;
	v1 =	vshll.u32 v53, $0x1  }
0x70: {  	v57 =	vld [tilespmem:$0x1D0];
	[tilespmem:$0x170] =	vst v1;
	v1 =	vshll.u32 v54, $0x1  }
0x71: {  	v58 =	vld [tilespmem:$0x1E0];
	[tilespmem:$0x180] =	vst v1;
	v1 =	vshll.u32 v55, $0x1  }
0x72: {  	[tilespmem:$0x190] =	vst v1;
	v1 =	vshll.u32 v2, $0x1;
	v2 =	vld [tilespmem:$0x1F0]  }
0x73: {  	[tilespmem:$0x1A0] =	vst v1;
	v1 =	vshll.u32 v3, $0x1;
	v3 =	vld [tilespmem:$0x200]  }
0x74: {  	v59 =	vld [tilespmem:$0x210];
	[tilespmem:$0x1B0] =	vst v1;
	v1 =	vshll.u32 v56, $0x1  }
0x75: {  	v60 =	vld [tilespmem:$0x220];
	[tilespmem:$0x1C0] =	vst v1;
	v1 =	vshll.u32 v57, $0x1  }
0x76: {  	v61 =	vld [tilespmem:$0x230];
	[tilespmem:$0x1D0] =	vst v1;
	v1 =	vshll.u32 v58, $0x1  }
0x77: {  	[tilespmem:$0x1E0] =	vst v1;
	v1 =	vshll.u32 v2, $0x1;
	v2 =	vld [tilespmem:$0x240]  }
0x78: {  	[tilespmem:$0x1F0] =	vst v1;
	v1 =	vshll.u32 v3, $0x1;
	v3 =	vld [tilespmem:$0x250]  }
0x79: {  	v62 =	vld [tilespmem:$0x260];
	[tilespmem:$0x200] =	vst v1;
	v1 =	vshll.u32 v59, $0x1  }
0x7a: {  	v63 =	vld [tilespmem:$0x270];
	[tilespmem:$0x210] =	vst v1;
	v1 =	vshll.u32 v60, $0x1  }
0x7b: {  	[tilespmem:$0x220] =	vst v1;
	v1 =	vshll.u32 v61, $0x1  }
0x7c: {  	[tilespmem:$0x230] =	vst v1;
	v1 =	vshll.u32 v2, $0x1  }
0x7d: {  	[tilespmem:$0x240] =	vst v1;
	v1 =	vshll.u32 v3, $0x1  }
0x7e: {  	[tilespmem:$0x250] =	vst v1;
	v1 =	vshll.u32 v62, $0x1  }
0x7f: {  	[tilespmem:$0x260] =	vst v1;
	v1 =	vshll.u32 v63, $0x1  }
0x80: {  	s0 =	simm.s32 $0x0;
	s3 =	simm.s32 $0x100;
	[tilespmem:$0x270] =	vst v1  }
.LBB2_2:
0x81: {  	p5 =	sne.s32 s3, $0x7F00;
	[tilespmem:s0+$0x4F30] =	vst v0;
	s6 =	smov.u32 s3;
	s3 =	sadd.s32 $0x100, s3  }
.Ltmp2:
0x82: {  	[tilespmem:s0+$0x4F20] =	vst v0;
	(pc) =	sbr.rel @p5 .LBB2_2-.Ltmp2, $3  }
0x83: {  	[tilespmem:s0+$0x4F00] =	vst v0  }
0x84: {  	[tilespmem:s0+$0x4F10] =	vst v0;
	_ =	sdelay $0x1  }
0x85: {  	s0 =	sshra.s32 s6, $0x2  }
0x86: {  	[tilespmem:s0+$0x4F30] =	vst v0  }
0x87: {  	[tilespmem:s0+$0x4F20] =	vst v0  }
0x88: {  	[tilespmem:s0+$0x4F00] =	vst v0  }
0x89: {  	[tilespmem:s0+$0x4F10] =	vst v0  }
0x8a: {  	[spmem:s9] =	stream.linear.scatter [tilespmem:s25], [sflag:$0x2], $0x2000, $0x38;
	[tilespmem:$0x18F00] =	vst v63  }
0x8b: {  	_ =	swait.ge [sflag:s23], $0x2000  }
0x8c: {  	[sflag:s23] =	ssyncset.done $0x0  }
0x8d: {  	[sflag:s23] =	ssyncadd.s32 $0xFFFFE000  }
0x8e: {  	[spmem:s17] =	stream.linear.scatter [tilespmem:s25], [sflag:$0x2], $0x2000, $0x38;
	[tilespmem:$0x18F00] =	vst v63  }
0x8f: {  	_ =	swait.ge [sflag:s23], $0x2000  }
0x90: {  	[sflag:s23] =	ssyncset.done $0x0  }
0x91: {  	[sflag:s23] =	ssyncadd.s32 $0xFFFFE000  }
0x92: {  	[spmem:s18] =	stream.linear.scatter [tilespmem:s25], [sflag:$0x2], $0x2000, $0x38;
	[tilespmem:$0x18F00] =	vst v63  }
0x93: {  	_ =	swait.ge [sflag:s23], $0x2000  }
0x94: {  	[sflag:s23] =	ssyncset.done $0x0  }
0x95: {  	[sflag:s23] =	ssyncadd.s32 $0xFFFFE000  }
0x96: {  	[spmem:s19] =	stream.linear.scatter [tilespmem:s25], [sflag:$0x2], $0x2000, $0x38;
	[tilespmem:$0x18F00] =	vst v63  }
0x97: {  	_ =	swait.ge [sflag:s23], $0x2000  }
0x98: {  	[sflag:s23] =	ssyncset.done $0x0  }
0x99: {  	[sflag:s23] =	ssyncadd.s32 $0xFFFFE000  }
0x9a: {  	[spmem:s20] =	stream.linear.scatter [tilespmem:s25], [sflag:$0x2], $0x2000, $0x38;
	[tilespmem:$0x18F00] =	vst v63  }
0x9b: {  	_ =	swait.ge [sflag:s23], $0x2000  }
0x9c: {  	[sflag:s23] =	ssyncset.done $0x0  }
0x9d: {  	[sflag:s23] =	ssyncadd.s32 $0xFFFFE000  }
0x9e: {  	[bflag:$0x0] =	sbarrier.arrive $0xFFFF  }
0x9f: {  	[tilespmem:s25], [sflag:$0x1] =	stream.indirect.gather [hbm4b:s4+s21], $0x40, s31, s21, $0xb8;
	[tilespmem:$0x18F00] =	vst v63  }
0xa0: {  	_ = 	snop  }
0xa1: {  	[tilespmem:s26], [sflag:$0x1] =	stream.indirect.gather [hbm4b:s4+s21], $0x40, s21, s21, $0xb8;
	[tilespmem:$0x18F00] =	vst v63  }
0xa2: {  	_ = 	snop  }
0xa3: {  	[tilespmem:s28], [sflag:$0x1] =	stream.indirect.gather [hbm4b:s4+s21], $0x40, s22, s21, $0xb8;
	[tilespmem:$0x18F00] =	vst v63  }
0xa4: {  	s12 =	simm.s32 $0x180  }
0xa5: {  	[tilespmem:s30], [sflag:$0x1] =	stream.indirect.gather [hbm4b:s4+s21], $0x40, s12, s21, $0xb8;
	[tilespmem:$0x18F00] =	vst v63  }
0xa6: {  	s24 =	simm.s32 $0x200;
	s0 =	simm.s32 $0x2F0  }
0xa7: {  	[tilespmem:s1], [sflag:$0x1] =	stream.indirect.gather [hbm4b:s4+s21], $0x40, s24, s21, $0xb8;
	[tilespmem:$0x18F00] =	vst v63  }
0xa8: {  	v3 =	vld [tilespmem:s0+$0xFFFFFF90]  }
0xa9: {  	v5 =	vld [tilespmem:s0+$0xFFFFFFA0]  }
0xaa: {  	v4 =	vld [tilespmem:s0+$0xFFFFFFB0]  }
0xab: {  	v2 =	vld [tilespmem:s0+$0xFFFFFFC0]  }
0xac: {  	v1 =	vld [tilespmem:s0+$0xFFFFFFD0]  }
0xad: {  	s3 =	simm.s32 $0xDC0;
	v6 =	vshll.u32 v3, $0x1;
	v3 =	vld [tilespmem:s0+$0xFFFFFFE0]  }
.LBB2_4:
0xae: {  	p5 =	sne.s32 s3, $0x9DC0;
	[tilespmem:s0+$0xFFFFFF90] =	vst v6;
	v5 =	vshll.u32 v5, $0x1;
	v6 =	vld [tilespmem:s0+$0x0]  }
0xaf: {  	s6 =	sshra.s32 s3, $0x2;
	[tilespmem:s0+$0xFFFFFFA0] =	vst v5;
	v4 =	vshll.u32 v4, $0x1;
	v7 =	vld [tilespmem:s0+$0xFFFFFFF0]  }
0xb0: {  	v8 =	vld [tilespmem:s6+$0xFFFFFF90];
	[tilespmem:s0+$0xFFFFFFB0] =	vst v4;
	v2 =	vshll.u32 v2, $0x1  }
.Ltmp3:
0xb1: {  	v5 =	vld [tilespmem:s6+$0xFFFFFFA0];
	[tilespmem:s0+$0xFFFFFFC0] =	vst v2;
	v1 =	vshll.u32 v1, $0x1;
	(pc) =	sbr.rel @p5 .LBB2_4-.Ltmp3, $4  }
0xb2: {  	v4 =	vld [tilespmem:s6+$0xFFFFFFB0];
	[tilespmem:s0+$0xFFFFFFD0] =	vst v1;
	v1 =	vshll.u32 v3, $0x1  }
0xb3: {  	v2 =	vld [tilespmem:s6+$0xFFFFFFC0];
	[tilespmem:s0+$0xFFFFFFE0] =	vst v1;
	v3 =	vshll.u32 v6, $0x1  }
0xb4: {  	v1 =	vld [tilespmem:s6+$0xFFFFFFD0];
	v7 =	vshll.u32 v7, $0x1;
	[tilespmem:s0+$0x0] =	vst v3  }
0xb5: {  	s3 =	sadd.s32 $0x200, s3;
	v6 =	vshll.u32 v8, $0x1;
	v3 =	vld [tilespmem:s6+$0xFFFFFFE0];
	[tilespmem:s0+$0xFFFFFFF0] =	vst v7;
	s0 =	smov.u32 s6  }
0xb6: {  	[tilespmem:s0+$0xFFFFFF90] =	vst v6;
	v5 =	vshll.u32 v5, $0x1;
	v62 =	vld [tilespmem:s0+$0x0]  }
0xb7: {  	v63 =	vld [tilespmem:s0+$0xFFFFFFF0];
	[tilespmem:s0+$0xFFFFFFA0] =	vst v5;
	v4 =	vshll.u32 v4, $0x1  }
0xb8: {  	[tilespmem:s0+$0xFFFFFFB0] =	vst v4;
	v2 =	vshll.u32 v2, $0x1  }
.Ltmp4:
0xb9: {  	[tilespmem:s0+$0xFFFFFFC0] =	vst v2;
	v1 =	vshll.u32 v1, $0x1;
	(pc) =	sbr.rel @p4 .LBB2_9-.Ltmp4, $4  }
0xba: {  	[tilespmem:s0+$0xFFFFFFD0] =	vst v1;
	v1 =	vshll.u32 v3, $0x1  }
0xbb: {  	[tilespmem:s0+$0xFFFFFFE0] =	vst v1;
	v1 =	vshll.u32 v62, $0x1  }
0xbc: {  	v2 =	vshll.u32 v63, $0x1;
	[tilespmem:s0+$0x0] =	vst v1  }
0xbd: {  	[tilespmem:s0+$0xFFFFFFF0] =	vst v2  }
0xbe: {  	_ =	swait.ge [sflag:s10], $0x2000  }
0xbf: {  	[sflag:s10] =	ssyncset.done $0x0  }
0xc0: {  	s0 =	simm.s32 $0x2780;
	[sflag:s10] =	ssyncadd.s32 $0xFFFFE000  }
0xc1: {  	[spmem:s2] =	stream.indirect.scatter.add.f32 [tilespmem:s25], [sflag:$0x2], $0x40, s0, s21, $0xb8;
	[tilespmem:$0x18F00] =	vst v63  }
0xc2: {  	p5 =	sle.s32 s5, $0x5;
	_ =	swait.ge [sflag:s23], $0x2000  }
0xc3: {  	s3 =	simm.s32 @!p5 $0x280;
	[sflag:s23] =	ssyncset.done $0x0  }
0xc4: {  	s6 =	simm.s32 @!p5 $0x80;
	s0 =	simm.s32 @!p5 $0x4F00;
	[sflag:s23] =	ssyncadd.s32 $0xFFFFE000  }
0xc5: {  	[tilespmem:s0], [sflag:$0x1] =	stream.indirect.gather @!p5 [hbm4b:s4+s6], $0x40, s3, s6, $0xb8;
	[tilespmem:$0x18F00] =	vst v63  }
0xc6: {  	_ =	swait.ge [sflag:s10], $0x2000  }
0xc7: {  	[sflag:s10] =	ssyncset.done $0x0  }
0xc8: {  	s7 =	simm.s32 $0x2800;
	[sflag:s10] =	ssyncadd.s32 $0xFFFFE000  }
0xc9: {  	[spmem:s2] =	stream.indirect.scatter.add.f32 [tilespmem:s26], [sflag:$0x2], $0x40, s7, s21, $0xb8;
	[tilespmem:$0x18F00] =	vst v63  }
0xca: {  	p5 =	sle.s32 s5, $0x6;
	_ =	swait.ge [sflag:s23], $0x2000  }
0xcb: {  	s0 =	simm.s32 @!p5 $0x6F00;
	[sflag:s23] =	ssyncset.done $0x0  }
0xcc: {  	s3 =	simm.s32 @!p5 $0x300;
	s6 =	simm.s32 @!p5 $0x80;
	[sflag:s23] =	ssyncadd.s32 $0xFFFFE000  }
0xcd: {  	[tilespmem:s0], [sflag:$0x1] =	stream.indirect.gather @!p5 [hbm4b:s4+s6], $0x40, s3, s6, $0xb8;
	[tilespmem:$0x18F00] =	vst v63  }
0xce: {  	_ =	swait.ge [sflag:s10], $0x2000  }
0xcf: {  	[sflag:s10] =	ssyncset.done $0x0  }
0xd0: {  	s8 =	simm.s32 $0x2880;
	[sflag:s10] =	ssyncadd.s32 $0xFFFFE000  }
0xd1: {  	[spmem:s2] =	stream.indirect.scatter.add.f32 [tilespmem:s28], [sflag:$0x2], $0x40, s8, s21, $0xb8;
	[tilespmem:$0x18F00] =	vst v63  }
0xd2: {  	p5 =	sle.s32 s5, $0x7;
	_ =	swait.ge [sflag:s23], $0x2000  }
0xd3: {  	s0 =	simm.s32 @!p5 $0x8F00;
	[sflag:s23] =	ssyncset.done $0x0  }
0xd4: {  	s3 =	simm.s32 @!p5 $0x380;
	s6 =	simm.s32 @!p5 $0x80;
	[sflag:s23] =	ssyncadd.s32 $0xFFFFE000  }
0xd5: {  	[tilespmem:s0], [sflag:$0x1] =	stream.indirect.gather @!p5 [hbm4b:s4+s6], $0x40, s3, s6, $0xb8;
	[tilespmem:$0x18F00] =	vst v63  }
0xd6: {  	_ =	swait.ge [sflag:s10], $0x2000  }
0xd7: {  	[sflag:s10] =	ssyncset.done $0x0  }
0xd8: {  	s11 =	simm.s32 $0x2900;
	[sflag:s10] =	ssyncadd.s32 $0xFFFFE000  }
0xd9: {  	[spmem:s2] =	stream.indirect.scatter.add.f32 [tilespmem:s30], [sflag:$0x2], $0x40, s11, s21, $0xb8;
	[tilespmem:$0x18F00] =	vst v63  }
0xda: {  	p5 =	sle.s32 s5, $0x8;
	_ =	swait.ge [sflag:s23], $0x2000  }
0xdb: {  	s0 =	simm.s32 @!p5 $0xAF00;
	[sflag:s23] =	ssyncset.done $0x0  }
0xdc: {  	s3 =	simm.s32 @!p5 $0x400;
	s6 =	simm.s32 @!p5 $0x80;
	[sflag:s23] =	ssyncadd.s32 $0xFFFFE000  }
0xdd: {  	[tilespmem:s0], [sflag:$0x1] =	stream.indirect.gather @!p5 [hbm4b:s4+s6], $0x40, s3, s6, $0xb8;
	[tilespmem:$0x18F00] =	vst v63  }
0xde: {  	_ =	swait.ge [sflag:s10], $0x2000  }
0xdf: {  	s12 =	rddreg [dreg:$0x4]  }
0xe0: {  	s31 =	sadd.s32 $0xFFFFFFFF, s12  }
0xe1: {  	s24 =	simm.s32 $0x2980;
	[sflag:s10] =	ssyncset.done $0x0;
	p5 =	sne.s32 s31, $0x0  }
.Ltmp5:
0xe2: {  	p6 =	sle.s32 s5, $0x9;
	[sflag:s10] =	ssyncadd.s32 $0xFFFFE000;
	(pc) =	sbr.rel @!p5 .LBB2_8-.Ltmp5, $4  }
0xe3: {  	[spmem:s2] =	stream.indirect.scatter.add.f32 [tilespmem:s1], [sflag:$0x2], $0x40, s24, s21, $0xb8;
	[tilespmem:$0x18F00] =	vst v63  }
0xe4: {  	s8 =	simm.s32 @!p6 $0x80;
	_ =	swait.ge [sflag:s23], $0x2000  }
0xe5: {  	s0 =	simm.s32 $0xE;
	s3 =	simm.s32 @!p6 $0xCF00;
	[sflag:s23] =	ssyncset.done $0x0  }
0xe6: {  	s6 =	simm.s32 @!p6 $0x480;
	s24 =	simm.s32 $0xA00;
	[sflag:s23] =	ssyncadd.s32 $0xFFFFE000  }
.LBB2_7:
0xe7: {  	[tilespmem:s3], [sflag:$0x1] =	stream.indirect.gather @!p6 [hbm4b:s4+s8], $0x40, s6, s8, $0xb8;
	[tilespmem:$0x18F00] =	vst v63  }
0xe8: {  	s31 =	sadd.s32 $0xFFFFFFFF, s31;
	s6 =	smov.u32 s0;
	_ =	swait.ge [sflag:s10], $0x2000  }
0xe9: {  	s3 =	sshra.s32 s24, $0x2;
	p5 =	sne.s32 s31, $0x0;
	[sflag:s10] =	ssyncset.done $0x0  }
0xea: {  	s11 =	sadd.s32 $0xFFFFFFFC, s0;
	s8 =	sadd.s32 $0x2780, s3;
	[sflag:s10] =	ssyncadd.s32 $0xFFFFE000  }
0xeb: {  	[spmem:s2] =	stream.indirect.scatter.add.f32 [tilespmem:s25], [sflag:$0x2], $0x40, s8, s21, $0xb8;
	[tilespmem:$0x18F00] =	vst v63  }
0xec: {  	p6 =	sge.s32 s11, s5;
	s8 =	smov.u32 s24;
	_ =	swait.ge [sflag:s23], $0x2000  }
0xed: {  	s11 =	sshra.s32 @!p6 s24, $0x2;
	s12 =	simm.s32 @!p6 $0x4F00;
	[sflag:s23] =	ssyncset.done $0x0  }
0xee: {  	s7 =	simm.s32 @!p6 $0x80;
	s11 =	sadd.s32 @!p6 $0x280, s11;
	[sflag:s23] =	ssyncadd.s32 $0xFFFFE000  }
0xef: {  	[tilespmem:s12], [sflag:$0x1] =	stream.indirect.gather @!p6 [hbm4b:s4+s7], $0x40, s11, s7, $0xb8;
	[tilespmem:$0x18F00] =	vst v63  }
0xf0: {  	_ =	swait.ge [sflag:s10], $0x2000  }
0xf1: {  	[sflag:s10] =	ssyncset.done $0x0  }
0xf2: {  	s7 =	sadd.s32 $0x2800, s3;
	s11 =	sadd.s32 $0xFFFFFFFD, s0;
	[sflag:s10] =	ssyncadd.s32 $0xFFFFE000  }
0xf3: {  	[spmem:s2] =	stream.indirect.scatter.add.f32 [tilespmem:s26], [sflag:$0x2], $0x40, s7, s21, $0xb8;
	[tilespmem:$0x18F00] =	vst v63  }
0xf4: {  	p6 =	sge.s32 s11, s5;
	_ =	swait.ge [sflag:s23], $0x2000  }
0xf5: {  	s11 =	simm.s32 @!p6 $0x6F00;
	s7 =	sshra.s32 @!p6 s24, $0x2;
	[sflag:s23] =	ssyncset.done $0x0  }
0xf6: {  	s12 =	simm.s32 @!p6 $0x80;
	s7 =	sadd.s32 @!p6 $0x300, s7;
	[sflag:s23] =	ssyncadd.s32 $0xFFFFE000  }
0xf7: {  	[tilespmem:s11], [sflag:$0x1] =	stream.indirect.gather @!p6 [hbm4b:s4+s12], $0x40, s7, s12, $0xb8;
	[tilespmem:$0x18F00] =	vst v63  }
0xf8: {  	_ =	swait.ge [sflag:s10], $0x2000  }
0xf9: {  	[sflag:s10] =	ssyncset.done $0x0  }
0xfa: {  	s7 =	sadd.s32 $0x2880, s3;
	s11 =	sadd.s32 $0xFFFFFFFE, s0;
	[sflag:s10] =	ssyncadd.s32 $0xFFFFE000  }
0xfb: {  	[spmem:s2] =	stream.indirect.scatter.add.f32 [tilespmem:s28], [sflag:$0x2], $0x40, s7, s21, $0xb8;
	[tilespmem:$0x18F00] =	vst v63  }
0xfc: {  	p6 =	sge.s32 s11, s5;
	_ =	swait.ge [sflag:s23], $0x2000  }
0xfd: {  	s11 =	simm.s32 @!p6 $0x8F00;
	s7 =	sshra.s32 @!p6 s24, $0x2;
	[sflag:s23] =	ssyncset.done $0x0  }
0xfe: {  	s12 =	simm.s32 @!p6 $0x80;
	s7 =	sadd.s32 @!p6 $0x380, s7;
	[sflag:s23] =	ssyncadd.s32 $0xFFFFE000  }
0xff: {  	[tilespmem:s11], [sflag:$0x1] =	stream.indirect.gather @!p6 [hbm4b:s4+s12], $0x40, s7, s12, $0xb8;
	[tilespmem:$0x18F00] =	vst v63  }
0x100: {  	_ =	swait.ge [sflag:s10], $0x2000  }
0x101: {  	[sflag:s10] =	ssyncset.done $0x0  }
0x102: {  	s7 =	sadd.s32 $0x2900, s3;
	s11 =	sadd.s32 $0xFFFFFFFF, s0;
	[sflag:s10] =	ssyncadd.s32 $0xFFFFE000  }
0x103: {  	[spmem:s2] =	stream.indirect.scatter.add.f32 [tilespmem:s30], [sflag:$0x2], $0x40, s7, s21, $0xb8;
	[tilespmem:$0x18F00] =	vst v63  }
0x104: {  	p6 =	sge.s32 s11, s5;
	_ =	swait.ge [sflag:s23], $0x2000  }
0x105: {  	s11 =	simm.s32 @!p6 $0xAF00;
	s7 =	sshra.s32 @!p6 s24, $0x2;
	[sflag:s23] =	ssyncset.done $0x0  }
0x106: {  	s12 =	simm.s32 @!p6 $0x80;
	s7 =	sadd.s32 @!p6 $0x400, s7;
	[sflag:s23] =	ssyncadd.s32 $0xFFFFE000  }
0x107: {  	[tilespmem:s11], [sflag:$0x1] =	stream.indirect.gather @!p6 [hbm4b:s4+s12], $0x40, s7, s12, $0xb8;
	[tilespmem:$0x18F00] =	vst v63  }
0x108: {  	_ =	swait.ge [sflag:s10], $0x2000  }
0x109: {  	s0 =	sadd.s32 $0x5, s0;
	[sflag:s10] =	ssyncset.done $0x0  }
.Ltmp6:
0x10a: {  	s3 =	sadd.s32 $0x2980, s3;
	[sflag:s10] =	ssyncadd.s32 $0xFFFFE000;
	(pc) =	sbr.rel @p5 .LBB2_7-.Ltmp6, $4  }
0x10b: {  	[spmem:s2] =	stream.indirect.scatter.add.f32 [tilespmem:s1], [sflag:$0x2], $0x40, s3, s21, $0xb8;
	[tilespmem:$0x18F00] =	vst v63  }
0x10c: {  	s24 =	sadd.s32 $0xA00, s24;
	p6 =	sge.s32 s6, s5;
	_ =	swait.ge [sflag:s23], $0x2000  }
0x10d: {  	s6 =	sshra.s32 @!p6 s8, $0x2;
	s3 =	simm.s32 @!p6 $0xCF00;
	[sflag:s23] =	ssyncset.done $0x0  }
0x10e: {  	s8 =	simm.s32 @!p6 $0x80;
	s6 =	sadd.s32 @!p6 $0x480, s6;
	[sflag:s23] =	ssyncadd.s32 $0xFFFFE000  }
.Ltmp7:
0x10f: {  	_ = 	snop;
	(pc) =	sbr.rel .LBB2_8-.Ltmp7, $1  }
0x110: {  	_ =	sdelay $0x3  }
.LBB2_10:
0x111: {  	_ =	sfence.sel $0x180000  }
0x112: {  	[bflag:$0x0] =	sbarrier.arrive $0xFFFF  }
0x113: {  	_ =	strace $0x9000004A  }
0x114: {  	s0 =	stileid.u32;
	[bflag:$0x2] =	sbarrier.arrive $0xFFFF  }
0x115: {  	p0 =	sne.s32 s0, $0x0;
	s0 =	rddreg [dreg:$0x3]  }
0x116: {  	s0 =	sadd.s32 @!p0 $0x100000, s0  }
0x117: {  	[sflag:s0] =	ssyncadd.tile.s32 @!p0 $0x1;
	_ =	shalt  }
.Lfunc_end2:
_tile_overlayer_lowered:
.L_overlay_start_2:
0x118: {  	(tag) =	ssettag $0x2  }
0x119: {  	s0 =	rddreg [dreg:$0x0];
	s2 =	stileid.u32  }
0x11a: {  	s1 =	rddreg [dreg:$0x1];
	p0 =	sne.s32 s2, $0x0  }
0x11b: {  	s3 =	rddreg [dreg:$0x2];
	[bflag:$0x3] =	sbarrier.arrive $0xFFFF;
	s2 =	simm.s32 @!p0 $0x1C02  }
0x11c: {  	[timem:s3], [sflag:s2] =	dma.local @!p0 [hbm:s0], s1  }
0x11d: {  	s0 =	simm.s32 @!p0 $0x2  }
0x11e: {  	_ =	swait.ge @!p0 [sflag:s0], s1  }
0x11f: {  	s1 =	ssub.s32 @!p0 $0x0, s1;
	[sflag:s0] =	ssyncset.done @!p0 $0x0  }
0x120: {  	[sflag:s0] =	ssyncadd.s32 @!p0 s1  }
0x121: {  	[bflag:$0x3] =	sbarrier.arrive $0xFFFF  }
0x122: {  	_ =	shalt  }

// kernel: kernel.14.cloned.1.call-start
scs
__scs_entry_jumppad:
0x0: {  	(pc) =	sbr.rel $0x88, $3  }
0x1: {  	(tag) =	ssettag $0x0;
	lr =	simm.s32 $0x1  }
0x2: {  	[smem:$0x3F9B] =	sst lr;
	_ =	strace $0xD0000000  }
0x3: {  	_ = 	snop  }
0x4: {  	_ = 	snop  }
0x5: {  	_ = 	snop  }
0x6: {  	_ = 	snop  }
0x7: {  	_ = 	snop  }
__scs_overlays_trampoline_lowered:
0x8: {  	[smem:$0x3FAA] =	sst s0  }
0x9: {  	[smem:$0x3FAB] =	sst s1  }
0xa: {  	[smem:$0x3FAC] =	sst s2  }
0xb: {  	[smem:$0x3FAD] =	sst s3  }
0xc: {  	[smem:$0x3FAE] =	sst s4  }
0xd: {  	[smem:$0x3FAF] =	sst s5  }
0xe: {  	[smem:$0x3FB0] =	sst s6  }
0xf: {  	[smem:$0x3FB1] =	sst s7  }
0x10: {  	[smem:$0x3FB2] =	sst s8  }
0x11: {  	[smem:$0x3FB3] =	sst s9;
	s0 =	simm.s32 @!p0 $0x0  }
0x12: {  	s1 =	sld [smem:$0x3F99];
	s0 =	simm.s32 @p0 $0x1  }
0x13: {  	[smem:$0x3FB4] =	sst s0;
	s0 =	simm.s32 @!p1 $0x0  }
0x14: {  	s2 =	sld [smem:$0x3F98];
	s0 =	simm.s32 @p1 $0x1  }
0x15: {  	[smem:$0x3FB5] =	sst s0;
	s0 =	simm.s32 @!p2 $0x0  }
0x16: {  	s3 =	sld [smem:$0x3FDB];
	s0 =	simm.s32 @p2 $0x1  }
0x17: {  	s4 =	simm.s32 $0x1BF5;
	[smem:$0x3FB7] =	sst s0  }
0x18: {  	s0 =	sld [smem:$0x3F9A];
	_ =	swait.ge [sflag:s4], $0x0  }
0x19: {  	s7 =	sld [smem:$0x3F9B]  }
0x1a: {  	s8 =	sadd.s32 $0xFFFFE003, lr  }
0x1b: {  	s9 =	sadd.s32 $0xFFFFFEF7, lr;
	s5 =	simm.s32 $0xFFFFFFFF;
	p2 =	slt.u32 s8, $0xFFFFF086  }
0x1c: {  	p1 =	slt.u32 s9, $0xF7A;
	s5 =	simm.s32 @!p2 $0x0  }
0x1d: {  	s5 =	simm.s32 @p1 $0x1;
	p0 =	seq.s32 s7, s2  }
0x1e: {  	s7 =	smul.u32 @!p0 $0xF7A, s2;
	p2 =	seq.s32 @!p0 s5, $0x0  }
0x1f: {  	s9 =	smul.u32 $0xF7A, s1;
	s8 =	simm.s32 @!p0 $0x1BF5;
	p2 =	por !p2, p0  }
0x20: {  	[sflag:s8] =	ssyncset.s32 @!p0 $0xFFFFF086;
	s6 =	sadd.s32 @!p0 s3, s7;
	s7 =	simm.s32 @!p0 $0x108  }
0x21: {  	s3 =	sadd.s32 s3, s9;
	s6 =	sadd.s32 @!p0 $0x88, s6;
	s7 =	simm.s32 @p2 $0x1082  }
0x22: {  	[simem:s7], [sflag:s8] =	dma.local @!p0 [hbm:s6], $0xF7A  }
0x23: {  	s9 =	sor.u32 $0xD0000000, s2;
	s6 =	simm.s32 $0x108;
	_ =	swait.ge @!p0 [sflag:s8], $0x0  }
0x24: {  	s3 =	sadd.s32 $0x88, s3;
	s6 =	simm.s32 @!p1 $0x1082;
	[sflag:s4] =	ssyncset.s32 $0xFFFFF086  }
0x25: {  	[simem:s6], [sflag:s4] =	dma.local [hbm:s3], $0xF7A  }
0x26: {  	[smem:$0x3F9B] =	sst s1;
	(tag) =	ssettag s2;
	_ =	strace s9  }
0x27: {  	s1 =	sld [smem:$0x3FAB]  }
0x28: {  	s2 =	sld [smem:$0x3FAC]  }
0x29: {  	s4 =	sld [smem:$0x3FAE]  }
0x2a: {  	p0 =	seq.s32 s5, $0x0;
	s5 =	sld [smem:$0x3FAF]  }
0x2b: {  	s6 =	sld [smem:$0x3FB0]  }
0x2c: {  	s7 =	sld [smem:$0x3FB1]  }
0x2d: {  	s3 =	simm.s32 $0x108;
	s8 =	sld [smem:$0x3FB2]  }
0x2e: {  	s3 =	simm.s32 @!p0 $0x1082;
	s9 =	sld [smem:$0x3FB3]  }
0x2f: {  	lr =	sadd.s32 s0, s3;
	s0 =	sld [smem:$0x3FAA]  }
0x30: {  	s3 =	sld [smem:$0x3FAD]  }
0x31: {  	[smem:$0x3FB6] =	sst s10  }
0x32: {  	s10 =	sld [smem:$0x3FB4];
	_ =	sdelay $0x3  }
0x33: {  	p0 =	seq.s32 s10, $0x1;
	s10 =	sld [smem:$0x3FB6];
	_ =	sdelay $0x3  }
0x34: {  	[smem:$0x3FB6] =	sst s10  }
0x35: {  	s10 =	sld [smem:$0x3FB5];
	_ =	sdelay $0x3  }
0x36: {  	p1 =	seq.s32 s10, $0x1;
	s10 =	sld [smem:$0x3FB6];
	_ =	sdelay $0x3  }
0x37: {  	[smem:$0x3FB6] =	sst s10  }
0x38: {  	s10 =	sld [smem:$0x3FB7]  }
0x39: {  	_ = 	snop;
	(pc) =	sbr.ind lr, $3  }
0x3a: {  	_ = 	snop  }
0x3b: {  	_ = 	snop  }
0x3c: {  	p2 =	seq.s32 s10, $0x1;
	s10 =	sld [smem:$0x3FB6]  }
0x3d: {  	_ =	shalt  }
0x3e: {  	_ =	shalt  }
0x3f: {  	_ =	shalt  }
0x40: {  	_ =	shalt  }
0x41: {  	_ =	shalt  }
0x42: {  	_ =	shalt  }
0x43: {  	_ =	shalt  }
0x44: {  	_ =	shalt  }
0x45: {  	_ =	shalt  }
0x46: {  	_ =	shalt  }
0x47: {  	_ =	shalt  }
0x48: {  	_ =	shalt  }
0x49: {  	_ =	shalt  }
0x4a: {  	_ =	shalt  }
0x4b: {  	_ =	shalt  }
0x4c: {  	_ =	shalt  }
0x4d: {  	_ =	shalt  }
0x4e: {  	_ =	shalt  }
0x4f: {  	_ =	shalt  }
0x50: {  	_ =	shalt  }
0x51: {  	_ =	shalt  }
0x52: {  	_ =	shalt  }
0x53: {  	_ =	shalt  }
0x54: {  	_ =	shalt  }
0x55: {  	_ =	shalt  }
0x56: {  	_ =	shalt  }
0x57: {  	_ =	shalt  }
0x58: {  	_ =	shalt  }
0x59: {  	_ =	shalt  }
0x5a: {  	_ =	shalt  }
0x5b: {  	_ =	shalt  }
0x5c: {  	_ =	shalt  }
0x5d: {  	_ =	shalt  }
0x5e: {  	_ =	shalt  }
0x5f: {  	_ =	shalt  }
0x60: {  	_ =	shalt  }
0x61: {  	_ =	shalt  }
0x62: {  	_ =	shalt  }
0x63: {  	_ =	shalt  }
0x64: {  	_ =	shalt  }
0x65: {  	_ =	shalt  }
0x66: {  	_ =	shalt  }
0x67: {  	_ =	shalt  }
0x68: {  	_ =	shalt  }
0x69: {  	_ =	shalt  }
0x6a: {  	_ =	shalt  }
0x6b: {  	_ =	shalt  }
0x6c: {  	_ =	shalt  }
0x6d: {  	_ =	shalt  }
0x6e: {  	_ =	shalt  }
0x6f: {  	_ =	shalt  }
0x70: {  	_ =	shalt  }
0x71: {  	_ =	shalt  }
0x72: {  	_ =	shalt  }
0x73: {  	_ =	shalt  }
0x74: {  	_ =	shalt  }
0x75: {  	_ =	shalt  }
0x76: {  	_ =	shalt  }
0x77: {  	_ =	shalt  }
0x78: {  	_ =	shalt  }
0x79: {  	_ =	shalt  }
0x7a: {  	_ =	shalt  }
0x7b: {  	_ =	shalt  }
0x7c: {  	_ =	shalt  }
0x7d: {  	_ =	shalt  }
0x7e: {  	_ =	shalt  }
0x7f: {  	_ =	shalt  }
0x80: {  	_ =	shalt  }
0x81: {  	_ =	shalt  }
0x82: {  	_ =	shalt  }
0x83: {  	_ =	shalt  }
0x84: {  	_ =	shalt  }
0x85: {  	_ =	shalt  }
0x86: {  	_ =	shalt  }
0x87: {  	_ =	shalt  }
.Lfunc_end0:
.L_simem_size_0:
called_computation.2_lowered:
.L_overlay_start_0:
0x88: {  	s2 =	sld [smem:$0x3FD9]  }
0x89: {  	s3 =	sld [smem:$0x3FFE];
	_ =	sdelay $0x1  }
0x8a: {  	s1 =	srdreg.scid  }
0x8b: {  	s0 =	sand.u32 $0x1, s1  }
0x8c: {  	s17 =	sshll.u32 s0, $0xA;
	s2 =	sadd.s32 s3, s2  }
0x8d: {  	s2 =	sadd.s32 s2, s17  }
0x8e: {  	[smem:$0x3FC2] =	sst s2  }
0x8f: {  	_ = 	snop  }
0x90: {  	s2 =	sld [smem:$0x3FC8]  }
0x91: {  	s18 =	sld [smem:$0x3FD0];
	(tm) =	ssettm $0x1  }
0x92: {  	s4 =	sld [smem:$0x3FFB];
	_ =	sdelay $0x3  }
0x93: {  	_ =	strace s4  }
0x94: {  	s4 =	sld [smem:$0x3FFC];
	_ =	sdelay $0x3  }
0x95: {  	_ =	strace s4  }
0x96: {  	s4 =	sld [smem:$0x3FFD];
	_ =	sdelay $0x3  }
0x97: {  	_ =	strace s4  }
0x98: {  	_ =	strace $0x8FFFFFFF  }
0x99: {  	s19 =	sld [smem:$0x3FDB];
	_ =	sdelay $0x1  }
0x9a: {  	s5 =	simm.s32 $_scs_section_size  }
0x9b: {  	s6 =	simm.s32 $_size__tile_overlayer_lowered;
	s7 =	simm.s32 $_tile_overlayer_lowered  }
0x9c: {  	s22 =	simm.s32 $0x1BFF;
	s21 =	sshll.u32 s7, $0x1;
	s4 =	sadd.s32 s5, s19  }
0x9d: {  	s8 =	simm.s32 $0x0;
	s20 =	sshll.u32 s6, $0x1;
	s6 =	sadd.s32 s21, s4  }
0x9e: {  	[timem:s8], [sflag:s22] =	dma.local [hbm:s6], s20  }
0x9f: {  	_ =	swait.ge [sflag:s22], s20  }
0xa0: {  	s5 =	ssub.s32 $0x0, s20;
	[sflag:s22] =	ssyncset.done $0x0  }
0xa1: {  	[sflag:s22] =	ssyncadd.s32 s5;
	_ =	sdelay $0x1  }
0xa2: {  	s23 =	simm.s32 $0x1B8B  }
0xa3: {  	_ =	swait.ge [sflag:s23], $0x1  }
0xa4: {  	[sflag:s23] =	ssyncset.done $0x0  }
0xa5: {  	s25 =	simm.s32 $0x1B8E;
	s24 =	sld [smem:$0x3FFE];
	[sflag:s23] =	ssyncadd.s32 $0xFFFFFFFF  }
0xa6: {  	s26 =	simm.s32 $execute0_lowered;
	[smem:$0x3FD2] =	sst s25  }
0xa7: {  	s6 =	sshll.u32 s26, $0x1;
	_ =	strace $0x8000004C;
	[dreg:$0x1] =	wrdreg $0xFFFFFFFF  }
0xa8: {  	s28 =	simm.s32 $_size_execute0_lowered;
	s4 =	sadd.s32 s4, s6;
	[dreg:$0x0] =	wrdreg $0x0  }
0xa9: {  	s6 =	sshll.u32 s28, $0x1;
	[dreg:$0x2] =	wrdreg s4  }
0xaa: {  	[dreg:$0x3] =	wrdreg s6  }
0xab: {  	[dreg:$0x4] =	wrdreg $0xC0  }
0xac: {  	_ =	task [dreg:s8], $0x5FFFF  }
0xad: {  	[dreg:$0x1] =	wrdreg $0xFFFFFFFF  }
0xae: {  	[dreg:$0x0] =	wrdreg $0x60  }
0xaf: {  	[dreg:$0x2] =	wrdreg s2  }
0xb0: {  	[dreg:$0x3] =	wrdreg s18  }
0xb1: {  	[dreg:$0x4] =	wrdreg s24  }
0xb2: {  	[dreg:$0x5] =	wrdreg $0xEF000  }
0xb3: {  	[dreg:$0x6] =	wrdreg $0x9  }
0xb4: {  	_ =	task.clear_ibuf [dreg:s8], $0x7FFFF;
	_ =	strace $0x9000004C  }
0xb5: {  	s29 =	simm.s32 $0x9;
	_ =	strace $0x8000004E  }
0xb6: {  	_ =	swait.ge [sflag:s29], $0x1  }
0xb7: {  	[sflag:s29] =	ssyncadd.s32 $0xFFFFFFFF  }
0xb8: {  	_ =	strace $0x9000004E  }
0xb9: {  	_ =	sfence  }
0xba: {  	s30 =	sld [smem:$0x0];
	_ =	sdelay $0x2  }
0xbb: {  	s31 =	sshll.u32 s1, $0xD;
	s1 =	sshrl.u32 s1, $0x2  }
0xbc: {  	s3 =	sand.u32 $0x4000, s31;
	s1 =	sadd.s32 s1, s30  }
0xbd: {  	s0 =	sor.u32 s3, s0;
	s1 =	sshll.u32 s1, $0x11  }
0xbe: {  	s0 =	sor.u32 s1, s0  }
0xbf: {  	s0 =	sadd.s32 $0x8F2B, s0  }
0xc0: {  	[sflag:s0] =	ssyncadd.remote.s32 $0x1  }
0xc1: {  	_ =	sfence.sel $0xFFFF  }
0xc2: {  	[dreg:$0x0] =	wrdreg $0xFFFFFFFF;
	(pc) =	sbr.abs _section_cstart, $3  }
0xc3: {  	[dreg:$0x1] =	wrdreg $0xFFFFFFFF  }
0xc4: {  	_ =	task.clear_ibuf [dreg:s8], $0x2FFFF;
	_ =	strace $0x9FFFFFFF  }
0xc5: {  	(tm) =	ssettm $0x7FFFFFFF  }
tec
execute0_lowered:
.L_overlay_start_1:
0x0: {  	(tag) =	ssettag $0x1  }
0x1: {  	s0 =	rddreg [dreg:$0x0]  }
0x2: {  	s1 =	rddreg [dreg:$0x1];
	s2 =	srdreg.scid  }
0x3: {  	s15 =	stileid.u32;
	s4 =	rddreg [dreg:$0x2]  }
0x4: {  	s3 =	rddreg [dreg:$0x3];
	s8 =	simm.s32 $0x0;
	s29 =	simm.s32 $0x4F00  }
0x5: {  	s30 =	simm.s32 $0x6300;
	s31 =	simm.s32 $0x7700;
	s2 =	sand.u32 $0x1, s2  }
0x6: {  	s28 =	simm.s32 $0x9F00;
	s5 =	smul.u32 $0x14000, s15;
	s7 =	sshll.u32 s2, $0x4  }
0x7: {  	[smem:$0x7FF] =	sst s8;
	s6 =	smul.u32 $0x28, s2;
	s7 =	sor.u32 s15, s7  }
0x8: {  	s8 =	simm.s32 $0x1;
	s2 =	ssub.s32 $0x2, s2;
	s24 =	smul.u32 $0x9C4, s7  }
0x9: {  	s23 =	smul.u32 $0x19000, s15;
	_ =	strace $0x8000004D;
	s26 =	sshrl.u32 s2, $0x1  }
0xa: {  	s5 =	sor.u32 s6, s5;
	s2 =	ssub.s32 s2, s26;
	s25 =	sadd.s32 $0x9C4, s24  }
0xb: {  	s5 =	sshrl.u32 s5, $0x3;
	s11 =	sshrl.u32 s24, $0x5;
	s9 =	sshrl.u32 s25, $0x5  }
0xc: {  	s4 =	sadd.s32 s5, s4;
	s5 =	ssub.s32 s9, s11;
	p0 =	sne.s32 s9, s11  }
0xd: {  	s12 =	sshll.u32 s5, $0x10;
	s10 =	sshra.s32 s5, $0x1F;
	s8 =	simm.s32 @!p0 $0x0  }
0xe: {  	s13 =	sand.u32 $0x7, s5;
	s9 =	sshra.s32 s12, $0x1F;
	s8 =	sor.u32 s8, s10  }
0xf: {  	p1 =	sne.s32 s13, $0x0;
	s9 =	sand.u32 $0x7, s9;
	p6 =	sne.s32 s8, $0x1  }
0x10: {  	s6 =	sand.u32 $0x1FFE0, s24;
	s14 =	sadd.s32 s9, s5;
	p0 =	por !p1, !p6  }
0x11: {  	s9 =	simm.s32 $0x1;
	s8 =	sshll.u32 s14, $0x10;
	p0 =	por !p0, !p0  }
0x12: {  	s6 =	sadd.s32 s0, s6;
	s16 =	sshra.s32 s8, $0x13;
	s9 =	simm.s32 @!p0 $0x0  }
0x13: {  	[dreg:$0x5] =	wrdreg s6;
	s6 =	sadd.s32 $0x10, s6;
	s26 =	ssub.s32 s16, s9  }
0x14: {  	[dreg:$0x6] =	wrdreg s6;
	s9 =	simm.s32 $0x1;
	s17 =	sshll.u32 s26, $0xC  }
0x15: {  	s0 =	sshll.u32 s26, $0x3;
	[dreg:$0x7] =	wrdreg s26;
	s6 =	sshra.s32 s17, $0x2  }
0x16: {  	s7 =	sor.u32 $0x1, s0;
	s8 =	sor.u32 $0x2, s0;
	s11 =	sor.u32 $0x3, s0  }
0x17: {  	s12 =	sor.u32 $0x5, s0;
	s14 =	sor.u32 $0x6, s0;
	p0 =	sge.s32 s0, s5  }
0x18: {  	s17 =	sadd.s32 $0x2400, s4;
	s4 =	simm.s32 $0x8B00;
	s6 =	sadd.s32 $0x2780, s6  }
0x19: {  	s18 =	sshll.u32 s7, $0x9;
	s19 =	sshll.u32 s8, $0x9;
	s21 =	sshll.u32 s11, $0x9  }
0x1a: {  	s13 =	sshll.u32 s12, $0x9;
	s16 =	sshll.u32 s14, $0x9;
	p2 =	sge.s32 s8, s5  }
0x1b: {  	p3 =	sge.s32 s11, s5;
	p5 =	sge.s32 s12, s5;
	p6 =	sge.s32 s14, s5  }
0x1c: {  	s8 =	simm.s32 $0xDB00;
	[dreg:$0x8] =	wrdreg s6;
	s6 =	sshra.s32 s18, $0x2  }
0x1d: {  	s10 =	sshra.s32 s19, $0x2;
	s13 =	sshra.s32 s13, $0x2;
	s25 =	sshra.s32 s16, $0x2  }
0x1e: {  	s19 =	smax.u32 s2, $0x1;
	s2 =	simm.s32 $0xC700;
	s6 =	sadd.s32 $0x2780, s6  }
0x1f: {  	s20 =	sadd.s32 $0x2780, s10;
	s10 =	sor.u32 $0x4, s0;
	[dreg:$0x9] =	wrdreg s6  }
0x20: {  	s0 =	simm.s32 @!p0 $0x0;
	s24 =	sadd.s32 $0x2780, s13;
	[dreg:$0xa] =	wrdreg s20  }
0x21: {  	s6 =	sshra.s32 s21, $0x2;
	s22 =	sshll.u32 s10, $0x9;
	s0 =	simm.s32 @p0 $0x1  }
0x22: {  	[dreg:$0xd] =	wrdreg s24;
	p0 =	sge.s32 s7, s5;
	p4 =	sge.s32 s10, s5  }
0x23: {  	s24 =	simm.s32 $0x80;
	s6 =	sadd.s32 $0x2780, s6;
	[smem:$0x7FB] =	sst s0  }
0x24: {  	s7 =	simm.s32 $0x0;
	s0 =	sshrl.u32 s23, $0x2;
	[dreg:$0xb] =	wrdreg s6  }
0x25: {  	s6 =	sshra.s32 s22, $0x2;
	s18 =	sadd.s32 s0, s3;
	s0 =	simm.s32 @!p0 $0x0  }
0x26: {  	s6 =	sadd.s32 $0x2780, s6;
	s0 =	simm.s32 @p0 $0x1;
	s20 =	sadd.s32 $0x1400, s18  }
.Ltmp0:
0x27: {  	s21 =	sadd.s32 $0x2800, s18;
	s22 =	sadd.s32 $0x3C00, s18;
	(pc) =	sbr.rel .LBB2_1-.Ltmp0, $4  }
0x28: {  	s23 =	sadd.s32 $0x5000, s18;
	p0 =	slt.s32 s26, $0x1;
	[dreg:$0xc] =	wrdreg s6  }
0x29: {  	s6 =	sadd.s32 $0x2780, s25;
	[smem:$0x7FC] =	sst s0;
	s0 =	simm.s32 @!p0 $0x0  }
0x2a: {  	s26 =	simm.s32 $0x2;
	[dreg:$0xe] =	wrdreg s6;
	s0 =	simm.s32 @p0 $0x1  }
0x2b: {  	v0 =	vimm.f32 $0.0e+00;
	s25 =	simm.s32 $0x100;
	[smem:$0x7FD] =	sst s0;
	s0 =	simm.s32 $0xB300  }
.LBB2_6:
0x2c: {  	[tilespmem:s12], [sflag:$0x1] =	stream.indirect.gather @!p1 [hbm4b:s1+s14], $0x28, s13, s14, $0xb8;
	[tilespmem:$0x15300] =	vst v63  }
.LBB2_7:
0x2d: {  	s6 =	sld [smem:$0x7FB];
	_ =	sdelay $0x2  }
0x2e: {  	p0 =	seq.s32 s6, $0x1  }
0x2f: {  	s6 =	simm.s32 @!p0 $0x1  }
0x30: {  	_ =	swait.ge @!p0 [sflag:s6], $0x1400  }
0x31: {  	s10 =	simm.s32 @!p0 $0x4F00;
	[sflag:s6] =	ssyncset.done @!p0 $0x0  }
0x32: {  	s11 =	rddreg [dreg:$0x8];
	[sflag:s6] =	ssyncadd.s32 @!p0 $0xFFFFEC00;
	s6 =	simm.s32 @!p0 $0x80  }
0x33: {  	[spmem:s3] =	stream.indirect.scatter.add.f32 @!p0 [tilespmem:s10], [sflag:$0x2], $0x28, s11, s6, $0xb8;
	[tilespmem:$0x15300] =	vst v63  }
0x34: {  	s6 =	simm.s32 @!p0 $0x2  }
0x35: {  	_ =	swait.ge @!p0 [sflag:s6], $0x1400  }
0x36: {  	s13 =	sld [smem:$0x7FC];
	_ =	sdelay $0x1  }
0x37: {  	[sflag:s6] =	ssyncset.done @!p0 $0x0  }
0x38: {  	[sflag:s6] =	ssyncadd.s32 @!p0 $0xFFFFEC00;
	p0 =	seq.s32 s13, $0x1  }
0x39: {  	s6 =	simm.s32 @!p0 $0x1  }
0x3a: {  	_ =	swait.ge @!p0 [sflag:s6], $0x1400  }
0x3b: {  	s10 =	simm.s32 @!p0 $0x6300;
	[sflag:s6] =	ssyncset.done @!p0 $0x0  }
0x3c: {  	s11 =	rddreg [dreg:$0x9];
	[sflag:s6] =	ssyncadd.s32 @!p0 $0xFFFFEC00;
	s6 =	simm.s32 @!p0 $0x80  }
0x3d: {  	[spmem:s3] =	stream.indirect.scatter.add.f32 @!p0 [tilespmem:s10], [sflag:$0x2], $0x28, s11, s6, $0xb8;
	[tilespmem:$0x15300] =	vst v63  }
0x3e: {  	s6 =	simm.s32 @!p0 $0x2  }
0x3f: {  	_ =	swait.ge @!p0 [sflag:s6], $0x1400  }
0x40: {  	[sflag:s6] =	ssyncset.done @!p0 $0x0  }
0x41: {  	[sflag:s6] =	ssyncadd.s32 @!p0 $0xFFFFEC00;
	s6 =	simm.s32 @!p2 $0x1  }
0x42: {  	_ =	swait.ge @!p2 [sflag:s6], $0x1400  }
0x43: {  	s10 =	simm.s32 @!p2 $0x7700;
	[sflag:s6] =	ssyncset.done @!p2 $0x0  }
0x44: {  	s11 =	rddreg [dreg:$0xa];
	[sflag:s6] =	ssyncadd.s32 @!p2 $0xFFFFEC00;
	s6 =	simm.s32 @!p2 $0x80  }
0x45: {  	[spmem:s3] =	stream.indirect.scatter.add.f32 @!p2 [tilespmem:s10], [sflag:$0x2], $0x28, s11, s6, $0xb8;
	[tilespmem:$0x15300] =	vst v63  }
0x46: {  	s6 =	simm.s32 @!p2 $0x2  }
0x47: {  	_ =	swait.ge @!p2 [sflag:s6], $0x1400  }
0x48: {  	[sflag:s6] =	ssyncset.done @!p2 $0x0  }
0x49: {  	[sflag:s6] =	ssyncadd.s32 @!p2 $0xFFFFEC00;
	s6 =	simm.s32 @!p3 $0x1  }
0x4a: {  	_ =	swait.ge @!p3 [sflag:s6], $0x1400  }
0x4b: {  	s10 =	simm.s32 @!p3 $0x8B00;
	[sflag:s6] =	ssyncset.done @!p3 $0x0  }
0x4c: {  	s11 =	rddreg [dreg:$0xb];
	[sflag:s6] =	ssyncadd.s32 @!p3 $0xFFFFEC00;
	s6 =	simm.s32 @!p3 $0x80  }
0x4d: {  	[spmem:s3] =	stream.indirect.scatter.add.f32 @!p3 [tilespmem:s10], [sflag:$0x2], $0x28, s11, s6, $0xb8;
	[tilespmem:$0x15300] =	vst v63  }
0x4e: {  	s6 =	simm.s32 @!p3 $0x2  }
0x4f: {  	_ =	swait.ge @!p3 [sflag:s6], $0x1400  }
0x50: {  	[sflag:s6] =	ssyncset.done @!p3 $0x0  }
0x51: {  	[sflag:s6] =	ssyncadd.s32 @!p3 $0xFFFFEC00;
	s6 =	simm.s32 @!p4 $0x1  }
0x52: {  	_ =	swait.ge @!p4 [sflag:s6], $0x1400  }
0x53: {  	s10 =	simm.s32 @!p4 $0x9F00;
	[sflag:s6] =	ssyncset.done @!p4 $0x0  }
0x54: {  	s11 =	rddreg [dreg:$0xc];
	[sflag:s6] =	ssyncadd.s32 @!p4 $0xFFFFEC00;
	s6 =	simm.s32 @!p4 $0x80  }
0x55: {  	[spmem:s3] =	stream.indirect.scatter.add.f32 @!p4 [tilespmem:s10], [sflag:$0x2], $0x28, s11, s6, $0xb8;
	[tilespmem:$0x15300] =	vst v63  }
0x56: {  	s6 =	simm.s32 @!p4 $0x2  }
0x57: {  	_ =	swait.ge @!p4 [sflag:s6], $0x1400  }
0x58: {  	[sflag:s6] =	ssyncset.done @!p4 $0x0  }
0x59: {  	[sflag:s6] =	ssyncadd.s32 @!p4 $0xFFFFEC00;
	s6 =	simm.s32 @!p5 $0x1  }
0x5a: {  	_ =	swait.ge @!p5 [sflag:s6], $0x1400  }
0x5b: {  	s10 =	simm.s32 @!p5 $0xB300;
	[sflag:s6] =	ssyncset.done @!p5 $0x0  }
0x5c: {  	s11 =	rddreg [dreg:$0xd];
	[sflag:s6] =	ssyncadd.s32 @!p5 $0xFFFFEC00;
	s6 =	simm.s32 @!p5 $0x80  }
0x5d: {  	[spmem:s3] =	stream.indirect.scatter.add.f32 @!p5 [tilespmem:s10], [sflag:$0x2], $0x28, s11, s6, $0xb8;
	[tilespmem:$0x15300] =	vst v63  }
0x5e: {  	s6 =	simm.s32 @!p5 $0x2  }
0x5f: {  	_ =	swait.ge @!p5 [sflag:s6], $0x1400  }
0x60: {  	[sflag:s6] =	ssyncset.done @!p5 $0x0  }
0x61: {  	[sflag:s6] =	ssyncadd.s32 @!p5 $0xFFFFEC00;
	s6 =	simm.s32 @!p6 $0x1  }
0x62: {  	_ =	swait.ge @!p6 [sflag:s6], $0x1400  }
0x63: {  	s10 =	simm.s32 @!p6 $0xC700;
	[sflag:s6] =	ssyncset.done @!p6 $0x0  }
0x64: {  	s11 =	rddreg [dreg:$0xe];
	[sflag:s6] =	ssyncadd.s32 @!p6 $0xFFFFEC00;
	s6 =	simm.s32 @!p6 $0x80  }
0x65: {  	[spmem:s3] =	stream.indirect.scatter.add.f32 @!p6 [tilespmem:s10], [sflag:$0x2], $0x28, s11, s6, $0xb8;
	[tilespmem:$0x15300] =	vst v63  }
0x66: {  	s14 =	stileid.u32;
	s6 =	simm.s32 @!p6 $0x2  }
0x67: {  	s15 =	sshrl.u32 s18, $0x3;
	s16 =	simm.s32 $0x10;
	_ =	swait.ge @!p6 [sflag:s6], $0x1400  }
0x68: {  	s12 =	simm.s32 $0x5;
	s7 =	sadd.s32 $0x1, s7;
	[sflag:s6] =	ssyncset.done @!p6 $0x0  }
0x69: {  	p0 =	sne.s32 s7, s19;
	[sflag:s6] =	ssyncadd.s32 @!p6 $0xFFFFEC00;
	s6 =	sshll.u32 s14, $0x6  }
.Ltmp1:
0x6a: {  	[bflag:$0x0] =	sbarrier.arrive $0xFFFF;
	s6 =	sor.u32 $0x1C02, s6;
	(pc) =	sbr.rel @!p0 .LBB2_8-.Ltmp1, $4  }
0x6b: {  	[hbm:s17@s16], [sflag:s6] =	dma.strided [spmem:s15@s12], $0xC80, s9, $0x5   }
0x6c: {  	_ =	swait.ge [sflag:s26], $0xC80  }
0x6d: {  	[sflag:s26] =	ssyncset.done $0x0  }
0x6e: {  	[sflag:s26] =	ssyncadd.s32 $0xFFFFF380  }
.LBB2_1:
0x6f: {  	s6 =	simm.s32 $0x0;
	s10 =	rddreg [dreg:$0x5]  }
0x70: {  	[tilespmem:s6], [sflag:$0x2] =	stream.strided.gather [hbm4b:s10+s24], $0x2780, s25, s24, $0x38;
	[tilespmem:$0x15300] =	vst v63  }
0x71: {  	_ =	swait.ge [sflag:s26], $0x2780  }
0x72: {  	[sflag:s26] =	ssyncset.done $0x0  }
0x73: {  	s16 =	simm.s32 $0x2780;
	s15 =	rddreg [dreg:$0x6];
	[sflag:s26] =	ssyncadd.s32 $0xFFFFD880  }
0x74: {  	[tilespmem:s16], [sflag:$0x2] =	stream.strided.gather [hbm4b:s15+s24], $0x2780, s25, s24, $0x38;
	[tilespmem:$0x15300] =	vst v63  }
0x75: {  	_ =	swait.ge [sflag:s26], $0x2780  }
0x76: {  	[sflag:s26] =	ssyncset.done $0x0  }
0x77: {  	s10 =	simm.s32 $0x0;
	[sflag:s26] =	ssyncadd.s32 $0xFFFFD880  }
0x78: {  	s6 =	simm.s32 $0xA0;
	[tilespmem:s10+$0x4F10] =	vst v0  }
.LBB2_2:
0x79: {  	p0 =	sne.s32 s6, $0x4F60;
	[tilespmem:s10+$0x4F18] =	vst v0;
	s11 =	smov.u32 s6;
	s6 =	sadd.s32 $0xA0, s6  }
.Ltmp2:
0x7a: {  	[tilespmem:s10+$0x4F00] =	vst v0;
	(pc) =	sbr.rel @p0 .LBB2_2-.Ltmp2, $3  }
0x7b: {  	_ =	sdelay $0x1  }
0x7c: {  	s10 =	sshra.s32 s11, $0x2  }
0x7d: {  	[tilespmem:s10+$0x4F10] =	vst v0  }
0x7e: {  	[tilespmem:s10+$0x4F18] =	vst v0  }
0x7f: {  	[tilespmem:s10+$0x4F00] =	vst v0  }
0x80: {  	[spmem:s18] =	stream.linear.scatter [tilespmem:s29], [sflag:$0x2], $0x1400, $0x38;
	[tilespmem:$0x15300] =	vst v63  }
0x81: {  	_ =	swait.ge [sflag:s26], $0x1400  }
0x82: {  	[sflag:s26] =	ssyncset.done $0x0  }
0x83: {  	[sflag:s26] =	ssyncadd.s32 $0xFFFFEC00  }
0x84: {  	[spmem:s20] =	stream.linear.scatter [tilespmem:s29], [sflag:$0x2], $0x1400, $0x38;
	[tilespmem:$0x15300] =	vst v63  }
0x85: {  	_ =	swait.ge [sflag:s26], $0x1400  }
0x86: {  	[sflag:s26] =	ssyncset.done $0x0  }
0x87: {  	[sflag:s26] =	ssyncadd.s32 $0xFFFFEC00  }
0x88: {  	[spmem:s21] =	stream.linear.scatter [tilespmem:s29], [sflag:$0x2], $0x1400, $0x38;
	[tilespmem:$0x15300] =	vst v63  }
0x89: {  	_ =	swait.ge [sflag:s26], $0x1400  }
0x8a: {  	[sflag:s26] =	ssyncset.done $0x0  }
0x8b: {  	[sflag:s26] =	ssyncadd.s32 $0xFFFFEC00  }
0x8c: {  	[spmem:s22] =	stream.linear.scatter [tilespmem:s29], [sflag:$0x2], $0x1400, $0x38;
	[tilespmem:$0x15300] =	vst v63  }
0x8d: {  	_ =	swait.ge [sflag:s26], $0x1400  }
0x8e: {  	[sflag:s26] =	ssyncset.done $0x0  }
0x8f: {  	[sflag:s26] =	ssyncadd.s32 $0xFFFFEC00  }
0x90: {  	[spmem:s23] =	stream.linear.scatter [tilespmem:s29], [sflag:$0x2], $0x1400, $0x38;
	[tilespmem:$0x15300] =	vst v63  }
0x91: {  	_ =	swait.ge [sflag:s26], $0x1400  }
0x92: {  	[sflag:s26] =	ssyncset.done $0x0  }
0x93: {  	[sflag:s26] =	ssyncadd.s32 $0xFFFFEC00  }
0x94: {  	s6 =	simm.s32 $0x0;
	[bflag:$0x0] =	sbarrier.arrive $0xFFFF  }
0x95: {  	[tilespmem:s29], [sflag:$0x1] =	stream.indirect.gather [hbm4b:s1+s24], $0x28, s6, s24, $0xb8;
	[tilespmem:$0x15300] =	vst v63  }
0x96: {  	_ = 	snop  }
0x97: {  	[tilespmem:s30], [sflag:$0x1] =	stream.indirect.gather [hbm4b:s1+s24], $0x28, s24, s24, $0xb8;
	[tilespmem:$0x15300] =	vst v63  }
0x98: {  	_ = 	snop  }
0x99: {  	[tilespmem:s31], [sflag:$0x1] =	stream.indirect.gather [hbm4b:s1+s24], $0x28, s25, s24, $0xb8;
	[tilespmem:$0x15300] =	vst v63  }
0x9a: {  	s11 =	simm.s32 $0x180;
	s16 =	sld [smem:$0x7FD]  }
0x9b: {  	[tilespmem:s4], [sflag:$0x1] =	stream.indirect.gather [hbm4b:s1+s24], $0x28, s11, s24, $0xb8;
	[tilespmem:$0x15300] =	vst v63  }
0x9c: {  	s12 =	simm.s32 $0x200  }
0x9d: {  	[tilespmem:s28], [sflag:$0x1] =	stream.indirect.gather [hbm4b:s1+s24], $0x28, s12, s24, $0xb8;
	[tilespmem:$0x15300] =	vst v63  }
0x9e: {  	s13 =	simm.s32 $0x280;
	p0 =	seq.s32 s16, $0x1  }
0x9f: {  	[tilespmem:s0], [sflag:$0x1] =	stream.indirect.gather [hbm4b:s1+s24], $0x28, s13, s24, $0xb8;
	[tilespmem:$0x15300] =	vst v63  }
.Ltmp3:
0xa0: {  	_ = 	snop;
	(pc) =	sbr.rel @p0 .LBB2_7-.Ltmp3, $4  }
0xa1: {  	s14 =	simm.s32 $0x300  }
0xa2: {  	[tilespmem:s2], [sflag:$0x1] =	stream.indirect.gather [hbm4b:s1+s24], $0x28, s14, s24, $0xb8;
	[tilespmem:$0x15300] =	vst v63  }
0xa3: {  	s15 =	simm.s32 $0x380  }
0xa4: {  	[tilespmem:s8], [sflag:$0x1] =	stream.indirect.gather [hbm4b:s1+s24], $0x28, s15, s24, $0xb8;
	[tilespmem:$0x15300] =	vst v63  }
0xa5: {  	_ =	swait.ge [sflag:s9], $0x1400  }
0xa6: {  	[sflag:s9] =	ssyncset.done $0x0  }
0xa7: {  	s6 =	simm.s32 $0x2780;
	[sflag:s9] =	ssyncadd.s32 $0xFFFFEC00  }
0xa8: {  	[spmem:s3] =	stream.indirect.scatter.add.f32 [tilespmem:s29], [sflag:$0x2], $0x28, s6, s24, $0xb8;
	[tilespmem:$0x15300] =	vst v63  }
0xa9: {  	p0 =	sle.s32 s5, $0x8;
	_ =	swait.ge [sflag:s26], $0x1400  }
0xaa: {  	s10 =	simm.s32 @!p0 $0x400;
	[sflag:s26] =	ssyncset.done $0x0  }
0xab: {  	s11 =	simm.s32 @!p0 $0x80;
	s6 =	simm.s32 @!p0 $0x4F00;
	[sflag:s26] =	ssyncadd.s32 $0xFFFFEC00  }
0xac: {  	[tilespmem:s6], [sflag:$0x1] =	stream.indirect.gather @!p0 [hbm4b:s1+s11], $0x28, s10, s11, $0xb8;
	[tilespmem:$0x15300] =	vst v63  }
0xad: {  	_ =	swait.ge [sflag:s9], $0x1400  }
0xae: {  	[sflag:s9] =	ssyncset.done $0x0  }
0xaf: {  	s16 =	simm.s32 $0x2800;
	[sflag:s9] =	ssyncadd.s32 $0xFFFFEC00  }
0xb0: {  	[spmem:s3] =	stream.indirect.scatter.add.f32 [tilespmem:s30], [sflag:$0x2], $0x28, s16, s24, $0xb8;
	[tilespmem:$0x15300] =	vst v63  }
0xb1: {  	p0 =	sle.s32 s5, $0x9;
	_ =	swait.ge [sflag:s26], $0x1400  }
0xb2: {  	s6 =	simm.s32 @!p0 $0x6300;
	[sflag:s26] =	ssyncset.done $0x0  }
0xb3: {  	s10 =	simm.s32 @!p0 $0x480;
	s11 =	simm.s32 @!p0 $0x80;
	[sflag:s26] =	ssyncadd.s32 $0xFFFFEC00  }
0xb4: {  	[tilespmem:s6], [sflag:$0x1] =	stream.indirect.gather @!p0 [hbm4b:s1+s11], $0x28, s10, s11, $0xb8;
	[tilespmem:$0x15300] =	vst v63  }
0xb5: {  	_ =	swait.ge [sflag:s9], $0x1400  }
0xb6: {  	[sflag:s9] =	ssyncset.done $0x0  }
0xb7: {  	s10 =	simm.s32 $0x2880;
	[sflag:s9] =	ssyncadd.s32 $0xFFFFEC00  }
0xb8: {  	[spmem:s3] =	stream.indirect.scatter.add.f32 [tilespmem:s31], [sflag:$0x2], $0x28, s10, s24, $0xb8;
	[tilespmem:$0x15300] =	vst v63  }
0xb9: {  	p0 =	sle.s32 s5, $0xA;
	_ =	swait.ge [sflag:s26], $0x1400  }
0xba: {  	s6 =	simm.s32 @!p0 $0x7700;
	[sflag:s26] =	ssyncset.done $0x0  }
0xbb: {  	s11 =	simm.s32 @!p0 $0x80;
	s10 =	simm.s32 @!p0 $0x500;
	[sflag:s26] =	ssyncadd.s32 $0xFFFFEC00  }
0xbc: {  	[tilespmem:s6], [sflag:$0x1] =	stream.indirect.gather @!p0 [hbm4b:s1+s11], $0x28, s10, s11, $0xb8;
	[tilespmem:$0x15300] =	vst v63  }
0xbd: {  	_ =	swait.ge [sflag:s9], $0x1400  }
0xbe: {  	[sflag:s9] =	ssyncset.done $0x0  }
0xbf: {  	s11 =	simm.s32 $0x2900;
	[sflag:s9] =	ssyncadd.s32 $0xFFFFEC00  }
0xc0: {  	[spmem:s3] =	stream.indirect.scatter.add.f32 [tilespmem:s4], [sflag:$0x2], $0x28, s11, s24, $0xb8;
	[tilespmem:$0x15300] =	vst v63  }
0xc1: {  	p0 =	sle.s32 s5, $0xB;
	_ =	swait.ge [sflag:s26], $0x1400  }
0xc2: {  	s6 =	simm.s32 @!p0 $0x8B00;
	[sflag:s26] =	ssyncset.done $0x0  }
0xc3: {  	s10 =	simm.s32 @!p0 $0x580;
	s11 =	simm.s32 @!p0 $0x80;
	[sflag:s26] =	ssyncadd.s32 $0xFFFFEC00  }
0xc4: {  	[tilespmem:s6], [sflag:$0x1] =	stream.indirect.gather @!p0 [hbm4b:s1+s11], $0x28, s10, s11, $0xb8;
	[tilespmem:$0x15300] =	vst v63  }
0xc5: {  	_ =	swait.ge [sflag:s9], $0x1400  }
0xc6: {  	[sflag:s9] =	ssyncset.done $0x0  }
0xc7: {  	s12 =	simm.s32 $0x2980;
	[sflag:s9] =	ssyncadd.s32 $0xFFFFEC00  }
0xc8: {  	[spmem:s3] =	stream.indirect.scatter.add.f32 [tilespmem:s28], [sflag:$0x2], $0x28, s12, s24, $0xb8;
	[tilespmem:$0x15300] =	vst v63  }
0xc9: {  	p0 =	sle.s32 s5, $0xC;
	_ =	swait.ge [sflag:s26], $0x1400  }
0xca: {  	s6 =	simm.s32 @!p0 $0x9F00;
	[sflag:s26] =	ssyncset.done $0x0  }
0xcb: {  	s10 =	simm.s32 @!p0 $0x600;
	s11 =	simm.s32 @!p0 $0x80;
	[sflag:s26] =	ssyncadd.s32 $0xFFFFEC00  }
0xcc: {  	[tilespmem:s6], [sflag:$0x1] =	stream.indirect.gather @!p0 [hbm4b:s1+s11], $0x28, s10, s11, $0xb8;
	[tilespmem:$0x15300] =	vst v63  }
0xcd: {  	_ =	swait.ge [sflag:s9], $0x1400  }
0xce: {  	[sflag:s9] =	ssyncset.done $0x0  }
0xcf: {  	s13 =	simm.s32 $0x2A00;
	[sflag:s9] =	ssyncadd.s32 $0xFFFFEC00  }
0xd0: {  	[spmem:s3] =	stream.indirect.scatter.add.f32 [tilespmem:s0], [sflag:$0x2], $0x28, s13, s24, $0xb8;
	[tilespmem:$0x15300] =	vst v63  }
0xd1: {  	p0 =	sle.s32 s5, $0xD;
	_ =	swait.ge [sflag:s26], $0x1400  }
0xd2: {  	s6 =	simm.s32 @!p0 $0xB300;
	[sflag:s26] =	ssyncset.done $0x0  }
0xd3: {  	s10 =	simm.s32 @!p0 $0x680;
	s11 =	simm.s32 @!p0 $0x80;
	[sflag:s26] =	ssyncadd.s32 $0xFFFFEC00  }
0xd4: {  	[tilespmem:s6], [sflag:$0x1] =	stream.indirect.gather @!p0 [hbm4b:s1+s11], $0x28, s10, s11, $0xb8;
	[tilespmem:$0x15300] =	vst v63  }
0xd5: {  	_ =	swait.ge [sflag:s9], $0x1400  }
0xd6: {  	[sflag:s9] =	ssyncset.done $0x0  }
0xd7: {  	s14 =	simm.s32 $0x2A80;
	[sflag:s9] =	ssyncadd.s32 $0xFFFFEC00  }
0xd8: {  	[spmem:s3] =	stream.indirect.scatter.add.f32 [tilespmem:s2], [sflag:$0x2], $0x28, s14, s24, $0xb8;
	[tilespmem:$0x15300] =	vst v63  }
0xd9: {  	p0 =	sle.s32 s5, $0xE;
	_ =	swait.ge [sflag:s26], $0x1400  }
0xda: {  	s6 =	simm.s32 @!p0 $0xC700;
	[sflag:s26] =	ssyncset.done $0x0  }
0xdb: {  	s10 =	simm.s32 @!p0 $0x700;
	s11 =	simm.s32 @!p0 $0x80;
	[sflag:s26] =	ssyncadd.s32 $0xFFFFEC00  }
0xdc: {  	[tilespmem:s6], [sflag:$0x1] =	stream.indirect.gather @!p0 [hbm4b:s1+s11], $0x28, s10, s11, $0xb8;
	[tilespmem:$0x15300] =	vst v63  }
0xdd: {  	_ =	swait.ge [sflag:s9], $0x1400  }
0xde: {  	s15 =	rddreg [dreg:$0x7]  }
0xdf: {  	s10 =	sadd.s32 $0xFFFFFFFF, s15  }
0xe0: {  	p1 =	sle.s32 s5, $0xF;
	[sflag:s9] =	ssyncset.done $0x0;
	p0 =	sne.s32 s10, $0x0  }
.Ltmp4:
0xe1: {  	s16 =	simm.s32 $0x2B00;
	[sflag:s9] =	ssyncadd.s32 $0xFFFFEC00;
	(pc) =	sbr.rel @!p0 .LBB2_6-.Ltmp4, $4  }
0xe2: {  	[spmem:s3] =	stream.indirect.scatter.add.f32 [tilespmem:s8], [sflag:$0x2], $0x28, s16, s24, $0xb8;
	[tilespmem:$0x15300] =	vst v63  }
0xe3: {  	s12 =	simm.s32 @!p1 $0xDB00;
	_ =	swait.ge [sflag:s26], $0x1400  }
0xe4: {  	s13 =	simm.s32 @!p1 $0x780;
	s14 =	simm.s32 @!p1 $0x80;
	[sflag:s26] =	ssyncset.done $0x0  }
0xe5: {  	s6 =	simm.s32 $0x10;
	s11 =	simm.s32 $0x1000;
	[sflag:s26] =	ssyncadd.s32 $0xFFFFEC00  }
.LBB2_5:
0xe6: {  	[tilespmem:s12], [sflag:$0x1] =	stream.indirect.gather @!p1 [hbm4b:s1+s14], $0x28, s13, s14, $0xb8;
	[tilespmem:$0x15300] =	vst v63  }
0xe7: {  	s10 =	sadd.s32 $0xFFFFFFFF, s10;
	s12 =	smov.u32 s11;
	_ =	swait.ge [sflag:s9], $0x1400  }
0xe8: {  	s13 =	sshra.s32 s11, $0x2;
	p0 =	sne.s32 s10, $0x0;
	[sflag:s9] =	ssyncset.done $0x0  }
0xe9: {  	s14 =	sadd.s32 $0x2780, s13;
	[sflag:s9] =	ssyncadd.s32 $0xFFFFEC00  }
0xea: {  	[spmem:s3] =	stream.indirect.scatter.add.f32 [tilespmem:s29], [sflag:$0x2], $0x28, s14, s24, $0xb8;
	[tilespmem:$0x15300] =	vst v63  }
0xeb: {  	p1 =	sge.s32 s6, s5;
	_ =	swait.ge [sflag:s26], $0x1400  }
0xec: {  	s15 =	simm.s32 @!p1 $0x4F00;
	s14 =	sshra.s32 @!p1 s11, $0x2;
	[sflag:s26] =	ssyncset.done $0x0  }
0xed: {  	s16 =	simm.s32 @!p1 $0x80;
	s14 =	sadd.s32 @!p1 $0x400, s14;
	[sflag:s26] =	ssyncadd.s32 $0xFFFFEC00  }
0xee: {  	[tilespmem:s15], [sflag:$0x1] =	stream.indirect.gather @!p1 [hbm4b:s1+s16], $0x28, s14, s16, $0xb8;
	[tilespmem:$0x15300] =	vst v63  }
0xef: {  	_ =	swait.ge [sflag:s9], $0x1400  }
0xf0: {  	[sflag:s9] =	ssyncset.done $0x0  }
0xf1: {  	s14 =	sadd.s32 $0x2800, s13;
	s15 =	sadd.s32 $0x1, s6;
	[sflag:s9] =	ssyncadd.s32 $0xFFFFEC00  }
0xf2: {  	[spmem:s3] =	stream.indirect.scatter.add.f32 [tilespmem:s30], [sflag:$0x2], $0x28, s14, s24, $0xb8;
	[tilespmem:$0x15300] =	vst v63  }
0xf3: {  	p1 =	sge.s32 s15, s5;
	_ =	swait.ge [sflag:s26], $0x1400  }
0xf4: {  	s15 =	simm.s32 @!p1 $0x6300;
	s14 =	sshra.s32 @!p1 s11, $0x2;
	[sflag:s26] =	ssyncset.done $0x0  }
0xf5: {  	s16 =	simm.s32 @!p1 $0x80;
	s14 =	sadd.s32 @!p1 $0x480, s14;
	[sflag:s26] =	ssyncadd.s32 $0xFFFFEC00  }
0xf6: {  	[tilespmem:s15], [sflag:$0x1] =	stream.indirect.gather @!p1 [hbm4b:s1+s16], $0x28, s14, s16, $0xb8;
	[tilespmem:$0x15300] =	vst v63  }
0xf7: {  	_ =	swait.ge [sflag:s9], $0x1400  }
0xf8: {  	[sflag:s9] =	ssyncset.done $0x0  }
0xf9: {  	s14 =	sadd.s32 $0x2880, s13;
	s15 =	sadd.s32 $0x2, s6;
	[sflag:s9] =	ssyncadd.s32 $0xFFFFEC00  }
0xfa: {  	[spmem:s3] =	stream.indirect.scatter.add.f32 [tilespmem:s31], [sflag:$0x2], $0x28, s14, s24, $0xb8;
	[tilespmem:$0x15300] =	vst v63  }
0xfb: {  	p1 =	sge.s32 s15, s5;
	_ =	swait.ge [sflag:s26], $0x1400  }
0xfc: {  	s15 =	simm.s32 @!p1 $0x7700;
	s14 =	sshra.s32 @!p1 s11, $0x2;
	[sflag:s26] =	ssyncset.done $0x0  }
0xfd: {  	s16 =	simm.s32 @!p1 $0x80;
	s14 =	sadd.s32 @!p1 $0x500, s14;
	[sflag:s26] =	ssyncadd.s32 $0xFFFFEC00  }
0xfe: {  	[tilespmem:s15], [sflag:$0x1] =	stream.indirect.gather @!p1 [hbm4b:s1+s16], $0x28, s14, s16, $0xb8;
	[tilespmem:$0x15300] =	vst v63  }
0xff: {  	_ =	swait.ge [sflag:s9], $0x1400  }
0x100: {  	[sflag:s9] =	ssyncset.done $0x0  }
0x101: {  	s14 =	sadd.s32 $0x2900, s13;
	s15 =	sadd.s32 $0x3, s6;
	[sflag:s9] =	ssyncadd.s32 $0xFFFFEC00  }
0x102: {  	[spmem:s3] =	stream.indirect.scatter.add.f32 [tilespmem:s4], [sflag:$0x2], $0x28, s14, s24, $0xb8;
	[tilespmem:$0x15300] =	vst v63  }
0x103: {  	p1 =	sge.s32 s15, s5;
	_ =	swait.ge [sflag:s26], $0x1400  }
0x104: {  	s15 =	simm.s32 @!p1 $0x8B00;
	s14 =	sshra.s32 @!p1 s11, $0x2;
	[sflag:s26] =	ssyncset.done $0x0  }
0x105: {  	s16 =	simm.s32 @!p1 $0x80;
	s14 =	sadd.s32 @!p1 $0x580, s14;
	[sflag:s26] =	ssyncadd.s32 $0xFFFFEC00  }
0x106: {  	[tilespmem:s15], [sflag:$0x1] =	stream.indirect.gather @!p1 [hbm4b:s1+s16], $0x28, s14, s16, $0xb8;
	[tilespmem:$0x15300] =	vst v63  }
0x107: {  	_ =	swait.ge [sflag:s9], $0x1400  }
0x108: {  	[sflag:s9] =	ssyncset.done $0x0  }
0x109: {  	s14 =	sadd.s32 $0x2980, s13;
	s15 =	sadd.s32 $0x4, s6;
	[sflag:s9] =	ssyncadd.s32 $0xFFFFEC00  }
0x10a: {  	[spmem:s3] =	stream.indirect.scatter.add.f32 [tilespmem:s28], [sflag:$0x2], $0x28, s14, s24, $0xb8;
	[tilespmem:$0x15300] =	vst v63  }
0x10b: {  	p1 =	sge.s32 s15, s5;
	_ =	swait.ge [sflag:s26], $0x1400  }
0x10c: {  	s15 =	simm.s32 @!p1 $0x9F00;
	s14 =	sshra.s32 @!p1 s11, $0x2;
	[sflag:s26] =	ssyncset.done $0x0  }
0x10d: {  	s16 =	simm.s32 @!p1 $0x80;
	s14 =	sadd.s32 @!p1 $0x600, s14;
	[sflag:s26] =	ssyncadd.s32 $0xFFFFEC00  }
0x10e: {  	[tilespmem:s15], [sflag:$0x1] =	stream.indirect.gather @!p1 [hbm4b:s1+s16], $0x28, s14, s16, $0xb8;
	[tilespmem:$0x15300] =	vst v63  }
0x10f: {  	_ =	swait.ge [sflag:s9], $0x1400  }
0x110: {  	[sflag:s9] =	ssyncset.done $0x0  }
0x111: {  	s14 =	sadd.s32 $0x2A00, s13;
	s15 =	sadd.s32 $0x5, s6;
	[sflag:s9] =	ssyncadd.s32 $0xFFFFEC00  }
0x112: {  	[spmem:s3] =	stream.indirect.scatter.add.f32 [tilespmem:s0], [sflag:$0x2], $0x28, s14, s24, $0xb8;
	[tilespmem:$0x15300] =	vst v63  }
0x113: {  	p1 =	sge.s32 s15, s5;
	_ =	swait.ge [sflag:s26], $0x1400  }
0x114: {  	s15 =	simm.s32 @!p1 $0xB300;
	s14 =	sshra.s32 @!p1 s11, $0x2;
	[sflag:s26] =	ssyncset.done $0x0  }
0x115: {  	s16 =	simm.s32 @!p1 $0x80;
	s14 =	sadd.s32 @!p1 $0x680, s14;
	[sflag:s26] =	ssyncadd.s32 $0xFFFFEC00  }
0x116: {  	[tilespmem:s15], [sflag:$0x1] =	stream.indirect.gather @!p1 [hbm4b:s1+s16], $0x28, s14, s16, $0xb8;
	[tilespmem:$0x15300] =	vst v63  }
0x117: {  	_ =	swait.ge [sflag:s9], $0x1400  }
0x118: {  	[sflag:s9] =	ssyncset.done $0x0  }
0x119: {  	s14 =	sadd.s32 $0x2A80, s13;
	s15 =	sadd.s32 $0x6, s6;
	[sflag:s9] =	ssyncadd.s32 $0xFFFFEC00  }
0x11a: {  	[spmem:s3] =	stream.indirect.scatter.add.f32 [tilespmem:s2], [sflag:$0x2], $0x28, s14, s24, $0xb8;
	[tilespmem:$0x15300] =	vst v63  }
0x11b: {  	p1 =	sge.s32 s15, s5;
	_ =	swait.ge [sflag:s26], $0x1400  }
0x11c: {  	s15 =	simm.s32 @!p1 $0xC700;
	s14 =	sshra.s32 @!p1 s11, $0x2;
	[sflag:s26] =	ssyncset.done $0x0  }
0x11d: {  	s16 =	simm.s32 @!p1 $0x80;
	s14 =	sadd.s32 @!p1 $0x700, s14;
	[sflag:s26] =	ssyncadd.s32 $0xFFFFEC00  }
0x11e: {  	[tilespmem:s15], [sflag:$0x1] =	stream.indirect.gather @!p1 [hbm4b:s1+s16], $0x28, s14, s16, $0xb8;
	[tilespmem:$0x15300] =	vst v63  }
0x11f: {  	_ =	swait.ge [sflag:s9], $0x1400  }
0x120: {  	s14 =	sadd.s32 $0x7, s6;
	s6 =	sadd.s32 $0x8, s6;
	[sflag:s9] =	ssyncset.done $0x0  }
.Ltmp5:
0x121: {  	s13 =	sadd.s32 $0x2B00, s13;
	[sflag:s9] =	ssyncadd.s32 $0xFFFFEC00;
	(pc) =	sbr.rel @p0 .LBB2_5-.Ltmp5, $4  }
0x122: {  	[spmem:s3] =	stream.indirect.scatter.add.f32 [tilespmem:s8], [sflag:$0x2], $0x28, s13, s24, $0xb8;
	[tilespmem:$0x15300] =	vst v63  }
0x123: {  	s11 =	sadd.s32 $0x1000, s11;
	p1 =	sge.s32 s14, s5;
	_ =	swait.ge [sflag:s26], $0x1400  }
0x124: {  	s13 =	sshra.s32 @!p1 s12, $0x2;
	s12 =	simm.s32 @!p1 $0xDB00;
	[sflag:s26] =	ssyncset.done $0x0  }
0x125: {  	s14 =	simm.s32 @!p1 $0x80;
	s13 =	sadd.s32 @!p1 $0x780, s13;
	[sflag:s26] =	ssyncadd.s32 $0xFFFFEC00  }
.Ltmp6:
0x126: {  	_ = 	snop;
	(pc) =	sbr.rel .LBB2_6-.Ltmp6, $1  }
0x127: {  	_ =	sdelay $0x3  }
.LBB2_8:
0x128: {  	_ =	sfence.sel $0x180000  }
0x129: {  	[bflag:$0x0] =	sbarrier.arrive $0xFFFF  }
0x12a: {  	_ =	strace $0x9000004D  }
0x12b: {  	s0 =	stileid.u32;
	[bflag:$0x2] =	sbarrier.arrive $0xFFFF  }
0x12c: {  	p0 =	sne.s32 s0, $0x0;
	s0 =	rddreg [dreg:$0x4]  }
0x12d: {  	s0 =	sadd.s32 @!p0 $0x100000, s0  }
0x12e: {  	[sflag:s0] =	ssyncadd.tile.s32 @!p0 $0x1;
	_ =	shalt  }
.Lfunc_end2:
_tile_overlayer_lowered:
.L_overlay_start_2:
0x12f: {  	(tag) =	ssettag $0x2  }
0x130: {  	s0 =	rddreg [dreg:$0x0];
	s2 =	stileid.u32  }
0x131: {  	s1 =	rddreg [dreg:$0x1];
	p0 =	sne.s32 s2, $0x0  }
0x132: {  	s3 =	rddreg [dreg:$0x2];
	[bflag:$0x3] =	sbarrier.arrive $0xFFFF;
	s2 =	simm.s32 @!p0 $0x1C02  }
0x133: {  	[timem:s3], [sflag:s2] =	dma.local @!p0 [hbm:s0], s1  }
0x134: {  	s0 =	simm.s32 @!p0 $0x2  }
0x135: {  	_ =	swait.ge @!p0 [sflag:s0], s1  }
0x136: {  	s1 =	ssub.s32 @!p0 $0x0, s1;
	[sflag:s0] =	ssyncset.done @!p0 $0x0  }
0x137: {  	[sflag:s0] =	ssyncadd.s32 @!p0 s1  }
0x138: {  	[bflag:$0x3] =	sbarrier.arrive $0xFFFF  }
0x139: {  	_ =	shalt  }

// kernel: kernel.8.cloned.1.call-start
scs
__scs_entry_jumppad:
0x0: {  	(pc) =	sbr.rel $0x88, $3  }
0x1: {  	(tag) =	ssettag $0x0;
	lr =	simm.s32 $0x1  }
0x2: {  	[smem:$0x3F9B] =	sst lr;
	_ =	strace $0xD0000000  }
0x3: {  	_ = 	snop  }
0x4: {  	_ = 	snop  }
0x5: {  	_ = 	snop  }
0x6: {  	_ = 	snop  }
0x7: {  	_ = 	snop  }
__scs_overlays_trampoline_lowered:
0x8: {  	[smem:$0x3FAA] =	sst s0  }
0x9: {  	[smem:$0x3FAB] =	sst s1  }
0xa: {  	[smem:$0x3FAC] =	sst s2  }
0xb: {  	[smem:$0x3FAD] =	sst s3  }
0xc: {  	[smem:$0x3FAE] =	sst s4  }
0xd: {  	[smem:$0x3FAF] =	sst s5  }
0xe: {  	[smem:$0x3FB0] =	sst s6  }
0xf: {  	[smem:$0x3FB1] =	sst s7  }
0x10: {  	[smem:$0x3FB2] =	sst s8  }
0x11: {  	[smem:$0x3FB3] =	sst s9;
	s0 =	simm.s32 @!p0 $0x0  }
0x12: {  	s1 =	sld [smem:$0x3F99];
	s0 =	simm.s32 @p0 $0x1  }
0x13: {  	[smem:$0x3FB4] =	sst s0;
	s0 =	simm.s32 @!p1 $0x0  }
0x14: {  	s2 =	sld [smem:$0x3F98];
	s0 =	simm.s32 @p1 $0x1  }
0x15: {  	[smem:$0x3FB5] =	sst s0;
	s0 =	simm.s32 @!p2 $0x0  }
0x16: {  	s3 =	sld [smem:$0x3FDB];
	s0 =	simm.s32 @p2 $0x1  }
0x17: {  	s4 =	simm.s32 $0x1BF5;
	[smem:$0x3FB7] =	sst s0  }
0x18: {  	s0 =	sld [smem:$0x3F9A];
	_ =	swait.ge [sflag:s4], $0x0  }
0x19: {  	s7 =	sld [smem:$0x3F9B]  }
0x1a: {  	s8 =	sadd.s32 $0xFFFFE003, lr  }
0x1b: {  	s9 =	sadd.s32 $0xFFFFFEF7, lr;
	s5 =	simm.s32 $0xFFFFFFFF;
	p2 =	slt.u32 s8, $0xFFFFF086  }
0x1c: {  	p1 =	slt.u32 s9, $0xF7A;
	s5 =	simm.s32 @!p2 $0x0  }
0x1d: {  	s5 =	simm.s32 @p1 $0x1;
	p0 =	seq.s32 s7, s2  }
0x1e: {  	s7 =	smul.u32 @!p0 $0xF7A, s2;
	p2 =	seq.s32 @!p0 s5, $0x0  }
0x1f: {  	s9 =	smul.u32 $0xF7A, s1;
	s8 =	simm.s32 @!p0 $0x1BF5;
	p2 =	por !p2, p0  }
0x20: {  	[sflag:s8] =	ssyncset.s32 @!p0 $0xFFFFF086;
	s6 =	sadd.s32 @!p0 s3, s7;
	s7 =	simm.s32 @!p0 $0x108  }
0x21: {  	s3 =	sadd.s32 s3, s9;
	s6 =	sadd.s32 @!p0 $0x88, s6;
	s7 =	simm.s32 @p2 $0x1082  }
0x22: {  	[simem:s7], [sflag:s8] =	dma.local @!p0 [hbm:s6], $0xF7A  }
0x23: {  	s9 =	sor.u32 $0xD0000000, s2;
	s6 =	simm.s32 $0x108;
	_ =	swait.ge @!p0 [sflag:s8], $0x0  }
0x24: {  	s3 =	sadd.s32 $0x88, s3;
	s6 =	simm.s32 @!p1 $0x1082;
	[sflag:s4] =	ssyncset.s32 $0xFFFFF086  }
0x25: {  	[simem:s6], [sflag:s4] =	dma.local [hbm:s3], $0xF7A  }
0x26: {  	[smem:$0x3F9B] =	sst s1;
	(tag) =	ssettag s2;
	_ =	strace s9  }
0x27: {  	s1 =	sld [smem:$0x3FAB]  }
0x28: {  	s2 =	sld [smem:$0x3FAC]  }
0x29: {  	s4 =	sld [smem:$0x3FAE]  }
0x2a: {  	p0 =	seq.s32 s5, $0x0;
	s5 =	sld [smem:$0x3FAF]  }
0x2b: {  	s6 =	sld [smem:$0x3FB0]  }
0x2c: {  	s7 =	sld [smem:$0x3FB1]  }
0x2d: {  	s3 =	simm.s32 $0x108;
	s8 =	sld [smem:$0x3FB2]  }
0x2e: {  	s3 =	simm.s32 @!p0 $0x1082;
	s9 =	sld [smem:$0x3FB3]  }
0x2f: {  	lr =	sadd.s32 s0, s3;
	s0 =	sld [smem:$0x3FAA]  }
0x30: {  	s3 =	sld [smem:$0x3FAD]  }
0x31: {  	[smem:$0x3FB6] =	sst s10  }
0x32: {  	s10 =	sld [smem:$0x3FB4];
	_ =	sdelay $0x3  }
0x33: {  	p0 =	seq.s32 s10, $0x1;
	s10 =	sld [smem:$0x3FB6];
	_ =	sdelay $0x3  }
0x34: {  	[smem:$0x3FB6] =	sst s10  }
0x35: {  	s10 =	sld [smem:$0x3FB5];
	_ =	sdelay $0x3  }
0x36: {  	p1 =	seq.s32 s10, $0x1;
	s10 =	sld [smem:$0x3FB6];
	_ =	sdelay $0x3  }
0x37: {  	[smem:$0x3FB6] =	sst s10  }
0x38: {  	s10 =	sld [smem:$0x3FB7]  }
0x39: {  	_ = 	snop;
	(pc) =	sbr.ind lr, $3  }
0x3a: {  	_ = 	snop  }
0x3b: {  	_ = 	snop  }
0x3c: {  	p2 =	seq.s32 s10, $0x1;
	s10 =	sld [smem:$0x3FB6]  }
0x3d: {  	_ =	shalt  }
0x3e: {  	_ =	shalt  }
0x3f: {  	_ =	shalt  }
0x40: {  	_ =	shalt  }
0x41: {  	_ =	shalt  }
0x42: {  	_ =	shalt  }
0x43: {  	_ =	shalt  }
0x44: {  	_ =	shalt  }
0x45: {  	_ =	shalt  }
0x46: {  	_ =	shalt  }
0x47: {  	_ =	shalt  }
0x48: {  	_ =	shalt  }
0x49: {  	_ =	shalt  }
0x4a: {  	_ =	shalt  }
0x4b: {  	_ =	shalt  }
0x4c: {  	_ =	shalt  }
0x4d: {  	_ =	shalt  }
0x4e: {  	_ =	shalt  }
0x4f: {  	_ =	shalt  }
0x50: {  	_ =	shalt  }
0x51: {  	_ =	shalt  }
0x52: {  	_ =	shalt  }
0x53: {  	_ =	shalt  }
0x54: {  	_ =	shalt  }
0x55: {  	_ =	shalt  }
0x56: {  	_ =	shalt  }
0x57: {  	_ =	shalt  }
0x58: {  	_ =	shalt  }
0x59: {  	_ =	shalt  }
0x5a: {  	_ =	shalt  }
0x5b: {  	_ =	shalt  }
0x5c: {  	_ =	shalt  }
0x5d: {  	_ =	shalt  }
0x5e: {  	_ =	shalt  }
0x5f: {  	_ =	shalt  }
0x60: {  	_ =	shalt  }
0x61: {  	_ =	shalt  }
0x62: {  	_ =	shalt  }
0x63: {  	_ =	shalt  }
0x64: {  	_ =	shalt  }
0x65: {  	_ =	shalt  }
0x66: {  	_ =	shalt  }
0x67: {  	_ =	shalt  }
0x68: {  	_ =	shalt  }
0x69: {  	_ =	shalt  }
0x6a: {  	_ =	shalt  }
0x6b: {  	_ =	shalt  }
0x6c: {  	_ =	shalt  }
0x6d: {  	_ =	shalt  }
0x6e: {  	_ =	shalt  }
0x6f: {  	_ =	shalt  }
0x70: {  	_ =	shalt  }
0x71: {  	_ =	shalt  }
0x72: {  	_ =	shalt  }
0x73: {  	_ =	shalt  }
0x74: {  	_ =	shalt  }
0x75: {  	_ =	shalt  }
0x76: {  	_ =	shalt  }
0x77: {  	_ =	shalt  }
0x78: {  	_ =	shalt  }
0x79: {  	_ =	shalt  }
0x7a: {  	_ =	shalt  }
0x7b: {  	_ =	shalt  }
0x7c: {  	_ =	shalt  }
0x7d: {  	_ =	shalt  }
0x7e: {  	_ =	shalt  }
0x7f: {  	_ =	shalt  }
0x80: {  	_ =	shalt  }
0x81: {  	_ =	shalt  }
0x82: {  	_ =	shalt  }
0x83: {  	_ =	shalt  }
0x84: {  	_ =	shalt  }
0x85: {  	_ =	shalt  }
0x86: {  	_ =	shalt  }
0x87: {  	_ =	shalt  }
.Lfunc_end0:
.L_simem_size_0:
called_computation_lowered:
.L_overlay_start_0:
0x88: {  	s2 =	sld [smem:$0x3FD9]  }
0x89: {  	s3 =	sld [smem:$0x3FFE];
	_ =	sdelay $0x1  }
0x8a: {  	s1 =	srdreg.scid  }
0x8b: {  	s0 =	sand.u32 $0x1, s1  }
0x8c: {  	s18 =	sshll.u32 s0, $0xA;
	s2 =	sadd.s32 s3, s2  }
0x8d: {  	s2 =	sadd.s32 s2, s18  }
0x8e: {  	[smem:$0x3FC2] =	sst s2  }
0x8f: {  	_ = 	snop  }
0x90: {  	s2 =	sld [smem:$0x3FC8]  }
0x91: {  	s19 =	sld [smem:$0x3FD0];
	(tm) =	ssettm $0x1  }
0x92: {  	s4 =	sld [smem:$0x3FFB];
	_ =	sdelay $0x3  }
0x93: {  	_ =	strace s4  }
0x94: {  	s4 =	sld [smem:$0x3FFC];
	_ =	sdelay $0x3  }
0x95: {  	_ =	strace s4  }
0x96: {  	s4 =	sld [smem:$0x3FFD];
	_ =	sdelay $0x3  }
0x97: {  	_ =	strace s4  }
0x98: {  	_ =	strace $0x8FFFFFFF  }
0x99: {  	s20 =	sld [smem:$0x3FDB];
	_ =	sdelay $0x1  }
0x9a: {  	s5 =	simm.s32 $_scs_section_size  }
0x9b: {  	s6 =	simm.s32 $_size__tile_overlayer_lowered;
	s7 =	simm.s32 $_tile_overlayer_lowered  }
0x9c: {  	s23 =	simm.s32 $0x1BFF;
	s22 =	sshll.u32 s7, $0x1;
	s4 =	sadd.s32 s5, s20  }
0x9d: {  	s8 =	simm.s32 $0x0;
	s21 =	sshll.u32 s6, $0x1;
	s6 =	sadd.s32 s22, s4  }
0x9e: {  	[timem:s8], [sflag:s23] =	dma.local [hbm:s6], s21  }
0x9f: {  	_ =	swait.ge [sflag:s23], s21  }
0xa0: {  	s5 =	ssub.s32 $0x0, s21;
	[sflag:s23] =	ssyncset.done $0x0  }
0xa1: {  	[sflag:s23] =	ssyncadd.s32 s5;
	_ =	sdelay $0x1  }
0xa2: {  	s24 =	simm.s32 $0x1B8B  }
0xa3: {  	_ =	swait.ge [sflag:s24], $0x1  }
0xa4: {  	[sflag:s24] =	ssyncset.done $0x0  }
0xa5: {  	s25 =	simm.s32 $0x1B8E;
	[sflag:s24] =	ssyncadd.s32 $0xFFFFFFFF  }
0xa6: {  	s26 =	simm.s32 $execute0_lowered;
	[smem:$0x3FD2] =	sst s25  }
0xa7: {  	s5 =	sshll.u32 s26, $0x1;
	_ =	strace $0x80000046;
	[dreg:$0x1] =	wrdreg $0xFFFFFFFF  }
0xa8: {  	s28 =	simm.s32 $_size_execute0_lowered;
	s4 =	sadd.s32 s4, s5;
	[dreg:$0x0] =	wrdreg $0x0  }
0xa9: {  	s5 =	sshll.u32 s28, $0x1;
	[dreg:$0x2] =	wrdreg s4  }
0xaa: {  	[dreg:$0x3] =	wrdreg s5  }
0xab: {  	[dreg:$0x4] =	wrdreg $0xC0  }
0xac: {  	_ =	task [dreg:s8], $0x5FFFF  }
0xad: {  	[dreg:$0x1] =	wrdreg $0xFFFFFFFF  }
0xae: {  	[dreg:$0x0] =	wrdreg $0x60  }
0xaf: {  	[dreg:$0x2] =	wrdreg s2  }
0xb0: {  	[dreg:$0x3] =	wrdreg s19  }
0xb1: {  	[dreg:$0x4] =	wrdreg $0x9  }
0xb2: {  	_ =	task.clear_ibuf [dreg:s8], $0x5FFFF;
	_ =	strace $0x90000046  }
0xb3: {  	s29 =	simm.s32 $0x9;
	_ =	strace $0x80000048  }
0xb4: {  	_ =	swait.ge [sflag:s29], $0x1  }
0xb5: {  	[sflag:s29] =	ssyncadd.s32 $0xFFFFFFFF  }
0xb6: {  	_ =	strace $0x90000048  }
0xb7: {  	_ =	sfence  }
0xb8: {  	s30 =	sld [smem:$0x0];
	_ =	sdelay $0x2  }
0xb9: {  	s31 =	sshll.u32 s1, $0xD;
	s1 =	sshrl.u32 s1, $0x2  }
0xba: {  	s3 =	sand.u32 $0x4000, s31;
	s1 =	sadd.s32 s1, s30  }
0xbb: {  	s0 =	sor.u32 s3, s0;
	s1 =	sshll.u32 s1, $0x11  }
0xbc: {  	s0 =	sor.u32 s1, s0  }
0xbd: {  	s0 =	sadd.s32 $0x8F2B, s0  }
0xbe: {  	[sflag:s0] =	ssyncadd.remote.s32 $0x1  }
0xbf: {  	_ =	sfence.sel $0xFFFF  }
0xc0: {  	[dreg:$0x0] =	wrdreg $0xFFFFFFFF;
	(pc) =	sbr.abs _section_cstart, $3  }
0xc1: {  	[dreg:$0x1] =	wrdreg $0xFFFFFFFF  }
0xc2: {  	_ =	task.clear_ibuf [dreg:s8], $0x2FFFF;
	_ =	strace $0x9FFFFFFF  }
0xc3: {  	(tm) =	ssettm $0x7FFFFFFF  }
tec
execute0_lowered:
.L_overlay_start_1:
0x0: {  	(tag) =	ssettag $0x1  }
0x1: {  	s0 =	srdreg.scid;
	s4 =	rddreg [dreg:$0x0]  }
0x2: {  	s5 =	rddreg [dreg:$0x1];
	s1 =	stileid.u32;
	s3 =	sand.u32 $0x1, s0  }
0x3: {  	s2 =	simm.s32 $0x0;
	s11 =	simm.s32 $0x0;
	s6 =	sshll.u32 s3, $0x4  }
0x4: {  	s0 =	rddreg [dreg:$0x2];
	s3 =	ssub.s32 $0x2, s3;
	s6 =	sor.u32 s1, s6  }
0x5: {  	[smem:$0x7FF] =	sst s2;
	s8 =	sshrl.u32 s3, $0x1;
	s7 =	smul.u32 $0x9C4, s6  }
0x6: {  	_ =	strace $0x80000047;
	s6 =	smul.u32 $0x500, s6;
	s8 =	ssub.s32 s3, s8  }
.Ltmp0:
0x7: {  	s9 =	sshrl.u32 s7, $0x5;
	s10 =	sadd.s32 $0x9C4, s7;
	(pc) =	sbr.rel .LBB2_1-.Ltmp0, $4  }
0x8: {  	s7 =	sand.u32 $0x1FFE0, s7;
	s5 =	sadd.s32 s5, s6;
	s6 =	smax.u32 s8, $0x1  }
0x9: {  	s8 =	simm.s32 $0x100;
	s10 =	sshrl.u32 s10, $0x5;
	s4 =	sadd.s32 s7, s4  }
0xa: {  	s7 =	simm.s32 $0x80;
	s3 =	ssub.s32 s10, s9;
	s4 =	sadd.s32 $0x10, s4  }
0xb: {  	v0 =	vimm.f32 $0.0e+00;
	v1 =	vimm.f32 $1.000000000e+00;
	s9 =	simm.s32 $0x1;
	s10 =	simm.s32 $0x2780;
	p0 =	slt.s32 s3, $0x1  }
.LBB2_5:
0xc: {  	s11 =	sadd.s32 $0x1, s11  }
0xd: {  	p1 =	sne.s32 s11, s6  }
.Ltmp1:
0xe: {  	_ = 	snop;
	(pc) =	sbr.rel @!p1 .LBB2_6-.Ltmp1, $4  }
0xf: {  	[hbm4b:s5+s2] =	stream.linear.scatter [tilespmem:s10], [sflag:$0x1], $0x2800, $0x38;
	[tilespmem:$0x4F80] =	vst v63  }
0x10: {  	_ =	swait.ge [sflag:s9], $0x2800  }
0x11: {  	[sflag:s9] =	ssyncset.done $0x0  }
0x12: {  	[sflag:s9] =	ssyncadd.s32 $0xFFFFD800  }
.LBB2_1:
0x13: {  	s12 =	simm.s32 $0x40;
	s13 =	simm.s32 $0x0  }
.LBB2_2:
0x14: {  	p1 =	sne.s32 s12, $0x9FC0;
	[tilespmem:s13+$0x2780] =	vst v0;
	s13 =	smov.u32 s12;
	s12 =	sadd.s32 $0x40, s12  }
.Ltmp2:
0x15: {  	(pc) =	sbr.rel @p1 .LBB2_2-.Ltmp2, $2  }
0x16: {  	_ =	sdelay $0x2  }
0x17: {  	s13 =	sshra.s32 s13, $0x2  }
.Ltmp3:
0x18: {  	[tilespmem:s13+$0x2780] =	vst v0;
	s12 =	simm.s32 $0x0;
	(pc) =	sbr.rel @p0 .LBB2_5-.Ltmp3, $4  }
0x19: {  	[tilespmem:s12], [sflag:$0x1] =	stream.strided.gather [hbm4b:s4+s7], $0x2780, s8, s7, $0x38;
	[tilespmem:$0x4F80] =	vst v63  }
0x1a: {  	_ =	swait.ge [sflag:s9], $0x2780  }
0x1b: {  	[sflag:s9] =	ssyncset.done $0x0  }
0x1c: {  	s13 =	simm.s32 $0x40;
	[sflag:s9] =	ssyncadd.s32 $0xFFFFD880  }
.LBB2_4:
0x1d: {  	v2 =	vld [tilespmem:s13+$0xFFFFFFC0];
	_ =	sdelay $0x7  }
0x1e: {  	[tilespmem:v2+s10+$0x0] =	vst.idx.add.f32.msk $0xffff, v1  }
0x1f: {  	v2 =	vld [tilespmem:s13+$0xFFFFFFD0];
	_ =	sdelay $0x7  }
0x20: {  	[tilespmem:v2+s10+$0x0] =	vst.idx.add.f32.msk $0xffff, v1  }
0x21: {  	v2 =	vld [tilespmem:s13+$0xFFFFFFE0];
	_ =	sdelay $0x7  }
0x22: {  	[tilespmem:v2+s10+$0x0] =	vst.idx.add.f32.msk $0xffff, v1  }
0x23: {  	v2 =	vld [tilespmem:s13+$0xFFFFFFF0];
	_ =	sdelay $0x7  }
0x24: {  	[tilespmem:v2+s10+$0x0] =	vst.idx.add.f32.msk $0xffff, v1  }
0x25: {  	v2 =	vld [tilespmem:s13+$0x0];
	_ =	sdelay $0x7  }
0x26: {  	[tilespmem:v2+s10+$0x0] =	vst.idx.add.f32.msk $0xffff, v1  }
0x27: {  	v2 =	vld [tilespmem:s13+$0x10];
	_ =	sdelay $0x7  }
0x28: {  	[tilespmem:v2+s10+$0x0] =	vst.idx.add.f32.msk $0xffff, v1  }
0x29: {  	v2 =	vld [tilespmem:s13+$0x20];
	_ =	sdelay $0x7  }
0x2a: {  	[tilespmem:v2+s10+$0x0] =	vst.idx.add.f32.msk $0xffff, v1  }
0x2b: {  	v2 =	vld [tilespmem:s13+$0x30];
	_ =	sdelay $0x1  }
0x2c: {  	s12 =	sadd.s32 $0x1, s12  }
0x2d: {  	p1 =	slt.s32 s12, s3  }
.Ltmp4:
0x2e: {  	_ = 	snop;
	(pc) =	sbr.rel @p1 .LBB2_4-.Ltmp4, $2  }
0x2f: {  	_ =	sdelay $0x2  }
0x30: {  	s13 =	sadd.s32 $0x80, s13;
	[tilespmem:v2+s10+$0x0] =	vst.idx.add.f32.msk $0xffff, v1  }
.Ltmp5:
0x31: {  	_ = 	snop;
	(pc) =	sbr.rel .LBB2_5-.Ltmp5, $1  }
0x32: {  	_ =	sdelay $0x3  }
.LBB2_6:
0x33: {  	_ =	sfence.sel $0x180000  }
0x34: {  	[bflag:$0x0] =	sbarrier.arrive $0xFFFF  }
0x35: {  	p0 =	sne.s32 s1, $0x0;
	_ =	strace $0x90000047  }
0x36: {  	s0 =	sadd.s32 @!p0 $0x100000, s0;
	[bflag:$0x2] =	sbarrier.arrive $0xFFFF  }
0x37: {  	[sflag:s0] =	ssyncadd.tile.s32 @!p0 $0x1;
	_ =	shalt  }
.Lfunc_end2:
_tile_overlayer_lowered:
.L_overlay_start_2:
0x38: {  	(tag) =	ssettag $0x2  }
0x39: {  	s0 =	rddreg [dreg:$0x0];
	s2 =	stileid.u32  }
0x3a: {  	s1 =	rddreg [dreg:$0x1];
	p0 =	sne.s32 s2, $0x0  }
0x3b: {  	s3 =	rddreg [dreg:$0x2];
	[bflag:$0x3] =	sbarrier.arrive $0xFFFF;
	s2 =	simm.s32 @!p0 $0x1C01  }
0x3c: {  	[timem:s3], [sflag:s2] =	dma.local @!p0 [hbm:s0], s1  }
0x3d: {  	s0 =	simm.s32 @!p0 $0x1  }
0x3e: {  	_ =	swait.ge @!p0 [sflag:s0], s1  }
0x3f: {  	s1 =	ssub.s32 @!p0 $0x0, s1;
	[sflag:s0] =	ssyncset.done @!p0 $0x0  }
0x40: {  	[sflag:s0] =	ssyncadd.s32 @!p0 s1  }
0x41: {  	[bflag:$0x3] =	sbarrier.arrive $0xFFFF  }
0x42: {  	_ =	shalt  }

</sc_bundles>
